<compile_context>
chip_gen: v7x
topology: tpu7x:2x2x1
jax: 0.10.2.dev20260603
libtpu: 0.0.44.dev20260713+nightly
codegen_flags: <defaults>
</compile_context>

<pallas_src>
import jax
import jax.numpy as jnp
from jax import lax
from jax.experimental import pallas as pl
from jax.experimental.pallas import tpu as pltpu
from jax.experimental.pallas import tpu_sc as plsc

VOCAB = 1000000
EMB = 64
HID = 128
B = 4096
L = 200

NC = 2
NS = 16
NW = NC * NS
ROWS_TOTAL = 2 * B
ROWS_PER_W = ROWS_TOTAL // NW
FULL_TILES = VOCAB // 128
BLK = 256
FULL_BLKS = VOCAB // BLK
MAIN_T = FULL_BLKS // NW
EXTRA = FULL_BLKS - MAIN_T * NW
CHUNKS = ((0, 128), (128, 72))


def _transpose_tile(in_v, out_v, ncols):
    iota = lax.iota(jnp.int32, 16)
    tmod = [(iota + d) & 15 for d in range(16)]
    sbase = [tmod[d] * EMB + iota for d in range(16)]

    def sub_body(s2, carry):
        for u in range(2):
            s = s2 * 2 + u
            rblk = s & 3
            vblk = s >> 2
            r0 = rblk * 16
            v0 = vblk * 16
            rows = jnp.full((16,), r0, jnp.int32) + iota
            vsplat = jnp.full((16,), v0, jnp.int32)
            osplat = jnp.full((16,), v0 * EMB + r0, jnp.int32)
            for d in range(16):
                cols = vsplat + tmod[d]
                vals = plsc.load_gather(in_v, [rows, cols])
                plsc.store_scatter(out_v, [osplat + sbase[d]], vals)
        return carry

    lax.fori_loop(0, 2 * (ncols // 16), sub_body, 0)


def _repack_body(tt_hbm, tail_hbm, out_hbm, in0, in1, of0, of1,
                 sem_in, sem_out):
    wid = lax.axis_index("s") * NC + lax.axis_index("c")
    t0 = wid * MAIN_T
    ins = (in0, in1)
    ofs = (of0, of1)

    def src_at(t):
        return tt_hbm.at[:, pl.ds(pl.multiple_of((t0 + t) * BLK, 128), BLK)]

    def dst_at(t):
        return out_hbm.at[
            pl.ds(pl.multiple_of((t0 + t) * BLK * EMB, 8), BLK * EMB)]

    pltpu.async_copy(src_at(0), ins[0], sem_in)
    pltpu.async_copy(src_at(1), ins[1], sem_in)

    def body2(t2, carry):
        for b in range(2):
            t = 2 * t2 + b
            pltpu.make_async_copy(src_at(t), ins[b], sem_in).wait()
            @pl.when(t >= 2)
            def _():
                pltpu.make_async_copy(ofs[b], dst_at(t), sem_out).wait()
            _transpose_tile(ins[b], ofs[b], BLK)
            pltpu.async_copy(ofs[b], dst_at(t), sem_out)
            @pl.when(t + 2 < MAIN_T)
            def _():
                pltpu.async_copy(src_at(t + 2), ins[b], sem_in)
        return carry

    lax.fori_loop(0, MAIN_T // 2, body2, 0)
    pltpu.make_async_copy(ofs[0], dst_at(0), sem_out).wait()
    pltpu.make_async_copy(ofs[1], dst_at(1), sem_out).wait()

    for k in range(EXTRA):
        @pl.when(wid == k)
        def _():
            col0 = (FULL_BLKS - EXTRA + k) * BLK
            pltpu.async_copy(tt_hbm.at[:, pl.ds(col0, BLK)], in0,
                             sem_in).wait()
            _transpose_tile(in0, of0, BLK)
            pltpu.async_copy(of0,
                             out_hbm.at[pl.ds(col0 * EMB, BLK * EMB)],
                             sem_out).wait()

    @pl.when(wid == NW - 1)
    def _():
        col0 = FULL_BLKS * BLK
        ntail = VOCAB - col0
        pltpu.async_copy(tail_hbm, in0, sem_in).wait()
        _transpose_tile(in0, of0, ntail)
        pltpu.async_copy(of0.at[pl.ds(0, ntail * EMB)],
                         out_hbm.at[pl.ds(col0 * EMB, ntail * EMB)],
                         sem_out).wait()


def _gather_body(idx_hbm, table_hbm, out_hbm, idx_v, buf0, buf1, out_v, sem):
    wid = lax.axis_index("s") * NC + lax.axis_index("c")
    base = wid * ROWS_PER_W
    pltpu.sync_copy(idx_hbm.at[pl.ds(base * L, ROWS_PER_W * L)], idx_v)
    bufs = (buf0, buf1)

    def gathers(i, buf):
        off = pl.multiple_of(i * L, 8)
        return [
            pltpu.make_async_copy(
                table_hbm.at[idx_v.at[pl.ds(off + c0, n)]],
                buf.at[pl.ds(c0, n)],
                sem,
            )
            for (c0, n) in CHUNKS
        ]

    def make_accum(buf):
        def accum_body(r, accs):
            new = list(accs)
            for r2 in range(4):
                for c in range(4):
                    new[c] = new[c] + buf[r * 4 + r2, pl.ds(c * 16, 16)]
            return tuple(new)
        return accum_body

    accum_bodies = (make_accum(buf0), make_accum(buf1))

    for c in gathers(0, bufs[0]):
        c.start()

    def row2_body(t, carry):
        for b in range(2):
            i = 2 * t + b
            for c in gathers(i, bufs[b]):
                c.wait()

            @pl.when(i + 1 < ROWS_PER_W)
            def _():
                for c in gathers(i + 1, bufs[1 - b]):
                    c.start()

            zeros = tuple(jnp.zeros((16,), jnp.float32) for _ in range(4))
            accs = lax.fori_loop(0, L // 4, accum_bodies[b], zeros)
            for c in range(4):
                out_v[i, pl.ds(c * 16, 16)] = accs[c] * (1.0 / L)
        return carry

    lax.fori_loop(0, ROWS_PER_W // 2, row2_body, 0)
    pltpu.sync_copy(out_v, out_hbm.at[pl.ds(base, ROWS_PER_W)])


@jax.jit
def _sc_pooled(idx_flat, table):
    mesh = plsc.VectorSubcoreMesh(
        core_axis_name="c", subcore_axis_name="s", num_cores=NC, num_subcores=NS
    )
    tail = jnp.pad(table.T[:, FULL_BLKS * BLK:], ((0, 0), (0, BLK - 64)))
    flat = pl.kernel(
        _repack_body,
        out_type=jax.ShapeDtypeStruct((VOCAB * EMB,), jnp.float32),
        mesh=mesh,
        scratch_types=[
            pltpu.VMEM((EMB, BLK), jnp.float32),
            pltpu.VMEM((EMB, BLK), jnp.float32),
            pltpu.VMEM((BLK * EMB,), jnp.float32),
            pltpu.VMEM((BLK * EMB,), jnp.float32),
            pltpu.SemaphoreType.DMA,
            pltpu.SemaphoreType.DMA,
        ],
        compiler_params=pltpu.CompilerParams(
            use_tc_tiling_on_sc=True, needs_layout_passes=False
        ),
        name="sc_repack",
    )(table.T, tail)
    return pl.kernel(
        _gather_body,
        out_type=jax.ShapeDtypeStruct((ROWS_TOTAL, EMB), jnp.float32),
        mesh=mesh,
        scratch_types=[
            pltpu.VMEM((ROWS_PER_W * L,), jnp.int32),
            pltpu.VMEM((L, EMB), jnp.float32),
            pltpu.VMEM((L, EMB), jnp.float32),
            pltpu.VMEM((ROWS_PER_W, EMB), jnp.float32),
            pltpu.SemaphoreType.DMA,
        ],
        compiler_params=pltpu.CompilerParams(use_tc_tiling_on_sc=False),
        name="sc_gather_mean",
    )(idx_flat, flat.reshape(VOCAB, EMB))


def _mlp_body(xc_ref, xs_ref, w1_ref, b1_ref, w2_ref, b2_ref, o_ref):
    w1 = w1_ref[...]
    b1 = b1_ref[...]
    w2 = w2_ref[...]
    b2 = b2_ref[...]
    hc = jax.nn.relu(
        jnp.dot(xc_ref[...], w1, preferred_element_type=jnp.float32) + b1
    )
    hs = jax.nn.relu(
        jnp.dot(xs_ref[...], w1, preferred_element_type=jnp.float32) + b1
    )
    hc = jax.nn.relu(jnp.dot(hc, w2, preferred_element_type=jnp.float32) + b2)
    hs = jax.nn.relu(jnp.dot(hs, w2, preferred_element_type=jnp.float32) + b2)
    d = hc - hs
    o_ref[...] = jnp.sqrt(jnp.sum(d * d, axis=1))


@jax.jit
def _mlp_distance(xc, xs, w1t, b1, w2t, b2):
    return pl.pallas_call(
        _mlp_body,
        out_shape=jax.ShapeDtypeStruct((B,), jnp.float32),
    )(xc, xs, w1t, b1, w2t, b2)


def kernel(correct_sql, student_sql, table, fc_w, fc_b, out_w, out_b):
    idx_flat = jnp.concatenate(
        [correct_sql.astype(jnp.int32), student_sql.astype(jnp.int32)], axis=0
    ).reshape(-1)
    pooled = _sc_pooled(idx_flat, table)
    xc = pooled[:B]
    xs = pooled[B:]
    return _mlp_distance(
        xc, xs, fc_w.T, fc_b[None, :], out_w.T, out_b[None, :]
    )

# --- scband reference (transcript-rebuilt; emitter-appended) ---
"""Pipeline reference for scband-sqlcomparison-model-50560355008892 (READ-ONLY COPY).

The authoritative reference and input builder live on the scoring server;
editing this copy changes nothing except your own understanding.
"""

import jax, jax.numpy as jnp
import numpy as np

VOCAB = 1000000
EMB = 64
HID = 128
B = 4096
L = 200

def setup_inputs(seed: int = 0) -> dict:
    key = jax.random.key(seed)
    k1, k2, k3, k4, k5, k6, k7 = jax.random.split(key, 7)
    correct_sql = jax.random.randint(k1, (B, L), 0, VOCAB, dtype=jnp.int64) if jax.config.jax_enable_x64 else jax.random.randint(k1, (B, L), 0, VOCAB).astype(jnp.int32)
    student_sql = jax.random.randint(k2, (B, L), 0, VOCAB, dtype=jnp.int64) if jax.config.jax_enable_x64 else jax.random.randint(k2, (B, L), 0, VOCAB).astype(jnp.int32)
    table = jax.random.normal(k3, (VOCAB, EMB), dtype=jnp.float32)
    fc_w = jax.random.normal(k4, (HID, EMB), dtype=jnp.float32) * (1.0 / np.sqrt(EMB))
    fc_b = jax.random.normal(k5, (HID,), dtype=jnp.float32) * 0.01
    out_w = jax.random.normal(k6, (HID, HID), dtype=jnp.float32) * (1.0 / np.sqrt(HID))
    out_b = jax.random.normal(k7, (HID,), dtype=jnp.float32) * 0.01
    return {"correct_sql": correct_sql, "student_sql": student_sql, "table": table,
            "fc_w": fc_w, "fc_b": fc_b, "out_w": out_w, "out_b": out_b}


def reference(correct_sql, student_sql, table, fc_w, fc_b, out_w, out_b):
    # embedding lookup + mean over sequence dim
    correct_emb = jnp.take(table, correct_sql, axis=0).mean(axis=1)
    student_emb = jnp.take(table, student_sql, axis=0).mean(axis=1)
    hidden_correct = jax.nn.relu(correct_emb @ fc_w.T + fc_b)
    hidden_student = jax.nn.relu(student_emb @ fc_w.T + fc_b)
    hidden_correct = jax.nn.relu(hidden_correct @ out_w.T + out_b)
    hidden_student = jax.nn.relu(hidden_student @ out_w.T + out_b)
    distance = jnp.linalg.norm(hidden_correct - hidden_student, axis=1)
    return distance

if __name__ == "__main__":
    import jax
    _d = setup_inputs()
    print(jax.jit(kernel)(*tuple(_d.values())))

</pallas_src>

<mosaic_0001>
#map = affine_map<(d0, d1) -> (0, 0)>
#map1 = affine_map<(d0, d1) -> (0)>
module attributes {stable_mosaic.version = 14 : i64} {
  func.func @sc_repack(%arg0: i32, %arg1: i32, %arg2: memref<64x1000000xf32, #tpu.memory_space<hbm>>, %arg3: memref<64x256xf32, #tpu.memory_space<hbm>>, %arg4: memref<64000000xf32, #tpu.memory_space<hbm>>, %arg5: memref<64x256xf32, #tpu.memory_space<vmem>>, %arg6: memref<64x256xf32, #tpu.memory_space<vmem>>, %arg7: memref<16384xf32, #tpu.memory_space<vmem>>, %arg8: memref<16384xf32, #tpu.memory_space<vmem>>, %arg9: memref<!tpu.dma_semaphore, #tpu.memory_space<semaphore_mem>>, %arg10: memref<!tpu.dma_semaphore, #tpu.memory_space<semaphore_mem>>) attributes {dimension_semantics = [#tpu.dimension_semantics<core_parallel>, #tpu.dimension_semantics<subcore_parallel>], iteration_bounds = array<i64: 2, 16>, scalar_prefetch = 0 : i64, scratch_operands = 6 : i64, tpu.core_type = #tpu.core_type<sc_vector_subcore>, window_params = [{transform_indices = #map}, {transform_indices = #map}, {transform_indices = #map1}]} {
    %mul3A = arith.constant 2 : i32
    %mul3A_0 = arith.muli %arg1, %mul3A : i32
    %add3A = arith.addi %mul3A_0, %arg0 : i32
    %mul3A_1 = arith.constant 122 : i32
    %mul3A_2 = arith.muli %add3A, %mul3A_1 : i32
    %add3A_3 = arith.constant 0 : i32
    %add3A_4 = arith.addi %mul3A_2, %add3A_3 : i32
    %mul3A_5 = arith.constant 256 : i32
    %mul3A_6 = arith.muli %add3A_4, %mul3A_5 : i32
    %multiple_of3A = tpu.assume_multiple %mul3A_6, 128 : i32
    %dma_start3A = arith.constant 0 : i32
    %dma_start3A_7 = tpu.memref_slice %arg2[%dma_start3A, %multiple_of3A] : memref<64x1000000xf32, #tpu.memory_space<hbm>> -> memref<64x256xf32, #tpu.memory_space<hbm>>
    %dma_start3A_8 = arith.constant 0 : i32
    %dma_start3A_9 = tpu.memref_slice %arg2[%dma_start3A_8, %multiple_of3A] : memref<64x1000000xf32, #tpu.memory_space<hbm>> -> memref<64x256xf32, #tpu.memory_space<hbm>>
    tpu.enqueue_dma source(%dma_start3A_9 : memref<64x256xf32, #tpu.memory_space<hbm>>) target(%arg5 : memref<64x256xf32, #tpu.memory_space<vmem>>) target_semaphore(%arg9 : memref<!tpu.dma_semaphore, #tpu.memory_space<semaphore_mem>>)
    %add3A_10 = arith.constant 1 : i32
    %add3A_11 = arith.addi %mul3A_2, %add3A_10 : i32
    %mul3A_12 = arith.constant 256 : i32
    %mul3A_13 = arith.muli %add3A_11, %mul3A_12 : i32
    %multiple_of3A_14 = tpu.assume_multiple %mul3A_13, 128 : i32
    %dma_start3A_15 = arith.constant 0 : i32
    %dma_start3A_16 = tpu.memref_slice %arg2[%dma_start3A_15, %multiple_of3A_14] : memref<64x1000000xf32, #tpu.memory_space<hbm>> -> memref<64x256xf32, #tpu.memory_space<hbm>>
    %dma_start3A_17 = arith.constant 0 : i32
    %dma_start3A_18 = tpu.memref_slice %arg2[%dma_start3A_17, %multiple_of3A_14] : memref<64x1000000xf32, #tpu.memory_space<hbm>> -> memref<64x256xf32, #tpu.memory_space<hbm>>
    tpu.enqueue_dma source(%dma_start3A_18 : memref<64x256xf32, #tpu.memory_space<hbm>>) target(%arg6 : memref<64x256xf32, #tpu.memory_space<vmem>>) target_semaphore(%arg9 : memref<!tpu.dma_semaphore, #tpu.memory_space<semaphore_mem>>)
    %scan3A = arith.constant 0 : i32
    %scan3A_19 = arith.constant 0 : i32
    %scan3A_20 = arith.constant 61 : i32
    %scan3A_21 = arith.addi %scan3A_19, %scan3A_20 : i32
    %scan3A_22 = arith.constant 1 : i32
    scf.for %scan3A_53 = %scan3A_19 to %scan3A_21 step %scan3A_22  : i32 {
      %mul3A_54 = arith.constant 2 : i32
      %mul3A_55 = arith.muli %mul3A_54, %scan3A_53 : i32
      %add3A_56 = arith.constant 0 : i32
      %add3A_57 = arith.addi %mul3A_55, %add3A_56 : i32
      %add3A_58 = arith.addi %mul3A_2, %add3A_57 : i32
      %mul3A_59 = arith.constant 256 : i32
      %mul3A_60 = arith.muli %add3A_58, %mul3A_59 : i32
      %multiple_of3A_61 = tpu.assume_multiple %mul3A_60, 128 : i32
      %dma_wait3A_62 = arith.constant 0 : i32
      %dma_wait3A_63 = tpu.memref_slice %arg2[%dma_wait3A_62, %multiple_of3A_61] : memref<64x1000000xf32, #tpu.memory_space<hbm>> -> memref<64x256xf32, #tpu.memory_space<hbm>>
      %dma_wait3A_64 = arith.constant 0 : i32
      %dma_wait3A_65 = tpu.memref_slice %arg2[%dma_wait3A_64, %multiple_of3A_61] : memref<64x1000000xf32, #tpu.memory_space<hbm>> -> memref<64x256xf32, #tpu.memory_space<hbm>>
      tpu.wait_dma2 semaphore(%arg9 : memref<!tpu.dma_semaphore, #tpu.memory_space<semaphore_mem>>) src(%dma_wait3A_65 : memref<64x256xf32, #tpu.memory_space<hbm>>) dst(%arg5 : memref<64x256xf32, #tpu.memory_space<vmem>>)
      %ge3A = arith.constant 2 : i32
      %ge3A_66 = arith.cmpi sge, %add3A_57, %ge3A : i32
      %convert_element_type3A_67 = arith.extui %ge3A_66 : i1 to i32
      %cond3A_68 = arith.constant 0 : i32
      %cond3A_69 = arith.cmpi ne, %convert_element_type3A_67, %cond3A_68 : i32
      scf.if %cond3A_69 {
        %add3A_448 = arith.addi %mul3A_2, %add3A_57 : i32
        %mul3A_449 = arith.constant 256 : i32
        %mul3A_450 = arith.muli %add3A_448, %mul3A_449 : i32
        %mul3A_451 = arith.constant 64 : i32
        %mul3A_452 = arith.muli %mul3A_450, %mul3A_451 : i32
        %multiple_of3A_453 = tpu.assume_multiple %mul3A_452, 8 : i32
        %dma_wait3A_454 = tpu.memref_slice %arg4[%multiple_of3A_453] : memref<64000000xf32, #tpu.memory_space<hbm>> -> memref<16384xf32, #tpu.memory_space<hbm>>
        %dma_wait3A_455 = tpu.memref_slice %arg4[%multiple_of3A_453] : memref<64000000xf32, #tpu.memory_space<hbm>> -> memref<16384xf32, #tpu.memory_space<hbm>>
        tpu.wait_dma2 semaphore(%arg10 : memref<!tpu.dma_semaphore, #tpu.memory_space<semaphore_mem>>) src(%arg7 : memref<16384xf32, #tpu.memory_space<vmem>>) dst(%dma_wait3A_455 : memref<16384xf32, #tpu.memory_space<hbm>>)
      } else {
      }
      %iota3A = tpu.iota {dimensions = array<i32: 0>} : vector<16xi32>
      %add3A_70 = arith.constant 0 : i32
      %add3A_71 = vector.broadcast %add3A_70 : i32 to vector<16xi32>
      %add3A_72 = arith.addi %iota3A, %add3A_71 : vector<16xi32>
      %and3A = arith.constant 15 : i32
      %and3A_73 = vector.broadcast %and3A : i32 to vector<16xi32>
      %and3A_74 = arith.andi %add3A_72, %and3A_73 : vector<16xi32>
      %add3A_75 = arith.constant 1 : i32
      %add3A_76 = vector.broadcast %add3A_75 : i32 to vector<16xi32>
      %add3A_77 = arith.addi %iota3A, %add3A_76 : vector<16xi32>
      %and3A_78 = arith.constant 15 : i32
      %and3A_79 = vector.broadcast %and3A_78 : i32 to vector<16xi32>
      %and3A_80 = arith.andi %add3A_77, %and3A_79 : vector<16xi32>
      %add3A_81 = arith.constant 2 : i32
      %add3A_82 = vector.broadcast %add3A_81 : i32 to vector<16xi32>
      %add3A_83 = arith.addi %iota3A, %add3A_82 : vector<16xi32>
      %and3A_84 = arith.constant 15 : i32
      %and3A_85 = vector.broadcast %and3A_84 : i32 to vector<16xi32>
      %and3A_86 = arith.andi %add3A_83, %and3A_85 : vector<16xi32>
      %add3A_87 = arith.constant 3 : i32
      %add3A_88 = vector.broadcast %add3A_87 : i32 to vector<16xi32>
      %add3A_89 = arith.addi %iota3A, %add3A_88 : vector<16xi32>
      %and3A_90 = arith.constant 15 : i32
      %and3A_91 = vector.broadcast %and3A_90 : i32 to vector<16xi32>
      %and3A_92 = arith.andi %add3A_89, %and3A_91 : vector<16xi32>
      %add3A_93 = arith.constant 4 : i32
      %add3A_94 = vector.broadcast %add3A_93 : i32 to vector<16xi32>
      %add3A_95 = arith.addi %iota3A, %add3A_94 : vector<16xi32>
      %and3A_96 = arith.constant 15 : i32
      %and3A_97 = vector.broadcast %and3A_96 : i32 to vector<16xi32>
      %and3A_98 = arith.andi %add3A_95, %and3A_97 : vector<16xi32>
      %add3A_99 = arith.constant 5 : i32
      %add3A_100 = vector.broadcast %add3A_99 : i32 to vector<16xi32>
      %add3A_101 = arith.addi %iota3A, %add3A_100 : vector<16xi32>
      %and3A_102 = arith.constant 15 : i32
      %and3A_103 = vector.broadcast %and3A_102 : i32 to vector<16xi32>
      %and3A_104 = arith.andi %add3A_101, %and3A_103 : vector<16xi32>
      %add3A_105 = arith.constant 6 : i32
      %add3A_106 = vector.broadcast %add3A_105 : i32 to vector<16xi32>
      %add3A_107 = arith.addi %iota3A, %add3A_106 : vector<16xi32>
      %and3A_108 = arith.constant 15 : i32
      %and3A_109 = vector.broadcast %and3A_108 : i32 to vector<16xi32>
      %and3A_110 = arith.andi %add3A_107, %and3A_109 : vector<16xi32>
      %add3A_111 = arith.constant 7 : i32
      %add3A_112 = vector.broadcast %add3A_111 : i32 to vector<16xi32>
      %add3A_113 = arith.addi %iota3A, %add3A_112 : vector<16xi32>
      %and3A_114 = arith.constant 15 : i32
      %and3A_115 = vector.broadcast %and3A_114 : i32 to vector<16xi32>
      %and3A_116 = arith.andi %add3A_113, %and3A_115 : vector<16xi32>
      %add3A_117 = arith.constant 8 : i32
      %add3A_118 = vector.broadcast %add3A_117 : i32 to vector<16xi32>
      %add3A_119 = arith.addi %iota3A, %add3A_118 : vector<16xi32>
      %and3A_120 = arith.constant 15 : i32
      %and3A_121 = vector.broadcast %and3A_120 : i32 to vector<16xi32>
      %and3A_122 = arith.andi %add3A_119, %and3A_121 : vector<16xi32>
      %add3A_123 = arith.constant 9 : i32
      %add3A_124 = vector.broadcast %add3A_123 : i32 to vector<16xi32>
      %add3A_125 = arith.addi %iota3A, %add3A_124 : vector<16xi32>
      %and3A_126 = arith.constant 15 : i32
      %and3A_127 = vector.broadcast %and3A_126 : i32 to vector<16xi32>
      %and3A_128 = arith.andi %add3A_125, %and3A_127 : vector<16xi32>
      %add3A_129 = arith.constant 10 : i32
      %add3A_130 = vector.broadcast %add3A_129 : i32 to vector<16xi32>
      %add3A_131 = arith.addi %iota3A, %add3A_130 : vector<16xi32>
      %and3A_132 = arith.constant 15 : i32
      %and3A_133 = vector.broadcast %and3A_132 : i32 to vector<16xi32>
      %and3A_134 = arith.andi %add3A_131, %and3A_133 : vector<16xi32>
      %add3A_135 = arith.constant 11 : i32
      %add3A_136 = vector.broadcast %add3A_135 : i32 to vector<16xi32>
      %add3A_137 = arith.addi %iota3A, %add3A_136 : vector<16xi32>
      %and3A_138 = arith.constant 15 : i32
      %and3A_139 = vector.broadcast %and3A_138 : i32 to vector<16xi32>
      %and3A_140 = arith.andi %add3A_137, %and3A_139 : vector<16xi32>
      %add3A_141 = arith.constant 12 : i32
      %add3A_142 = vector.broadcast %add3A_141 : i32 to vector<16xi32>
      %add3A_143 = arith.addi %iota3A, %add3A_142 : vector<16xi32>
      %and3A_144 = arith.constant 15 : i32
      %and3A_145 = vector.broadcast %and3A_144 : i32 to vector<16xi32>
      %and3A_146 = arith.andi %add3A_143, %and3A_145 : vector<16xi32>
      %add3A_147 = arith.constant 13 : i32
      %add3A_148 = vector.broadcast %add3A_147 : i32 to vector<16xi32>
      %add3A_149 = arith.addi %iota3A, %add3A_148 : vector<16xi32>
      %and3A_150 = arith.constant 15 : i32
      %and3A_151 = vector.broadcast %and3A_150 : i32 to vector<16xi32>
      %and3A_152 = arith.andi %add3A_149, %and3A_151 : vector<16xi32>
      %add3A_153 = arith.constant 14 : i32
      %add3A_154 = vector.broadcast %add3A_153 : i32 to vector<16xi32>
      %add3A_155 = arith.addi %iota3A, %add3A_154 : vector<16xi32>
      %and3A_156 = arith.constant 15 : i32
      %and3A_157 = vector.broadcast %and3A_156 : i32 to vector<16xi32>
      %and3A_158 = arith.andi %add3A_155, %and3A_157 : vector<16xi32>
      %add3A_159 = arith.constant 15 : i32
      %add3A_160 = vector.broadcast %add3A_159 : i32 to vector<16xi32>
      %add3A_161 = arith.addi %iota3A, %add3A_160 : vector<16xi32>
      %and3A_162 = arith.constant 15 : i32
      %and3A_163 = vector.broadcast %and3A_162 : i32 to vector<16xi32>
      %and3A_164 = arith.andi %add3A_161, %and3A_163 : vector<16xi32>
      %mul3A_165 = arith.constant 64 : i32
      %mul3A_166 = vector.broadcast %mul3A_165 : i32 to vector<16xi32>
      %mul3A_167 = arith.muli %and3A_74, %mul3A_166 : vector<16xi32>
      %add3A_168 = arith.addi %mul3A_167, %iota3A : vector<16xi32>
      %mul3A_169 = arith.constant 64 : i32
      %mul3A_170 = vector.broadcast %mul3A_169 : i32 to vector<16xi32>
      %mul3A_171 = arith.muli %and3A_80, %mul3A_170 : vector<16xi32>
      %add3A_172 = arith.addi %mul3A_171, %iota3A : vector<16xi32>
      %mul3A_173 = arith.constant 64 : i32
      %mul3A_174 = vector.broadcast %mul3A_173 : i32 to vector<16xi32>
      %mul3A_175 = arith.muli %and3A_86, %mul3A_174 : vector<16xi32>
      %add3A_176 = arith.addi %mul3A_175, %iota3A : vector<16xi32>
      %mul3A_177 = arith.constant 64 : i32
      %mul3A_178 = vector.broadcast %mul3A_177 : i32 to vector<16xi32>
      %mul3A_179 = arith.muli %and3A_92, %mul3A_178 : vector<16xi32>
      %add3A_180 = arith.addi %mul3A_179, %iota3A : vector<16xi32>
      %mul3A_181 = arith.constant 64 : i32
      %mul3A_182 = vector.broadcast %mul3A_181 : i32 to vector<16xi32>
      %mul3A_183 = arith.muli %and3A_98, %mul3A_182 : vector<16xi32>
      %add3A_184 = arith.addi %mul3A_183, %iota3A : vector<16xi32>
      %mul3A_185 = arith.constant 64 : i32
      %mul3A_186 = vector.broadcast %mul3A_185 : i32 to vector<16xi32>
      %mul3A_187 = arith.muli %and3A_104, %mul3A_186 : vector<16xi32>
      %add3A_188 = arith.addi %mul3A_187, %iota3A : vector<16xi32>
      %mul3A_189 = arith.constant 64 : i32
      %mul3A_190 = vector.broadcast %mul3A_189 : i32 to vector<16xi32>
      %mul3A_191 = arith.muli %and3A_110, %mul3A_190 : vector<16xi32>
      %add3A_192 = arith.addi %mul3A_191, %iota3A : vector<16xi32>
      %mul3A_193 = arith.constant 64 : i32
      %mul3A_194 = vector.broadcast %mul3A_193 : i32 to vector<16xi32>
      %mul3A_195 = arith.muli %and3A_116, %mul3A_194 : vector<16xi32>
      %add3A_196 = arith.addi %mul3A_195, %iota3A : vector<16xi32>
      %mul3A_197 = arith.constant 64 : i32
      %mul3A_198 = vector.broadcast %mul3A_197 : i32 to vector<16xi32>
      %mul3A_199 = arith.muli %and3A_122, %mul3A_198 : vector<16xi32>
      %add3A_200 = arith.addi %mul3A_199, %iota3A : vector<16xi32>
      %mul3A_201 = arith.constant 64 : i32
      %mul3A_202 = vector.broadcast %mul3A_201 : i32 to vector<16xi32>
      %mul3A_203 = arith.muli %and3A_128, %mul3A_202 : vector<16xi32>
      %add3A_204 = arith.addi %mul3A_203, %iota3A : vector<16xi32>
      %mul3A_205 = arith.constant 64 : i32
      %mul3A_206 = vector.broadcast %mul3A_205 : i32 to vector<16xi32>
      %mul3A_207 = arith.muli %and3A_134, %mul3A_206 : vector<16xi32>
      %add3A_208 = arith.addi %mul3A_207, %iota3A : vector<16xi32>
      %mul3A_209 = arith.constant 64 : i32
      %mul3A_210 = vector.broadcast %mul3A_209 : i32 to vector<16xi32>
      %mul3A_211 = arith.muli %and3A_140, %mul3A_210 : vector<16xi32>
      %add3A_212 = arith.addi %mul3A_211, %iota3A : vector<16xi32>
      %mul3A_213 = arith.constant 64 : i32
      %mul3A_214 = vector.broadcast %mul3A_213 : i32 to vector<16xi32>
      %mul3A_215 = arith.muli %and3A_146, %mul3A_214 : vector<16xi32>
      %add3A_216 = arith.addi %mul3A_215, %iota3A : vector<16xi32>
      %mul3A_217 = arith.constant 64 : i32
      %mul3A_218 = vector.broadcast %mul3A_217 : i32 to vector<16xi32>
      %mul3A_219 = arith.muli %and3A_152, %mul3A_218 : vector<16xi32>
      %add3A_220 = arith.addi %mul3A_219, %iota3A : vector<16xi32>
      %mul3A_221 = arith.constant 64 : i32
      %mul3A_222 = vector.broadcast %mul3A_221 : i32 to vector<16xi32>
      %mul3A_223 = arith.muli %and3A_158, %mul3A_222 : vector<16xi32>
      %add3A_224 = arith.addi %mul3A_223, %iota3A : vector<16xi32>
      %mul3A_225 = arith.constant 64 : i32
      %mul3A_226 = vector.broadcast %mul3A_225 : i32 to vector<16xi32>
      %mul3A_227 = arith.muli %and3A_164, %mul3A_226 : vector<16xi32>
      %add3A_228 = arith.addi %mul3A_227, %iota3A : vector<16xi32>
      %scan3A_229 = arith.constant 0 : i32
      %scan3A_230 = arith.constant 0 : i32
      %scan3A_231 = arith.constant 32 : i32
      %scan3A_232 = arith.addi %scan3A_230, %scan3A_231 : i32
      %scan3A_233 = arith.constant 1 : i32
      scf.for %scan3A_448 = %scan3A_230 to %scan3A_232 step %scan3A_233  : i32 {
        %mul3A_449 = arith.constant 2 : i32
        %mul3A_450 = arith.muli %scan3A_448, %mul3A_449 : i32
        %add3A_451 = arith.constant 0 : i32
        %add3A_452 = arith.addi %mul3A_450, %add3A_451 : i32
        %and3A_453 = arith.constant 3 : i32
        %and3A_454 = arith.andi %add3A_452, %and3A_453 : i32
        %shift_right_arithmetic3A = arith.constant 2 : i32
        %shift_right_arithmetic3A_455 = arith.shrsi %add3A_452, %shift_right_arithmetic3A : i32
        %mul3A_456 = arith.constant 16 : i32
        %mul3A_457 = arith.muli %and3A_454, %mul3A_456 : i32
        %mul3A_458 = arith.constant 16 : i32
        %mul3A_459 = arith.muli %shift_right_arithmetic3A_455, %mul3A_458 : i32
        %broadcast_in_dim3A = vector.broadcast %mul3A_457 : i32 to vector<16xi32>
        %add3A_460 = arith.addi %broadcast_in_dim3A, %iota3A : vector<16xi32>
        %broadcast_in_dim3A_461 = vector.broadcast %mul3A_459 : i32 to vector<16xi32>
        %mul3A_462 = arith.constant 64 : i32
        %mul3A_463 = arith.muli %mul3A_459, %mul3A_462 : i32
        %add3A_464 = arith.addi %mul3A_463, %mul3A_457 : i32
        %broadcast_in_dim3A_465 = vector.broadcast %add3A_464 : i32 to vector<16xi32>
        %add3A_466 = arith.addi %broadcast_in_dim3A_461, %and3A_74 : vector<16xi32>
        %gather3A = tpu.vector_load_idx %arg5[%add3A_460, %add3A_466] : memref<64x256xf32, #tpu.memory_space<vmem>>[vector<16xi32>, vector<16xi32>], vector<16xf32>,
        %add3A_467 = arith.addi %broadcast_in_dim3A_465, %add3A_168 : vector<16xi32>
        tpu.vector_store_idx %arg7[%add3A_467], %gather3A : memref<16384xf32, #tpu.memory_space<vmem>>[vector<16xi32>], vector<16xf32>,
        %add3A_468 = arith.addi %broadcast_in_dim3A_461, %and3A_80 : vector<16xi32>
        %gather3A_469 = tpu.vector_load_idx %arg5[%add3A_460, %add3A_468] : memref<64x256xf32, #tpu.memory_space<vmem>>[vector<16xi32>, vector<16xi32>], vector<16xf32>,
        %add3A_470 = arith.addi %broadcast_in_dim3A_465, %add3A_172 : vector<16xi32>
        tpu.vector_store_idx %arg7[%add3A_470], %gather3A_469 : memref<16384xf32, #tpu.memory_space<vmem>>[vector<16xi32>], vector<16xf32>,
        %add3A_471 = arith.addi %broadcast_in_dim3A_461, %and3A_86 : vector<16xi32>
        %gather3A_472 = tpu.vector_load_idx %arg5[%add3A_460, %add3A_471] : memref<64x256xf32, #tpu.memory_space<vmem>>[vector<16xi32>, vector<16xi32>], vector<16xf32>,
        %add3A_473 = arith.addi %broadcast_in_dim3A_465, %add3A_176 : vector<16xi32>
        tpu.vector_store_idx %arg7[%add3A_473], %gather3A_472 : memref<16384xf32, #tpu.memory_space<vmem>>[vector<16xi32>], vector<16xf32>,
        %add3A_474 = arith.addi %broadcast_in_dim3A_461, %and3A_92 : vector<16xi32>
        %gather3A_475 = tpu.vector_load_idx %arg5[%add3A_460, %add3A_474] : memref<64x256xf32, #tpu.memory_space<vmem>>[vector<16xi32>, vector<16xi32>], vector<16xf32>,
        %add3A_476 = arith.addi %broadcast_in_dim3A_465, %add3A_180 : vector<16xi32>
        tpu.vector_store_idx %arg7[%add3A_476], %gather3A_475 : memref<16384xf32, #tpu.memory_space<vmem>>[vector<16xi32>], vector<16xf32>,
        %add3A_477 = arith.addi %broadcast_in_dim3A_461, %and3A_98 : vector<16xi32>
        %gather3A_478 = tpu.vector_load_idx %arg5[%add3A_460, %add3A_477] : memref<64x256xf32, #tpu.memory_space<vmem>>[vector<16xi32>, vector<16xi32>], vector<16xf32>,
        %add3A_479 = arith.addi %broadcast_in_dim3A_465, %add3A_184 : vector<16xi32>
        tpu.vector_store_idx %arg7[%add3A_479], %gather3A_478 : memref<16384xf32, #tpu.memory_space<vmem>>[vector<16xi32>], vector<16xf32>,
        %add3A_480 = arith.addi %broadcast_in_dim3A_461, %and3A_104 : vector<16xi32>
        %gather3A_481 = tpu.vector_load_idx %arg5[%add3A_460, %add3A_480] : memref<64x256xf32, #tpu.memory_space<vmem>>[vector<16xi32>, vector<16xi32>], vector<16xf32>,
        %add3A_482 = arith.addi %broadcast_in_dim3A_465, %add3A_188 : vector<16xi32>
        tpu.vector_store_idx %arg7[%add3A_482], %gather3A_481 : memref<16384xf32, #tpu.memory_space<vmem>>[vector<16xi32>], vector<16xf32>,
        %add3A_483 = arith.addi %broadcast_in_dim3A_461, %and3A_110 : vector<16xi32>
        %gather3A_484 = tpu.vector_load_idx %arg5[%add3A_460, %add3A_483] : memref<64x256xf32, #tpu.memory_space<vmem>>[vector<16xi32>, vector<16xi32>], vector<16xf32>,
        %add3A_485 = arith.addi %broadcast_in_dim3A_465, %add3A_192 : vector<16xi32>
        tpu.vector_store_idx %arg7[%add3A_485], %gather3A_484 : memref<16384xf32, #tpu.memory_space<vmem>>[vector<16xi32>], vector<16xf32>,
        %add3A_486 = arith.addi %broadcast_in_dim3A_461, %and3A_116 : vector<16xi32>
        %gather3A_487 = tpu.vector_load_idx %arg5[%add3A_460, %add3A_486] : memref<64x256xf32, #tpu.memory_space<vmem>>[vector<16xi32>, vector<16xi32>], vector<16xf32>,
        %add3A_488 = arith.addi %broadcast_in_dim3A_465, %add3A_196 : vector<16xi32>
        tpu.vector_store_idx %arg7[%add3A_488], %gather3A_487 : memref<16384xf32, #tpu.memory_space<vmem>>[vector<16xi32>], vector<16xf32>,
        %add3A_489 = arith.addi %broadcast_in_dim3A_461, %and3A_122 : vector<16xi32>
        %gather3A_490 = tpu.vector_load_idx %arg5[%add3A_460, %add3A_489] : memref<64x256xf32, #tpu.memory_space<vmem>>[vector<16xi32>, vector<16xi32>], vector<16xf32>,
        %add3A_491 = arith.addi %broadcast_in_dim3A_465, %add3A_200 : vector<16xi32>
        tpu.vector_store_idx %arg7[%add3A_491], %gather3A_490 : memref<16384xf32, #tpu.memory_space<vmem>>[vector<16xi32>], vector<16xf32>,
        %add3A_492 = arith.addi %broadcast_in_dim3A_461, %and3A_128 : vector<16xi32>
        %gather3A_493 = tpu.vector_load_idx %arg5[%add3A_460, %add3A_492] : memref<64x256xf32, #tpu.memory_space<vmem>>[vector<16xi32>, vector<16xi32>], vector<16xf32>,
        %add3A_494 = arith.addi %broadcast_in_dim3A_465, %add3A_204 : vector<16xi32>
        tpu.vector_store_idx %arg7[%add3A_494], %gather3A_493 : memref<16384xf32, #tpu.memory_space<vmem>>[vector<16xi32>], vector<16xf32>,
        %add3A_495 = arith.addi %broadcast_in_dim3A_461, %and3A_134 : vector<16xi32>
        %gather3A_496 = tpu.vector_load_idx %arg5[%add3A_460, %add3A_495] : memref<64x256xf32, #tpu.memory_space<vmem>>[vector<16xi32>, vector<16xi32>], vector<16xf32>,
        %add3A_497 = arith.addi %broadcast_in_dim3A_465, %add3A_208 : vector<16xi32>
        tpu.vector_store_idx %arg7[%add3A_497], %gather3A_496 : memref<16384xf32, #tpu.memory_space<vmem>>[vector<16xi32>], vector<16xf32>,
        %add3A_498 = arith.addi %broadcast_in_dim3A_461, %and3A_140 : vector<16xi32>
        %gather3A_499 = tpu.vector_load_idx %arg5[%add3A_460, %add3A_498] : memref<64x256xf32, #tpu.memory_space<vmem>>[vector<16xi32>, vector<16xi32>], vector<16xf32>,
        %add3A_500 = arith.addi %broadcast_in_dim3A_465, %add3A_212 : vector<16xi32>
        tpu.vector_store_idx %arg7[%add3A_500], %gather3A_499 : memref<16384xf32, #tpu.memory_space<vmem>>[vector<16xi32>], vector<16xf32>,
        %add3A_501 = arith.addi %broadcast_in_dim3A_461, %and3A_146 : vector<16xi32>
        %gather3A_502 = tpu.vector_load_idx %arg5[%add3A_460, %add3A_501] : memref<64x256xf32, #tpu.memory_space<vmem>>[vector<16xi32>, vector<16xi32>], vector<16xf32>,
        %add3A_503 = arith.addi %broadcast_in_dim3A_465, %add3A_216 : vector<16xi32>
        tpu.vector_store_idx %arg7[%add3A_503], %gather3A_502 : memref<16384xf32, #tpu.memory_space<vmem>>[vector<16xi32>], vector<16xf32>,
        %add3A_504 = arith.addi %broadcast_in_dim3A_461, %and3A_152 : vector<16xi32>
        %gather3A_505 = tpu.vector_load_idx %arg5[%add3A_460, %add3A_504] : memref<64x256xf32, #tpu.memory_space<vmem>>[vector<16xi32>, vector<16xi32>], vector<16xf32>,
        %add3A_506 = arith.addi %broadcast_in_dim3A_465, %add3A_220 : vector<16xi32>
        tpu.vector_store_idx %arg7[%add3A_506], %gather3A_505 : memref<16384xf32, #tpu.memory_space<vmem>>[vector<16xi32>], vector<16xf32>,
        %add3A_507 = arith.addi %broadcast_in_dim3A_461, %and3A_158 : vector<16xi32>
        %gather3A_508 = tpu.vector_load_idx %arg5[%add3A_460, %add3A_507] : memref<64x256xf32, #tpu.memory_space<vmem>>[vector<16xi32>, vector<16xi32>], vector<16xf32>,
        %add3A_509 = arith.addi %broadcast_in_dim3A_465, %add3A_224 : vector<16xi32>
        tpu.vector_store_idx %arg7[%add3A_509], %gather3A_508 : memref<16384xf32, #tpu.memory_space<vmem>>[vector<16xi32>], vector<16xf32>,
        %add3A_510 = arith.addi %broadcast_in_dim3A_461, %and3A_164 : vector<16xi32>
        %gather3A_511 = tpu.vector_load_idx %arg5[%add3A_460, %add3A_510] : memref<64x256xf32, #tpu.memory_space<vmem>>[vector<16xi32>, vector<16xi32>], vector<16xf32>,
        %add3A_512 = arith.addi %broadcast_in_dim3A_465, %add3A_228 : vector<16xi32>
        tpu.vector_store_idx %arg7[%add3A_512], %gather3A_511 : memref<16384xf32, #tpu.memory_space<vmem>>[vector<16xi32>], vector<16xf32>,
        %mul3A_513 = arith.constant 2 : i32
        %mul3A_514 = arith.muli %scan3A_448, %mul3A_513 : i32
        %add3A_515 = arith.constant 1 : i32
        %add3A_516 = arith.addi %mul3A_514, %add3A_515 : i32
        %and3A_517 = arith.constant 3 : i32
        %and3A_518 = arith.andi %add3A_516, %and3A_517 : i32
        %shift_right_arithmetic3A_519 = arith.constant 2 : i32
        %shift_right_arithmetic3A_520 = arith.shrsi %add3A_516, %shift_right_arithmetic3A_519 : i32
        %mul3A_521 = arith.constant 16 : i32
        %mul3A_522 = arith.muli %and3A_518, %mul3A_521 : i32
        %mul3A_523 = arith.constant 16 : i32
        %mul3A_524 = arith.muli %shift_right_arithmetic3A_520, %mul3A_523 : i32
        %broadcast_in_dim3A_525 = vector.broadcast %mul3A_522 : i32 to vector<16xi32>
        %add3A_526 = arith.addi %broadcast_in_dim3A_525, %iota3A : vector<16xi32>
        %broadcast_in_dim3A_527 = vector.broadcast %mul3A_524 : i32 to vector<16xi32>
        %mul3A_528 = arith.constant 64 : i32
        %mul3A_529 = arith.muli %mul3A_524, %mul3A_528 : i32
        %add3A_530 = arith.addi %mul3A_529, %mul3A_522 : i32
        %broadcast_in_dim3A_531 = vector.broadcast %add3A_530 : i32 to vector<16xi32>
        %add3A_532 = arith.addi %broadcast_in_dim3A_527, %and3A_74 : vector<16xi32>
        %gather3A_533 = tpu.vector_load_idx %arg5[%add3A_526, %add3A_532] : memref<64x256xf32, #tpu.memory_space<vmem>>[vector<16xi32>, vector<16xi32>], vector<16xf32>,
        %add3A_534 = arith.addi %broadcast_in_dim3A_531, %add3A_168 : vector<16xi32>
        tpu.vector_store_idx %arg7[%add3A_534], %gather3A_533 : memref<16384xf32, #tpu.memory_space<vmem>>[vector<16xi32>], vector<16xf32>,
        %add3A_535 = arith.addi %broadcast_in_dim3A_527, %and3A_80 : vector<16xi32>
        %gather3A_536 = tpu.vector_load_idx %arg5[%add3A_526, %add3A_535] : memref<64x256xf32, #tpu.memory_space<vmem>>[vector<16xi32>, vector<16xi32>], vector<16xf32>,
        %add3A_537 = arith.addi %broadcast_in_dim3A_531, %add3A_172 : vector<16xi32>
        tpu.vector_store_idx %arg7[%add3A_537], %gather3A_536 : memref<16384xf32, #tpu.memory_space<vmem>>[vector<16xi32>], vector<16xf32>,
        %add3A_538 = arith.addi %broadcast_in_dim3A_527, %and3A_86 : vector<16xi32>
        %gather3A_539 = tpu.vector_load_idx %arg5[%add3A_526, %add3A_538] : memref<64x256xf32, #tpu.memory_space<vmem>>[vector<16xi32>, vector<16xi32>], vector<16xf32>,
        %add3A_540 = arith.addi %broadcast_in_dim3A_531, %add3A_176 : vector<16xi32>
        tpu.vector_store_idx %arg7[%add3A_540], %gather3A_539 : memref<16384xf32, #tpu.memory_space<vmem>>[vector<16xi32>], vector<16xf32>,
        %add3A_541 = arith.addi %broadcast_in_dim3A_527, %and3A_92 : vector<16xi32>
        %gather3A_542 = tpu.vector_load_idx %arg5[%add3A_526, %add3A_541] : memref<64x256xf32, #tpu.memory_space<vmem>>[vector<16xi32>, vector<16xi32>], vector<16xf32>,
        %add3A_543 = arith.addi %broadcast_in_dim3A_531, %add3A_180 : vector<16xi32>
        tpu.vector_store_idx %arg7[%add3A_543], %gather3A_542 : memref<16384xf32, #tpu.memory_space<vmem>>[vector<16xi32>], vector<16xf32>,
        %add3A_544 = arith.addi %broadcast_in_dim3A_527, %and3A_98 : vector<16xi32>
        %gather3A_545 = tpu.vector_load_idx %arg5[%add3A_526, %add3A_544] : memref<64x256xf32, #tpu.memory_space<vmem>>[vector<16xi32>, vector<16xi32>], vector<16xf32>,
        %add3A_546 = arith.addi %broadcast_in_dim3A_531, %add3A_184 : vector<16xi32>
        tpu.vector_store_idx %arg7[%add3A_546], %gather3A_545 : memref<16384xf32, #tpu.memory_space<vmem>>[vector<16xi32>], vector<16xf32>,
        %add3A_547 = arith.addi %broadcast_in_dim3A_527, %and3A_104 : vector<16xi32>
        %gather3A_548 = tpu.vector_load_idx %arg5[%add3A_526, %add3A_547] : memref<64x256xf32, #tpu.memory_space<vmem>>[vector<16xi32>, vector<16xi32>], vector<16xf32>,
        %add3A_549 = arith.addi %broadcast_in_dim3A_531, %add3A_188 : vector<16xi32>
        tpu.vector_store_idx %arg7[%add3A_549], %gather3A_548 : memref<16384xf32, #tpu.memory_space<vmem>>[vector<16xi32>], vector<16xf32>,
        %add3A_550 = arith.addi %broadcast_in_dim3A_527, %and3A_110 : vector<16xi32>
        %gather3A_551 = tpu.vector_load_idx %arg5[%add3A_526, %add3A_550] : memref<64x256xf32, #tpu.memory_space<vmem>>[vector<16xi32>, vector<16xi32>], vector<16xf32>,
        %add3A_552 = arith.addi %broadcast_in_dim3A_531, %add3A_192 : vector<16xi32>
        tpu.vector_store_idx %arg7[%add3A_552], %gather3A_551 : memref<16384xf32, #tpu.memory_space<vmem>>[vector<16xi32>], vector<16xf32>,
        %add3A_553 = arith.addi %broadcast_in_dim3A_527, %and3A_116 : vector<16xi32>
        %gather3A_554 = tpu.vector_load_idx %arg5[%add3A_526, %add3A_553] : memref<64x256xf32, #tpu.memory_space<vmem>>[vector<16xi32>, vector<16xi32>], vector<16xf32>,
        %add3A_555 = arith.addi %broadcast_in_dim3A_531, %add3A_196 : vector<16xi32>
        tpu.vector_store_idx %arg7[%add3A_555], %gather3A_554 : memref<16384xf32, #tpu.memory_space<vmem>>[vector<16xi32>], vector<16xf32>,
        %add3A_556 = arith.addi %broadcast_in_dim3A_527, %and3A_122 : vector<16xi32>
        %gather3A_557 = tpu.vector_load_idx %arg5[%add3A_526, %add3A_556] : memref<64x256xf32, #tpu.memory_space<vmem>>[vector<16xi32>, vector<16xi32>], vector<16xf32>,
        %add3A_558 = arith.addi %broadcast_in_dim3A_531, %add3A_200 : vector<16xi32>
        tpu.vector_store_idx %arg7[%add3A_558], %gather3A_557 : memref<16384xf32, #tpu.memory_space<vmem>>[vector<16xi32>], vector<16xf32>,
        %add3A_559 = arith.addi %broadcast_in_dim3A_527, %and3A_128 : vector<16xi32>
        %gather3A_560 = tpu.vector_load_idx %arg5[%add3A_526, %add3A_559] : memref<64x256xf32, #tpu.memory_space<vmem>>[vector<16xi32>, vector<16xi32>], vector<16xf32>,
        %add3A_561 = arith.addi %broadcast_in_dim3A_531, %add3A_204 : vector<16xi32>
        tpu.vector_store_idx %arg7[%add3A_561], %gather3A_560 : memref<16384xf32, #tpu.memory_space<vmem>>[vector<16xi32>], vector<16xf32>,
        %add3A_562 = arith.addi %broadcast_in_dim3A_527, %and3A_134 : vector<16xi32>
        %gather3A_563 = tpu.vector_load_idx %arg5[%add3A_526, %add3A_562] : memref<64x256xf32, #tpu.memory_space<vmem>>[vector<16xi32>, vector<16xi32>], vector<16xf32>,
        %add3A_564 = arith.addi %broadcast_in_dim3A_531, %add3A_208 : vector<16xi32>
        tpu.vector_store_idx %arg7[%add3A_564], %gather3A_563 : memref<16384xf32, #tpu.memory_space<vmem>>[vector<16xi32>], vector<16xf32>,
        %add3A_565 = arith.addi %broadcast_in_dim3A_527, %and3A_140 : vector<16xi32>
        %gather3A_566 = tpu.vector_load_idx %arg5[%add3A_526, %add3A_565] : memref<64x256xf32, #tpu.memory_space<vmem>>[vector<16xi32>, vector<16xi32>], vector<16xf32>,
        %add3A_567 = arith.addi %broadcast_in_dim3A_531, %add3A_212 : vector<16xi32>
        tpu.vector_store_idx %arg7[%add3A_567], %gather3A_566 : memref<16384xf32, #tpu.memory_space<vmem>>[vector<16xi32>], vector<16xf32>,
        %add3A_568 = arith.addi %broadcast_in_dim3A_527, %and3A_146 : vector<16xi32>
        %gather3A_569 = tpu.vector_load_idx %arg5[%add3A_526, %add3A_568] : memref<64x256xf32, #tpu.memory_space<vmem>>[vector<16xi32>, vector<16xi32>], vector<16xf32>,
        %add3A_570 = arith.addi %broadcast_in_dim3A_531, %add3A_216 : vector<16xi32>
        tpu.vector_store_idx %arg7[%add3A_570], %gather3A_569 : memref<16384xf32, #tpu.memory_space<vmem>>[vector<16xi32>], vector<16xf32>,
        %add3A_571 = arith.addi %broadcast_in_dim3A_527, %and3A_152 : vector<16xi32>
        %gather3A_572 = tpu.vector_load_idx %arg5[%add3A_526, %add3A_571] : memref<64x256xf32, #tpu.memory_space<vmem>>[vector<16xi32>, vector<16xi32>], vector<16xf32>,
        %add3A_573 = arith.addi %broadcast_in_dim3A_531, %add3A_220 : vector<16xi32>
        tpu.vector_store_idx %arg7[%add3A_573], %gather3A_572 : memref<16384xf32, #tpu.memory_space<vmem>>[vector<16xi32>], vector<16xf32>,
        %add3A_574 = arith.addi %broadcast_in_dim3A_527, %and3A_158 : vector<16xi32>
        %gather3A_575 = tpu.vector_load_idx %arg5[%add3A_526, %add3A_574] : memref<64x256xf32, #tpu.memory_space<vmem>>[vector<16xi32>, vector<16xi32>], vector<16xf32>,
        %add3A_576 = arith.addi %broadcast_in_dim3A_531, %add3A_224 : vector<16xi32>
        tpu.vector_store_idx %arg7[%add3A_576], %gather3A_575 : memref<16384xf32, #tpu.memory_space<vmem>>[vector<16xi32>], vector<16xf32>,
        %add3A_577 = arith.addi %broadcast_in_dim3A_527, %and3A_164 : vector<16xi32>
        %gather3A_578 = tpu.vector_load_idx %arg5[%add3A_526, %add3A_577] : memref<64x256xf32, #tpu.memory_space<vmem>>[vector<16xi32>, vector<16xi32>], vector<16xf32>,
        %add3A_579 = arith.addi %broadcast_in_dim3A_531, %add3A_228 : vector<16xi32>
        tpu.vector_store_idx %arg7[%add3A_579], %gather3A_578 : memref<16384xf32, #tpu.memory_space<vmem>>[vector<16xi32>], vector<16xf32>,
      }
      %scan3A_234 = arith.constant 32 : i32
      %add3A_235 = arith.addi %mul3A_2, %add3A_57 : i32
      %mul3A_236 = arith.constant 256 : i32
      %mul3A_237 = arith.muli %add3A_235, %mul3A_236 : i32
      %mul3A_238 = arith.constant 64 : i32
      %mul3A_239 = arith.muli %mul3A_237, %mul3A_238 : i32
      %multiple_of3A_240 = tpu.assume_multiple %mul3A_239, 8 : i32
      %dma_start3A_241 = tpu.memref_slice %arg4[%multiple_of3A_240] : memref<64000000xf32, #tpu.memory_space<hbm>> -> memref<16384xf32, #tpu.memory_space<hbm>>
      %dma_start3A_242 = tpu.memref_slice %arg4[%multiple_of3A_240] : memref<64000000xf32, #tpu.memory_space<hbm>> -> memref<16384xf32, #tpu.memory_space<hbm>>
      tpu.enqueue_dma source(%arg7 : memref<16384xf32, #tpu.memory_space<vmem>>) target(%dma_start3A_242 : memref<16384xf32, #tpu.memory_space<hbm>>) target_semaphore(%arg10 : memref<!tpu.dma_semaphore, #tpu.memory_space<semaphore_mem>>)
      %add3A_243 = arith.constant 2 : i32
      %add3A_244 = arith.addi %add3A_57, %add3A_243 : i32
      %lt3A = arith.constant 122 : i32
      %lt3A_245 = arith.cmpi slt, %add3A_244, %lt3A : i32
      %convert_element_type3A_246 = arith.extui %lt3A_245 : i1 to i32
      %cond3A_247 = arith.constant 0 : i32
      %cond3A_248 = arith.cmpi ne, %convert_element_type3A_246, %cond3A_247 : i32
      scf.if %cond3A_248 {
        %add3A_448 = arith.constant 2 : i32
        %add3A_449 = arith.addi %add3A_57, %add3A_448 : i32
        %add3A_450 = arith.addi %mul3A_2, %add3A_449 : i32
        %mul3A_451 = arith.constant 256 : i32
        %mul3A_452 = arith.muli %add3A_450, %mul3A_451 : i32
        %multiple_of3A_453 = tpu.assume_multiple %mul3A_452, 128 : i32
        %dma_start3A_454 = arith.constant 0 : i32
        %dma_start3A_455 = tpu.memref_slice %arg2[%dma_start3A_454, %multiple_of3A_453] : memref<64x1000000xf32, #tpu.memory_space<hbm>> -> memref<64x256xf32, #tpu.memory_space<hbm>>
        %dma_start3A_456 = arith.constant 0 : i32
        %dma_start3A_457 = tpu.memref_slice %arg2[%dma_start3A_456, %multiple_of3A_453] : memref<64x1000000xf32, #tpu.memory_space<hbm>> -> memref<64x256xf32, #tpu.memory_space<hbm>>
        tpu.enqueue_dma source(%dma_start3A_457 : memref<64x256xf32, #tpu.memory_space<hbm>>) target(%arg5 : memref<64x256xf32, #tpu.memory_space<vmem>>) target_semaphore(%arg9 : memref<!tpu.dma_semaphore, #tpu.memory_space<semaphore_mem>>)
      } else {
      }
      %mul3A_249 = arith.constant 2 : i32
      %mul3A_250 = arith.muli %mul3A_249, %scan3A_53 : i32
      %add3A_251 = arith.constant 1 : i32
      %add3A_252 = arith.addi %mul3A_250, %add3A_251 : i32
      %add3A_253 = arith.addi %mul3A_2, %add3A_252 : i32
      %mul3A_254 = arith.constant 256 : i32
      %mul3A_255 = arith.muli %add3A_253, %mul3A_254 : i32
      %multiple_of3A_256 = tpu.assume_multiple %mul3A_255, 128 : i32
      %dma_wait3A_257 = arith.constant 0 : i32
      %dma_wait3A_258 = tpu.memref_slice %arg2[%dma_wait3A_257, %multiple_of3A_256] : memref<64x1000000xf32, #tpu.memory_space<hbm>> -> memref<64x256xf32, #tpu.memory_space<hbm>>
      %dma_wait3A_259 = arith.constant 0 : i32
      %dma_wait3A_260 = tpu.memref_slice %arg2[%dma_wait3A_259, %multiple_of3A_256] : memref<64x1000000xf32, #tpu.memory_space<hbm>> -> memref<64x256xf32, #tpu.memory_space<hbm>>
      tpu.wait_dma2 semaphore(%arg9 : memref<!tpu.dma_semaphore, #tpu.memory_space<semaphore_mem>>) src(%dma_wait3A_260 : memref<64x256xf32, #tpu.memory_space<hbm>>) dst(%arg6 : memref<64x256xf32, #tpu.memory_space<vmem>>)
      %ge3A_261 = arith.constant 2 : i32
      %ge3A_262 = arith.cmpi sge, %add3A_252, %ge3A_261 : i32
      %convert_element_type3A_263 = arith.extui %ge3A_262 : i1 to i32
      %cond3A_264 = arith.constant 0 : i32
      %cond3A_265 = arith.cmpi ne, %convert_element_type3A_263, %cond3A_264 : i32
      scf.if %cond3A_265 {
        %add3A_448 = arith.addi %mul3A_2, %add3A_252 : i32
        %mul3A_449 = arith.constant 256 : i32
        %mul3A_450 = arith.muli %add3A_448, %mul3A_449 : i32
        %mul3A_451 = arith.constant 64 : i32
        %mul3A_452 = arith.muli %mul3A_450, %mul3A_451 : i32
        %multiple_of3A_453 = tpu.assume_multiple %mul3A_452, 8 : i32
        %dma_wait3A_454 = tpu.memref_slice %arg4[%multiple_of3A_453] : memref<64000000xf32, #tpu.memory_space<hbm>> -> memref<16384xf32, #tpu.memory_space<hbm>>
        %dma_wait3A_455 = tpu.memref_slice %arg4[%multiple_of3A_453] : memref<64000000xf32, #tpu.memory_space<hbm>> -> memref<16384xf32, #tpu.memory_space<hbm>>
        tpu.wait_dma2 semaphore(%arg10 : memref<!tpu.dma_semaphore, #tpu.memory_space<semaphore_mem>>) src(%arg8 : memref<16384xf32, #tpu.memory_space<vmem>>) dst(%dma_wait3A_455 : memref<16384xf32, #tpu.memory_space<hbm>>)
      } else {
      }
      %iota3A_266 = tpu.iota {dimensions = array<i32: 0>} : vector<16xi32>
      %add3A_267 = arith.constant 0 : i32
      %add3A_268 = vector.broadcast %add3A_267 : i32 to vector<16xi32>
      %add3A_269 = arith.addi %iota3A_266, %add3A_268 : vector<16xi32>
      %and3A_270 = arith.constant 15 : i32
      %and3A_271 = vector.broadcast %and3A_270 : i32 to vector<16xi32>
      %and3A_272 = arith.andi %add3A_269, %and3A_271 : vector<16xi32>
      %add3A_273 = arith.constant 1 : i32
      %add3A_274 = vector.broadcast %add3A_273 : i32 to vector<16xi32>
      %add3A_275 = arith.addi %iota3A_266, %add3A_274 : vector<16xi32>
      %and3A_276 = arith.constant 15 : i32
      %and3A_277 = vector.broadcast %and3A_276 : i32 to vector<16xi32>
      %and3A_278 = arith.andi %add3A_275, %and3A_277 : vector<16xi32>
      %add3A_279 = arith.constant 2 : i32
      %add3A_280 = vector.broadcast %add3A_279 : i32 to vector<16xi32>
      %add3A_281 = arith.addi %iota3A_266, %add3A_280 : vector<16xi32>
      %and3A_282 = arith.constant 15 : i32
      %and3A_283 = vector.broadcast %and3A_282 : i32 to vector<16xi32>
      %and3A_284 = arith.andi %add3A_281, %and3A_283 : vector<16xi32>
      %add3A_285 = arith.constant 3 : i32
      %add3A_286 = vector.broadcast %add3A_285 : i32 to vector<16xi32>
      %add3A_287 = arith.addi %iota3A_266, %add3A_286 : vector<16xi32>
      %and3A_288 = arith.constant 15 : i32
      %and3A_289 = vector.broadcast %and3A_288 : i32 to vector<16xi32>
      %and3A_290 = arith.andi %add3A_287, %and3A_289 : vector<16xi32>
      %add3A_291 = arith.constant 4 : i32
      %add3A_292 = vector.broadcast %add3A_291 : i32 to vector<16xi32>
      %add3A_293 = arith.addi %iota3A_266, %add3A_292 : vector<16xi32>
      %and3A_294 = arith.constant 15 : i32
      %and3A_295 = vector.broadcast %and3A_294 : i32 to vector<16xi32>
      %and3A_296 = arith.andi %add3A_293, %and3A_295 : vector<16xi32>
      %add3A_297 = arith.constant 5 : i32
      %add3A_298 = vector.broadcast %add3A_297 : i32 to vector<16xi32>
      %add3A_299 = arith.addi %iota3A_266, %add3A_298 : vector<16xi32>
      %and3A_300 = arith.constant 15 : i32
      %and3A_301 = vector.broadcast %and3A_300 : i32 to vector<16xi32>
      %and3A_302 = arith.andi %add3A_299, %and3A_301 : vector<16xi32>
      %add3A_303 = arith.constant 6 : i32
      %add3A_304 = vector.broadcast %add3A_303 : i32 to vector<16xi32>
      %add3A_305 = arith.addi %iota3A_266, %add3A_304 : vector<16xi32>
      %and3A_306 = arith.constant 15 : i32
      %and3A_307 = vector.broadcast %and3A_306 : i32 to vector<16xi32>
      %and3A_308 = arith.andi %add3A_305, %and3A_307 : vector<16xi32>
      %add3A_309 = arith.constant 7 : i32
      %add3A_310 = vector.broadcast %add3A_309 : i32 to vector<16xi32>
      %add3A_311 = arith.addi %iota3A_266, %add3A_310 : vector<16xi32>
      %and3A_312 = arith.constant 15 : i32
      %and3A_313 = vector.broadcast %and3A_312 : i32 to vector<16xi32>
      %and3A_314 = arith.andi %add3A_311, %and3A_313 : vector<16xi32>
      %add3A_315 = arith.constant 8 : i32
      %add3A_316 = vector.broadcast %add3A_315 : i32 to vector<16xi32>
      %add3A_317 = arith.addi %iota3A_266, %add3A_316 : vector<16xi32>
      %and3A_318 = arith.constant 15 : i32
      %and3A_319 = vector.broadcast %and3A_318 : i32 to vector<16xi32>
      %and3A_320 = arith.andi %add3A_317, %and3A_319 : vector<16xi32>
      %add3A_321 = arith.constant 9 : i32
      %add3A_322 = vector.broadcast %add3A_321 : i32 to vector<16xi32>
      %add3A_323 = arith.addi %iota3A_266, %add3A_322 : vector<16xi32>
      %and3A_324 = arith.constant 15 : i32
      %and3A_325 = vector.broadcast %and3A_324 : i32 to vector<16xi32>
      %and3A_326 = arith.andi %add3A_323, %and3A_325 : vector<16xi32>
      %add3A_327 = arith.constant 10 : i32
      %add3A_328 = vector.broadcast %add3A_327 : i32 to vector<16xi32>
      %add3A_329 = arith.addi %iota3A_266, %add3A_328 : vector<16xi32>
      %and3A_330 = arith.constant 15 : i32
      %and3A_331 = vector.broadcast %and3A_330 : i32 to vector<16xi32>
      %and3A_332 = arith.andi %add3A_329, %and3A_331 : vector<16xi32>
      %add3A_333 = arith.constant 11 : i32
      %add3A_334 = vector.broadcast %add3A_333 : i32 to vector<16xi32>
      %add3A_335 = arith.addi %iota3A_266, %add3A_334 : vector<16xi32>
      %and3A_336 = arith.constant 15 : i32
      %and3A_337 = vector.broadcast %and3A_336 : i32 to vector<16xi32>
      %and3A_338 = arith.andi %add3A_335, %and3A_337 : vector<16xi32>
      %add3A_339 = arith.constant 12 : i32
      %add3A_340 = vector.broadcast %add3A_339 : i32 to vector<16xi32>
      %add3A_341 = arith.addi %iota3A_266, %add3A_340 : vector<16xi32>
      %and3A_342 = arith.constant 15 : i32
      %and3A_343 = vector.broadcast %and3A_342 : i32 to vector<16xi32>
      %and3A_344 = arith.andi %add3A_341, %and3A_343 : vector<16xi32>
      %add3A_345 = arith.constant 13 : i32
      %add3A_346 = vector.broadcast %add3A_345 : i32 to vector<16xi32>
      %add3A_347 = arith.addi %iota3A_266, %add3A_346 : vector<16xi32>
      %and3A_348 = arith.constant 15 : i32
      %and3A_349 = vector.broadcast %and3A_348 : i32 to vector<16xi32>
      %and3A_350 = arith.andi %add3A_347, %and3A_349 : vector<16xi32>
      %add3A_351 = arith.constant 14 : i32
      %add3A_352 = vector.broadcast %add3A_351 : i32 to vector<16xi32>
      %add3A_353 = arith.addi %iota3A_266, %add3A_352 : vector<16xi32>
      %and3A_354 = arith.constant 15 : i32
      %and3A_355 = vector.broadcast %and3A_354 : i32 to vector<16xi32>
      %and3A_356 = arith.andi %add3A_353, %and3A_355 : vector<16xi32>
      %add3A_357 = arith.constant 15 : i32
      %add3A_358 = vector.broadcast %add3A_357 : i32 to vector<16xi32>
      %add3A_359 = arith.addi %iota3A_266, %add3A_358 : vector<16xi32>
      %and3A_360 = arith.constant 15 : i32
      %and3A_361 = vector.broadcast %and3A_360 : i32 to vector<16xi32>
      %and3A_362 = arith.andi %add3A_359, %and3A_361 : vector<16xi32>
      %mul3A_363 = arith.constant 64 : i32
      %mul3A_364 = vector.broadcast %mul3A_363 : i32 to vector<16xi32>
      %mul3A_365 = arith.muli %and3A_272, %mul3A_364 : vector<16xi32>
      %add3A_366 = arith.addi %mul3A_365, %iota3A_266 : vector<16xi32>
      %mul3A_367 = arith.constant 64 : i32
      %mul3A_368 = vector.broadcast %mul3A_367 : i32 to vector<16xi32>
      %mul3A_369 = arith.muli %and3A_278, %mul3A_368 : vector<16xi32>
      %add3A_370 = arith.addi %mul3A_369, %iota3A_266 : vector<16xi32>
      %mul3A_371 = arith.constant 64 : i32
      %mul3A_372 = vector.broadcast %mul3A_371 : i32 to vector<16xi32>
      %mul3A_373 = arith.muli %and3A_284, %mul3A_372 : vector<16xi32>
      %add3A_374 = arith.addi %mul3A_373, %iota3A_266 : vector<16xi32>
      %mul3A_375 = arith.constant 64 : i32
      %mul3A_376 = vector.broadcast %mul3A_375 : i32 to vector<16xi32>
      %mul3A_377 = arith.muli %and3A_290, %mul3A_376 : vector<16xi32>
      %add3A_378 = arith.addi %mul3A_377, %iota3A_266 : vector<16xi32>
      %mul3A_379 = arith.constant 64 : i32
      %mul3A_380 = vector.broadcast %mul3A_379 : i32 to vector<16xi32>
      %mul3A_381 = arith.muli %and3A_296, %mul3A_380 : vector<16xi32>
      %add3A_382 = arith.addi %mul3A_381, %iota3A_266 : vector<16xi32>
      %mul3A_383 = arith.constant 64 : i32
      %mul3A_384 = vector.broadcast %mul3A_383 : i32 to vector<16xi32>
      %mul3A_385 = arith.muli %and3A_302, %mul3A_384 : vector<16xi32>
      %add3A_386 = arith.addi %mul3A_385, %iota3A_266 : vector<16xi32>
      %mul3A_387 = arith.constant 64 : i32
      %mul3A_388 = vector.broadcast %mul3A_387 : i32 to vector<16xi32>
      %mul3A_389 = arith.muli %and3A_308, %mul3A_388 : vector<16xi32>
      %add3A_390 = arith.addi %mul3A_389, %iota3A_266 : vector<16xi32>
      %mul3A_391 = arith.constant 64 : i32
      %mul3A_392 = vector.broadcast %mul3A_391 : i32 to vector<16xi32>
      %mul3A_393 = arith.muli %and3A_314, %mul3A_392 : vector<16xi32>
      %add3A_394 = arith.addi %mul3A_393, %iota3A_266 : vector<16xi32>
      %mul3A_395 = arith.constant 64 : i32
      %mul3A_396 = vector.broadcast %mul3A_395 : i32 to vector<16xi32>
      %mul3A_397 = arith.muli %and3A_320, %mul3A_396 : vector<16xi32>
      %add3A_398 = arith.addi %mul3A_397, %iota3A_266 : vector<16xi32>
      %mul3A_399 = arith.constant 64 : i32
      %mul3A_400 = vector.broadcast %mul3A_399 : i32 to vector<16xi32>
      %mul3A_401 = arith.muli %and3A_326, %mul3A_400 : vector<16xi32>
      %add3A_402 = arith.addi %mul3A_401, %iota3A_266 : vector<16xi32>
      %mul3A_403 = arith.constant 64 : i32
      %mul3A_404 = vector.broadcast %mul3A_403 : i32 to vector<16xi32>
      %mul3A_405 = arith.muli %and3A_332, %mul3A_404 : vector<16xi32>
      %add3A_406 = arith.addi %mul3A_405, %iota3A_266 : vector<16xi32>
      %mul3A_407 = arith.constant 64 : i32
      %mul3A_408 = vector.broadcast %mul3A_407 : i32 to vector<16xi32>
      %mul3A_409 = arith.muli %and3A_338, %mul3A_408 : vector<16xi32>
      %add3A_410 = arith.addi %mul3A_409, %iota3A_266 : vector<16xi32>
      %mul3A_411 = arith.constant 64 : i32
      %mul3A_412 = vector.broadcast %mul3A_411 : i32 to vector<16xi32>
      %mul3A_413 = arith.muli %and3A_344, %mul3A_412 : vector<16xi32>
      %add3A_414 = arith.addi %mul3A_413, %iota3A_266 : vector<16xi32>
      %mul3A_415 = arith.constant 64 : i32
      %mul3A_416 = vector.broadcast %mul3A_415 : i32 to vector<16xi32>
      %mul3A_417 = arith.muli %and3A_350, %mul3A_416 : vector<16xi32>
      %add3A_418 = arith.addi %mul3A_417, %iota3A_266 : vector<16xi32>
      %mul3A_419 = arith.constant 64 : i32
      %mul3A_420 = vector.broadcast %mul3A_419 : i32 to vector<16xi32>
      %mul3A_421 = arith.muli %and3A_356, %mul3A_420 : vector<16xi32>
      %add3A_422 = arith.addi %mul3A_421, %iota3A_266 : vector<16xi32>
      %mul3A_423 = arith.constant 64 : i32
      %mul3A_424 = vector.broadcast %mul3A_423 : i32 to vector<16xi32>
      %mul3A_425 = arith.muli %and3A_362, %mul3A_424 : vector<16xi32>
      %add3A_426 = arith.addi %mul3A_425, %iota3A_266 : vector<16xi32>
      %scan3A_427 = arith.constant 0 : i32
      %scan3A_428 = arith.constant 0 : i32
      %scan3A_429 = arith.constant 32 : i32
      %scan3A_430 = arith.addi %scan3A_428, %scan3A_429 : i32
      %scan3A_431 = arith.constant 1 : i32
      scf.for %scan3A_448 = %scan3A_428 to %scan3A_430 step %scan3A_431  : i32 {
        %mul3A_449 = arith.constant 2 : i32
        %mul3A_450 = arith.muli %scan3A_448, %mul3A_449 : i32
        %add3A_451 = arith.constant 0 : i32
        %add3A_452 = arith.addi %mul3A_450, %add3A_451 : i32
        %and3A_453 = arith.constant 3 : i32
        %and3A_454 = arith.andi %add3A_452, %and3A_453 : i32
        %shift_right_arithmetic3A = arith.constant 2 : i32
        %shift_right_arithmetic3A_455 = arith.shrsi %add3A_452, %shift_right_arithmetic3A : i32
        %mul3A_456 = arith.constant 16 : i32
        %mul3A_457 = arith.muli %and3A_454, %mul3A_456 : i32
        %mul3A_458 = arith.constant 16 : i32
        %mul3A_459 = arith.muli %shift_right_arithmetic3A_455, %mul3A_458 : i32
        %broadcast_in_dim3A = vector.broadcast %mul3A_457 : i32 to vector<16xi32>
        %add3A_460 = arith.addi %broadcast_in_dim3A, %iota3A_266 : vector<16xi32>
        %broadcast_in_dim3A_461 = vector.broadcast %mul3A_459 : i32 to vector<16xi32>
        %mul3A_462 = arith.constant 64 : i32
        %mul3A_463 = arith.muli %mul3A_459, %mul3A_462 : i32
        %add3A_464 = arith.addi %mul3A_463, %mul3A_457 : i32
        %broadcast_in_dim3A_465 = vector.broadcast %add3A_464 : i32 to vector<16xi32>
        %add3A_466 = arith.addi %broadcast_in_dim3A_461, %and3A_272 : vector<16xi32>
        %gather3A = tpu.vector_load_idx %arg6[%add3A_460, %add3A_466] : memref<64x256xf32, #tpu.memory_space<vmem>>[vector<16xi32>, vector<16xi32>], vector<16xf32>,
        %add3A_467 = arith.addi %broadcast_in_dim3A_465, %add3A_366 : vector<16xi32>
        tpu.vector_store_idx %arg8[%add3A_467], %gather3A : memref<16384xf32, #tpu.memory_space<vmem>>[vector<16xi32>], vector<16xf32>,
        %add3A_468 = arith.addi %broadcast_in_dim3A_461, %and3A_278 : vector<16xi32>
        %gather3A_469 = tpu.vector_load_idx %arg6[%add3A_460, %add3A_468] : memref<64x256xf32, #tpu.memory_space<vmem>>[vector<16xi32>, vector<16xi32>], vector<16xf32>,
        %add3A_470 = arith.addi %broadcast_in_dim3A_465, %add3A_370 : vector<16xi32>
        tpu.vector_store_idx %arg8[%add3A_470], %gather3A_469 : memref<16384xf32, #tpu.memory_space<vmem>>[vector<16xi32>], vector<16xf32>,
        %add3A_471 = arith.addi %broadcast_in_dim3A_461, %and3A_284 : vector<16xi32>
        %gather3A_472 = tpu.vector_load_idx %arg6[%add3A_460, %add3A_471] : memref<64x256xf32, #tpu.memory_space<vmem>>[vector<16xi32>, vector<16xi32>], vector<16xf32>,
        %add3A_473 = arith.addi %broadcast_in_dim3A_465, %add3A_374 : vector<16xi32>
        tpu.vector_store_idx %arg8[%add3A_473], %gather3A_472 : memref<16384xf32, #tpu.memory_space<vmem>>[vector<16xi32>], vector<16xf32>,
        %add3A_474 = arith.addi %broadcast_in_dim3A_461, %and3A_290 : vector<16xi32>
        %gather3A_475 = tpu.vector_load_idx %arg6[%add3A_460, %add3A_474] : memref<64x256xf32, #tpu.memory_space<vmem>>[vector<16xi32>, vector<16xi32>], vector<16xf32>,
        %add3A_476 = arith.addi %broadcast_in_dim3A_465, %add3A_378 : vector<16xi32>
        tpu.vector_store_idx %arg8[%add3A_476], %gather3A_475 : memref<16384xf32, #tpu.memory_space<vmem>>[vector<16xi32>], vector<16xf32>,
        %add3A_477 = arith.addi %broadcast_in_dim3A_461, %and3A_296 : vector<16xi32>
        %gather3A_478 = tpu.vector_load_idx %arg6[%add3A_460, %add3A_477] : memref<64x256xf32, #tpu.memory_space<vmem>>[vector<16xi32>, vector<16xi32>], vector<16xf32>,
        %add3A_479 = arith.addi %broadcast_in_dim3A_465, %add3A_382 : vector<16xi32>
        tpu.vector_store_idx %arg8[%add3A_479], %gather3A_478 : memref<16384xf32, #tpu.memory_space<vmem>>[vector<16xi32>], vector<16xf32>,
        %add3A_480 = arith.addi %broadcast_in_dim3A_461, %and3A_302 : vector<16xi32>
        %gather3A_481 = tpu.vector_load_idx %arg6[%add3A_460, %add3A_480] : memref<64x256xf32, #tpu.memory_space<vmem>>[vector<16xi32>, vector<16xi32>], vector<16xf32>,
        %add3A_482 = arith.addi %broadcast_in_dim3A_465, %add3A_386 : vector<16xi32>
        tpu.vector_store_idx %arg8[%add3A_482], %gather3A_481 : memref<16384xf32, #tpu.memory_space<vmem>>[vector<16xi32>], vector<16xf32>,
        %add3A_483 = arith.addi %broadcast_in_dim3A_461, %and3A_308 : vector<16xi32>
        %gather3A_484 = tpu.vector_load_idx %arg6[%add3A_460, %add3A_483] : memref<64x256xf32, #tpu.memory_space<vmem>>[vector<16xi32>, vector<16xi32>], vector<16xf32>,
        %add3A_485 = arith.addi %broadcast_in_dim3A_465, %add3A_390 : vector<16xi32>
        tpu.vector_store_idx %arg8[%add3A_485], %gather3A_484 : memref<16384xf32, #tpu.memory_space<vmem>>[vector<16xi32>], vector<16xf32>,
        %add3A_486 = arith.addi %broadcast_in_dim3A_461, %and3A_314 : vector<16xi32>
        %gather3A_487 = tpu.vector_load_idx %arg6[%add3A_460, %add3A_486] : memref<64x256xf32, #tpu.memory_space<vmem>>[vector<16xi32>, vector<16xi32>], vector<16xf32>,
        %add3A_488 = arith.addi %broadcast_in_dim3A_465, %add3A_394 : vector<16xi32>
        tpu.vector_store_idx %arg8[%add3A_488], %gather3A_487 : memref<16384xf32, #tpu.memory_space<vmem>>[vector<16xi32>], vector<16xf32>,
        %add3A_489 = arith.addi %broadcast_in_dim3A_461, %and3A_320 : vector<16xi32>
        %gather3A_490 = tpu.vector_load_idx %arg6[%add3A_460, %add3A_489] : memref<64x256xf32, #tpu.memory_space<vmem>>[vector<16xi32>, vector<16xi32>], vector<16xf32>,
        %add3A_491 = arith.addi %broadcast_in_dim3A_465, %add3A_398 : vector<16xi32>
        tpu.vector_store_idx %arg8[%add3A_491], %gather3A_490 : memref<16384xf32, #tpu.memory_space<vmem>>[vector<16xi32>], vector<16xf32>,
        %add3A_492 = arith.addi %broadcast_in_dim3A_461, %and3A_326 : vector<16xi32>
        %gather3A_493 = tpu.vector_load_idx %arg6[%add3A_460, %add3A_492] : memref<64x256xf32, #tpu.memory_space<vmem>>[vector<16xi32>, vector<16xi32>], vector<16xf32>,
        %add3A_494 = arith.addi %broadcast_in_dim3A_465, %add3A_402 : vector<16xi32>
        tpu.vector_store_idx %arg8[%add3A_494], %gather3A_493 : memref<16384xf32, #tpu.memory_space<vmem>>[vector<16xi32>], vector<16xf32>,
        %add3A_495 = arith.addi %broadcast_in_dim3A_461, %and3A_332 : vector<16xi32>
        %gather3A_496 = tpu.vector_load_idx %arg6[%add3A_460, %add3A_495] : memref<64x256xf32, #tpu.memory_space<vmem>>[vector<16xi32>, vector<16xi32>], vector<16xf32>,
        %add3A_497 = arith.addi %broadcast_in_dim3A_465, %add3A_406 : vector<16xi32>
        tpu.vector_store_idx %arg8[%add3A_497], %gather3A_496 : memref<16384xf32, #tpu.memory_space<vmem>>[vector<16xi32>], vector<16xf32>,
        %add3A_498 = arith.addi %broadcast_in_dim3A_461, %and3A_338 : vector<16xi32>
        %gather3A_499 = tpu.vector_load_idx %arg6[%add3A_460, %add3A_498] : memref<64x256xf32, #tpu.memory_space<vmem>>[vector<16xi32>, vector<16xi32>], vector<16xf32>,
        %add3A_500 = arith.addi %broadcast_in_dim3A_465, %add3A_410 : vector<16xi32>
        tpu.vector_store_idx %arg8[%add3A_500], %gather3A_499 : memref<16384xf32, #tpu.memory_space<vmem>>[vector<16xi32>], vector<16xf32>,
        %add3A_501 = arith.addi %broadcast_in_dim3A_461, %and3A_344 : vector<16xi32>
        %gather3A_502 = tpu.vector_load_idx %arg6[%add3A_460, %add3A_501] : memref<64x256xf32, #tpu.memory_space<vmem>>[vector<16xi32>, vector<16xi32>], vector<16xf32>,
        %add3A_503 = arith.addi %broadcast_in_dim3A_465, %add3A_414 : vector<16xi32>
        tpu.vector_store_idx %arg8[%add3A_503], %gather3A_502 : memref<16384xf32, #tpu.memory_space<vmem>>[vector<16xi32>], vector<16xf32>,
        %add3A_504 = arith.addi %broadcast_in_dim3A_461, %and3A_350 : vector<16xi32>
        %gather3A_505 = tpu.vector_load_idx %arg6[%add3A_460, %add3A_504] : memref<64x256xf32, #tpu.memory_space<vmem>>[vector<16xi32>, vector<16xi32>], vector<16xf32>,
        %add3A_506 = arith.addi %broadcast_in_dim3A_465, %add3A_418 : vector<16xi32>
        tpu.vector_store_idx %arg8[%add3A_506], %gather3A_505 : memref<16384xf32, #tpu.memory_space<vmem>>[vector<16xi32>], vector<16xf32>,
        %add3A_507 = arith.addi %broadcast_in_dim3A_461, %and3A_356 : vector<16xi32>
        %gather3A_508 = tpu.vector_load_idx %arg6[%add3A_460, %add3A_507] : memref<64x256xf32, #tpu.memory_space<vmem>>[vector<16xi32>, vector<16xi32>], vector<16xf32>,
        %add3A_509 = arith.addi %broadcast_in_dim3A_465, %add3A_422 : vector<16xi32>
        tpu.vector_store_idx %arg8[%add3A_509], %gather3A_508 : memref<16384xf32, #tpu.memory_space<vmem>>[vector<16xi32>], vector<16xf32>,
        %add3A_510 = arith.addi %broadcast_in_dim3A_461, %and3A_362 : vector<16xi32>
        %gather3A_511 = tpu.vector_load_idx %arg6[%add3A_460, %add3A_510] : memref<64x256xf32, #tpu.memory_space<vmem>>[vector<16xi32>, vector<16xi32>], vector<16xf32>,
        %add3A_512 = arith.addi %broadcast_in_dim3A_465, %add3A_426 : vector<16xi32>
        tpu.vector_store_idx %arg8[%add3A_512], %gather3A_511 : memref<16384xf32, #tpu.memory_space<vmem>>[vector<16xi32>], vector<16xf32>,
        %mul3A_513 = arith.constant 2 : i32
        %mul3A_514 = arith.muli %scan3A_448, %mul3A_513 : i32
        %add3A_515 = arith.constant 1 : i32
        %add3A_516 = arith.addi %mul3A_514, %add3A_515 : i32
        %and3A_517 = arith.constant 3 : i32
        %and3A_518 = arith.andi %add3A_516, %and3A_517 : i32
        %shift_right_arithmetic3A_519 = arith.constant 2 : i32
        %shift_right_arithmetic3A_520 = arith.shrsi %add3A_516, %shift_right_arithmetic3A_519 : i32
        %mul3A_521 = arith.constant 16 : i32
        %mul3A_522 = arith.muli %and3A_518, %mul3A_521 : i32
        %mul3A_523 = arith.constant 16 : i32
        %mul3A_524 = arith.muli %shift_right_arithmetic3A_520, %mul3A_523 : i32
        %broadcast_in_dim3A_525 = vector.broadcast %mul3A_522 : i32 to vector<16xi32>
        %add3A_526 = arith.addi %broadcast_in_dim3A_525, %iota3A_266 : vector<16xi32>
        %broadcast_in_dim3A_527 = vector.broadcast %mul3A_524 : i32 to vector<16xi32>
        %mul3A_528 = arith.constant 64 : i32
        %mul3A_529 = arith.muli %mul3A_524, %mul3A_528 : i32
        %add3A_530 = arith.addi %mul3A_529, %mul3A_522 : i32
        %broadcast_in_dim3A_531 = vector.broadcast %add3A_530 : i32 to vector<16xi32>
        %add3A_532 = arith.addi %broadcast_in_dim3A_527, %and3A_272 : vector<16xi32>
        %gather3A_533 = tpu.vector_load_idx %arg6[%add3A_526, %add3A_532] : memref<64x256xf32, #tpu.memory_space<vmem>>[vector<16xi32>, vector<16xi32>], vector<16xf32>,
        %add3A_534 = arith.addi %broadcast_in_dim3A_531, %add3A_366 : vector<16xi32>
        tpu.vector_store_idx %arg8[%add3A_534], %gather3A_533 : memref<16384xf32, #tpu.memory_space<vmem>>[vector<16xi32>], vector<16xf32>,
        %add3A_535 = arith.addi %broadcast_in_dim3A_527, %and3A_278 : vector<16xi32>
        %gather3A_536 = tpu.vector_load_idx %arg6[%add3A_526, %add3A_535] : memref<64x256xf32, #tpu.memory_space<vmem>>[vector<16xi32>, vector<16xi32>], vector<16xf32>,
        %add3A_537 = arith.addi %broadcast_in_dim3A_531, %add3A_370 : vector<16xi32>
        tpu.vector_store_idx %arg8[%add3A_537], %gather3A_536 : memref<16384xf32, #tpu.memory_space<vmem>>[vector<16xi32>], vector<16xf32>,
        %add3A_538 = arith.addi %broadcast_in_dim3A_527, %and3A_284 : vector<16xi32>
        %gather3A_539 = tpu.vector_load_idx %arg6[%add3A_526, %add3A_538] : memref<64x256xf32, #tpu.memory_space<vmem>>[vector<16xi32>, vector<16xi32>], vector<16xf32>,
        %add3A_540 = arith.addi %broadcast_in_dim3A_531, %add3A_374 : vector<16xi32>
        tpu.vector_store_idx %arg8[%add3A_540], %gather3A_539 : memref<16384xf32, #tpu.memory_space<vmem>>[vector<16xi32>], vector<16xf32>,
        %add3A_541 = arith.addi %broadcast_in_dim3A_527, %and3A_290 : vector<16xi32>
        %gather3A_542 = tpu.vector_load_idx %arg6[%add3A_526, %add3A_541] : memref<64x256xf32, #tpu.memory_space<vmem>>[vector<16xi32>, vector<16xi32>], vector<16xf32>,
        %add3A_543 = arith.addi %broadcast_in_dim3A_531, %add3A_378 : vector<16xi32>
        tpu.vector_store_idx %arg8[%add3A_543], %gather3A_542 : memref<16384xf32, #tpu.memory_space<vmem>>[vector<16xi32>], vector<16xf32>,
        %add3A_544 = arith.addi %broadcast_in_dim3A_527, %and3A_296 : vector<16xi32>
        %gather3A_545 = tpu.vector_load_idx %arg6[%add3A_526, %add3A_544] : memref<64x256xf32, #tpu.memory_space<vmem>>[vector<16xi32>, vector<16xi32>], vector<16xf32>,
        %add3A_546 = arith.addi %broadcast_in_dim3A_531, %add3A_382 : vector<16xi32>
        tpu.vector_store_idx %arg8[%add3A_546], %gather3A_545 : memref<16384xf32, #tpu.memory_space<vmem>>[vector<16xi32>], vector<16xf32>,
        %add3A_547 = arith.addi %broadcast_in_dim3A_527, %and3A_302 : vector<16xi32>
        %gather3A_548 = tpu.vector_load_idx %arg6[%add3A_526, %add3A_547] : memref<64x256xf32, #tpu.memory_space<vmem>>[vector<16xi32>, vector<16xi32>], vector<16xf32>,
        %add3A_549 = arith.addi %broadcast_in_dim3A_531, %add3A_386 : vector<16xi32>
        tpu.vector_store_idx %arg8[%add3A_549], %gather3A_548 : memref<16384xf32, #tpu.memory_space<vmem>>[vector<16xi32>], vector<16xf32>,
        %add3A_550 = arith.addi %broadcast_in_dim3A_527, %and3A_308 : vector<16xi32>
        %gather3A_551 = tpu.vector_load_idx %arg6[%add3A_526, %add3A_550] : memref<64x256xf32, #tpu.memory_space<vmem>>[vector<16xi32>, vector<16xi32>], vector<16xf32>,
        %add3A_552 = arith.addi %broadcast_in_dim3A_531, %add3A_390 : vector<16xi32>
        tpu.vector_store_idx %arg8[%add3A_552], %gather3A_551 : memref<16384xf32, #tpu.memory_space<vmem>>[vector<16xi32>], vector<16xf32>,
        %add3A_553 = arith.addi %broadcast_in_dim3A_527, %and3A_314 : vector<16xi32>
        %gather3A_554 = tpu.vector_load_idx %arg6[%add3A_526, %add3A_553] : memref<64x256xf32, #tpu.memory_space<vmem>>[vector<16xi32>, vector<16xi32>], vector<16xf32>,
        %add3A_555 = arith.addi %broadcast_in_dim3A_531, %add3A_394 : vector<16xi32>
        tpu.vector_store_idx %arg8[%add3A_555], %gather3A_554 : memref<16384xf32, #tpu.memory_space<vmem>>[vector<16xi32>], vector<16xf32>,
        %add3A_556 = arith.addi %broadcast_in_dim3A_527, %and3A_320 : vector<16xi32>
        %gather3A_557 = tpu.vector_load_idx %arg6[%add3A_526, %add3A_556] : memref<64x256xf32, #tpu.memory_space<vmem>>[vector<16xi32>, vector<16xi32>], vector<16xf32>,
        %add3A_558 = arith.addi %broadcast_in_dim3A_531, %add3A_398 : vector<16xi32>
        tpu.vector_store_idx %arg8[%add3A_558], %gather3A_557 : memref<16384xf32, #tpu.memory_space<vmem>>[vector<16xi32>], vector<16xf32>,
        %add3A_559 = arith.addi %broadcast_in_dim3A_527, %and3A_326 : vector<16xi32>
        %gather3A_560 = tpu.vector_load_idx %arg6[%add3A_526, %add3A_559] : memref<64x256xf32, #tpu.memory_space<vmem>>[vector<16xi32>, vector<16xi32>], vector<16xf32>,
        %add3A_561 = arith.addi %broadcast_in_dim3A_531, %add3A_402 : vector<16xi32>
        tpu.vector_store_idx %arg8[%add3A_561], %gather3A_560 : memref<16384xf32, #tpu.memory_space<vmem>>[vector<16xi32>], vector<16xf32>,
        %add3A_562 = arith.addi %broadcast_in_dim3A_527, %and3A_332 : vector<16xi32>
        %gather3A_563 = tpu.vector_load_idx %arg6[%add3A_526, %add3A_562] : memref<64x256xf32, #tpu.memory_space<vmem>>[vector<16xi32>, vector<16xi32>], vector<16xf32>,
        %add3A_564 = arith.addi %broadcast_in_dim3A_531, %add3A_406 : vector<16xi32>
        tpu.vector_store_idx %arg8[%add3A_564], %gather3A_563 : memref<16384xf32, #tpu.memory_space<vmem>>[vector<16xi32>], vector<16xf32>,
        %add3A_565 = arith.addi %broadcast_in_dim3A_527, %and3A_338 : vector<16xi32>
        %gather3A_566 = tpu.vector_load_idx %arg6[%add3A_526, %add3A_565] : memref<64x256xf32, #tpu.memory_space<vmem>>[vector<16xi32>, vector<16xi32>], vector<16xf32>,
        %add3A_567 = arith.addi %broadcast_in_dim3A_531, %add3A_410 : vector<16xi32>
        tpu.vector_store_idx %arg8[%add3A_567], %gather3A_566 : memref<16384xf32, #tpu.memory_space<vmem>>[vector<16xi32>], vector<16xf32>,
        %add3A_568 = arith.addi %broadcast_in_dim3A_527, %and3A_344 : vector<16xi32>
        %gather3A_569 = tpu.vector_load_idx %arg6[%add3A_526, %add3A_568] : memref<64x256xf32, #tpu.memory_space<vmem>>[vector<16xi32>, vector<16xi32>], vector<16xf32>,
        %add3A_570 = arith.addi %broadcast_in_dim3A_531, %add3A_414 : vector<16xi32>
        tpu.vector_store_idx %arg8[%add3A_570], %gather3A_569 : memref<16384xf32, #tpu.memory_space<vmem>>[vector<16xi32>], vector<16xf32>,
        %add3A_571 = arith.addi %broadcast_in_dim3A_527, %and3A_350 : vector<16xi32>
        %gather3A_572 = tpu.vector_load_idx %arg6[%add3A_526, %add3A_571] : memref<64x256xf32, #tpu.memory_space<vmem>>[vector<16xi32>, vector<16xi32>], vector<16xf32>,
        %add3A_573 = arith.addi %broadcast_in_dim3A_531, %add3A_418 : vector<16xi32>
        tpu.vector_store_idx %arg8[%add3A_573], %gather3A_572 : memref<16384xf32, #tpu.memory_space<vmem>>[vector<16xi32>], vector<16xf32>,
        %add3A_574 = arith.addi %broadcast_in_dim3A_527, %and3A_356 : vector<16xi32>
        %gather3A_575 = tpu.vector_load_idx %arg6[%add3A_526, %add3A_574] : memref<64x256xf32, #tpu.memory_space<vmem>>[vector<16xi32>, vector<16xi32>], vector<16xf32>,
        %add3A_576 = arith.addi %broadcast_in_dim3A_531, %add3A_422 : vector<16xi32>
        tpu.vector_store_idx %arg8[%add3A_576], %gather3A_575 : memref<16384xf32, #tpu.memory_space<vmem>>[vector<16xi32>], vector<16xf32>,
        %add3A_577 = arith.addi %broadcast_in_dim3A_527, %and3A_362 : vector<16xi32>
        %gather3A_578 = tpu.vector_load_idx %arg6[%add3A_526, %add3A_577] : memref<64x256xf32, #tpu.memory_space<vmem>>[vector<16xi32>, vector<16xi32>], vector<16xf32>,
        %add3A_579 = arith.addi %broadcast_in_dim3A_531, %add3A_426 : vector<16xi32>
        tpu.vector_store_idx %arg8[%add3A_579], %gather3A_578 : memref<16384xf32, #tpu.memory_space<vmem>>[vector<16xi32>], vector<16xf32>,
      }
      %scan3A_432 = arith.constant 32 : i32
      %add3A_433 = arith.addi %mul3A_2, %add3A_252 : i32
      %mul3A_434 = arith.constant 256 : i32
      %mul3A_435 = arith.muli %add3A_433, %mul3A_434 : i32
      %mul3A_436 = arith.constant 64 : i32
      %mul3A_437 = arith.muli %mul3A_435, %mul3A_436 : i32
      %multiple_of3A_438 = tpu.assume_multiple %mul3A_437, 8 : i32
      %dma_start3A_439 = tpu.memref_slice %arg4[%multiple_of3A_438] : memref<64000000xf32, #tpu.memory_space<hbm>> -> memref<16384xf32, #tpu.memory_space<hbm>>
      %dma_start3A_440 = tpu.memref_slice %arg4[%multiple_of3A_438] : memref<64000000xf32, #tpu.memory_space<hbm>> -> memref<16384xf32, #tpu.memory_space<hbm>>
      tpu.enqueue_dma source(%arg8 : memref<16384xf32, #tpu.memory_space<vmem>>) target(%dma_start3A_440 : memref<16384xf32, #tpu.memory_space<hbm>>) target_semaphore(%arg10 : memref<!tpu.dma_semaphore, #tpu.memory_space<semaphore_mem>>)
      %add3A_441 = arith.constant 2 : i32
      %add3A_442 = arith.addi %add3A_252, %add3A_441 : i32
      %lt3A_443 = arith.constant 122 : i32
      %lt3A_444 = arith.cmpi slt, %add3A_442, %lt3A_443 : i32
      %convert_element_type3A_445 = arith.extui %lt3A_444 : i1 to i32
      %cond3A_446 = arith.constant 0 : i32
      %cond3A_447 = arith.cmpi ne, %convert_element_type3A_445, %cond3A_446 : i32
      scf.if %cond3A_447 {
        %add3A_448 = arith.constant 2 : i32
        %add3A_449 = arith.addi %add3A_252, %add3A_448 : i32
        %add3A_450 = arith.addi %mul3A_2, %add3A_449 : i32
        %mul3A_451 = arith.constant 256 : i32
        %mul3A_452 = arith.muli %add3A_450, %mul3A_451 : i32
        %multiple_of3A_453 = tpu.assume_multiple %mul3A_452, 128 : i32
        %dma_start3A_454 = arith.constant 0 : i32
        %dma_start3A_455 = tpu.memref_slice %arg2[%dma_start3A_454, %multiple_of3A_453] : memref<64x1000000xf32, #tpu.memory_space<hbm>> -> memref<64x256xf32, #tpu.memory_space<hbm>>
        %dma_start3A_456 = arith.constant 0 : i32
        %dma_start3A_457 = tpu.memref_slice %arg2[%dma_start3A_456, %multiple_of3A_453] : memref<64x1000000xf32, #tpu.memory_space<hbm>> -> memref<64x256xf32, #tpu.memory_space<hbm>>
        tpu.enqueue_dma source(%dma_start3A_457 : memref<64x256xf32, #tpu.memory_space<hbm>>) target(%arg6 : memref<64x256xf32, #tpu.memory_space<vmem>>) target_semaphore(%arg9 : memref<!tpu.dma_semaphore, #tpu.memory_space<semaphore_mem>>)
      } else {
      }
    }
    %scan3A_23 = arith.constant 61 : i32
    %add3A_24 = arith.constant 0 : i32
    %add3A_25 = arith.addi %mul3A_2, %add3A_24 : i32
    %mul3A_26 = arith.constant 256 : i32
    %mul3A_27 = arith.muli %add3A_25, %mul3A_26 : i32
    %mul3A_28 = arith.constant 64 : i32
    %mul3A_29 = arith.muli %mul3A_27, %mul3A_28 : i32
    %multiple_of3A_30 = tpu.assume_multiple %mul3A_29, 8 : i32
    %dma_wait3A = tpu.memref_slice %arg4[%multiple_of3A_30] : memref<64000000xf32, #tpu.memory_space<hbm>> -> memref<16384xf32, #tpu.memory_space<hbm>>
    %dma_wait3A_31 = tpu.memref_slice %arg4[%multiple_of3A_30] : memref<64000000xf32, #tpu.memory_space<hbm>> -> memref<16384xf32, #tpu.memory_space<hbm>>
    tpu.wait_dma2 semaphore(%arg10 : memref<!tpu.dma_semaphore, #tpu.memory_space<semaphore_mem>>) src(%arg7 : memref<16384xf32, #tpu.memory_space<vmem>>) dst(%dma_wait3A_31 : memref<16384xf32, #tpu.memory_space<hbm>>)
    %add3A_32 = arith.constant 1 : i32
    %add3A_33 = arith.addi %mul3A_2, %add3A_32 : i32
    %mul3A_34 = arith.constant 256 : i32
    %mul3A_35 = arith.muli %add3A_33, %mul3A_34 : i32
    %mul3A_36 = arith.constant 64 : i32
    %mul3A_37 = arith.muli %mul3A_35, %mul3A_36 : i32
    %multiple_of3A_38 = tpu.assume_multiple %mul3A_37, 8 : i32
    %dma_wait3A_39 = tpu.memref_slice %arg4[%multiple_of3A_38] : memref<64000000xf32, #tpu.memory_space<hbm>> -> memref<16384xf32, #tpu.memory_space<hbm>>
    %dma_wait3A_40 = tpu.memref_slice %arg4[%multiple_of3A_38] : memref<64000000xf32, #tpu.memory_space<hbm>> -> memref<16384xf32, #tpu.memory_space<hbm>>
    tpu.wait_dma2 semaphore(%arg10 : memref<!tpu.dma_semaphore, #tpu.memory_space<semaphore_mem>>) src(%arg8 : memref<16384xf32, #tpu.memory_space<vmem>>) dst(%dma_wait3A_40 : memref<16384xf32, #tpu.memory_space<hbm>>)
    %eq3A = arith.constant 0 : i32
    %eq3A_41 = arith.cmpi eq, %add3A, %eq3A : i32
    %convert_element_type3A = arith.extui %eq3A_41 : i1 to i32
    %cond3A = arith.constant 0 : i32
    %cond3A_42 = arith.cmpi ne, %convert_element_type3A, %cond3A : i32
    scf.if %cond3A_42 {
      %dma_start3A_53 = arith.constant 0 : i32
      %dma_start3A_54 = arith.constant 999424 : i32
      %dma_start3A_55 = tpu.memref_slice %arg2[%dma_start3A_53, %dma_start3A_54] : memref<64x1000000xf32, #tpu.memory_space<hbm>> -> memref<64x256xf32, #tpu.memory_space<hbm>>
      %dma_start3A_56 = arith.constant 0 : i32
      %dma_start3A_57 = arith.constant 999424 : i32
      %dma_start3A_58 = tpu.memref_slice %arg2[%dma_start3A_56, %dma_start3A_57] : memref<64x1000000xf32, #tpu.memory_space<hbm>> -> memref<64x256xf32, #tpu.memory_space<hbm>>
      tpu.enqueue_dma source(%dma_start3A_58 : memref<64x256xf32, #tpu.memory_space<hbm>>) target(%arg5 : memref<64x256xf32, #tpu.memory_space<vmem>>) target_semaphore(%arg9 : memref<!tpu.dma_semaphore, #tpu.memory_space<semaphore_mem>>)
      %dma_wait3A_59 = arith.constant 0 : i32
      %dma_wait3A_60 = arith.constant 999424 : i32
      %dma_wait3A_61 = tpu.memref_slice %arg2[%dma_wait3A_59, %dma_wait3A_60] : memref<64x1000000xf32, #tpu.memory_space<hbm>> -> memref<64x256xf32, #tpu.memory_space<hbm>>
      %dma_wait3A_62 = arith.constant 0 : i32
      %dma_wait3A_63 = arith.constant 999424 : i32
      %dma_wait3A_64 = tpu.memref_slice %arg2[%dma_wait3A_62, %dma_wait3A_63] : memref<64x1000000xf32, #tpu.memory_space<hbm>> -> memref<64x256xf32, #tpu.memory_space<hbm>>
      tpu.wait_dma2 semaphore(%arg9 : memref<!tpu.dma_semaphore, #tpu.memory_space<semaphore_mem>>) src(%dma_wait3A_64 : memref<64x256xf32, #tpu.memory_space<hbm>>) dst(%arg5 : memref<64x256xf32, #tpu.memory_space<vmem>>)
      %iota3A = tpu.iota {dimensions = array<i32: 0>} : vector<16xi32>
      %add3A_65 = arith.constant 0 : i32
      %add3A_66 = vector.broadcast %add3A_65 : i32 to vector<16xi32>
      %add3A_67 = arith.addi %iota3A, %add3A_66 : vector<16xi32>
      %and3A = arith.constant 15 : i32
      %and3A_68 = vector.broadcast %and3A : i32 to vector<16xi32>
      %and3A_69 = arith.andi %add3A_67, %and3A_68 : vector<16xi32>
      %add3A_70 = arith.constant 1 : i32
      %add3A_71 = vector.broadcast %add3A_70 : i32 to vector<16xi32>
      %add3A_72 = arith.addi %iota3A, %add3A_71 : vector<16xi32>
      %and3A_73 = arith.constant 15 : i32
      %and3A_74 = vector.broadcast %and3A_73 : i32 to vector<16xi32>
      %and3A_75 = arith.andi %add3A_72, %and3A_74 : vector<16xi32>
      %add3A_76 = arith.constant 2 : i32
      %add3A_77 = vector.broadcast %add3A_76 : i32 to vector<16xi32>
      %add3A_78 = arith.addi %iota3A, %add3A_77 : vector<16xi32>
      %and3A_79 = arith.constant 15 : i32
      %and3A_80 = vector.broadcast %and3A_79 : i32 to vector<16xi32>
      %and3A_81 = arith.andi %add3A_78, %and3A_80 : vector<16xi32>
      %add3A_82 = arith.constant 3 : i32
      %add3A_83 = vector.broadcast %add3A_82 : i32 to vector<16xi32>
      %add3A_84 = arith.addi %iota3A, %add3A_83 : vector<16xi32>
      %and3A_85 = arith.constant 15 : i32
      %and3A_86 = vector.broadcast %and3A_85 : i32 to vector<16xi32>
      %and3A_87 = arith.andi %add3A_84, %and3A_86 : vector<16xi32>
      %add3A_88 = arith.constant 4 : i32
      %add3A_89 = vector.broadcast %add3A_88 : i32 to vector<16xi32>
      %add3A_90 = arith.addi %iota3A, %add3A_89 : vector<16xi32>
      %and3A_91 = arith.constant 15 : i32
      %and3A_92 = vector.broadcast %and3A_91 : i32 to vector<16xi32>
      %and3A_93 = arith.andi %add3A_90, %and3A_92 : vector<16xi32>
      %add3A_94 = arith.constant 5 : i32
      %add3A_95 = vector.broadcast %add3A_94 : i32 to vector<16xi32>
      %add3A_96 = arith.addi %iota3A, %add3A_95 : vector<16xi32>
      %and3A_97 = arith.constant 15 : i32
      %and3A_98 = vector.broadcast %and3A_97 : i32 to vector<16xi32>
      %and3A_99 = arith.andi %add3A_96, %and3A_98 : vector<16xi32>
      %add3A_100 = arith.constant 6 : i32
      %add3A_101 = vector.broadcast %add3A_100 : i32 to vector<16xi32>
      %add3A_102 = arith.addi %iota3A, %add3A_101 : vector<16xi32>
      %and3A_103 = arith.constant 15 : i32
      %and3A_104 = vector.broadcast %and3A_103 : i32 to vector<16xi32>
      %and3A_105 = arith.andi %add3A_102, %and3A_104 : vector<16xi32>
      %add3A_106 = arith.constant 7 : i32
      %add3A_107 = vector.broadcast %add3A_106 : i32 to vector<16xi32>
      %add3A_108 = arith.addi %iota3A, %add3A_107 : vector<16xi32>
      %and3A_109 = arith.constant 15 : i32
      %and3A_110 = vector.broadcast %and3A_109 : i32 to vector<16xi32>
      %and3A_111 = arith.andi %add3A_108, %and3A_110 : vector<16xi32>
      %add3A_112 = arith.constant 8 : i32
      %add3A_113 = vector.broadcast %add3A_112 : i32 to vector<16xi32>
      %add3A_114 = arith.addi %iota3A, %add3A_113 : vector<16xi32>
      %and3A_115 = arith.constant 15 : i32
      %and3A_116 = vector.broadcast %and3A_115 : i32 to vector<16xi32>
      %and3A_117 = arith.andi %add3A_114, %and3A_116 : vector<16xi32>
      %add3A_118 = arith.constant 9 : i32
      %add3A_119 = vector.broadcast %add3A_118 : i32 to vector<16xi32>
      %add3A_120 = arith.addi %iota3A, %add3A_119 : vector<16xi32>
      %and3A_121 = arith.constant 15 : i32
      %and3A_122 = vector.broadcast %and3A_121 : i32 to vector<16xi32>
      %and3A_123 = arith.andi %add3A_120, %and3A_122 : vector<16xi32>
      %add3A_124 = arith.constant 10 : i32
      %add3A_125 = vector.broadcast %add3A_124 : i32 to vector<16xi32>
      %add3A_126 = arith.addi %iota3A, %add3A_125 : vector<16xi32>
      %and3A_127 = arith.constant 15 : i32
      %and3A_128 = vector.broadcast %and3A_127 : i32 to vector<16xi32>
      %and3A_129 = arith.andi %add3A_126, %and3A_128 : vector<16xi32>
      %add3A_130 = arith.constant 11 : i32
      %add3A_131 = vector.broadcast %add3A_130 : i32 to vector<16xi32>
      %add3A_132 = arith.addi %iota3A, %add3A_131 : vector<16xi32>
      %and3A_133 = arith.constant 15 : i32
      %and3A_134 = vector.broadcast %and3A_133 : i32 to vector<16xi32>
      %and3A_135 = arith.andi %add3A_132, %and3A_134 : vector<16xi32>
      %add3A_136 = arith.constant 12 : i32
      %add3A_137 = vector.broadcast %add3A_136 : i32 to vector<16xi32>
      %add3A_138 = arith.addi %iota3A, %add3A_137 : vector<16xi32>
      %and3A_139 = arith.constant 15 : i32
      %and3A_140 = vector.broadcast %and3A_139 : i32 to vector<16xi32>
      %and3A_141 = arith.andi %add3A_138, %and3A_140 : vector<16xi32>
      %add3A_142 = arith.constant 13 : i32
      %add3A_143 = vector.broadcast %add3A_142 : i32 to vector<16xi32>
      %add3A_144 = arith.addi %iota3A, %add3A_143 : vector<16xi32>
      %and3A_145 = arith.constant 15 : i32
      %and3A_146 = vector.broadcast %and3A_145 : i32 to vector<16xi32>
      %and3A_147 = arith.andi %add3A_144, %and3A_146 : vector<16xi32>
      %add3A_148 = arith.constant 14 : i32
      %add3A_149 = vector.broadcast %add3A_148 : i32 to vector<16xi32>
      %add3A_150 = arith.addi %iota3A, %add3A_149 : vector<16xi32>
      %and3A_151 = arith.constant 15 : i32
      %and3A_152 = vector.broadcast %and3A_151 : i32 to vector<16xi32>
      %and3A_153 = arith.andi %add3A_150, %and3A_152 : vector<16xi32>
      %add3A_154 = arith.constant 15 : i32
      %add3A_155 = vector.broadcast %add3A_154 : i32 to vector<16xi32>
      %add3A_156 = arith.addi %iota3A, %add3A_155 : vector<16xi32>
      %and3A_157 = arith.constant 15 : i32
      %and3A_158 = vector.broadcast %and3A_157 : i32 to vector<16xi32>
      %and3A_159 = arith.andi %add3A_156, %and3A_158 : vector<16xi32>
      %mul3A_160 = arith.constant 64 : i32
      %mul3A_161 = vector.broadcast %mul3A_160 : i32 to vector<16xi32>
      %mul3A_162 = arith.muli %and3A_69, %mul3A_161 : vector<16xi32>
      %add3A_163 = arith.addi %mul3A_162, %iota3A : vector<16xi32>
      %mul3A_164 = arith.constant 64 : i32
      %mul3A_165 = vector.broadcast %mul3A_164 : i32 to vector<16xi32>
      %mul3A_166 = arith.muli %and3A_75, %mul3A_165 : vector<16xi32>
      %add3A_167 = arith.addi %mul3A_166, %iota3A : vector<16xi32>
      %mul3A_168 = arith.constant 64 : i32
      %mul3A_169 = vector.broadcast %mul3A_168 : i32 to vector<16xi32>
      %mul3A_170 = arith.muli %and3A_81, %mul3A_169 : vector<16xi32>
      %add3A_171 = arith.addi %mul3A_170, %iota3A : vector<16xi32>
      %mul3A_172 = arith.constant 64 : i32
      %mul3A_173 = vector.broadcast %mul3A_172 : i32 to vector<16xi32>
      %mul3A_174 = arith.muli %and3A_87, %mul3A_173 : vector<16xi32>
      %add3A_175 = arith.addi %mul3A_174, %iota3A : vector<16xi32>
      %mul3A_176 = arith.constant 64 : i32
      %mul3A_177 = vector.broadcast %mul3A_176 : i32 to vector<16xi32>
      %mul3A_178 = arith.muli %and3A_93, %mul3A_177 : vector<16xi32>
      %add3A_179 = arith.addi %mul3A_178, %iota3A : vector<16xi32>
      %mul3A_180 = arith.constant 64 : i32
      %mul3A_181 = vector.broadcast %mul3A_180 : i32 to vector<16xi32>
      %mul3A_182 = arith.muli %and3A_99, %mul3A_181 : vector<16xi32>
      %add3A_183 = arith.addi %mul3A_182, %iota3A : vector<16xi32>
      %mul3A_184 = arith.constant 64 : i32
      %mul3A_185 = vector.broadcast %mul3A_184 : i32 to vector<16xi32>
      %mul3A_186 = arith.muli %and3A_105, %mul3A_185 : vector<16xi32>
      %add3A_187 = arith.addi %mul3A_186, %iota3A : vector<16xi32>
      %mul3A_188 = arith.constant 64 : i32
      %mul3A_189 = vector.broadcast %mul3A_188 : i32 to vector<16xi32>
      %mul3A_190 = arith.muli %and3A_111, %mul3A_189 : vector<16xi32>
      %add3A_191 = arith.addi %mul3A_190, %iota3A : vector<16xi32>
      %mul3A_192 = arith.constant 64 : i32
      %mul3A_193 = vector.broadcast %mul3A_192 : i32 to vector<16xi32>
      %mul3A_194 = arith.muli %and3A_117, %mul3A_193 : vector<16xi32>
      %add3A_195 = arith.addi %mul3A_194, %iota3A : vector<16xi32>
      %mul3A_196 = arith.constant 64 : i32
      %mul3A_197 = vector.broadcast %mul3A_196 : i32 to vector<16xi32>
      %mul3A_198 = arith.muli %and3A_123, %mul3A_197 : vector<16xi32>
      %add3A_199 = arith.addi %mul3A_198, %iota3A : vector<16xi32>
      %mul3A_200 = arith.constant 64 : i32
      %mul3A_201 = vector.broadcast %mul3A_200 : i32 to vector<16xi32>
      %mul3A_202 = arith.muli %and3A_129, %mul3A_201 : vector<16xi32>
      %add3A_203 = arith.addi %mul3A_202, %iota3A : vector<16xi32>
      %mul3A_204 = arith.constant 64 : i32
      %mul3A_205 = vector.broadcast %mul3A_204 : i32 to vector<16xi32>
      %mul3A_206 = arith.muli %and3A_135, %mul3A_205 : vector<16xi32>
      %add3A_207 = arith.addi %mul3A_206, %iota3A : vector<16xi32>
      %mul3A_208 = arith.constant 64 : i32
      %mul3A_209 = vector.broadcast %mul3A_208 : i32 to vector<16xi32>
      %mul3A_210 = arith.muli %and3A_141, %mul3A_209 : vector<16xi32>
      %add3A_211 = arith.addi %mul3A_210, %iota3A : vector<16xi32>
      %mul3A_212 = arith.constant 64 : i32
      %mul3A_213 = vector.broadcast %mul3A_212 : i32 to vector<16xi32>
      %mul3A_214 = arith.muli %and3A_147, %mul3A_213 : vector<16xi32>
      %add3A_215 = arith.addi %mul3A_214, %iota3A : vector<16xi32>
      %mul3A_216 = arith.constant 64 : i32
      %mul3A_217 = vector.broadcast %mul3A_216 : i32 to vector<16xi32>
      %mul3A_218 = arith.muli %and3A_153, %mul3A_217 : vector<16xi32>
      %add3A_219 = arith.addi %mul3A_218, %iota3A : vector<16xi32>
      %mul3A_220 = arith.constant 64 : i32
      %mul3A_221 = vector.broadcast %mul3A_220 : i32 to vector<16xi32>
      %mul3A_222 = arith.muli %and3A_159, %mul3A_221 : vector<16xi32>
      %add3A_223 = arith.addi %mul3A_222, %iota3A : vector<16xi32>
      %scan3A_224 = arith.constant 0 : i32
      %scan3A_225 = arith.constant 0 : i32
      %scan3A_226 = arith.constant 32 : i32
      %scan3A_227 = arith.addi %scan3A_225, %scan3A_226 : i32
      %scan3A_228 = arith.constant 1 : i32
      scf.for %scan3A_238 = %scan3A_225 to %scan3A_227 step %scan3A_228  : i32 {
        %mul3A_239 = arith.constant 2 : i32
        %mul3A_240 = arith.muli %scan3A_238, %mul3A_239 : i32
        %add3A_241 = arith.constant 0 : i32
        %add3A_242 = arith.addi %mul3A_240, %add3A_241 : i32
        %and3A_243 = arith.constant 3 : i32
        %and3A_244 = arith.andi %add3A_242, %and3A_243 : i32
        %shift_right_arithmetic3A = arith.constant 2 : i32
        %shift_right_arithmetic3A_245 = arith.shrsi %add3A_242, %shift_right_arithmetic3A : i32
        %mul3A_246 = arith.constant 16 : i32
        %mul3A_247 = arith.muli %and3A_244, %mul3A_246 : i32
        %mul3A_248 = arith.constant 16 : i32
        %mul3A_249 = arith.muli %shift_right_arithmetic3A_245, %mul3A_248 : i32
        %broadcast_in_dim3A = vector.broadcast %mul3A_247 : i32 to vector<16xi32>
        %add3A_250 = arith.addi %broadcast_in_dim3A, %iota3A : vector<16xi32>
        %broadcast_in_dim3A_251 = vector.broadcast %mul3A_249 : i32 to vector<16xi32>
        %mul3A_252 = arith.constant 64 : i32
        %mul3A_253 = arith.muli %mul3A_249, %mul3A_252 : i32
        %add3A_254 = arith.addi %mul3A_253, %mul3A_247 : i32
        %broadcast_in_dim3A_255 = vector.broadcast %add3A_254 : i32 to vector<16xi32>
        %add3A_256 = arith.addi %broadcast_in_dim3A_251, %and3A_69 : vector<16xi32>
        %gather3A = tpu.vector_load_idx %arg5[%add3A_250, %add3A_256] : memref<64x256xf32, #tpu.memory_space<vmem>>[vector<16xi32>, vector<16xi32>], vector<16xf32>,
        %add3A_257 = arith.addi %broadcast_in_dim3A_255, %add3A_163 : vector<16xi32>
        tpu.vector_store_idx %arg7[%add3A_257], %gather3A : memref<16384xf32, #tpu.memory_space<vmem>>[vector<16xi32>], vector<16xf32>,
        %add3A_258 = arith.addi %broadcast_in_dim3A_251, %and3A_75 : vector<16xi32>
        %gather3A_259 = tpu.vector_load_idx %arg5[%add3A_250, %add3A_258] : memref<64x256xf32, #tpu.memory_space<vmem>>[vector<16xi32>, vector<16xi32>], vector<16xf32>,
        %add3A_260 = arith.addi %broadcast_in_dim3A_255, %add3A_167 : vector<16xi32>
        tpu.vector_store_idx %arg7[%add3A_260], %gather3A_259 : memref<16384xf32, #tpu.memory_space<vmem>>[vector<16xi32>], vector<16xf32>,
        %add3A_261 = arith.addi %broadcast_in_dim3A_251, %and3A_81 : vector<16xi32>
        %gather3A_262 = tpu.vector_load_idx %arg5[%add3A_250, %add3A_261] : memref<64x256xf32, #tpu.memory_space<vmem>>[vector<16xi32>, vector<16xi32>], vector<16xf32>,
        %add3A_263 = arith.addi %broadcast_in_dim3A_255, %add3A_171 : vector<16xi32>
        tpu.vector_store_idx %arg7[%add3A_263], %gather3A_262 : memref<16384xf32, #tpu.memory_space<vmem>>[vector<16xi32>], vector<16xf32>,
        %add3A_264 = arith.addi %broadcast_in_dim3A_251, %and3A_87 : vector<16xi32>
        %gather3A_265 = tpu.vector_load_idx %arg5[%add3A_250, %add3A_264] : memref<64x256xf32, #tpu.memory_space<vmem>>[vector<16xi32>, vector<16xi32>], vector<16xf32>,
        %add3A_266 = arith.addi %broadcast_in_dim3A_255, %add3A_175 : vector<16xi32>
        tpu.vector_store_idx %arg7[%add3A_266], %gather3A_265 : memref<16384xf32, #tpu.memory_space<vmem>>[vector<16xi32>], vector<16xf32>,
        %add3A_267 = arith.addi %broadcast_in_dim3A_251, %and3A_93 : vector<16xi32>
        %gather3A_268 = tpu.vector_load_idx %arg5[%add3A_250, %add3A_267] : memref<64x256xf32, #tpu.memory_space<vmem>>[vector<16xi32>, vector<16xi32>], vector<16xf32>,
        %add3A_269 = arith.addi %broadcast_in_dim3A_255, %add3A_179 : vector<16xi32>
        tpu.vector_store_idx %arg7[%add3A_269], %gather3A_268 : memref<16384xf32, #tpu.memory_space<vmem>>[vector<16xi32>], vector<16xf32>,
        %add3A_270 = arith.addi %broadcast_in_dim3A_251, %and3A_99 : vector<16xi32>
        %gather3A_271 = tpu.vector_load_idx %arg5[%add3A_250, %add3A_270] : memref<64x256xf32, #tpu.memory_space<vmem>>[vector<16xi32>, vector<16xi32>], vector<16xf32>,
        %add3A_272 = arith.addi %broadcast_in_dim3A_255, %add3A_183 : vector<16xi32>
        tpu.vector_store_idx %arg7[%add3A_272], %gather3A_271 : memref<16384xf32, #tpu.memory_space<vmem>>[vector<16xi32>], vector<16xf32>,
        %add3A_273 = arith.addi %broadcast_in_dim3A_251, %and3A_105 : vector<16xi32>
        %gather3A_274 = tpu.vector_load_idx %arg5[%add3A_250, %add3A_273] : memref<64x256xf32, #tpu.memory_space<vmem>>[vector<16xi32>, vector<16xi32>], vector<16xf32>,
        %add3A_275 = arith.addi %broadcast_in_dim3A_255, %add3A_187 : vector<16xi32>
        tpu.vector_store_idx %arg7[%add3A_275], %gather3A_274 : memref<16384xf32, #tpu.memory_space<vmem>>[vector<16xi32>], vector<16xf32>,
        %add3A_276 = arith.addi %broadcast_in_dim3A_251, %and3A_111 : vector<16xi32>
        %gather3A_277 = tpu.vector_load_idx %arg5[%add3A_250, %add3A_276] : memref<64x256xf32, #tpu.memory_space<vmem>>[vector<16xi32>, vector<16xi32>], vector<16xf32>,
        %add3A_278 = arith.addi %broadcast_in_dim3A_255, %add3A_191 : vector<16xi32>
        tpu.vector_store_idx %arg7[%add3A_278], %gather3A_277 : memref<16384xf32, #tpu.memory_space<vmem>>[vector<16xi32>], vector<16xf32>,
        %add3A_279 = arith.addi %broadcast_in_dim3A_251, %and3A_117 : vector<16xi32>
        %gather3A_280 = tpu.vector_load_idx %arg5[%add3A_250, %add3A_279] : memref<64x256xf32, #tpu.memory_space<vmem>>[vector<16xi32>, vector<16xi32>], vector<16xf32>,
        %add3A_281 = arith.addi %broadcast_in_dim3A_255, %add3A_195 : vector<16xi32>
        tpu.vector_store_idx %arg7[%add3A_281], %gather3A_280 : memref<16384xf32, #tpu.memory_space<vmem>>[vector<16xi32>], vector<16xf32>,
        %add3A_282 = arith.addi %broadcast_in_dim3A_251, %and3A_123 : vector<16xi32>
        %gather3A_283 = tpu.vector_load_idx %arg5[%add3A_250, %add3A_282] : memref<64x256xf32, #tpu.memory_space<vmem>>[vector<16xi32>, vector<16xi32>], vector<16xf32>,
        %add3A_284 = arith.addi %broadcast_in_dim3A_255, %add3A_199 : vector<16xi32>
        tpu.vector_store_idx %arg7[%add3A_284], %gather3A_283 : memref<16384xf32, #tpu.memory_space<vmem>>[vector<16xi32>], vector<16xf32>,
        %add3A_285 = arith.addi %broadcast_in_dim3A_251, %and3A_129 : vector<16xi32>
        %gather3A_286 = tpu.vector_load_idx %arg5[%add3A_250, %add3A_285] : memref<64x256xf32, #tpu.memory_space<vmem>>[vector<16xi32>, vector<16xi32>], vector<16xf32>,
        %add3A_287 = arith.addi %broadcast_in_dim3A_255, %add3A_203 : vector<16xi32>
        tpu.vector_store_idx %arg7[%add3A_287], %gather3A_286 : memref<16384xf32, #tpu.memory_space<vmem>>[vector<16xi32>], vector<16xf32>,
        %add3A_288 = arith.addi %broadcast_in_dim3A_251, %and3A_135 : vector<16xi32>
        %gather3A_289 = tpu.vector_load_idx %arg5[%add3A_250, %add3A_288] : memref<64x256xf32, #tpu.memory_space<vmem>>[vector<16xi32>, vector<16xi32>], vector<16xf32>,
        %add3A_290 = arith.addi %broadcast_in_dim3A_255, %add3A_207 : vector<16xi32>
        tpu.vector_store_idx %arg7[%add3A_290], %gather3A_289 : memref<16384xf32, #tpu.memory_space<vmem>>[vector<16xi32>], vector<16xf32>,
        %add3A_291 = arith.addi %broadcast_in_dim3A_251, %and3A_141 : vector<16xi32>
        %gather3A_292 = tpu.vector_load_idx %arg5[%add3A_250, %add3A_291] : memref<64x256xf32, #tpu.memory_space<vmem>>[vector<16xi32>, vector<16xi32>], vector<16xf32>,
        %add3A_293 = arith.addi %broadcast_in_dim3A_255, %add3A_211 : vector<16xi32>
        tpu.vector_store_idx %arg7[%add3A_293], %gather3A_292 : memref<16384xf32, #tpu.memory_space<vmem>>[vector<16xi32>], vector<16xf32>,
        %add3A_294 = arith.addi %broadcast_in_dim3A_251, %and3A_147 : vector<16xi32>
        %gather3A_295 = tpu.vector_load_idx %arg5[%add3A_250, %add3A_294] : memref<64x256xf32, #tpu.memory_space<vmem>>[vector<16xi32>, vector<16xi32>], vector<16xf32>,
        %add3A_296 = arith.addi %broadcast_in_dim3A_255, %add3A_215 : vector<16xi32>
        tpu.vector_store_idx %arg7[%add3A_296], %gather3A_295 : memref<16384xf32, #tpu.memory_space<vmem>>[vector<16xi32>], vector<16xf32>,
        %add3A_297 = arith.addi %broadcast_in_dim3A_251, %and3A_153 : vector<16xi32>
        %gather3A_298 = tpu.vector_load_idx %arg5[%add3A_250, %add3A_297] : memref<64x256xf32, #tpu.memory_space<vmem>>[vector<16xi32>, vector<16xi32>], vector<16xf32>,
        %add3A_299 = arith.addi %broadcast_in_dim3A_255, %add3A_219 : vector<16xi32>
        tpu.vector_store_idx %arg7[%add3A_299], %gather3A_298 : memref<16384xf32, #tpu.memory_space<vmem>>[vector<16xi32>], vector<16xf32>,
        %add3A_300 = arith.addi %broadcast_in_dim3A_251, %and3A_159 : vector<16xi32>
        %gather3A_301 = tpu.vector_load_idx %arg5[%add3A_250, %add3A_300] : memref<64x256xf32, #tpu.memory_space<vmem>>[vector<16xi32>, vector<16xi32>], vector<16xf32>,
        %add3A_302 = arith.addi %broadcast_in_dim3A_255, %add3A_223 : vector<16xi32>
        tpu.vector_store_idx %arg7[%add3A_302], %gather3A_301 : memref<16384xf32, #tpu.memory_space<vmem>>[vector<16xi32>], vector<16xf32>,
        %mul3A_303 = arith.constant 2 : i32
        %mul3A_304 = arith.muli %scan3A_238, %mul3A_303 : i32
        %add3A_305 = arith.constant 1 : i32
        %add3A_306 = arith.addi %mul3A_304, %add3A_305 : i32
        %and3A_307 = arith.constant 3 : i32
        %and3A_308 = arith.andi %add3A_306, %and3A_307 : i32
        %shift_right_arithmetic3A_309 = arith.constant 2 : i32
        %shift_right_arithmetic3A_310 = arith.shrsi %add3A_306, %shift_right_arithmetic3A_309 : i32
        %mul3A_311 = arith.constant 16 : i32
        %mul3A_312 = arith.muli %and3A_308, %mul3A_311 : i32
        %mul3A_313 = arith.constant 16 : i32
        %mul3A_314 = arith.muli %shift_right_arithmetic3A_310, %mul3A_313 : i32
        %broadcast_in_dim3A_315 = vector.broadcast %mul3A_312 : i32 to vector<16xi32>
        %add3A_316 = arith.addi %broadcast_in_dim3A_315, %iota3A : vector<16xi32>
        %broadcast_in_dim3A_317 = vector.broadcast %mul3A_314 : i32 to vector<16xi32>
        %mul3A_318 = arith.constant 64 : i32
        %mul3A_319 = arith.muli %mul3A_314, %mul3A_318 : i32
        %add3A_320 = arith.addi %mul3A_319, %mul3A_312 : i32
        %broadcast_in_dim3A_321 = vector.broadcast %add3A_320 : i32 to vector<16xi32>
        %add3A_322 = arith.addi %broadcast_in_dim3A_317, %and3A_69 : vector<16xi32>
        %gather3A_323 = tpu.vector_load_idx %arg5[%add3A_316, %add3A_322] : memref<64x256xf32, #tpu.memory_space<vmem>>[vector<16xi32>, vector<16xi32>], vector<16xf32>,
        %add3A_324 = arith.addi %broadcast_in_dim3A_321, %add3A_163 : vector<16xi32>
        tpu.vector_store_idx %arg7[%add3A_324], %gather3A_323 : memref<16384xf32, #tpu.memory_space<vmem>>[vector<16xi32>], vector<16xf32>,
        %add3A_325 = arith.addi %broadcast_in_dim3A_317, %and3A_75 : vector<16xi32>
        %gather3A_326 = tpu.vector_load_idx %arg5[%add3A_316, %add3A_325] : memref<64x256xf32, #tpu.memory_space<vmem>>[vector<16xi32>, vector<16xi32>], vector<16xf32>,
        %add3A_327 = arith.addi %broadcast_in_dim3A_321, %add3A_167 : vector<16xi32>
        tpu.vector_store_idx %arg7[%add3A_327], %gather3A_326 : memref<16384xf32, #tpu.memory_space<vmem>>[vector<16xi32>], vector<16xf32>,
        %add3A_328 = arith.addi %broadcast_in_dim3A_317, %and3A_81 : vector<16xi32>
        %gather3A_329 = tpu.vector_load_idx %arg5[%add3A_316, %add3A_328] : memref<64x256xf32, #tpu.memory_space<vmem>>[vector<16xi32>, vector<16xi32>], vector<16xf32>,
        %add3A_330 = arith.addi %broadcast_in_dim3A_321, %add3A_171 : vector<16xi32>
        tpu.vector_store_idx %arg7[%add3A_330], %gather3A_329 : memref<16384xf32, #tpu.memory_space<vmem>>[vector<16xi32>], vector<16xf32>,
        %add3A_331 = arith.addi %broadcast_in_dim3A_317, %and3A_87 : vector<16xi32>
        %gather3A_332 = tpu.vector_load_idx %arg5[%add3A_316, %add3A_331] : memref<64x256xf32, #tpu.memory_space<vmem>>[vector<16xi32>, vector<16xi32>], vector<16xf32>,
        %add3A_333 = arith.addi %broadcast_in_dim3A_321, %add3A_175 : vector<16xi32>
        tpu.vector_store_idx %arg7[%add3A_333], %gather3A_332 : memref<16384xf32, #tpu.memory_space<vmem>>[vector<16xi32>], vector<16xf32>,
        %add3A_334 = arith.addi %broadcast_in_dim3A_317, %and3A_93 : vector<16xi32>
        %gather3A_335 = tpu.vector_load_idx %arg5[%add3A_316, %add3A_334] : memref<64x256xf32, #tpu.memory_space<vmem>>[vector<16xi32>, vector<16xi32>], vector<16xf32>,
        %add3A_336 = arith.addi %broadcast_in_dim3A_321, %add3A_179 : vector<16xi32>
        tpu.vector_store_idx %arg7[%add3A_336], %gather3A_335 : memref<16384xf32, #tpu.memory_space<vmem>>[vector<16xi32>], vector<16xf32>,
        %add3A_337 = arith.addi %broadcast_in_dim3A_317, %and3A_99 : vector<16xi32>
        %gather3A_338 = tpu.vector_load_idx %arg5[%add3A_316, %add3A_337] : memref<64x256xf32, #tpu.memory_space<vmem>>[vector<16xi32>, vector<16xi32>], vector<16xf32>,
        %add3A_339 = arith.addi %broadcast_in_dim3A_321, %add3A_183 : vector<16xi32>
        tpu.vector_store_idx %arg7[%add3A_339], %gather3A_338 : memref<16384xf32, #tpu.memory_space<vmem>>[vector<16xi32>], vector<16xf32>,
        %add3A_340 = arith.addi %broadcast_in_dim3A_317, %and3A_105 : vector<16xi32>
        %gather3A_341 = tpu.vector_load_idx %arg5[%add3A_316, %add3A_340] : memref<64x256xf32, #tpu.memory_space<vmem>>[vector<16xi32>, vector<16xi32>], vector<16xf32>,
        %add3A_342 = arith.addi %broadcast_in_dim3A_321, %add3A_187 : vector<16xi32>
        tpu.vector_store_idx %arg7[%add3A_342], %gather3A_341 : memref<16384xf32, #tpu.memory_space<vmem>>[vector<16xi32>], vector<16xf32>,
        %add3A_343 = arith.addi %broadcast_in_dim3A_317, %and3A_111 : vector<16xi32>
        %gather3A_344 = tpu.vector_load_idx %arg5[%add3A_316, %add3A_343] : memref<64x256xf32, #tpu.memory_space<vmem>>[vector<16xi32>, vector<16xi32>], vector<16xf32>,
        %add3A_345 = arith.addi %broadcast_in_dim3A_321, %add3A_191 : vector<16xi32>
        tpu.vector_store_idx %arg7[%add3A_345], %gather3A_344 : memref<16384xf32, #tpu.memory_space<vmem>>[vector<16xi32>], vector<16xf32>,
        %add3A_346 = arith.addi %broadcast_in_dim3A_317, %and3A_117 : vector<16xi32>
        %gather3A_347 = tpu.vector_load_idx %arg5[%add3A_316, %add3A_346] : memref<64x256xf32, #tpu.memory_space<vmem>>[vector<16xi32>, vector<16xi32>], vector<16xf32>,
        %add3A_348 = arith.addi %broadcast_in_dim3A_321, %add3A_195 : vector<16xi32>
        tpu.vector_store_idx %arg7[%add3A_348], %gather3A_347 : memref<16384xf32, #tpu.memory_space<vmem>>[vector<16xi32>], vector<16xf32>,
        %add3A_349 = arith.addi %broadcast_in_dim3A_317, %and3A_123 : vector<16xi32>
        %gather3A_350 = tpu.vector_load_idx %arg5[%add3A_316, %add3A_349] : memref<64x256xf32, #tpu.memory_space<vmem>>[vector<16xi32>, vector<16xi32>], vector<16xf32>,
        %add3A_351 = arith.addi %broadcast_in_dim3A_321, %add3A_199 : vector<16xi32>
        tpu.vector_store_idx %arg7[%add3A_351], %gather3A_350 : memref<16384xf32, #tpu.memory_space<vmem>>[vector<16xi32>], vector<16xf32>,
        %add3A_352 = arith.addi %broadcast_in_dim3A_317, %and3A_129 : vector<16xi32>
        %gather3A_353 = tpu.vector_load_idx %arg5[%add3A_316, %add3A_352] : memref<64x256xf32, #tpu.memory_space<vmem>>[vector<16xi32>, vector<16xi32>], vector<16xf32>,
        %add3A_354 = arith.addi %broadcast_in_dim3A_321, %add3A_203 : vector<16xi32>
        tpu.vector_store_idx %arg7[%add3A_354], %gather3A_353 : memref<16384xf32, #tpu.memory_space<vmem>>[vector<16xi32>], vector<16xf32>,
        %add3A_355 = arith.addi %broadcast_in_dim3A_317, %and3A_135 : vector<16xi32>
        %gather3A_356 = tpu.vector_load_idx %arg5[%add3A_316, %add3A_355] : memref<64x256xf32, #tpu.memory_space<vmem>>[vector<16xi32>, vector<16xi32>], vector<16xf32>,
        %add3A_357 = arith.addi %broadcast_in_dim3A_321, %add3A_207 : vector<16xi32>
        tpu.vector_store_idx %arg7[%add3A_357], %gather3A_356 : memref<16384xf32, #tpu.memory_space<vmem>>[vector<16xi32>], vector<16xf32>,
        %add3A_358 = arith.addi %broadcast_in_dim3A_317, %and3A_141 : vector<16xi32>
        %gather3A_359 = tpu.vector_load_idx %arg5[%add3A_316, %add3A_358] : memref<64x256xf32, #tpu.memory_space<vmem>>[vector<16xi32>, vector<16xi32>], vector<16xf32>,
        %add3A_360 = arith.addi %broadcast_in_dim3A_321, %add3A_211 : vector<16xi32>
        tpu.vector_store_idx %arg7[%add3A_360], %gather3A_359 : memref<16384xf32, #tpu.memory_space<vmem>>[vector<16xi32>], vector<16xf32>,
        %add3A_361 = arith.addi %broadcast_in_dim3A_317, %and3A_147 : vector<16xi32>
        %gather3A_362 = tpu.vector_load_idx %arg5[%add3A_316, %add3A_361] : memref<64x256xf32, #tpu.memory_space<vmem>>[vector<16xi32>, vector<16xi32>], vector<16xf32>,
        %add3A_363 = arith.addi %broadcast_in_dim3A_321, %add3A_215 : vector<16xi32>
        tpu.vector_store_idx %arg7[%add3A_363], %gather3A_362 : memref<16384xf32, #tpu.memory_space<vmem>>[vector<16xi32>], vector<16xf32>,
        %add3A_364 = arith.addi %broadcast_in_dim3A_317, %and3A_153 : vector<16xi32>
        %gather3A_365 = tpu.vector_load_idx %arg5[%add3A_316, %add3A_364] : memref<64x256xf32, #tpu.memory_space<vmem>>[vector<16xi32>, vector<16xi32>], vector<16xf32>,
        %add3A_366 = arith.addi %broadcast_in_dim3A_321, %add3A_219 : vector<16xi32>
        tpu.vector_store_idx %arg7[%add3A_366], %gather3A_365 : memref<16384xf32, #tpu.memory_space<vmem>>[vector<16xi32>], vector<16xf32>,
        %add3A_367 = arith.addi %broadcast_in_dim3A_317, %and3A_159 : vector<16xi32>
        %gather3A_368 = tpu.vector_load_idx %arg5[%add3A_316, %add3A_367] : memref<64x256xf32, #tpu.memory_space<vmem>>[vector<16xi32>, vector<16xi32>], vector<16xf32>,
        %add3A_369 = arith.addi %broadcast_in_dim3A_321, %add3A_223 : vector<16xi32>
        tpu.vector_store_idx %arg7[%add3A_369], %gather3A_368 : memref<16384xf32, #tpu.memory_space<vmem>>[vector<16xi32>], vector<16xf32>,
      }
      %scan3A_229 = arith.constant 32 : i32
      %dma_start3A_230 = arith.constant 63963136 : i32
      %dma_start3A_231 = tpu.memref_slice %arg4[%dma_start3A_230] : memref<64000000xf32, #tpu.memory_space<hbm>> -> memref<16384xf32, #tpu.memory_space<hbm>>
      %dma_start3A_232 = arith.constant 63963136 : i32
      %dma_start3A_233 = tpu.memref_slice %arg4[%dma_start3A_232] : memref<64000000xf32, #tpu.memory_space<hbm>> -> memref<16384xf32, #tpu.memory_space<hbm>>
      tpu.enqueue_dma source(%arg7 : memref<16384xf32, #tpu.memory_space<vmem>>) target(%dma_start3A_233 : memref<16384xf32, #tpu.memory_space<hbm>>) target_semaphore(%arg10 : memref<!tpu.dma_semaphore, #tpu.memory_space<semaphore_mem>>)
      %dma_wait3A_234 = arith.constant 63963136 : i32
      %dma_wait3A_235 = tpu.memref_slice %arg4[%dma_wait3A_234] : memref<64000000xf32, #tpu.memory_space<hbm>> -> memref<16384xf32, #tpu.memory_space<hbm>>
      %dma_wait3A_236 = arith.constant 63963136 : i32
      %dma_wait3A_237 = tpu.memref_slice %arg4[%dma_wait3A_236] : memref<64000000xf32, #tpu.memory_space<hbm>> -> memref<16384xf32, #tpu.memory_space<hbm>>
      tpu.wait_dma2 semaphore(%arg10 : memref<!tpu.dma_semaphore, #tpu.memory_space<semaphore_mem>>) src(%arg7 : memref<16384xf32, #tpu.memory_space<vmem>>) dst(%dma_wait3A_237 : memref<16384xf32, #tpu.memory_space<hbm>>)
    } else {
    }
    %eq3A_43 = arith.constant 1 : i32
    %eq3A_44 = arith.cmpi eq, %add3A, %eq3A_43 : i32
    %convert_element_type3A_45 = arith.extui %eq3A_44 : i1 to i32
    %cond3A_46 = arith.constant 0 : i32
    %cond3A_47 = arith.cmpi ne, %convert_element_type3A_45, %cond3A_46 : i32
    scf.if %cond3A_47 {
      %dma_start3A_53 = arith.constant 0 : i32
      %dma_start3A_54 = arith.constant 999680 : i32
      %dma_start3A_55 = tpu.memref_slice %arg2[%dma_start3A_53, %dma_start3A_54] : memref<64x1000000xf32, #tpu.memory_space<hbm>> -> memref<64x256xf32, #tpu.memory_space<hbm>>
      %dma_start3A_56 = arith.constant 0 : i32
      %dma_start3A_57 = arith.constant 999680 : i32
      %dma_start3A_58 = tpu.memref_slice %arg2[%dma_start3A_56, %dma_start3A_57] : memref<64x1000000xf32, #tpu.memory_space<hbm>> -> memref<64x256xf32, #tpu.memory_space<hbm>>
      tpu.enqueue_dma source(%dma_start3A_58 : memref<64x256xf32, #tpu.memory_space<hbm>>) target(%arg5 : memref<64x256xf32, #tpu.memory_space<vmem>>) target_semaphore(%arg9 : memref<!tpu.dma_semaphore, #tpu.memory_space<semaphore_mem>>)
      %dma_wait3A_59 = arith.constant 0 : i32
      %dma_wait3A_60 = arith.constant 999680 : i32
      %dma_wait3A_61 = tpu.memref_slice %arg2[%dma_wait3A_59, %dma_wait3A_60] : memref<64x1000000xf32, #tpu.memory_space<hbm>> -> memref<64x256xf32, #tpu.memory_space<hbm>>
      %dma_wait3A_62 = arith.constant 0 : i32
      %dma_wait3A_63 = arith.constant 999680 : i32
      %dma_wait3A_64 = tpu.memref_slice %arg2[%dma_wait3A_62, %dma_wait3A_63] : memref<64x1000000xf32, #tpu.memory_space<hbm>> -> memref<64x256xf32, #tpu.memory_space<hbm>>
      tpu.wait_dma2 semaphore(%arg9 : memref<!tpu.dma_semaphore, #tpu.memory_space<semaphore_mem>>) src(%dma_wait3A_64 : memref<64x256xf32, #tpu.memory_space<hbm>>) dst(%arg5 : memref<64x256xf32, #tpu.memory_space<vmem>>)
      %iota3A = tpu.iota {dimensions = array<i32: 0>} : vector<16xi32>
      %add3A_65 = arith.constant 0 : i32
      %add3A_66 = vector.broadcast %add3A_65 : i32 to vector<16xi32>
      %add3A_67 = arith.addi %iota3A, %add3A_66 : vector<16xi32>
      %and3A = arith.constant 15 : i32
      %and3A_68 = vector.broadcast %and3A : i32 to vector<16xi32>
      %and3A_69 = arith.andi %add3A_67, %and3A_68 : vector<16xi32>
      %add3A_70 = arith.constant 1 : i32
      %add3A_71 = vector.broadcast %add3A_70 : i32 to vector<16xi32>
      %add3A_72 = arith.addi %iota3A, %add3A_71 : vector<16xi32>
      %and3A_73 = arith.constant 15 : i32
      %and3A_74 = vector.broadcast %and3A_73 : i32 to vector<16xi32>
      %and3A_75 = arith.andi %add3A_72, %and3A_74 : vector<16xi32>
      %add3A_76 = arith.constant 2 : i32
      %add3A_77 = vector.broadcast %add3A_76 : i32 to vector<16xi32>
      %add3A_78 = arith.addi %iota3A, %add3A_77 : vector<16xi32>
      %and3A_79 = arith.constant 15 : i32
      %and3A_80 = vector.broadcast %and3A_79 : i32 to vector<16xi32>
      %and3A_81 = arith.andi %add3A_78, %and3A_80 : vector<16xi32>
      %add3A_82 = arith.constant 3 : i32
      %add3A_83 = vector.broadcast %add3A_82 : i32 to vector<16xi32>
      %add3A_84 = arith.addi %iota3A, %add3A_83 : vector<16xi32>
      %and3A_85 = arith.constant 15 : i32
      %and3A_86 = vector.broadcast %and3A_85 : i32 to vector<16xi32>
      %and3A_87 = arith.andi %add3A_84, %and3A_86 : vector<16xi32>
      %add3A_88 = arith.constant 4 : i32
      %add3A_89 = vector.broadcast %add3A_88 : i32 to vector<16xi32>
      %add3A_90 = arith.addi %iota3A, %add3A_89 : vector<16xi32>
      %and3A_91 = arith.constant 15 : i32
      %and3A_92 = vector.broadcast %and3A_91 : i32 to vector<16xi32>
      %and3A_93 = arith.andi %add3A_90, %and3A_92 : vector<16xi32>
      %add3A_94 = arith.constant 5 : i32
      %add3A_95 = vector.broadcast %add3A_94 : i32 to vector<16xi32>
      %add3A_96 = arith.addi %iota3A, %add3A_95 : vector<16xi32>
      %and3A_97 = arith.constant 15 : i32
      %and3A_98 = vector.broadcast %and3A_97 : i32 to vector<16xi32>
      %and3A_99 = arith.andi %add3A_96, %and3A_98 : vector<16xi32>
      %add3A_100 = arith.constant 6 : i32
      %add3A_101 = vector.broadcast %add3A_100 : i32 to vector<16xi32>
      %add3A_102 = arith.addi %iota3A, %add3A_101 : vector<16xi32>
      %and3A_103 = arith.constant 15 : i32
      %and3A_104 = vector.broadcast %and3A_103 : i32 to vector<16xi32>
      %and3A_105 = arith.andi %add3A_102, %and3A_104 : vector<16xi32>
      %add3A_106 = arith.constant 7 : i32
      %add3A_107 = vector.broadcast %add3A_106 : i32 to vector<16xi32>
      %add3A_108 = arith.addi %iota3A, %add3A_107 : vector<16xi32>
      %and3A_109 = arith.constant 15 : i32
      %and3A_110 = vector.broadcast %and3A_109 : i32 to vector<16xi32>
      %and3A_111 = arith.andi %add3A_108, %and3A_110 : vector<16xi32>
      %add3A_112 = arith.constant 8 : i32
      %add3A_113 = vector.broadcast %add3A_112 : i32 to vector<16xi32>
      %add3A_114 = arith.addi %iota3A, %add3A_113 : vector<16xi32>
      %and3A_115 = arith.constant 15 : i32
      %and3A_116 = vector.broadcast %and3A_115 : i32 to vector<16xi32>
      %and3A_117 = arith.andi %add3A_114, %and3A_116 : vector<16xi32>
      %add3A_118 = arith.constant 9 : i32
      %add3A_119 = vector.broadcast %add3A_118 : i32 to vector<16xi32>
      %add3A_120 = arith.addi %iota3A, %add3A_119 : vector<16xi32>
      %and3A_121 = arith.constant 15 : i32
      %and3A_122 = vector.broadcast %and3A_121 : i32 to vector<16xi32>
      %and3A_123 = arith.andi %add3A_120, %and3A_122 : vector<16xi32>
      %add3A_124 = arith.constant 10 : i32
      %add3A_125 = vector.broadcast %add3A_124 : i32 to vector<16xi32>
      %add3A_126 = arith.addi %iota3A, %add3A_125 : vector<16xi32>
      %and3A_127 = arith.constant 15 : i32
      %and3A_128 = vector.broadcast %and3A_127 : i32 to vector<16xi32>
      %and3A_129 = arith.andi %add3A_126, %and3A_128 : vector<16xi32>
      %add3A_130 = arith.constant 11 : i32
      %add3A_131 = vector.broadcast %add3A_130 : i32 to vector<16xi32>
      %add3A_132 = arith.addi %iota3A, %add3A_131 : vector<16xi32>
      %and3A_133 = arith.constant 15 : i32
      %and3A_134 = vector.broadcast %and3A_133 : i32 to vector<16xi32>
      %and3A_135 = arith.andi %add3A_132, %and3A_134 : vector<16xi32>
      %add3A_136 = arith.constant 12 : i32
      %add3A_137 = vector.broadcast %add3A_136 : i32 to vector<16xi32>
      %add3A_138 = arith.addi %iota3A, %add3A_137 : vector<16xi32>
      %and3A_139 = arith.constant 15 : i32
      %and3A_140 = vector.broadcast %and3A_139 : i32 to vector<16xi32>
      %and3A_141 = arith.andi %add3A_138, %and3A_140 : vector<16xi32>
      %add3A_142 = arith.constant 13 : i32
      %add3A_143 = vector.broadcast %add3A_142 : i32 to vector<16xi32>
      %add3A_144 = arith.addi %iota3A, %add3A_143 : vector<16xi32>
      %and3A_145 = arith.constant 15 : i32
      %and3A_146 = vector.broadcast %and3A_145 : i32 to vector<16xi32>
      %and3A_147 = arith.andi %add3A_144, %and3A_146 : vector<16xi32>
      %add3A_148 = arith.constant 14 : i32
      %add3A_149 = vector.broadcast %add3A_148 : i32 to vector<16xi32>
      %add3A_150 = arith.addi %iota3A, %add3A_149 : vector<16xi32>
      %and3A_151 = arith.constant 15 : i32
      %and3A_152 = vector.broadcast %and3A_151 : i32 to vector<16xi32>
      %and3A_153 = arith.andi %add3A_150, %and3A_152 : vector<16xi32>
      %add3A_154 = arith.constant 15 : i32
      %add3A_155 = vector.broadcast %add3A_154 : i32 to vector<16xi32>
      %add3A_156 = arith.addi %iota3A, %add3A_155 : vector<16xi32>
      %and3A_157 = arith.constant 15 : i32
      %and3A_158 = vector.broadcast %and3A_157 : i32 to vector<16xi32>
      %and3A_159 = arith.andi %add3A_156, %and3A_158 : vector<16xi32>
      %mul3A_160 = arith.constant 64 : i32
      %mul3A_161 = vector.broadcast %mul3A_160 : i32 to vector<16xi32>
      %mul3A_162 = arith.muli %and3A_69, %mul3A_161 : vector<16xi32>
      %add3A_163 = arith.addi %mul3A_162, %iota3A : vector<16xi32>
      %mul3A_164 = arith.constant 64 : i32
      %mul3A_165 = vector.broadcast %mul3A_164 : i32 to vector<16xi32>
      %mul3A_166 = arith.muli %and3A_75, %mul3A_165 : vector<16xi32>
      %add3A_167 = arith.addi %mul3A_166, %iota3A : vector<16xi32>
      %mul3A_168 = arith.constant 64 : i32
      %mul3A_169 = vector.broadcast %mul3A_168 : i32 to vector<16xi32>
      %mul3A_170 = arith.muli %and3A_81, %mul3A_169 : vector<16xi32>
      %add3A_171 = arith.addi %mul3A_170, %iota3A : vector<16xi32>
      %mul3A_172 = arith.constant 64 : i32
      %mul3A_173 = vector.broadcast %mul3A_172 : i32 to vector<16xi32>
      %mul3A_174 = arith.muli %and3A_87, %mul3A_173 : vector<16xi32>
      %add3A_175 = arith.addi %mul3A_174, %iota3A : vector<16xi32>
      %mul3A_176 = arith.constant 64 : i32
      %mul3A_177 = vector.broadcast %mul3A_176 : i32 to vector<16xi32>
      %mul3A_178 = arith.muli %and3A_93, %mul3A_177 : vector<16xi32>
      %add3A_179 = arith.addi %mul3A_178, %iota3A : vector<16xi32>
      %mul3A_180 = arith.constant 64 : i32
      %mul3A_181 = vector.broadcast %mul3A_180 : i32 to vector<16xi32>
      %mul3A_182 = arith.muli %and3A_99, %mul3A_181 : vector<16xi32>
      %add3A_183 = arith.addi %mul3A_182, %iota3A : vector<16xi32>
      %mul3A_184 = arith.constant 64 : i32
      %mul3A_185 = vector.broadcast %mul3A_184 : i32 to vector<16xi32>
      %mul3A_186 = arith.muli %and3A_105, %mul3A_185 : vector<16xi32>
      %add3A_187 = arith.addi %mul3A_186, %iota3A : vector<16xi32>
      %mul3A_188 = arith.constant 64 : i32
      %mul3A_189 = vector.broadcast %mul3A_188 : i32 to vector<16xi32>
      %mul3A_190 = arith.muli %and3A_111, %mul3A_189 : vector<16xi32>
      %add3A_191 = arith.addi %mul3A_190, %iota3A : vector<16xi32>
      %mul3A_192 = arith.constant 64 : i32
      %mul3A_193 = vector.broadcast %mul3A_192 : i32 to vector<16xi32>
      %mul3A_194 = arith.muli %and3A_117, %mul3A_193 : vector<16xi32>
      %add3A_195 = arith.addi %mul3A_194, %iota3A : vector<16xi32>
      %mul3A_196 = arith.constant 64 : i32
      %mul3A_197 = vector.broadcast %mul3A_196 : i32 to vector<16xi32>
      %mul3A_198 = arith.muli %and3A_123, %mul3A_197 : vector<16xi32>
      %add3A_199 = arith.addi %mul3A_198, %iota3A : vector<16xi32>
      %mul3A_200 = arith.constant 64 : i32
      %mul3A_201 = vector.broadcast %mul3A_200 : i32 to vector<16xi32>
      %mul3A_202 = arith.muli %and3A_129, %mul3A_201 : vector<16xi32>
      %add3A_203 = arith.addi %mul3A_202, %iota3A : vector<16xi32>
      %mul3A_204 = arith.constant 64 : i32
      %mul3A_205 = vector.broadcast %mul3A_204 : i32 to vector<16xi32>
      %mul3A_206 = arith.muli %and3A_135, %mul3A_205 : vector<16xi32>
      %add3A_207 = arith.addi %mul3A_206, %iota3A : vector<16xi32>
      %mul3A_208 = arith.constant 64 : i32
      %mul3A_209 = vector.broadcast %mul3A_208 : i32 to vector<16xi32>
      %mul3A_210 = arith.muli %and3A_141, %mul3A_209 : vector<16xi32>
      %add3A_211 = arith.addi %mul3A_210, %iota3A : vector<16xi32>
      %mul3A_212 = arith.constant 64 : i32
      %mul3A_213 = vector.broadcast %mul3A_212 : i32 to vector<16xi32>
      %mul3A_214 = arith.muli %and3A_147, %mul3A_213 : vector<16xi32>
      %add3A_215 = arith.addi %mul3A_214, %iota3A : vector<16xi32>
      %mul3A_216 = arith.constant 64 : i32
      %mul3A_217 = vector.broadcast %mul3A_216 : i32 to vector<16xi32>
      %mul3A_218 = arith.muli %and3A_153, %mul3A_217 : vector<16xi32>
      %add3A_219 = arith.addi %mul3A_218, %iota3A : vector<16xi32>
      %mul3A_220 = arith.constant 64 : i32
      %mul3A_221 = vector.broadcast %mul3A_220 : i32 to vector<16xi32>
      %mul3A_222 = arith.muli %and3A_159, %mul3A_221 : vector<16xi32>
      %add3A_223 = arith.addi %mul3A_222, %iota3A : vector<16xi32>
      %scan3A_224 = arith.constant 0 : i32
      %scan3A_225 = arith.constant 0 : i32
      %scan3A_226 = arith.constant 32 : i32
      %scan3A_227 = arith.addi %scan3A_225, %scan3A_226 : i32
      %scan3A_228 = arith.constant 1 : i32
      scf.for %scan3A_238 = %scan3A_225 to %scan3A_227 step %scan3A_228  : i32 {
        %mul3A_239 = arith.constant 2 : i32
        %mul3A_240 = arith.muli %scan3A_238, %mul3A_239 : i32
        %add3A_241 = arith.constant 0 : i32
        %add3A_242 = arith.addi %mul3A_240, %add3A_241 : i32
        %and3A_243 = arith.constant 3 : i32
        %and3A_244 = arith.andi %add3A_242, %and3A_243 : i32
        %shift_right_arithmetic3A = arith.constant 2 : i32
        %shift_right_arithmetic3A_245 = arith.shrsi %add3A_242, %shift_right_arithmetic3A : i32
        %mul3A_246 = arith.constant 16 : i32
        %mul3A_247 = arith.muli %and3A_244, %mul3A_246 : i32
        %mul3A_248 = arith.constant 16 : i32
        %mul3A_249 = arith.muli %shift_right_arithmetic3A_245, %mul3A_248 : i32
        %broadcast_in_dim3A = vector.broadcast %mul3A_247 : i32 to vector<16xi32>
        %add3A_250 = arith.addi %broadcast_in_dim3A, %iota3A : vector<16xi32>
        %broadcast_in_dim3A_251 = vector.broadcast %mul3A_249 : i32 to vector<16xi32>
        %mul3A_252 = arith.constant 64 : i32
        %mul3A_253 = arith.muli %mul3A_249, %mul3A_252 : i32
        %add3A_254 = arith.addi %mul3A_253, %mul3A_247 : i32
        %broadcast_in_dim3A_255 = vector.broadcast %add3A_254 : i32 to vector<16xi32>
        %add3A_256 = arith.addi %broadcast_in_dim3A_251, %and3A_69 : vector<16xi32>
        %gather3A = tpu.vector_load_idx %arg5[%add3A_250, %add3A_256] : memref<64x256xf32, #tpu.memory_space<vmem>>[vector<16xi32>, vector<16xi32>], vector<16xf32>,
        %add3A_257 = arith.addi %broadcast_in_dim3A_255, %add3A_163 : vector<16xi32>
        tpu.vector_store_idx %arg7[%add3A_257], %gather3A : memref<16384xf32, #tpu.memory_space<vmem>>[vector<16xi32>], vector<16xf32>,
        %add3A_258 = arith.addi %broadcast_in_dim3A_251, %and3A_75 : vector<16xi32>
        %gather3A_259 = tpu.vector_load_idx %arg5[%add3A_250, %add3A_258] : memref<64x256xf32, #tpu.memory_space<vmem>>[vector<16xi32>, vector<16xi32>], vector<16xf32>,
        %add3A_260 = arith.addi %broadcast_in_dim3A_255, %add3A_167 : vector<16xi32>
        tpu.vector_store_idx %arg7[%add3A_260], %gather3A_259 : memref<16384xf32, #tpu.memory_space<vmem>>[vector<16xi32>], vector<16xf32>,
        %add3A_261 = arith.addi %broadcast_in_dim3A_251, %and3A_81 : vector<16xi32>
        %gather3A_262 = tpu.vector_load_idx %arg5[%add3A_250, %add3A_261] : memref<64x256xf32, #tpu.memory_space<vmem>>[vector<16xi32>, vector<16xi32>], vector<16xf32>,
        %add3A_263 = arith.addi %broadcast_in_dim3A_255, %add3A_171 : vector<16xi32>
        tpu.vector_store_idx %arg7[%add3A_263], %gather3A_262 : memref<16384xf32, #tpu.memory_space<vmem>>[vector<16xi32>], vector<16xf32>,
        %add3A_264 = arith.addi %broadcast_in_dim3A_251, %and3A_87 : vector<16xi32>
        %gather3A_265 = tpu.vector_load_idx %arg5[%add3A_250, %add3A_264] : memref<64x256xf32, #tpu.memory_space<vmem>>[vector<16xi32>, vector<16xi32>], vector<16xf32>,
        %add3A_266 = arith.addi %broadcast_in_dim3A_255, %add3A_175 : vector<16xi32>
        tpu.vector_store_idx %arg7[%add3A_266], %gather3A_265 : memref<16384xf32, #tpu.memory_space<vmem>>[vector<16xi32>], vector<16xf32>,
        %add3A_267 = arith.addi %broadcast_in_dim3A_251, %and3A_93 : vector<16xi32>
        %gather3A_268 = tpu.vector_load_idx %arg5[%add3A_250, %add3A_267] : memref<64x256xf32, #tpu.memory_space<vmem>>[vector<16xi32>, vector<16xi32>], vector<16xf32>,
        %add3A_269 = arith.addi %broadcast_in_dim3A_255, %add3A_179 : vector<16xi32>
        tpu.vector_store_idx %arg7[%add3A_269], %gather3A_268 : memref<16384xf32, #tpu.memory_space<vmem>>[vector<16xi32>], vector<16xf32>,
        %add3A_270 = arith.addi %broadcast_in_dim3A_251, %and3A_99 : vector<16xi32>
        %gather3A_271 = tpu.vector_load_idx %arg5[%add3A_250, %add3A_270] : memref<64x256xf32, #tpu.memory_space<vmem>>[vector<16xi32>, vector<16xi32>], vector<16xf32>,
        %add3A_272 = arith.addi %broadcast_in_dim3A_255, %add3A_183 : vector<16xi32>
        tpu.vector_store_idx %arg7[%add3A_272], %gather3A_271 : memref<16384xf32, #tpu.memory_space<vmem>>[vector<16xi32>], vector<16xf32>,
        %add3A_273 = arith.addi %broadcast_in_dim3A_251, %and3A_105 : vector<16xi32>
        %gather3A_274 = tpu.vector_load_idx %arg5[%add3A_250, %add3A_273] : memref<64x256xf32, #tpu.memory_space<vmem>>[vector<16xi32>, vector<16xi32>], vector<16xf32>,
        %add3A_275 = arith.addi %broadcast_in_dim3A_255, %add3A_187 : vector<16xi32>
        tpu.vector_store_idx %arg7[%add3A_275], %gather3A_274 : memref<16384xf32, #tpu.memory_space<vmem>>[vector<16xi32>], vector<16xf32>,
        %add3A_276 = arith.addi %broadcast_in_dim3A_251, %and3A_111 : vector<16xi32>
        %gather3A_277 = tpu.vector_load_idx %arg5[%add3A_250, %add3A_276] : memref<64x256xf32, #tpu.memory_space<vmem>>[vector<16xi32>, vector<16xi32>], vector<16xf32>,
        %add3A_278 = arith.addi %broadcast_in_dim3A_255, %add3A_191 : vector<16xi32>
        tpu.vector_store_idx %arg7[%add3A_278], %gather3A_277 : memref<16384xf32, #tpu.memory_space<vmem>>[vector<16xi32>], vector<16xf32>,
        %add3A_279 = arith.addi %broadcast_in_dim3A_251, %and3A_117 : vector<16xi32>
        %gather3A_280 = tpu.vector_load_idx %arg5[%add3A_250, %add3A_279] : memref<64x256xf32, #tpu.memory_space<vmem>>[vector<16xi32>, vector<16xi32>], vector<16xf32>,
        %add3A_281 = arith.addi %broadcast_in_dim3A_255, %add3A_195 : vector<16xi32>
        tpu.vector_store_idx %arg7[%add3A_281], %gather3A_280 : memref<16384xf32, #tpu.memory_space<vmem>>[vector<16xi32>], vector<16xf32>,
        %add3A_282 = arith.addi %broadcast_in_dim3A_251, %and3A_123 : vector<16xi32>
        %gather3A_283 = tpu.vector_load_idx %arg5[%add3A_250, %add3A_282] : memref<64x256xf32, #tpu.memory_space<vmem>>[vector<16xi32>, vector<16xi32>], vector<16xf32>,
        %add3A_284 = arith.addi %broadcast_in_dim3A_255, %add3A_199 : vector<16xi32>
        tpu.vector_store_idx %arg7[%add3A_284], %gather3A_283 : memref<16384xf32, #tpu.memory_space<vmem>>[vector<16xi32>], vector<16xf32>,
        %add3A_285 = arith.addi %broadcast_in_dim3A_251, %and3A_129 : vector<16xi32>
        %gather3A_286 = tpu.vector_load_idx %arg5[%add3A_250, %add3A_285] : memref<64x256xf32, #tpu.memory_space<vmem>>[vector<16xi32>, vector<16xi32>], vector<16xf32>,
        %add3A_287 = arith.addi %broadcast_in_dim3A_255, %add3A_203 : vector<16xi32>
        tpu.vector_store_idx %arg7[%add3A_287], %gather3A_286 : memref<16384xf32, #tpu.memory_space<vmem>>[vector<16xi32>], vector<16xf32>,
        %add3A_288 = arith.addi %broadcast_in_dim3A_251, %and3A_135 : vector<16xi32>
        %gather3A_289 = tpu.vector_load_idx %arg5[%add3A_250, %add3A_288] : memref<64x256xf32, #tpu.memory_space<vmem>>[vector<16xi32>, vector<16xi32>], vector<16xf32>,
        %add3A_290 = arith.addi %broadcast_in_dim3A_255, %add3A_207 : vector<16xi32>
        tpu.vector_store_idx %arg7[%add3A_290], %gather3A_289 : memref<16384xf32, #tpu.memory_space<vmem>>[vector<16xi32>], vector<16xf32>,
        %add3A_291 = arith.addi %broadcast_in_dim3A_251, %and3A_141 : vector<16xi32>
        %gather3A_292 = tpu.vector_load_idx %arg5[%add3A_250, %add3A_291] : memref<64x256xf32, #tpu.memory_space<vmem>>[vector<16xi32>, vector<16xi32>], vector<16xf32>,
        %add3A_293 = arith.addi %broadcast_in_dim3A_255, %add3A_211 : vector<16xi32>
        tpu.vector_store_idx %arg7[%add3A_293], %gather3A_292 : memref<16384xf32, #tpu.memory_space<vmem>>[vector<16xi32>], vector<16xf32>,
        %add3A_294 = arith.addi %broadcast_in_dim3A_251, %and3A_147 : vector<16xi32>
        %gather3A_295 = tpu.vector_load_idx %arg5[%add3A_250, %add3A_294] : memref<64x256xf32, #tpu.memory_space<vmem>>[vector<16xi32>, vector<16xi32>], vector<16xf32>,
        %add3A_296 = arith.addi %broadcast_in_dim3A_255, %add3A_215 : vector<16xi32>
        tpu.vector_store_idx %arg7[%add3A_296], %gather3A_295 : memref<16384xf32, #tpu.memory_space<vmem>>[vector<16xi32>], vector<16xf32>,
        %add3A_297 = arith.addi %broadcast_in_dim3A_251, %and3A_153 : vector<16xi32>
        %gather3A_298 = tpu.vector_load_idx %arg5[%add3A_250, %add3A_297] : memref<64x256xf32, #tpu.memory_space<vmem>>[vector<16xi32>, vector<16xi32>], vector<16xf32>,
        %add3A_299 = arith.addi %broadcast_in_dim3A_255, %add3A_219 : vector<16xi32>
        tpu.vector_store_idx %arg7[%add3A_299], %gather3A_298 : memref<16384xf32, #tpu.memory_space<vmem>>[vector<16xi32>], vector<16xf32>,
        %add3A_300 = arith.addi %broadcast_in_dim3A_251, %and3A_159 : vector<16xi32>
        %gather3A_301 = tpu.vector_load_idx %arg5[%add3A_250, %add3A_300] : memref<64x256xf32, #tpu.memory_space<vmem>>[vector<16xi32>, vector<16xi32>], vector<16xf32>,
        %add3A_302 = arith.addi %broadcast_in_dim3A_255, %add3A_223 : vector<16xi32>
        tpu.vector_store_idx %arg7[%add3A_302], %gather3A_301 : memref<16384xf32, #tpu.memory_space<vmem>>[vector<16xi32>], vector<16xf32>,
        %mul3A_303 = arith.constant 2 : i32
        %mul3A_304 = arith.muli %scan3A_238, %mul3A_303 : i32
        %add3A_305 = arith.constant 1 : i32
        %add3A_306 = arith.addi %mul3A_304, %add3A_305 : i32
        %and3A_307 = arith.constant 3 : i32
        %and3A_308 = arith.andi %add3A_306, %and3A_307 : i32
        %shift_right_arithmetic3A_309 = arith.constant 2 : i32
        %shift_right_arithmetic3A_310 = arith.shrsi %add3A_306, %shift_right_arithmetic3A_309 : i32
        %mul3A_311 = arith.constant 16 : i32
        %mul3A_312 = arith.muli %and3A_308, %mul3A_311 : i32
        %mul3A_313 = arith.constant 16 : i32
        %mul3A_314 = arith.muli %shift_right_arithmetic3A_310, %mul3A_313 : i32
        %broadcast_in_dim3A_315 = vector.broadcast %mul3A_312 : i32 to vector<16xi32>
        %add3A_316 = arith.addi %broadcast_in_dim3A_315, %iota3A : vector<16xi32>
        %broadcast_in_dim3A_317 = vector.broadcast %mul3A_314 : i32 to vector<16xi32>
        %mul3A_318 = arith.constant 64 : i32
        %mul3A_319 = arith.muli %mul3A_314, %mul3A_318 : i32
        %add3A_320 = arith.addi %mul3A_319, %mul3A_312 : i32
        %broadcast_in_dim3A_321 = vector.broadcast %add3A_320 : i32 to vector<16xi32>
        %add3A_322 = arith.addi %broadcast_in_dim3A_317, %and3A_69 : vector<16xi32>
        %gather3A_323 = tpu.vector_load_idx %arg5[%add3A_316, %add3A_322] : memref<64x256xf32, #tpu.memory_space<vmem>>[vector<16xi32>, vector<16xi32>], vector<16xf32>,
        %add3A_324 = arith.addi %broadcast_in_dim3A_321, %add3A_163 : vector<16xi32>
        tpu.vector_store_idx %arg7[%add3A_324], %gather3A_323 : memref<16384xf32, #tpu.memory_space<vmem>>[vector<16xi32>], vector<16xf32>,
        %add3A_325 = arith.addi %broadcast_in_dim3A_317, %and3A_75 : vector<16xi32>
        %gather3A_326 = tpu.vector_load_idx %arg5[%add3A_316, %add3A_325] : memref<64x256xf32, #tpu.memory_space<vmem>>[vector<16xi32>, vector<16xi32>], vector<16xf32>,
        %add3A_327 = arith.addi %broadcast_in_dim3A_321, %add3A_167 : vector<16xi32>
        tpu.vector_store_idx %arg7[%add3A_327], %gather3A_326 : memref<16384xf32, #tpu.memory_space<vmem>>[vector<16xi32>], vector<16xf32>,
        %add3A_328 = arith.addi %broadcast_in_dim3A_317, %and3A_81 : vector<16xi32>
        %gather3A_329 = tpu.vector_load_idx %arg5[%add3A_316, %add3A_328] : memref<64x256xf32, #tpu.memory_space<vmem>>[vector<16xi32>, vector<16xi32>], vector<16xf32>,
        %add3A_330 = arith.addi %broadcast_in_dim3A_321, %add3A_171 : vector<16xi32>
        tpu.vector_store_idx %arg7[%add3A_330], %gather3A_329 : memref<16384xf32, #tpu.memory_space<vmem>>[vector<16xi32>], vector<16xf32>,
        %add3A_331 = arith.addi %broadcast_in_dim3A_317, %and3A_87 : vector<16xi32>
        %gather3A_332 = tpu.vector_load_idx %arg5[%add3A_316, %add3A_331] : memref<64x256xf32, #tpu.memory_space<vmem>>[vector<16xi32>, vector<16xi32>], vector<16xf32>,
        %add3A_333 = arith.addi %broadcast_in_dim3A_321, %add3A_175 : vector<16xi32>
        tpu.vector_store_idx %arg7[%add3A_333], %gather3A_332 : memref<16384xf32, #tpu.memory_space<vmem>>[vector<16xi32>], vector<16xf32>,
        %add3A_334 = arith.addi %broadcast_in_dim3A_317, %and3A_93 : vector<16xi32>
        %gather3A_335 = tpu.vector_load_idx %arg5[%add3A_316, %add3A_334] : memref<64x256xf32, #tpu.memory_space<vmem>>[vector<16xi32>, vector<16xi32>], vector<16xf32>,
        %add3A_336 = arith.addi %broadcast_in_dim3A_321, %add3A_179 : vector<16xi32>
        tpu.vector_store_idx %arg7[%add3A_336], %gather3A_335 : memref<16384xf32, #tpu.memory_space<vmem>>[vector<16xi32>], vector<16xf32>,
        %add3A_337 = arith.addi %broadcast_in_dim3A_317, %and3A_99 : vector<16xi32>
        %gather3A_338 = tpu.vector_load_idx %arg5[%add3A_316, %add3A_337] : memref<64x256xf32, #tpu.memory_space<vmem>>[vector<16xi32>, vector<16xi32>], vector<16xf32>,
        %add3A_339 = arith.addi %broadcast_in_dim3A_321, %add3A_183 : vector<16xi32>
        tpu.vector_store_idx %arg7[%add3A_339], %gather3A_338 : memref<16384xf32, #tpu.memory_space<vmem>>[vector<16xi32>], vector<16xf32>,
        %add3A_340 = arith.addi %broadcast_in_dim3A_317, %and3A_105 : vector<16xi32>
        %gather3A_341 = tpu.vector_load_idx %arg5[%add3A_316, %add3A_340] : memref<64x256xf32, #tpu.memory_space<vmem>>[vector<16xi32>, vector<16xi32>], vector<16xf32>,
        %add3A_342 = arith.addi %broadcast_in_dim3A_321, %add3A_187 : vector<16xi32>
        tpu.vector_store_idx %arg7[%add3A_342], %gather3A_341 : memref<16384xf32, #tpu.memory_space<vmem>>[vector<16xi32>], vector<16xf32>,
        %add3A_343 = arith.addi %broadcast_in_dim3A_317, %and3A_111 : vector<16xi32>
        %gather3A_344 = tpu.vector_load_idx %arg5[%add3A_316, %add3A_343] : memref<64x256xf32, #tpu.memory_space<vmem>>[vector<16xi32>, vector<16xi32>], vector<16xf32>,
        %add3A_345 = arith.addi %broadcast_in_dim3A_321, %add3A_191 : vector<16xi32>
        tpu.vector_store_idx %arg7[%add3A_345], %gather3A_344 : memref<16384xf32, #tpu.memory_space<vmem>>[vector<16xi32>], vector<16xf32>,
        %add3A_346 = arith.addi %broadcast_in_dim3A_317, %and3A_117 : vector<16xi32>
        %gather3A_347 = tpu.vector_load_idx %arg5[%add3A_316, %add3A_346] : memref<64x256xf32, #tpu.memory_space<vmem>>[vector<16xi32>, vector<16xi32>], vector<16xf32>,
        %add3A_348 = arith.addi %broadcast_in_dim3A_321, %add3A_195 : vector<16xi32>
        tpu.vector_store_idx %arg7[%add3A_348], %gather3A_347 : memref<16384xf32, #tpu.memory_space<vmem>>[vector<16xi32>], vector<16xf32>,
        %add3A_349 = arith.addi %broadcast_in_dim3A_317, %and3A_123 : vector<16xi32>
        %gather3A_350 = tpu.vector_load_idx %arg5[%add3A_316, %add3A_349] : memref<64x256xf32, #tpu.memory_space<vmem>>[vector<16xi32>, vector<16xi32>], vector<16xf32>,
        %add3A_351 = arith.addi %broadcast_in_dim3A_321, %add3A_199 : vector<16xi32>
        tpu.vector_store_idx %arg7[%add3A_351], %gather3A_350 : memref<16384xf32, #tpu.memory_space<vmem>>[vector<16xi32>], vector<16xf32>,
        %add3A_352 = arith.addi %broadcast_in_dim3A_317, %and3A_129 : vector<16xi32>
        %gather3A_353 = tpu.vector_load_idx %arg5[%add3A_316, %add3A_352] : memref<64x256xf32, #tpu.memory_space<vmem>>[vector<16xi32>, vector<16xi32>], vector<16xf32>,
        %add3A_354 = arith.addi %broadcast_in_dim3A_321, %add3A_203 : vector<16xi32>
        tpu.vector_store_idx %arg7[%add3A_354], %gather3A_353 : memref<16384xf32, #tpu.memory_space<vmem>>[vector<16xi32>], vector<16xf32>,
        %add3A_355 = arith.addi %broadcast_in_dim3A_317, %and3A_135 : vector<16xi32>
        %gather3A_356 = tpu.vector_load_idx %arg5[%add3A_316, %add3A_355] : memref<64x256xf32, #tpu.memory_space<vmem>>[vector<16xi32>, vector<16xi32>], vector<16xf32>,
        %add3A_357 = arith.addi %broadcast_in_dim3A_321, %add3A_207 : vector<16xi32>
        tpu.vector_store_idx %arg7[%add3A_357], %gather3A_356 : memref<16384xf32, #tpu.memory_space<vmem>>[vector<16xi32>], vector<16xf32>,
        %add3A_358 = arith.addi %broadcast_in_dim3A_317, %and3A_141 : vector<16xi32>
        %gather3A_359 = tpu.vector_load_idx %arg5[%add3A_316, %add3A_358] : memref<64x256xf32, #tpu.memory_space<vmem>>[vector<16xi32>, vector<16xi32>], vector<16xf32>,
        %add3A_360 = arith.addi %broadcast_in_dim3A_321, %add3A_211 : vector<16xi32>
        tpu.vector_store_idx %arg7[%add3A_360], %gather3A_359 : memref<16384xf32, #tpu.memory_space<vmem>>[vector<16xi32>], vector<16xf32>,
        %add3A_361 = arith.addi %broadcast_in_dim3A_317, %and3A_147 : vector<16xi32>
        %gather3A_362 = tpu.vector_load_idx %arg5[%add3A_316, %add3A_361] : memref<64x256xf32, #tpu.memory_space<vmem>>[vector<16xi32>, vector<16xi32>], vector<16xf32>,
        %add3A_363 = arith.addi %broadcast_in_dim3A_321, %add3A_215 : vector<16xi32>
        tpu.vector_store_idx %arg7[%add3A_363], %gather3A_362 : memref<16384xf32, #tpu.memory_space<vmem>>[vector<16xi32>], vector<16xf32>,
        %add3A_364 = arith.addi %broadcast_in_dim3A_317, %and3A_153 : vector<16xi32>
        %gather3A_365 = tpu.vector_load_idx %arg5[%add3A_316, %add3A_364] : memref<64x256xf32, #tpu.memory_space<vmem>>[vector<16xi32>, vector<16xi32>], vector<16xf32>,
        %add3A_366 = arith.addi %broadcast_in_dim3A_321, %add3A_219 : vector<16xi32>
        tpu.vector_store_idx %arg7[%add3A_366], %gather3A_365 : memref<16384xf32, #tpu.memory_space<vmem>>[vector<16xi32>], vector<16xf32>,
        %add3A_367 = arith.addi %broadcast_in_dim3A_317, %and3A_159 : vector<16xi32>
        %gather3A_368 = tpu.vector_load_idx %arg5[%add3A_316, %add3A_367] : memref<64x256xf32, #tpu.memory_space<vmem>>[vector<16xi32>, vector<16xi32>], vector<16xf32>,
        %add3A_369 = arith.addi %broadcast_in_dim3A_321, %add3A_223 : vector<16xi32>
        tpu.vector_store_idx %arg7[%add3A_369], %gather3A_368 : memref<16384xf32, #tpu.memory_space<vmem>>[vector<16xi32>], vector<16xf32>,
      }
      %scan3A_229 = arith.constant 32 : i32
      %dma_start3A_230 = arith.constant 63979520 : i32
      %dma_start3A_231 = tpu.memref_slice %arg4[%dma_start3A_230] : memref<64000000xf32, #tpu.memory_space<hbm>> -> memref<16384xf32, #tpu.memory_space<hbm>>
      %dma_start3A_232 = arith.constant 63979520 : i32
      %dma_start3A_233 = tpu.memref_slice %arg4[%dma_start3A_232] : memref<64000000xf32, #tpu.memory_space<hbm>> -> memref<16384xf32, #tpu.memory_space<hbm>>
      tpu.enqueue_dma source(%arg7 : memref<16384xf32, #tpu.memory_space<vmem>>) target(%dma_start3A_233 : memref<16384xf32, #tpu.memory_space<hbm>>) target_semaphore(%arg10 : memref<!tpu.dma_semaphore, #tpu.memory_space<semaphore_mem>>)
      %dma_wait3A_234 = arith.constant 63979520 : i32
      %dma_wait3A_235 = tpu.memref_slice %arg4[%dma_wait3A_234] : memref<64000000xf32, #tpu.memory_space<hbm>> -> memref<16384xf32, #tpu.memory_space<hbm>>
      %dma_wait3A_236 = arith.constant 63979520 : i32
      %dma_wait3A_237 = tpu.memref_slice %arg4[%dma_wait3A_236] : memref<64000000xf32, #tpu.memory_space<hbm>> -> memref<16384xf32, #tpu.memory_space<hbm>>
      tpu.wait_dma2 semaphore(%arg10 : memref<!tpu.dma_semaphore, #tpu.memory_space<semaphore_mem>>) src(%arg7 : memref<16384xf32, #tpu.memory_space<vmem>>) dst(%dma_wait3A_237 : memref<16384xf32, #tpu.memory_space<hbm>>)
    } else {
    }
    %eq3A_48 = arith.constant 31 : i32
    %eq3A_49 = arith.cmpi eq, %add3A, %eq3A_48 : i32
    %convert_element_type3A_50 = arith.extui %eq3A_49 : i1 to i32
    %cond3A_51 = arith.constant 0 : i32
    %cond3A_52 = arith.cmpi ne, %convert_element_type3A_50, %cond3A_51 : i32
    scf.if %cond3A_52 {
      tpu.enqueue_dma source(%arg3 : memref<64x256xf32, #tpu.memory_space<hbm>>) target(%arg5 : memref<64x256xf32, #tpu.memory_space<vmem>>) target_semaphore(%arg9 : memref<!tpu.dma_semaphore, #tpu.memory_space<semaphore_mem>>)
      tpu.wait_dma2 semaphore(%arg9 : memref<!tpu.dma_semaphore, #tpu.memory_space<semaphore_mem>>) src(%arg3 : memref<64x256xf32, #tpu.memory_space<hbm>>) dst(%arg5 : memref<64x256xf32, #tpu.memory_space<vmem>>)
      %iota3A = tpu.iota {dimensions = array<i32: 0>} : vector<16xi32>
      %add3A_53 = arith.constant 0 : i32
      %add3A_54 = vector.broadcast %add3A_53 : i32 to vector<16xi32>
      %add3A_55 = arith.addi %iota3A, %add3A_54 : vector<16xi32>
      %and3A = arith.constant 15 : i32
      %and3A_56 = vector.broadcast %and3A : i32 to vector<16xi32>
      %and3A_57 = arith.andi %add3A_55, %and3A_56 : vector<16xi32>
      %add3A_58 = arith.constant 1 : i32
      %add3A_59 = vector.broadcast %add3A_58 : i32 to vector<16xi32>
      %add3A_60 = arith.addi %iota3A, %add3A_59 : vector<16xi32>
      %and3A_61 = arith.constant 15 : i32
      %and3A_62 = vector.broadcast %and3A_61 : i32 to vector<16xi32>
      %and3A_63 = arith.andi %add3A_60, %and3A_62 : vector<16xi32>
      %add3A_64 = arith.constant 2 : i32
      %add3A_65 = vector.broadcast %add3A_64 : i32 to vector<16xi32>
      %add3A_66 = arith.addi %iota3A, %add3A_65 : vector<16xi32>
      %and3A_67 = arith.constant 15 : i32
      %and3A_68 = vector.broadcast %and3A_67 : i32 to vector<16xi32>
      %and3A_69 = arith.andi %add3A_66, %and3A_68 : vector<16xi32>
      %add3A_70 = arith.constant 3 : i32
      %add3A_71 = vector.broadcast %add3A_70 : i32 to vector<16xi32>
      %add3A_72 = arith.addi %iota3A, %add3A_71 : vector<16xi32>
      %and3A_73 = arith.constant 15 : i32
      %and3A_74 = vector.broadcast %and3A_73 : i32 to vector<16xi32>
      %and3A_75 = arith.andi %add3A_72, %and3A_74 : vector<16xi32>
      %add3A_76 = arith.constant 4 : i32
      %add3A_77 = vector.broadcast %add3A_76 : i32 to vector<16xi32>
      %add3A_78 = arith.addi %iota3A, %add3A_77 : vector<16xi32>
      %and3A_79 = arith.constant 15 : i32
      %and3A_80 = vector.broadcast %and3A_79 : i32 to vector<16xi32>
      %and3A_81 = arith.andi %add3A_78, %and3A_80 : vector<16xi32>
      %add3A_82 = arith.constant 5 : i32
      %add3A_83 = vector.broadcast %add3A_82 : i32 to vector<16xi32>
      %add3A_84 = arith.addi %iota3A, %add3A_83 : vector<16xi32>
      %and3A_85 = arith.constant 15 : i32
      %and3A_86 = vector.broadcast %and3A_85 : i32 to vector<16xi32>
      %and3A_87 = arith.andi %add3A_84, %and3A_86 : vector<16xi32>
      %add3A_88 = arith.constant 6 : i32
      %add3A_89 = vector.broadcast %add3A_88 : i32 to vector<16xi32>
      %add3A_90 = arith.addi %iota3A, %add3A_89 : vector<16xi32>
      %and3A_91 = arith.constant 15 : i32
      %and3A_92 = vector.broadcast %and3A_91 : i32 to vector<16xi32>
      %and3A_93 = arith.andi %add3A_90, %and3A_92 : vector<16xi32>
      %add3A_94 = arith.constant 7 : i32
      %add3A_95 = vector.broadcast %add3A_94 : i32 to vector<16xi32>
      %add3A_96 = arith.addi %iota3A, %add3A_95 : vector<16xi32>
      %and3A_97 = arith.constant 15 : i32
      %and3A_98 = vector.broadcast %and3A_97 : i32 to vector<16xi32>
      %and3A_99 = arith.andi %add3A_96, %and3A_98 : vector<16xi32>
      %add3A_100 = arith.constant 8 : i32
      %add3A_101 = vector.broadcast %add3A_100 : i32 to vector<16xi32>
      %add3A_102 = arith.addi %iota3A, %add3A_101 : vector<16xi32>
      %and3A_103 = arith.constant 15 : i32
      %and3A_104 = vector.broadcast %and3A_103 : i32 to vector<16xi32>
      %and3A_105 = arith.andi %add3A_102, %and3A_104 : vector<16xi32>
      %add3A_106 = arith.constant 9 : i32
      %add3A_107 = vector.broadcast %add3A_106 : i32 to vector<16xi32>
      %add3A_108 = arith.addi %iota3A, %add3A_107 : vector<16xi32>
      %and3A_109 = arith.constant 15 : i32
      %and3A_110 = vector.broadcast %and3A_109 : i32 to vector<16xi32>
      %and3A_111 = arith.andi %add3A_108, %and3A_110 : vector<16xi32>
      %add3A_112 = arith.constant 10 : i32
      %add3A_113 = vector.broadcast %add3A_112 : i32 to vector<16xi32>
      %add3A_114 = arith.addi %iota3A, %add3A_113 : vector<16xi32>
      %and3A_115 = arith.constant 15 : i32
      %and3A_116 = vector.broadcast %and3A_115 : i32 to vector<16xi32>
      %and3A_117 = arith.andi %add3A_114, %and3A_116 : vector<16xi32>
      %add3A_118 = arith.constant 11 : i32
      %add3A_119 = vector.broadcast %add3A_118 : i32 to vector<16xi32>
      %add3A_120 = arith.addi %iota3A, %add3A_119 : vector<16xi32>
      %and3A_121 = arith.constant 15 : i32
      %and3A_122 = vector.broadcast %and3A_121 : i32 to vector<16xi32>
      %and3A_123 = arith.andi %add3A_120, %and3A_122 : vector<16xi32>
      %add3A_124 = arith.constant 12 : i32
      %add3A_125 = vector.broadcast %add3A_124 : i32 to vector<16xi32>
      %add3A_126 = arith.addi %iota3A, %add3A_125 : vector<16xi32>
      %and3A_127 = arith.constant 15 : i32
      %and3A_128 = vector.broadcast %and3A_127 : i32 to vector<16xi32>
      %and3A_129 = arith.andi %add3A_126, %and3A_128 : vector<16xi32>
      %add3A_130 = arith.constant 13 : i32
      %add3A_131 = vector.broadcast %add3A_130 : i32 to vector<16xi32>
      %add3A_132 = arith.addi %iota3A, %add3A_131 : vector<16xi32>
      %and3A_133 = arith.constant 15 : i32
      %and3A_134 = vector.broadcast %and3A_133 : i32 to vector<16xi32>
      %and3A_135 = arith.andi %add3A_132, %and3A_134 : vector<16xi32>
      %add3A_136 = arith.constant 14 : i32
      %add3A_137 = vector.broadcast %add3A_136 : i32 to vector<16xi32>
      %add3A_138 = arith.addi %iota3A, %add3A_137 : vector<16xi32>
      %and3A_139 = arith.constant 15 : i32
      %and3A_140 = vector.broadcast %and3A_139 : i32 to vector<16xi32>
      %and3A_141 = arith.andi %add3A_138, %and3A_140 : vector<16xi32>
      %add3A_142 = arith.constant 15 : i32
      %add3A_143 = vector.broadcast %add3A_142 : i32 to vector<16xi32>
      %add3A_144 = arith.addi %iota3A, %add3A_143 : vector<16xi32>
      %and3A_145 = arith.constant 15 : i32
      %and3A_146 = vector.broadcast %and3A_145 : i32 to vector<16xi32>
      %and3A_147 = arith.andi %add3A_144, %and3A_146 : vector<16xi32>
      %mul3A_148 = arith.constant 64 : i32
      %mul3A_149 = vector.broadcast %mul3A_148 : i32 to vector<16xi32>
      %mul3A_150 = arith.muli %and3A_57, %mul3A_149 : vector<16xi32>
      %add3A_151 = arith.addi %mul3A_150, %iota3A : vector<16xi32>
      %mul3A_152 = arith.constant 64 : i32
      %mul3A_153 = vector.broadcast %mul3A_152 : i32 to vector<16xi32>
      %mul3A_154 = arith.muli %and3A_63, %mul3A_153 : vector<16xi32>
      %add3A_155 = arith.addi %mul3A_154, %iota3A : vector<16xi32>
      %mul3A_156 = arith.constant 64 : i32
      %mul3A_157 = vector.broadcast %mul3A_156 : i32 to vector<16xi32>
      %mul3A_158 = arith.muli %and3A_69, %mul3A_157 : vector<16xi32>
      %add3A_159 = arith.addi %mul3A_158, %iota3A : vector<16xi32>
      %mul3A_160 = arith.constant 64 : i32
      %mul3A_161 = vector.broadcast %mul3A_160 : i32 to vector<16xi32>
      %mul3A_162 = arith.muli %and3A_75, %mul3A_161 : vector<16xi32>
      %add3A_163 = arith.addi %mul3A_162, %iota3A : vector<16xi32>
      %mul3A_164 = arith.constant 64 : i32
      %mul3A_165 = vector.broadcast %mul3A_164 : i32 to vector<16xi32>
      %mul3A_166 = arith.muli %and3A_81, %mul3A_165 : vector<16xi32>
      %add3A_167 = arith.addi %mul3A_166, %iota3A : vector<16xi32>
      %mul3A_168 = arith.constant 64 : i32
      %mul3A_169 = vector.broadcast %mul3A_168 : i32 to vector<16xi32>
      %mul3A_170 = arith.muli %and3A_87, %mul3A_169 : vector<16xi32>
      %add3A_171 = arith.addi %mul3A_170, %iota3A : vector<16xi32>
      %mul3A_172 = arith.constant 64 : i32
      %mul3A_173 = vector.broadcast %mul3A_172 : i32 to vector<16xi32>
      %mul3A_174 = arith.muli %and3A_93, %mul3A_173 : vector<16xi32>
      %add3A_175 = arith.addi %mul3A_174, %iota3A : vector<16xi32>
      %mul3A_176 = arith.constant 64 : i32
      %mul3A_177 = vector.broadcast %mul3A_176 : i32 to vector<16xi32>
      %mul3A_178 = arith.muli %and3A_99, %mul3A_177 : vector<16xi32>
      %add3A_179 = arith.addi %mul3A_178, %iota3A : vector<16xi32>
      %mul3A_180 = arith.constant 64 : i32
      %mul3A_181 = vector.broadcast %mul3A_180 : i32 to vector<16xi32>
      %mul3A_182 = arith.muli %and3A_105, %mul3A_181 : vector<16xi32>
      %add3A_183 = arith.addi %mul3A_182, %iota3A : vector<16xi32>
      %mul3A_184 = arith.constant 64 : i32
      %mul3A_185 = vector.broadcast %mul3A_184 : i32 to vector<16xi32>
      %mul3A_186 = arith.muli %and3A_111, %mul3A_185 : vector<16xi32>
      %add3A_187 = arith.addi %mul3A_186, %iota3A : vector<16xi32>
      %mul3A_188 = arith.constant 64 : i32
      %mul3A_189 = vector.broadcast %mul3A_188 : i32 to vector<16xi32>
      %mul3A_190 = arith.muli %and3A_117, %mul3A_189 : vector<16xi32>
      %add3A_191 = arith.addi %mul3A_190, %iota3A : vector<16xi32>
      %mul3A_192 = arith.constant 64 : i32
      %mul3A_193 = vector.broadcast %mul3A_192 : i32 to vector<16xi32>
      %mul3A_194 = arith.muli %and3A_123, %mul3A_193 : vector<16xi32>
      %add3A_195 = arith.addi %mul3A_194, %iota3A : vector<16xi32>
      %mul3A_196 = arith.constant 64 : i32
      %mul3A_197 = vector.broadcast %mul3A_196 : i32 to vector<16xi32>
      %mul3A_198 = arith.muli %and3A_129, %mul3A_197 : vector<16xi32>
      %add3A_199 = arith.addi %mul3A_198, %iota3A : vector<16xi32>
      %mul3A_200 = arith.constant 64 : i32
      %mul3A_201 = vector.broadcast %mul3A_200 : i32 to vector<16xi32>
      %mul3A_202 = arith.muli %and3A_135, %mul3A_201 : vector<16xi32>
      %add3A_203 = arith.addi %mul3A_202, %iota3A : vector<16xi32>
      %mul3A_204 = arith.constant 64 : i32
      %mul3A_205 = vector.broadcast %mul3A_204 : i32 to vector<16xi32>
      %mul3A_206 = arith.muli %and3A_141, %mul3A_205 : vector<16xi32>
      %add3A_207 = arith.addi %mul3A_206, %iota3A : vector<16xi32>
      %mul3A_208 = arith.constant 64 : i32
      %mul3A_209 = vector.broadcast %mul3A_208 : i32 to vector<16xi32>
      %mul3A_210 = arith.muli %and3A_147, %mul3A_209 : vector<16xi32>
      %add3A_211 = arith.addi %mul3A_210, %iota3A : vector<16xi32>
      %scan3A_212 = arith.constant 0 : i32
      %scan3A_213 = arith.constant 0 : i32
      %scan3A_214 = arith.constant 8 : i32
      %scan3A_215 = arith.addi %scan3A_213, %scan3A_214 : i32
      %scan3A_216 = arith.constant 1 : i32
      scf.for %scan3A_234 = %scan3A_213 to %scan3A_215 step %scan3A_216  : i32 {
        %mul3A_235 = arith.constant 2 : i32
        %mul3A_236 = arith.muli %scan3A_234, %mul3A_235 : i32
        %add3A_237 = arith.constant 0 : i32
        %add3A_238 = arith.addi %mul3A_236, %add3A_237 : i32
        %and3A_239 = arith.constant 3 : i32
        %and3A_240 = arith.andi %add3A_238, %and3A_239 : i32
        %shift_right_arithmetic3A = arith.constant 2 : i32
        %shift_right_arithmetic3A_241 = arith.shrsi %add3A_238, %shift_right_arithmetic3A : i32
        %mul3A_242 = arith.constant 16 : i32
        %mul3A_243 = arith.muli %and3A_240, %mul3A_242 : i32
        %mul3A_244 = arith.constant 16 : i32
        %mul3A_245 = arith.muli %shift_right_arithmetic3A_241, %mul3A_244 : i32
        %broadcast_in_dim3A = vector.broadcast %mul3A_243 : i32 to vector<16xi32>
        %add3A_246 = arith.addi %broadcast_in_dim3A, %iota3A : vector<16xi32>
        %broadcast_in_dim3A_247 = vector.broadcast %mul3A_245 : i32 to vector<16xi32>
        %mul3A_248 = arith.constant 64 : i32
        %mul3A_249 = arith.muli %mul3A_245, %mul3A_248 : i32
        %add3A_250 = arith.addi %mul3A_249, %mul3A_243 : i32
        %broadcast_in_dim3A_251 = vector.broadcast %add3A_250 : i32 to vector<16xi32>
        %add3A_252 = arith.addi %broadcast_in_dim3A_247, %and3A_57 : vector<16xi32>
        %gather3A = tpu.vector_load_idx %arg5[%add3A_246, %add3A_252] : memref<64x256xf32, #tpu.memory_space<vmem>>[vector<16xi32>, vector<16xi32>], vector<16xf32>,
        %add3A_253 = arith.addi %broadcast_in_dim3A_251, %add3A_151 : vector<16xi32>
        tpu.vector_store_idx %arg7[%add3A_253], %gather3A : memref<16384xf32, #tpu.memory_space<vmem>>[vector<16xi32>], vector<16xf32>,
        %add3A_254 = arith.addi %broadcast_in_dim3A_247, %and3A_63 : vector<16xi32>
        %gather3A_255 = tpu.vector_load_idx %arg5[%add3A_246, %add3A_254] : memref<64x256xf32, #tpu.memory_space<vmem>>[vector<16xi32>, vector<16xi32>], vector<16xf32>,
        %add3A_256 = arith.addi %broadcast_in_dim3A_251, %add3A_155 : vector<16xi32>
        tpu.vector_store_idx %arg7[%add3A_256], %gather3A_255 : memref<16384xf32, #tpu.memory_space<vmem>>[vector<16xi32>], vector<16xf32>,
        %add3A_257 = arith.addi %broadcast_in_dim3A_247, %and3A_69 : vector<16xi32>
        %gather3A_258 = tpu.vector_load_idx %arg5[%add3A_246, %add3A_257] : memref<64x256xf32, #tpu.memory_space<vmem>>[vector<16xi32>, vector<16xi32>], vector<16xf32>,
        %add3A_259 = arith.addi %broadcast_in_dim3A_251, %add3A_159 : vector<16xi32>
        tpu.vector_store_idx %arg7[%add3A_259], %gather3A_258 : memref<16384xf32, #tpu.memory_space<vmem>>[vector<16xi32>], vector<16xf32>,
        %add3A_260 = arith.addi %broadcast_in_dim3A_247, %and3A_75 : vector<16xi32>
        %gather3A_261 = tpu.vector_load_idx %arg5[%add3A_246, %add3A_260] : memref<64x256xf32, #tpu.memory_space<vmem>>[vector<16xi32>, vector<16xi32>], vector<16xf32>,
        %add3A_262 = arith.addi %broadcast_in_dim3A_251, %add3A_163 : vector<16xi32>
        tpu.vector_store_idx %arg7[%add3A_262], %gather3A_261 : memref<16384xf32, #tpu.memory_space<vmem>>[vector<16xi32>], vector<16xf32>,
        %add3A_263 = arith.addi %broadcast_in_dim3A_247, %and3A_81 : vector<16xi32>
        %gather3A_264 = tpu.vector_load_idx %arg5[%add3A_246, %add3A_263] : memref<64x256xf32, #tpu.memory_space<vmem>>[vector<16xi32>, vector<16xi32>], vector<16xf32>,
        %add3A_265 = arith.addi %broadcast_in_dim3A_251, %add3A_167 : vector<16xi32>
        tpu.vector_store_idx %arg7[%add3A_265], %gather3A_264 : memref<16384xf32, #tpu.memory_space<vmem>>[vector<16xi32>], vector<16xf32>,
        %add3A_266 = arith.addi %broadcast_in_dim3A_247, %and3A_87 : vector<16xi32>
        %gather3A_267 = tpu.vector_load_idx %arg5[%add3A_246, %add3A_266] : memref<64x256xf32, #tpu.memory_space<vmem>>[vector<16xi32>, vector<16xi32>], vector<16xf32>,
        %add3A_268 = arith.addi %broadcast_in_dim3A_251, %add3A_171 : vector<16xi32>
        tpu.vector_store_idx %arg7[%add3A_268], %gather3A_267 : memref<16384xf32, #tpu.memory_space<vmem>>[vector<16xi32>], vector<16xf32>,
        %add3A_269 = arith.addi %broadcast_in_dim3A_247, %and3A_93 : vector<16xi32>
        %gather3A_270 = tpu.vector_load_idx %arg5[%add3A_246, %add3A_269] : memref<64x256xf32, #tpu.memory_space<vmem>>[vector<16xi32>, vector<16xi32>], vector<16xf32>,
        %add3A_271 = arith.addi %broadcast_in_dim3A_251, %add3A_175 : vector<16xi32>
        tpu.vector_store_idx %arg7[%add3A_271], %gather3A_270 : memref<16384xf32, #tpu.memory_space<vmem>>[vector<16xi32>], vector<16xf32>,
        %add3A_272 = arith.addi %broadcast_in_dim3A_247, %and3A_99 : vector<16xi32>
        %gather3A_273 = tpu.vector_load_idx %arg5[%add3A_246, %add3A_272] : memref<64x256xf32, #tpu.memory_space<vmem>>[vector<16xi32>, vector<16xi32>], vector<16xf32>,
        %add3A_274 = arith.addi %broadcast_in_dim3A_251, %add3A_179 : vector<16xi32>
        tpu.vector_store_idx %arg7[%add3A_274], %gather3A_273 : memref<16384xf32, #tpu.memory_space<vmem>>[vector<16xi32>], vector<16xf32>,
        %add3A_275 = arith.addi %broadcast_in_dim3A_247, %and3A_105 : vector<16xi32>
        %gather3A_276 = tpu.vector_load_idx %arg5[%add3A_246, %add3A_275] : memref<64x256xf32, #tpu.memory_space<vmem>>[vector<16xi32>, vector<16xi32>], vector<16xf32>,
        %add3A_277 = arith.addi %broadcast_in_dim3A_251, %add3A_183 : vector<16xi32>
        tpu.vector_store_idx %arg7[%add3A_277], %gather3A_276 : memref<16384xf32, #tpu.memory_space<vmem>>[vector<16xi32>], vector<16xf32>,
        %add3A_278 = arith.addi %broadcast_in_dim3A_247, %and3A_111 : vector<16xi32>
        %gather3A_279 = tpu.vector_load_idx %arg5[%add3A_246, %add3A_278] : memref<64x256xf32, #tpu.memory_space<vmem>>[vector<16xi32>, vector<16xi32>], vector<16xf32>,
        %add3A_280 = arith.addi %broadcast_in_dim3A_251, %add3A_187 : vector<16xi32>
        tpu.vector_store_idx %arg7[%add3A_280], %gather3A_279 : memref<16384xf32, #tpu.memory_space<vmem>>[vector<16xi32>], vector<16xf32>,
        %add3A_281 = arith.addi %broadcast_in_dim3A_247, %and3A_117 : vector<16xi32>
        %gather3A_282 = tpu.vector_load_idx %arg5[%add3A_246, %add3A_281] : memref<64x256xf32, #tpu.memory_space<vmem>>[vector<16xi32>, vector<16xi32>], vector<16xf32>,
        %add3A_283 = arith.addi %broadcast_in_dim3A_251, %add3A_191 : vector<16xi32>
        tpu.vector_store_idx %arg7[%add3A_283], %gather3A_282 : memref<16384xf32, #tpu.memory_space<vmem>>[vector<16xi32>], vector<16xf32>,
        %add3A_284 = arith.addi %broadcast_in_dim3A_247, %and3A_123 : vector<16xi32>
        %gather3A_285 = tpu.vector_load_idx %arg5[%add3A_246, %add3A_284] : memref<64x256xf32, #tpu.memory_space<vmem>>[vector<16xi32>, vector<16xi32>], vector<16xf32>,
        %add3A_286 = arith.addi %broadcast_in_dim3A_251, %add3A_195 : vector<16xi32>
        tpu.vector_store_idx %arg7[%add3A_286], %gather3A_285 : memref<16384xf32, #tpu.memory_space<vmem>>[vector<16xi32>], vector<16xf32>,
        %add3A_287 = arith.addi %broadcast_in_dim3A_247, %and3A_129 : vector<16xi32>
        %gather3A_288 = tpu.vector_load_idx %arg5[%add3A_246, %add3A_287] : memref<64x256xf32, #tpu.memory_space<vmem>>[vector<16xi32>, vector<16xi32>], vector<16xf32>,
        %add3A_289 = arith.addi %broadcast_in_dim3A_251, %add3A_199 : vector<16xi32>
        tpu.vector_store_idx %arg7[%add3A_289], %gather3A_288 : memref<16384xf32, #tpu.memory_space<vmem>>[vector<16xi32>], vector<16xf32>,
        %add3A_290 = arith.addi %broadcast_in_dim3A_247, %and3A_135 : vector<16xi32>
        %gather3A_291 = tpu.vector_load_idx %arg5[%add3A_246, %add3A_290] : memref<64x256xf32, #tpu.memory_space<vmem>>[vector<16xi32>, vector<16xi32>], vector<16xf32>,
        %add3A_292 = arith.addi %broadcast_in_dim3A_251, %add3A_203 : vector<16xi32>
        tpu.vector_store_idx %arg7[%add3A_292], %gather3A_291 : memref<16384xf32, #tpu.memory_space<vmem>>[vector<16xi32>], vector<16xf32>,
        %add3A_293 = arith.addi %broadcast_in_dim3A_247, %and3A_141 : vector<16xi32>
        %gather3A_294 = tpu.vector_load_idx %arg5[%add3A_246, %add3A_293] : memref<64x256xf32, #tpu.memory_space<vmem>>[vector<16xi32>, vector<16xi32>], vector<16xf32>,
        %add3A_295 = arith.addi %broadcast_in_dim3A_251, %add3A_207 : vector<16xi32>
        tpu.vector_store_idx %arg7[%add3A_295], %gather3A_294 : memref<16384xf32, #tpu.memory_space<vmem>>[vector<16xi32>], vector<16xf32>,
        %add3A_296 = arith.addi %broadcast_in_dim3A_247, %and3A_147 : vector<16xi32>
        %gather3A_297 = tpu.vector_load_idx %arg5[%add3A_246, %add3A_296] : memref<64x256xf32, #tpu.memory_space<vmem>>[vector<16xi32>, vector<16xi32>], vector<16xf32>,
        %add3A_298 = arith.addi %broadcast_in_dim3A_251, %add3A_211 : vector<16xi32>
        tpu.vector_store_idx %arg7[%add3A_298], %gather3A_297 : memref<16384xf32, #tpu.memory_space<vmem>>[vector<16xi32>], vector<16xf32>,
        %mul3A_299 = arith.constant 2 : i32
        %mul3A_300 = arith.muli %scan3A_234, %mul3A_299 : i32
        %add3A_301 = arith.constant 1 : i32
        %add3A_302 = arith.addi %mul3A_300, %add3A_301 : i32
        %and3A_303 = arith.constant 3 : i32
        %and3A_304 = arith.andi %add3A_302, %and3A_303 : i32
        %shift_right_arithmetic3A_305 = arith.constant 2 : i32
        %shift_right_arithmetic3A_306 = arith.shrsi %add3A_302, %shift_right_arithmetic3A_305 : i32
        %mul3A_307 = arith.constant 16 : i32
        %mul3A_308 = arith.muli %and3A_304, %mul3A_307 : i32
        %mul3A_309 = arith.constant 16 : i32
        %mul3A_310 = arith.muli %shift_right_arithmetic3A_306, %mul3A_309 : i32
        %broadcast_in_dim3A_311 = vector.broadcast %mul3A_308 : i32 to vector<16xi32>
        %add3A_312 = arith.addi %broadcast_in_dim3A_311, %iota3A : vector<16xi32>
        %broadcast_in_dim3A_313 = vector.broadcast %mul3A_310 : i32 to vector<16xi32>
        %mul3A_314 = arith.constant 64 : i32
        %mul3A_315 = arith.muli %mul3A_310, %mul3A_314 : i32
        %add3A_316 = arith.addi %mul3A_315, %mul3A_308 : i32
        %broadcast_in_dim3A_317 = vector.broadcast %add3A_316 : i32 to vector<16xi32>
        %add3A_318 = arith.addi %broadcast_in_dim3A_313, %and3A_57 : vector<16xi32>
        %gather3A_319 = tpu.vector_load_idx %arg5[%add3A_312, %add3A_318] : memref<64x256xf32, #tpu.memory_space<vmem>>[vector<16xi32>, vector<16xi32>], vector<16xf32>,
        %add3A_320 = arith.addi %broadcast_in_dim3A_317, %add3A_151 : vector<16xi32>
        tpu.vector_store_idx %arg7[%add3A_320], %gather3A_319 : memref<16384xf32, #tpu.memory_space<vmem>>[vector<16xi32>], vector<16xf32>,
        %add3A_321 = arith.addi %broadcast_in_dim3A_313, %and3A_63 : vector<16xi32>
        %gather3A_322 = tpu.vector_load_idx %arg5[%add3A_312, %add3A_321] : memref<64x256xf32, #tpu.memory_space<vmem>>[vector<16xi32>, vector<16xi32>], vector<16xf32>,
        %add3A_323 = arith.addi %broadcast_in_dim3A_317, %add3A_155 : vector<16xi32>
        tpu.vector_store_idx %arg7[%add3A_323], %gather3A_322 : memref<16384xf32, #tpu.memory_space<vmem>>[vector<16xi32>], vector<16xf32>,
        %add3A_324 = arith.addi %broadcast_in_dim3A_313, %and3A_69 : vector<16xi32>
        %gather3A_325 = tpu.vector_load_idx %arg5[%add3A_312, %add3A_324] : memref<64x256xf32, #tpu.memory_space<vmem>>[vector<16xi32>, vector<16xi32>], vector<16xf32>,
        %add3A_326 = arith.addi %broadcast_in_dim3A_317, %add3A_159 : vector<16xi32>
        tpu.vector_store_idx %arg7[%add3A_326], %gather3A_325 : memref<16384xf32, #tpu.memory_space<vmem>>[vector<16xi32>], vector<16xf32>,
        %add3A_327 = arith.addi %broadcast_in_dim3A_313, %and3A_75 : vector<16xi32>
        %gather3A_328 = tpu.vector_load_idx %arg5[%add3A_312, %add3A_327] : memref<64x256xf32, #tpu.memory_space<vmem>>[vector<16xi32>, vector<16xi32>], vector<16xf32>,
        %add3A_329 = arith.addi %broadcast_in_dim3A_317, %add3A_163 : vector<16xi32>
        tpu.vector_store_idx %arg7[%add3A_329], %gather3A_328 : memref<16384xf32, #tpu.memory_space<vmem>>[vector<16xi32>], vector<16xf32>,
        %add3A_330 = arith.addi %broadcast_in_dim3A_313, %and3A_81 : vector<16xi32>
        %gather3A_331 = tpu.vector_load_idx %arg5[%add3A_312, %add3A_330] : memref<64x256xf32, #tpu.memory_space<vmem>>[vector<16xi32>, vector<16xi32>], vector<16xf32>,
        %add3A_332 = arith.addi %broadcast_in_dim3A_317, %add3A_167 : vector<16xi32>
        tpu.vector_store_idx %arg7[%add3A_332], %gather3A_331 : memref<16384xf32, #tpu.memory_space<vmem>>[vector<16xi32>], vector<16xf32>,
        %add3A_333 = arith.addi %broadcast_in_dim3A_313, %and3A_87 : vector<16xi32>
        %gather3A_334 = tpu.vector_load_idx %arg5[%add3A_312, %add3A_333] : memref<64x256xf32, #tpu.memory_space<vmem>>[vector<16xi32>, vector<16xi32>], vector<16xf32>,
        %add3A_335 = arith.addi %broadcast_in_dim3A_317, %add3A_171 : vector<16xi32>
        tpu.vector_store_idx %arg7[%add3A_335], %gather3A_334 : memref<16384xf32, #tpu.memory_space<vmem>>[vector<16xi32>], vector<16xf32>,
        %add3A_336 = arith.addi %broadcast_in_dim3A_313, %and3A_93 : vector<16xi32>
        %gather3A_337 = tpu.vector_load_idx %arg5[%add3A_312, %add3A_336] : memref<64x256xf32, #tpu.memory_space<vmem>>[vector<16xi32>, vector<16xi32>], vector<16xf32>,
        %add3A_338 = arith.addi %broadcast_in_dim3A_317, %add3A_175 : vector<16xi32>
        tpu.vector_store_idx %arg7[%add3A_338], %gather3A_337 : memref<16384xf32, #tpu.memory_space<vmem>>[vector<16xi32>], vector<16xf32>,
        %add3A_339 = arith.addi %broadcast_in_dim3A_313, %and3A_99 : vector<16xi32>
        %gather3A_340 = tpu.vector_load_idx %arg5[%add3A_312, %add3A_339] : memref<64x256xf32, #tpu.memory_space<vmem>>[vector<16xi32>, vector<16xi32>], vector<16xf32>,
        %add3A_341 = arith.addi %broadcast_in_dim3A_317, %add3A_179 : vector<16xi32>
        tpu.vector_store_idx %arg7[%add3A_341], %gather3A_340 : memref<16384xf32, #tpu.memory_space<vmem>>[vector<16xi32>], vector<16xf32>,
        %add3A_342 = arith.addi %broadcast_in_dim3A_313, %and3A_105 : vector<16xi32>
        %gather3A_343 = tpu.vector_load_idx %arg5[%add3A_312, %add3A_342] : memref<64x256xf32, #tpu.memory_space<vmem>>[vector<16xi32>, vector<16xi32>], vector<16xf32>,
        %add3A_344 = arith.addi %broadcast_in_dim3A_317, %add3A_183 : vector<16xi32>
        tpu.vector_store_idx %arg7[%add3A_344], %gather3A_343 : memref<16384xf32, #tpu.memory_space<vmem>>[vector<16xi32>], vector<16xf32>,
        %add3A_345 = arith.addi %broadcast_in_dim3A_313, %and3A_111 : vector<16xi32>
        %gather3A_346 = tpu.vector_load_idx %arg5[%add3A_312, %add3A_345] : memref<64x256xf32, #tpu.memory_space<vmem>>[vector<16xi32>, vector<16xi32>], vector<16xf32>,
        %add3A_347 = arith.addi %broadcast_in_dim3A_317, %add3A_187 : vector<16xi32>
        tpu.vector_store_idx %arg7[%add3A_347], %gather3A_346 : memref<16384xf32, #tpu.memory_space<vmem>>[vector<16xi32>], vector<16xf32>,
        %add3A_348 = arith.addi %broadcast_in_dim3A_313, %and3A_117 : vector<16xi32>
        %gather3A_349 = tpu.vector_load_idx %arg5[%add3A_312, %add3A_348] : memref<64x256xf32, #tpu.memory_space<vmem>>[vector<16xi32>, vector<16xi32>], vector<16xf32>,
        %add3A_350 = arith.addi %broadcast_in_dim3A_317, %add3A_191 : vector<16xi32>
        tpu.vector_store_idx %arg7[%add3A_350], %gather3A_349 : memref<16384xf32, #tpu.memory_space<vmem>>[vector<16xi32>], vector<16xf32>,
        %add3A_351 = arith.addi %broadcast_in_dim3A_313, %and3A_123 : vector<16xi32>
        %gather3A_352 = tpu.vector_load_idx %arg5[%add3A_312, %add3A_351] : memref<64x256xf32, #tpu.memory_space<vmem>>[vector<16xi32>, vector<16xi32>], vector<16xf32>,
        %add3A_353 = arith.addi %broadcast_in_dim3A_317, %add3A_195 : vector<16xi32>
        tpu.vector_store_idx %arg7[%add3A_353], %gather3A_352 : memref<16384xf32, #tpu.memory_space<vmem>>[vector<16xi32>], vector<16xf32>,
        %add3A_354 = arith.addi %broadcast_in_dim3A_313, %and3A_129 : vector<16xi32>
        %gather3A_355 = tpu.vector_load_idx %arg5[%add3A_312, %add3A_354] : memref<64x256xf32, #tpu.memory_space<vmem>>[vector<16xi32>, vector<16xi32>], vector<16xf32>,
        %add3A_356 = arith.addi %broadcast_in_dim3A_317, %add3A_199 : vector<16xi32>
        tpu.vector_store_idx %arg7[%add3A_356], %gather3A_355 : memref<16384xf32, #tpu.memory_space<vmem>>[vector<16xi32>], vector<16xf32>,
        %add3A_357 = arith.addi %broadcast_in_dim3A_313, %and3A_135 : vector<16xi32>
        %gather3A_358 = tpu.vector_load_idx %arg5[%add3A_312, %add3A_357] : memref<64x256xf32, #tpu.memory_space<vmem>>[vector<16xi32>, vector<16xi32>], vector<16xf32>,
        %add3A_359 = arith.addi %broadcast_in_dim3A_317, %add3A_203 : vector<16xi32>
        tpu.vector_store_idx %arg7[%add3A_359], %gather3A_358 : memref<16384xf32, #tpu.memory_space<vmem>>[vector<16xi32>], vector<16xf32>,
        %add3A_360 = arith.addi %broadcast_in_dim3A_313, %and3A_141 : vector<16xi32>
        %gather3A_361 = tpu.vector_load_idx %arg5[%add3A_312, %add3A_360] : memref<64x256xf32, #tpu.memory_space<vmem>>[vector<16xi32>, vector<16xi32>], vector<16xf32>,
        %add3A_362 = arith.addi %broadcast_in_dim3A_317, %add3A_207 : vector<16xi32>
        tpu.vector_store_idx %arg7[%add3A_362], %gather3A_361 : memref<16384xf32, #tpu.memory_space<vmem>>[vector<16xi32>], vector<16xf32>,
        %add3A_363 = arith.addi %broadcast_in_dim3A_313, %and3A_147 : vector<16xi32>
        %gather3A_364 = tpu.vector_load_idx %arg5[%add3A_312, %add3A_363] : memref<64x256xf32, #tpu.memory_space<vmem>>[vector<16xi32>, vector<16xi32>], vector<16xf32>,
        %add3A_365 = arith.addi %broadcast_in_dim3A_317, %add3A_211 : vector<16xi32>
        tpu.vector_store_idx %arg7[%add3A_365], %gather3A_364 : memref<16384xf32, #tpu.memory_space<vmem>>[vector<16xi32>], vector<16xf32>,
      }
      %scan3A_217 = arith.constant 8 : i32
      %dma_start3A_218 = arith.constant 0 : i32
      %dma_start3A_219 = tpu.memref_slice %arg7[%dma_start3A_218] : memref<16384xf32, #tpu.memory_space<vmem>> -> memref<4096xf32, #tpu.memory_space<vmem>>
      %dma_start3A_220 = arith.constant 63995904 : i32
      %dma_start3A_221 = tpu.memref_slice %arg4[%dma_start3A_220] : memref<64000000xf32, #tpu.memory_space<hbm>> -> memref<4096xf32, #tpu.memory_space<hbm>>
      %dma_start3A_222 = arith.constant 63995904 : i32
      %dma_start3A_223 = tpu.memref_slice %arg4[%dma_start3A_222] : memref<64000000xf32, #tpu.memory_space<hbm>> -> memref<4096xf32, #tpu.memory_space<hbm>>
      %dma_start3A_224 = arith.constant 0 : i32
      %dma_start3A_225 = tpu.memref_slice %arg7[%dma_start3A_224] : memref<16384xf32, #tpu.memory_space<vmem>> -> memref<4096xf32, #tpu.memory_space<vmem>>
      tpu.enqueue_dma source(%dma_start3A_225 : memref<4096xf32, #tpu.memory_space<vmem>>) target(%dma_start3A_223 : memref<4096xf32, #tpu.memory_space<hbm>>) target_semaphore(%arg10 : memref<!tpu.dma_semaphore, #tpu.memory_space<semaphore_mem>>)
      %dma_wait3A_226 = arith.constant 0 : i32
      %dma_wait3A_227 = tpu.memref_slice %arg7[%dma_wait3A_226] : memref<16384xf32, #tpu.memory_space<vmem>> -> memref<4096xf32, #tpu.memory_space<vmem>>
      %dma_wait3A_228 = arith.constant 63995904 : i32
      %dma_wait3A_229 = tpu.memref_slice %arg4[%dma_wait3A_228] : memref<64000000xf32, #tpu.memory_space<hbm>> -> memref<4096xf32, #tpu.memory_space<hbm>>
      %dma_wait3A_230 = arith.constant 63995904 : i32
      %dma_wait3A_231 = tpu.memref_slice %arg4[%dma_wait3A_230] : memref<64000000xf32, #tpu.memory_space<hbm>> -> memref<4096xf32, #tpu.memory_space<hbm>>
      %dma_wait3A_232 = arith.constant 0 : i32
      %dma_wait3A_233 = tpu.memref_slice %arg7[%dma_wait3A_232] : memref<16384xf32, #tpu.memory_space<vmem>> -> memref<4096xf32, #tpu.memory_space<vmem>>
      tpu.wait_dma2 semaphore(%arg10 : memref<!tpu.dma_semaphore, #tpu.memory_space<semaphore_mem>>) src(%dma_wait3A_233 : memref<4096xf32, #tpu.memory_space<vmem>>) dst(%dma_wait3A_231 : memref<4096xf32, #tpu.memory_space<hbm>>)
    } else {
    }
    return
  }
}

#map = affine_map<(d0, d1) -> (0)>
#map1 = affine_map<(d0, d1) -> (0, 0)>
module attributes {stable_mosaic.version = 14 : i64} {
  func.func @sc_gather_mean(%arg0: i32, %arg1: i32, %arg2: memref<1638400xi32, #tpu.memory_space<hbm>>, %arg3: memref<1000000x64xf32, #tpu.memory_space<hbm>>, %arg4: memref<8192x64xf32, #tpu.memory_space<hbm>>, %arg5: memref<51200xi32, #tpu.memory_space<vmem>>, %arg6: memref<200x64xf32, #tpu.memory_space<vmem>>, %arg7: memref<200x64xf32, #tpu.memory_space<vmem>>, %arg8: memref<256x64xf32, #tpu.memory_space<vmem>>, %arg9: memref<!tpu.dma_semaphore, #tpu.memory_space<semaphore_mem>>) attributes {dimension_semantics = [#tpu.dimension_semantics<core_parallel>, #tpu.dimension_semantics<subcore_parallel>], iteration_bounds = array<i64: 2, 16>, scalar_prefetch = 0 : i64, scratch_operands = 5 : i64, tpu.core_type = #tpu.core_type<sc_vector_subcore>, window_params = [{transform_indices = #map}, {transform_indices = #map1}, {transform_indices = #map1}]} {
    %mul3A = arith.constant 2 : i32
    %mul3A_0 = arith.muli %arg1, %mul3A : i32
    %add3A = arith.addi %mul3A_0, %arg0 : i32
    %mul3A_1 = arith.constant 256 : i32
    %mul3A_2 = arith.muli %add3A, %mul3A_1 : i32
    %mul3A_3 = arith.constant 200 : i32
    %mul3A_4 = arith.muli %mul3A_2, %mul3A_3 : i32
    "tpu.region"() ({
      %run_scoped3A = tpu.sem_alloc : memref<!tpu.dma_semaphore, #tpu.memory_space<semaphore_mem>>
      %dma_start3A_28 = tpu.memref_slice %arg2[%mul3A_4] : memref<1638400xi32, #tpu.memory_space<hbm>> -> memref<51200xi32, #tpu.memory_space<hbm>>
      %dma_start3A_29 = tpu.memref_slice %arg2[%mul3A_4] : memref<1638400xi32, #tpu.memory_space<hbm>> -> memref<51200xi32, #tpu.memory_space<hbm>>
      tpu.enqueue_dma source(%dma_start3A_29 : memref<51200xi32, #tpu.memory_space<hbm>>) target(%arg5 : memref<51200xi32, #tpu.memory_space<vmem>>) target_semaphore(%run_scoped3A : memref<!tpu.dma_semaphore, #tpu.memory_space<semaphore_mem>>)
      %dma_wait3A = tpu.memref_slice %arg2[%mul3A_4] : memref<1638400xi32, #tpu.memory_space<hbm>> -> memref<51200xi32, #tpu.memory_space<hbm>>
      %dma_wait3A_30 = tpu.memref_slice %arg2[%mul3A_4] : memref<1638400xi32, #tpu.memory_space<hbm>> -> memref<51200xi32, #tpu.memory_space<hbm>>
      tpu.wait_dma2 semaphore(%run_scoped3A : memref<!tpu.dma_semaphore, #tpu.memory_space<semaphore_mem>>) src(%dma_wait3A_30 : memref<51200xi32, #tpu.memory_space<hbm>>) dst(%arg5 : memref<51200xi32, #tpu.memory_space<vmem>>)
      tpu.yield
    }) : () -> ()
    %multiple_of3A = arith.constant 0 : i32
    %multiple_of3A_5 = tpu.assume_multiple %multiple_of3A, 8 : i32
    %add3A_6 = arith.constant 0 : i32
    %add3A_7 = arith.addi %multiple_of3A_5, %add3A_6 : i32
    %add3A_8 = arith.constant 128 : i32
    %add3A_9 = arith.addi %multiple_of3A_5, %add3A_8 : i32
    %dma_start3A = arith.constant 0 : i32
    %dma_start3A_10 = arith.constant 0 : i32
    %dma_start3A_11 = tpu.memref_slice %arg6[%dma_start3A, %dma_start3A_10] : memref<200x64xf32, #tpu.memory_space<vmem>> -> memref<128x64xf32, #tpu.memory_space<vmem>>
    %dma_start3A_12 = tpu.memref_slice %arg5[%add3A_7] : memref<51200xi32, #tpu.memory_space<vmem>> -> memref<128xi32, #tpu.memory_space<vmem>>
    %dma_start3A_13 = arith.constant 0 : i32
    %dma_start3A_14 = arith.constant 0 : i32
    %dma_start3A_15 = tpu.memref_slice %arg3[%dma_start3A_13, %dma_start3A_14] : memref<1000000x64xf32, #tpu.memory_space<hbm>> -> memref<1000000x64xf32, #tpu.memory_space<hbm>>
    tpu.enqueue_indirect_dma source(%dma_start3A_15 : memref<1000000x64xf32, #tpu.memory_space<hbm>>) target(%dma_start3A_11 : memref<128x64xf32, #tpu.memory_space<vmem>>) offsets(%dma_start3A_12 : memref<128xi32, #tpu.memory_space<vmem>>) semaphore(%arg9 : memref<!tpu.dma_semaphore, #tpu.memory_space<semaphore_mem>>)
    %dma_start3A_16 = arith.constant 128 : i32
    %dma_start3A_17 = arith.constant 0 : i32
    %dma_start3A_18 = tpu.memref_slice %arg6[%dma_start3A_16, %dma_start3A_17] : memref<200x64xf32, #tpu.memory_space<vmem>> -> memref<72x64xf32, #tpu.memory_space<vmem>>
    %dma_start3A_19 = tpu.memref_slice %arg5[%add3A_9] : memref<51200xi32, #tpu.memory_space<vmem>> -> memref<72xi32, #tpu.memory_space<vmem>>
    %dma_start3A_20 = arith.constant 0 : i32
    %dma_start3A_21 = arith.constant 0 : i32
    %dma_start3A_22 = tpu.memref_slice %arg3[%dma_start3A_20, %dma_start3A_21] : memref<1000000x64xf32, #tpu.memory_space<hbm>> -> memref<1000000x64xf32, #tpu.memory_space<hbm>>
    tpu.enqueue_indirect_dma source(%dma_start3A_22 : memref<1000000x64xf32, #tpu.memory_space<hbm>>) target(%dma_start3A_18 : memref<72x64xf32, #tpu.memory_space<vmem>>) offsets(%dma_start3A_19 : memref<72xi32, #tpu.memory_space<vmem>>) semaphore(%arg9 : memref<!tpu.dma_semaphore, #tpu.memory_space<semaphore_mem>>)
    %scan3A = arith.constant 0 : i32
    %scan3A_23 = arith.constant 0 : i32
    %scan3A_24 = arith.constant 128 : i32
    %scan3A_25 = arith.addi %scan3A_23, %scan3A_24 : i32
    %scan3A_26 = arith.constant 1 : i32
    scf.for %scan3A_28 = %scan3A_23 to %scan3A_25 step %scan3A_26  : i32 {
      %mul3A_29 = arith.constant 2 : i32
      %mul3A_30 = arith.muli %mul3A_29, %scan3A_28 : i32
      %add3A_31 = arith.constant 0 : i32
      %add3A_32 = arith.addi %mul3A_30, %add3A_31 : i32
      %mul3A_33 = arith.constant 200 : i32
      %mul3A_34 = arith.muli %add3A_32, %mul3A_33 : i32
      %multiple_of3A_35 = tpu.assume_multiple %mul3A_34, 8 : i32
      %add3A_36 = arith.constant 0 : i32
      %add3A_37 = arith.addi %multiple_of3A_35, %add3A_36 : i32
      %add3A_38 = arith.constant 128 : i32
      %add3A_39 = arith.addi %multiple_of3A_35, %add3A_38 : i32
      %dma_wait3A = arith.constant 0 : i32
      %dma_wait3A_40 = arith.constant 0 : i32
      %dma_wait3A_41 = tpu.memref_slice %arg6[%dma_wait3A, %dma_wait3A_40] : memref<200x64xf32, #tpu.memory_space<vmem>> -> memref<128x64xf32, #tpu.memory_space<vmem>>
      %dma_wait3A_42 = tpu.memref_slice %arg5[%add3A_37] : memref<51200xi32, #tpu.memory_space<vmem>> -> memref<128xi32, #tpu.memory_space<vmem>>
      %dma_wait3A_43 = arith.constant 0 : i32
      %dma_wait3A_44 = arith.constant 0 : i32
      %dma_wait3A_45 = tpu.memref_slice %arg3[%dma_wait3A_43, %dma_wait3A_44] : memref<1000000x64xf32, #tpu.memory_space<hbm>> -> memref<1000000x64xf32, #tpu.memory_space<hbm>>
      tpu.wait_indirect_dma semaphore(%arg9 : memref<!tpu.dma_semaphore, #tpu.memory_space<semaphore_mem>>) src(%dma_wait3A_45 : memref<1000000x64xf32, #tpu.memory_space<hbm>>) dst(%dma_wait3A_41 : memref<128x64xf32, #tpu.memory_space<vmem>>)
      %dma_wait3A_46 = arith.constant 128 : i32
      %dma_wait3A_47 = arith.constant 0 : i32
      %dma_wait3A_48 = tpu.memref_slice %arg6[%dma_wait3A_46, %dma_wait3A_47] : memref<200x64xf32, #tpu.memory_space<vmem>> -> memref<72x64xf32, #tpu.memory_space<vmem>>
      %dma_wait3A_49 = tpu.memref_slice %arg5[%add3A_39] : memref<51200xi32, #tpu.memory_space<vmem>> -> memref<72xi32, #tpu.memory_space<vmem>>
      %dma_wait3A_50 = arith.constant 0 : i32
      %dma_wait3A_51 = arith.constant 0 : i32
      %dma_wait3A_52 = tpu.memref_slice %arg3[%dma_wait3A_50, %dma_wait3A_51] : memref<1000000x64xf32, #tpu.memory_space<hbm>> -> memref<1000000x64xf32, #tpu.memory_space<hbm>>
      tpu.wait_indirect_dma semaphore(%arg9 : memref<!tpu.dma_semaphore, #tpu.memory_space<semaphore_mem>>) src(%dma_wait3A_52 : memref<1000000x64xf32, #tpu.memory_space<hbm>>) dst(%dma_wait3A_48 : memref<72x64xf32, #tpu.memory_space<vmem>>)
      %add3A_53 = arith.constant 1 : i32
      %add3A_54 = arith.addi %add3A_32, %add3A_53 : i32
      %lt3A = arith.constant 256 : i32
      %lt3A_55 = arith.cmpi slt, %add3A_54, %lt3A : i32
      %convert_element_type3A = arith.extui %lt3A_55 : i1 to i32
      %cond3A = arith.constant 0 : i32
      %cond3A_56 = arith.cmpi ne, %convert_element_type3A, %cond3A : i32
      scf.if %cond3A_56 {
        %add3A_179 = arith.constant 1 : i32
        %add3A_180 = arith.addi %add3A_32, %add3A_179 : i32
        %mul3A_181 = arith.constant 200 : i32
        %mul3A_182 = arith.muli %add3A_180, %mul3A_181 : i32
        %multiple_of3A_183 = tpu.assume_multiple %mul3A_182, 8 : i32
        %add3A_184 = arith.constant 0 : i32
        %add3A_185 = arith.addi %multiple_of3A_183, %add3A_184 : i32
        %add3A_186 = arith.constant 128 : i32
        %add3A_187 = arith.addi %multiple_of3A_183, %add3A_186 : i32
        %dma_start3A_188 = arith.constant 0 : i32
        %dma_start3A_189 = arith.constant 0 : i32
        %dma_start3A_190 = tpu.memref_slice %arg7[%dma_start3A_188, %dma_start3A_189] : memref<200x64xf32, #tpu.memory_space<vmem>> -> memref<128x64xf32, #tpu.memory_space<vmem>>
        %dma_start3A_191 = tpu.memref_slice %arg5[%add3A_185] : memref<51200xi32, #tpu.memory_space<vmem>> -> memref<128xi32, #tpu.memory_space<vmem>>
        %dma_start3A_192 = arith.constant 0 : i32
        %dma_start3A_193 = arith.constant 0 : i32
        %dma_start3A_194 = tpu.memref_slice %arg3[%dma_start3A_192, %dma_start3A_193] : memref<1000000x64xf32, #tpu.memory_space<hbm>> -> memref<1000000x64xf32, #tpu.memory_space<hbm>>
        tpu.enqueue_indirect_dma source(%dma_start3A_194 : memref<1000000x64xf32, #tpu.memory_space<hbm>>) target(%dma_start3A_190 : memref<128x64xf32, #tpu.memory_space<vmem>>) offsets(%dma_start3A_191 : memref<128xi32, #tpu.memory_space<vmem>>) semaphore(%arg9 : memref<!tpu.dma_semaphore, #tpu.memory_space<semaphore_mem>>)
        %dma_start3A_195 = arith.constant 128 : i32
        %dma_start3A_196 = arith.constant 0 : i32
        %dma_start3A_197 = tpu.memref_slice %arg7[%dma_start3A_195, %dma_start3A_196] : memref<200x64xf32, #tpu.memory_space<vmem>> -> memref<72x64xf32, #tpu.memory_space<vmem>>
        %dma_start3A_198 = tpu.memref_slice %arg5[%add3A_187] : memref<51200xi32, #tpu.memory_space<vmem>> -> memref<72xi32, #tpu.memory_space<vmem>>
        %dma_start3A_199 = arith.constant 0 : i32
        %dma_start3A_200 = arith.constant 0 : i32
        %dma_start3A_201 = tpu.memref_slice %arg3[%dma_start3A_199, %dma_start3A_200] : memref<1000000x64xf32, #tpu.memory_space<hbm>> -> memref<1000000x64xf32, #tpu.memory_space<hbm>>
        tpu.enqueue_indirect_dma source(%dma_start3A_201 : memref<1000000x64xf32, #tpu.memory_space<hbm>>) target(%dma_start3A_197 : memref<72x64xf32, #tpu.memory_space<vmem>>) offsets(%dma_start3A_198 : memref<72xi32, #tpu.memory_space<vmem>>) semaphore(%arg9 : memref<!tpu.dma_semaphore, #tpu.memory_space<semaphore_mem>>)
      } else {
      }
      %broadcast_in_dim3A = arith.constant 0.000000e+00 : f32
      %broadcast_in_dim3A_57 = vector.broadcast %broadcast_in_dim3A : f32 to vector<16xf32>
      %broadcast_in_dim3A_58 = arith.constant 0.000000e+00 : f32
      %broadcast_in_dim3A_59 = vector.broadcast %broadcast_in_dim3A_58 : f32 to vector<16xf32>
      %broadcast_in_dim3A_60 = arith.constant 0.000000e+00 : f32
      %broadcast_in_dim3A_61 = vector.broadcast %broadcast_in_dim3A_60 : f32 to vector<16xf32>
      %broadcast_in_dim3A_62 = arith.constant 0.000000e+00 : f32
      %broadcast_in_dim3A_63 = vector.broadcast %broadcast_in_dim3A_62 : f32 to vector<16xf32>
      %scan3A_64 = arith.constant 0 : i32
      %scan3A_65 = arith.constant 50 : i32
      %scan3A_66 = arith.addi %scan3A_64, %scan3A_65 : i32
      %scan3A_67 = arith.constant 1 : i32
      %scan3A_68:4 = scf.for %scan3A_179 = %scan3A_64 to %scan3A_66 step %scan3A_67 iter_args(%scan3A_180 = %broadcast_in_dim3A_57, %scan3A_181 = %broadcast_in_dim3A_59, %scan3A_182 = %broadcast_in_dim3A_61, %scan3A_183 = %broadcast_in_dim3A_63) -> (vector<16xf32>, vector<16xf32>, vector<16xf32>, vector<16xf32>)  : i32 {
        %mul3A_184 = arith.constant 4 : i32
        %mul3A_185 = arith.muli %scan3A_179, %mul3A_184 : i32
        %add3A_186 = arith.constant 0 : i32
        %add3A_187 = arith.addi %mul3A_185, %add3A_186 : i32
        %get3A = arith.index_cast %add3A_187 : i32 to index
        %get3A_188 = arith.constant 0 : index
        %get3A_189 = tpu.vector_load %arg6[%get3A, %get3A_188] {strides = array<i32>} : memref<200x64xf32, #tpu.memory_space<vmem>>, vector<1x16xf32>,
        %get3A_190 = vector.shape_cast %get3A_189 : vector<1x16xf32> to vector<16xf32>
        %add3A_191 = arith.addf %scan3A_180, %get3A_190 : vector<16xf32>
        %mul3A_192 = arith.constant 4 : i32
        %mul3A_193 = arith.muli %scan3A_179, %mul3A_192 : i32
        %add3A_194 = arith.constant 0 : i32
        %add3A_195 = arith.addi %mul3A_193, %add3A_194 : i32
        %get3A_196 = arith.index_cast %add3A_195 : i32 to index
        %get3A_197 = arith.constant 16 : index
        %get3A_198 = tpu.vector_load %arg6[%get3A_196, %get3A_197] {strides = array<i32>} : memref<200x64xf32, #tpu.memory_space<vmem>>, vector<1x16xf32>,
        %get3A_199 = vector.shape_cast %get3A_198 : vector<1x16xf32> to vector<16xf32>
        %add3A_200 = arith.addf %scan3A_181, %get3A_199 : vector<16xf32>
        %mul3A_201 = arith.constant 4 : i32
        %mul3A_202 = arith.muli %scan3A_179, %mul3A_201 : i32
        %add3A_203 = arith.constant 0 : i32
        %add3A_204 = arith.addi %mul3A_202, %add3A_203 : i32
        %get3A_205 = arith.index_cast %add3A_204 : i32 to index
        %get3A_206 = arith.constant 32 : index
        %get3A_207 = tpu.vector_load %arg6[%get3A_205, %get3A_206] {strides = array<i32>} : memref<200x64xf32, #tpu.memory_space<vmem>>, vector<1x16xf32>,
        %get3A_208 = vector.shape_cast %get3A_207 : vector<1x16xf32> to vector<16xf32>
        %add3A_209 = arith.addf %scan3A_182, %get3A_208 : vector<16xf32>
        %mul3A_210 = arith.constant 4 : i32
        %mul3A_211 = arith.muli %scan3A_179, %mul3A_210 : i32
        %add3A_212 = arith.constant 0 : i32
        %add3A_213 = arith.addi %mul3A_211, %add3A_212 : i32
        %get3A_214 = arith.index_cast %add3A_213 : i32 to index
        %get3A_215 = arith.constant 48 : index
        %get3A_216 = tpu.vector_load %arg6[%get3A_214, %get3A_215] {strides = array<i32>} : memref<200x64xf32, #tpu.memory_space<vmem>>, vector<1x16xf32>,
        %get3A_217 = vector.shape_cast %get3A_216 : vector<1x16xf32> to vector<16xf32>
        %add3A_218 = arith.addf %scan3A_183, %get3A_217 : vector<16xf32>
        %mul3A_219 = arith.constant 4 : i32
        %mul3A_220 = arith.muli %scan3A_179, %mul3A_219 : i32
        %add3A_221 = arith.constant 1 : i32
        %add3A_222 = arith.addi %mul3A_220, %add3A_221 : i32
        %get3A_223 = arith.index_cast %add3A_222 : i32 to index
        %get3A_224 = arith.constant 0 : index
        %get3A_225 = tpu.vector_load %arg6[%get3A_223, %get3A_224] {strides = array<i32>} : memref<200x64xf32, #tpu.memory_space<vmem>>, vector<1x16xf32>,
        %get3A_226 = vector.shape_cast %get3A_225 : vector<1x16xf32> to vector<16xf32>
        %add3A_227 = arith.addf %add3A_191, %get3A_226 : vector<16xf32>
        %mul3A_228 = arith.constant 4 : i32
        %mul3A_229 = arith.muli %scan3A_179, %mul3A_228 : i32
        %add3A_230 = arith.constant 1 : i32
        %add3A_231 = arith.addi %mul3A_229, %add3A_230 : i32
        %get3A_232 = arith.index_cast %add3A_231 : i32 to index
        %get3A_233 = arith.constant 16 : index
        %get3A_234 = tpu.vector_load %arg6[%get3A_232, %get3A_233] {strides = array<i32>} : memref<200x64xf32, #tpu.memory_space<vmem>>, vector<1x16xf32>,
        %get3A_235 = vector.shape_cast %get3A_234 : vector<1x16xf32> to vector<16xf32>
        %add3A_236 = arith.addf %add3A_200, %get3A_235 : vector<16xf32>
        %mul3A_237 = arith.constant 4 : i32
        %mul3A_238 = arith.muli %scan3A_179, %mul3A_237 : i32
        %add3A_239 = arith.constant 1 : i32
        %add3A_240 = arith.addi %mul3A_238, %add3A_239 : i32
        %get3A_241 = arith.index_cast %add3A_240 : i32 to index
        %get3A_242 = arith.constant 32 : index
        %get3A_243 = tpu.vector_load %arg6[%get3A_241, %get3A_242] {strides = array<i32>} : memref<200x64xf32, #tpu.memory_space<vmem>>, vector<1x16xf32>,
        %get3A_244 = vector.shape_cast %get3A_243 : vector<1x16xf32> to vector<16xf32>
        %add3A_245 = arith.addf %add3A_209, %get3A_244 : vector<16xf32>
        %mul3A_246 = arith.constant 4 : i32
        %mul3A_247 = arith.muli %scan3A_179, %mul3A_246 : i32
        %add3A_248 = arith.constant 1 : i32
        %add3A_249 = arith.addi %mul3A_247, %add3A_248 : i32
        %get3A_250 = arith.index_cast %add3A_249 : i32 to index
        %get3A_251 = arith.constant 48 : index
        %get3A_252 = tpu.vector_load %arg6[%get3A_250, %get3A_251] {strides = array<i32>} : memref<200x64xf32, #tpu.memory_space<vmem>>, vector<1x16xf32>,
        %get3A_253 = vector.shape_cast %get3A_252 : vector<1x16xf32> to vector<16xf32>
        %add3A_254 = arith.addf %add3A_218, %get3A_253 : vector<16xf32>
        %mul3A_255 = arith.constant 4 : i32
        %mul3A_256 = arith.muli %scan3A_179, %mul3A_255 : i32
        %add3A_257 = arith.constant 2 : i32
        %add3A_258 = arith.addi %mul3A_256, %add3A_257 : i32
        %get3A_259 = arith.index_cast %add3A_258 : i32 to index
        %get3A_260 = arith.constant 0 : index
        %get3A_261 = tpu.vector_load %arg6[%get3A_259, %get3A_260] {strides = array<i32>} : memref<200x64xf32, #tpu.memory_space<vmem>>, vector<1x16xf32>,
        %get3A_262 = vector.shape_cast %get3A_261 : vector<1x16xf32> to vector<16xf32>
        %add3A_263 = arith.addf %add3A_227, %get3A_262 : vector<16xf32>
        %mul3A_264 = arith.constant 4 : i32
        %mul3A_265 = arith.muli %scan3A_179, %mul3A_264 : i32
        %add3A_266 = arith.constant 2 : i32
        %add3A_267 = arith.addi %mul3A_265, %add3A_266 : i32
        %get3A_268 = arith.index_cast %add3A_267 : i32 to index
        %get3A_269 = arith.constant 16 : index
        %get3A_270 = tpu.vector_load %arg6[%get3A_268, %get3A_269] {strides = array<i32>} : memref<200x64xf32, #tpu.memory_space<vmem>>, vector<1x16xf32>,
        %get3A_271 = vector.shape_cast %get3A_270 : vector<1x16xf32> to vector<16xf32>
        %add3A_272 = arith.addf %add3A_236, %get3A_271 : vector<16xf32>
        %mul3A_273 = arith.constant 4 : i32
        %mul3A_274 = arith.muli %scan3A_179, %mul3A_273 : i32
        %add3A_275 = arith.constant 2 : i32
        %add3A_276 = arith.addi %mul3A_274, %add3A_275 : i32
        %get3A_277 = arith.index_cast %add3A_276 : i32 to index
        %get3A_278 = arith.constant 32 : index
        %get3A_279 = tpu.vector_load %arg6[%get3A_277, %get3A_278] {strides = array<i32>} : memref<200x64xf32, #tpu.memory_space<vmem>>, vector<1x16xf32>,
        %get3A_280 = vector.shape_cast %get3A_279 : vector<1x16xf32> to vector<16xf32>
        %add3A_281 = arith.addf %add3A_245, %get3A_280 : vector<16xf32>
        %mul3A_282 = arith.constant 4 : i32
        %mul3A_283 = arith.muli %scan3A_179, %mul3A_282 : i32
        %add3A_284 = arith.constant 2 : i32
        %add3A_285 = arith.addi %mul3A_283, %add3A_284 : i32
        %get3A_286 = arith.index_cast %add3A_285 : i32 to index
        %get3A_287 = arith.constant 48 : index
        %get3A_288 = tpu.vector_load %arg6[%get3A_286, %get3A_287] {strides = array<i32>} : memref<200x64xf32, #tpu.memory_space<vmem>>, vector<1x16xf32>,
        %get3A_289 = vector.shape_cast %get3A_288 : vector<1x16xf32> to vector<16xf32>
        %add3A_290 = arith.addf %add3A_254, %get3A_289 : vector<16xf32>
        %mul3A_291 = arith.constant 4 : i32
        %mul3A_292 = arith.muli %scan3A_179, %mul3A_291 : i32
        %add3A_293 = arith.constant 3 : i32
        %add3A_294 = arith.addi %mul3A_292, %add3A_293 : i32
        %get3A_295 = arith.index_cast %add3A_294 : i32 to index
        %get3A_296 = arith.constant 0 : index
        %get3A_297 = tpu.vector_load %arg6[%get3A_295, %get3A_296] {strides = array<i32>} : memref<200x64xf32, #tpu.memory_space<vmem>>, vector<1x16xf32>,
        %get3A_298 = vector.shape_cast %get3A_297 : vector<1x16xf32> to vector<16xf32>
        %add3A_299 = arith.addf %add3A_263, %get3A_298 : vector<16xf32>
        %mul3A_300 = arith.constant 4 : i32
        %mul3A_301 = arith.muli %scan3A_179, %mul3A_300 : i32
        %add3A_302 = arith.constant 3 : i32
        %add3A_303 = arith.addi %mul3A_301, %add3A_302 : i32
        %get3A_304 = arith.index_cast %add3A_303 : i32 to index
        %get3A_305 = arith.constant 16 : index
        %get3A_306 = tpu.vector_load %arg6[%get3A_304, %get3A_305] {strides = array<i32>} : memref<200x64xf32, #tpu.memory_space<vmem>>, vector<1x16xf32>,
        %get3A_307 = vector.shape_cast %get3A_306 : vector<1x16xf32> to vector<16xf32>
        %add3A_308 = arith.addf %add3A_272, %get3A_307 : vector<16xf32>
        %mul3A_309 = arith.constant 4 : i32
        %mul3A_310 = arith.muli %scan3A_179, %mul3A_309 : i32
        %add3A_311 = arith.constant 3 : i32
        %add3A_312 = arith.addi %mul3A_310, %add3A_311 : i32
        %get3A_313 = arith.index_cast %add3A_312 : i32 to index
        %get3A_314 = arith.constant 32 : index
        %get3A_315 = tpu.vector_load %arg6[%get3A_313, %get3A_314] {strides = array<i32>} : memref<200x64xf32, #tpu.memory_space<vmem>>, vector<1x16xf32>,
        %get3A_316 = vector.shape_cast %get3A_315 : vector<1x16xf32> to vector<16xf32>
        %add3A_317 = arith.addf %add3A_281, %get3A_316 : vector<16xf32>
        %mul3A_318 = arith.constant 4 : i32
        %mul3A_319 = arith.muli %scan3A_179, %mul3A_318 : i32
        %add3A_320 = arith.constant 3 : i32
        %add3A_321 = arith.addi %mul3A_319, %add3A_320 : i32
        %get3A_322 = arith.index_cast %add3A_321 : i32 to index
        %get3A_323 = arith.constant 48 : index
        %get3A_324 = tpu.vector_load %arg6[%get3A_322, %get3A_323] {strides = array<i32>} : memref<200x64xf32, #tpu.memory_space<vmem>>, vector<1x16xf32>,
        %get3A_325 = vector.shape_cast %get3A_324 : vector<1x16xf32> to vector<16xf32>
        %add3A_326 = arith.addf %add3A_290, %get3A_325 : vector<16xf32>
        scf.yield %add3A_299, %add3A_308, %add3A_317, %add3A_326 : vector<16xf32>, vector<16xf32>, vector<16xf32>, vector<16xf32>
      }
      %scan3A_69 = arith.constant 50 : i32
      %mul3A_70 = arith.constant 5.000000e-03 : f32
      %mul3A_71 = vector.broadcast %mul3A_70 : f32 to vector<16xf32>
      %mul3A_72 = arith.mulf %scan3A_68#0, %mul3A_71 : vector<16xf32>
      %swap3A = arith.index_cast %add3A_32 : i32 to index
      %swap3A_73 = arith.constant 0 : index
      %swap3A_74 = tpu.vector_load %arg8[%swap3A, %swap3A_73] {strides = array<i32>} : memref<256x64xf32, #tpu.memory_space<vmem>>, vector<1x16xf32>,
      %swap3A_75 = vector.shape_cast %swap3A_74 : vector<1x16xf32> to vector<16xf32>
      %swap3A_76 = vector.shape_cast %mul3A_72 : vector<16xf32> to vector<1x16xf32>
      tpu.vector_store %arg8[%swap3A, %swap3A_73], %swap3A_76 {strides = array<i32>} : memref<256x64xf32, #tpu.memory_space<vmem>>, vector<1x16xf32>,
      %mul3A_77 = arith.constant 5.000000e-03 : f32
      %mul3A_78 = vector.broadcast %mul3A_77 : f32 to vector<16xf32>
      %mul3A_79 = arith.mulf %scan3A_68#1, %mul3A_78 : vector<16xf32>
      %swap3A_80 = arith.index_cast %add3A_32 : i32 to index
      %swap3A_81 = arith.constant 16 : index
      %swap3A_82 = tpu.vector_load %arg8[%swap3A_80, %swap3A_81] {strides = array<i32>} : memref<256x64xf32, #tpu.memory_space<vmem>>, vector<1x16xf32>,
      %swap3A_83 = vector.shape_cast %swap3A_82 : vector<1x16xf32> to vector<16xf32>
      %swap3A_84 = vector.shape_cast %mul3A_79 : vector<16xf32> to vector<1x16xf32>
      tpu.vector_store %arg8[%swap3A_80, %swap3A_81], %swap3A_84 {strides = array<i32>} : memref<256x64xf32, #tpu.memory_space<vmem>>, vector<1x16xf32>,
      %mul3A_85 = arith.constant 5.000000e-03 : f32
      %mul3A_86 = vector.broadcast %mul3A_85 : f32 to vector<16xf32>
      %mul3A_87 = arith.mulf %scan3A_68#2, %mul3A_86 : vector<16xf32>
      %swap3A_88 = arith.index_cast %add3A_32 : i32 to index
      %swap3A_89 = arith.constant 32 : index
      %swap3A_90 = tpu.vector_load %arg8[%swap3A_88, %swap3A_89] {strides = array<i32>} : memref<256x64xf32, #tpu.memory_space<vmem>>, vector<1x16xf32>,
      %swap3A_91 = vector.shape_cast %swap3A_90 : vector<1x16xf32> to vector<16xf32>
      %swap3A_92 = vector.shape_cast %mul3A_87 : vector<16xf32> to vector<1x16xf32>
      tpu.vector_store %arg8[%swap3A_88, %swap3A_89], %swap3A_92 {strides = array<i32>} : memref<256x64xf32, #tpu.memory_space<vmem>>, vector<1x16xf32>,
      %mul3A_93 = arith.constant 5.000000e-03 : f32
      %mul3A_94 = vector.broadcast %mul3A_93 : f32 to vector<16xf32>
      %mul3A_95 = arith.mulf %scan3A_68#3, %mul3A_94 : vector<16xf32>
      %swap3A_96 = arith.index_cast %add3A_32 : i32 to index
      %swap3A_97 = arith.constant 48 : index
      %swap3A_98 = tpu.vector_load %arg8[%swap3A_96, %swap3A_97] {strides = array<i32>} : memref<256x64xf32, #tpu.memory_space<vmem>>, vector<1x16xf32>,
      %swap3A_99 = vector.shape_cast %swap3A_98 : vector<1x16xf32> to vector<16xf32>
      %swap3A_100 = vector.shape_cast %mul3A_95 : vector<16xf32> to vector<1x16xf32>
      tpu.vector_store %arg8[%swap3A_96, %swap3A_97], %swap3A_100 {strides = array<i32>} : memref<256x64xf32, #tpu.memory_space<vmem>>, vector<1x16xf32>,
      %mul3A_101 = arith.constant 2 : i32
      %mul3A_102 = arith.muli %mul3A_101, %scan3A_28 : i32
      %add3A_103 = arith.constant 1 : i32
      %add3A_104 = arith.addi %mul3A_102, %add3A_103 : i32
      %mul3A_105 = arith.constant 200 : i32
      %mul3A_106 = arith.muli %add3A_104, %mul3A_105 : i32
      %multiple_of3A_107 = tpu.assume_multiple %mul3A_106, 8 : i32
      %add3A_108 = arith.constant 0 : i32
      %add3A_109 = arith.addi %multiple_of3A_107, %add3A_108 : i32
      %add3A_110 = arith.constant 128 : i32
      %add3A_111 = arith.addi %multiple_of3A_107, %add3A_110 : i32
      %dma_wait3A_112 = arith.constant 0 : i32
      %dma_wait3A_113 = arith.constant 0 : i32
      %dma_wait3A_114 = tpu.memref_slice %arg7[%dma_wait3A_112, %dma_wait3A_113] : memref<200x64xf32, #tpu.memory_space<vmem>> -> memref<128x64xf32, #tpu.memory_space<vmem>>
      %dma_wait3A_115 = tpu.memref_slice %arg5[%add3A_109] : memref<51200xi32, #tpu.memory_space<vmem>> -> memref<128xi32, #tpu.memory_space<vmem>>
      %dma_wait3A_116 = arith.constant 0 : i32
      %dma_wait3A_117 = arith.constant 0 : i32
      %dma_wait3A_118 = tpu.memref_slice %arg3[%dma_wait3A_116, %dma_wait3A_117] : memref<1000000x64xf32, #tpu.memory_space<hbm>> -> memref<1000000x64xf32, #tpu.memory_space<hbm>>
      tpu.wait_indirect_dma semaphore(%arg9 : memref<!tpu.dma_semaphore, #tpu.memory_space<semaphore_mem>>) src(%dma_wait3A_118 : memref<1000000x64xf32, #tpu.memory_space<hbm>>) dst(%dma_wait3A_114 : memref<128x64xf32, #tpu.memory_space<vmem>>)
      %dma_wait3A_119 = arith.constant 128 : i32
      %dma_wait3A_120 = arith.constant 0 : i32
      %dma_wait3A_121 = tpu.memref_slice %arg7[%dma_wait3A_119, %dma_wait3A_120] : memref<200x64xf32, #tpu.memory_space<vmem>> -> memref<72x64xf32, #tpu.memory_space<vmem>>
      %dma_wait3A_122 = tpu.memref_slice %arg5[%add3A_111] : memref<51200xi32, #tpu.memory_space<vmem>> -> memref<72xi32, #tpu.memory_space<vmem>>
      %dma_wait3A_123 = arith.constant 0 : i32
      %dma_wait3A_124 = arith.constant 0 : i32
      %dma_wait3A_125 = tpu.memref_slice %arg3[%dma_wait3A_123, %dma_wait3A_124] : memref<1000000x64xf32, #tpu.memory_space<hbm>> -> memref<1000000x64xf32, #tpu.memory_space<hbm>>
      tpu.wait_indirect_dma semaphore(%arg9 : memref<!tpu.dma_semaphore, #tpu.memory_space<semaphore_mem>>) src(%dma_wait3A_125 : memref<1000000x64xf32, #tpu.memory_space<hbm>>) dst(%dma_wait3A_121 : memref<72x64xf32, #tpu.memory_space<vmem>>)
      %add3A_126 = arith.constant 1 : i32
      %add3A_127 = arith.addi %add3A_104, %add3A_126 : i32
      %lt3A_128 = arith.constant 256 : i32
      %lt3A_129 = arith.cmpi slt, %add3A_127, %lt3A_128 : i32
      %convert_element_type3A_130 = arith.extui %lt3A_129 : i1 to i32
      %cond3A_131 = arith.constant 0 : i32
      %cond3A_132 = arith.cmpi ne, %convert_element_type3A_130, %cond3A_131 : i32
      scf.if %cond3A_132 {
        %add3A_179 = arith.constant 1 : i32
        %add3A_180 = arith.addi %add3A_104, %add3A_179 : i32
        %mul3A_181 = arith.constant 200 : i32
        %mul3A_182 = arith.muli %add3A_180, %mul3A_181 : i32
        %multiple_of3A_183 = tpu.assume_multiple %mul3A_182, 8 : i32
        %add3A_184 = arith.constant 0 : i32
        %add3A_185 = arith.addi %multiple_of3A_183, %add3A_184 : i32
        %add3A_186 = arith.constant 128 : i32
        %add3A_187 = arith.addi %multiple_of3A_183, %add3A_186 : i32
        %dma_start3A_188 = arith.constant 0 : i32
        %dma_start3A_189 = arith.constant 0 : i32
        %dma_start3A_190 = tpu.memref_slice %arg6[%dma_start3A_188, %dma_start3A_189] : memref<200x64xf32, #tpu.memory_space<vmem>> -> memref<128x64xf32, #tpu.memory_space<vmem>>
        %dma_start3A_191 = tpu.memref_slice %arg5[%add3A_185] : memref<51200xi32, #tpu.memory_space<vmem>> -> memref<128xi32, #tpu.memory_space<vmem>>
        %dma_start3A_192 = arith.constant 0 : i32
        %dma_start3A_193 = arith.constant 0 : i32
        %dma_start3A_194 = tpu.memref_slice %arg3[%dma_start3A_192, %dma_start3A_193] : memref<1000000x64xf32, #tpu.memory_space<hbm>> -> memref<1000000x64xf32, #tpu.memory_space<hbm>>
        tpu.enqueue_indirect_dma source(%dma_start3A_194 : memref<1000000x64xf32, #tpu.memory_space<hbm>>) target(%dma_start3A_190 : memref<128x64xf32, #tpu.memory_space<vmem>>) offsets(%dma_start3A_191 : memref<128xi32, #tpu.memory_space<vmem>>) semaphore(%arg9 : memref<!tpu.dma_semaphore, #tpu.memory_space<semaphore_mem>>)
        %dma_start3A_195 = arith.constant 128 : i32
        %dma_start3A_196 = arith.constant 0 : i32
        %dma_start3A_197 = tpu.memref_slice %arg6[%dma_start3A_195, %dma_start3A_196] : memref<200x64xf32, #tpu.memory_space<vmem>> -> memref<72x64xf32, #tpu.memory_space<vmem>>
        %dma_start3A_198 = tpu.memref_slice %arg5[%add3A_187] : memref<51200xi32, #tpu.memory_space<vmem>> -> memref<72xi32, #tpu.memory_space<vmem>>
        %dma_start3A_199 = arith.constant 0 : i32
        %dma_start3A_200 = arith.constant 0 : i32
        %dma_start3A_201 = tpu.memref_slice %arg3[%dma_start3A_199, %dma_start3A_200] : memref<1000000x64xf32, #tpu.memory_space<hbm>> -> memref<1000000x64xf32, #tpu.memory_space<hbm>>
        tpu.enqueue_indirect_dma source(%dma_start3A_201 : memref<1000000x64xf32, #tpu.memory_space<hbm>>) target(%dma_start3A_197 : memref<72x64xf32, #tpu.memory_space<vmem>>) offsets(%dma_start3A_198 : memref<72xi32, #tpu.memory_space<vmem>>) semaphore(%arg9 : memref<!tpu.dma_semaphore, #tpu.memory_space<semaphore_mem>>)
      } else {
      }
      %broadcast_in_dim3A_133 = arith.constant 0.000000e+00 : f32
      %broadcast_in_dim3A_134 = vector.broadcast %broadcast_in_dim3A_133 : f32 to vector<16xf32>
      %broadcast_in_dim3A_135 = arith.constant 0.000000e+00 : f32
      %broadcast_in_dim3A_136 = vector.broadcast %broadcast_in_dim3A_135 : f32 to vector<16xf32>
      %broadcast_in_dim3A_137 = arith.constant 0.000000e+00 : f32
      %broadcast_in_dim3A_138 = vector.broadcast %broadcast_in_dim3A_137 : f32 to vector<16xf32>
      %broadcast_in_dim3A_139 = arith.constant 0.000000e+00 : f32
      %broadcast_in_dim3A_140 = vector.broadcast %broadcast_in_dim3A_139 : f32 to vector<16xf32>
      %scan3A_141 = arith.constant 0 : i32
      %scan3A_142 = arith.constant 50 : i32
      %scan3A_143 = arith.addi %scan3A_141, %scan3A_142 : i32
      %scan3A_144 = arith.constant 1 : i32
      %scan3A_145:4 = scf.for %scan3A_179 = %scan3A_141 to %scan3A_143 step %scan3A_144 iter_args(%scan3A_180 = %broadcast_in_dim3A_134, %scan3A_181 = %broadcast_in_dim3A_136, %scan3A_182 = %broadcast_in_dim3A_138, %scan3A_183 = %broadcast_in_dim3A_140) -> (vector<16xf32>, vector<16xf32>, vector<16xf32>, vector<16xf32>)  : i32 {
        %mul3A_184 = arith.constant 4 : i32
        %mul3A_185 = arith.muli %scan3A_179, %mul3A_184 : i32
        %add3A_186 = arith.constant 0 : i32
        %add3A_187 = arith.addi %mul3A_185, %add3A_186 : i32
        %get3A = arith.index_cast %add3A_187 : i32 to index
        %get3A_188 = arith.constant 0 : index
        %get3A_189 = tpu.vector_load %arg7[%get3A, %get3A_188] {strides = array<i32>} : memref<200x64xf32, #tpu.memory_space<vmem>>, vector<1x16xf32>,
        %get3A_190 = vector.shape_cast %get3A_189 : vector<1x16xf32> to vector<16xf32>
        %add3A_191 = arith.addf %scan3A_180, %get3A_190 : vector<16xf32>
        %mul3A_192 = arith.constant 4 : i32
        %mul3A_193 = arith.muli %scan3A_179, %mul3A_192 : i32
        %add3A_194 = arith.constant 0 : i32
        %add3A_195 = arith.addi %mul3A_193, %add3A_194 : i32
        %get3A_196 = arith.index_cast %add3A_195 : i32 to index
        %get3A_197 = arith.constant 16 : index
        %get3A_198 = tpu.vector_load %arg7[%get3A_196, %get3A_197] {strides = array<i32>} : memref<200x64xf32, #tpu.memory_space<vmem>>, vector<1x16xf32>,
        %get3A_199 = vector.shape_cast %get3A_198 : vector<1x16xf32> to vector<16xf32>
        %add3A_200 = arith.addf %scan3A_181, %get3A_199 : vector<16xf32>
        %mul3A_201 = arith.constant 4 : i32
        %mul3A_202 = arith.muli %scan3A_179, %mul3A_201 : i32
        %add3A_203 = arith.constant 0 : i32
        %add3A_204 = arith.addi %mul3A_202, %add3A_203 : i32
        %get3A_205 = arith.index_cast %add3A_204 : i32 to index
        %get3A_206 = arith.constant 32 : index
        %get3A_207 = tpu.vector_load %arg7[%get3A_205, %get3A_206] {strides = array<i32>} : memref<200x64xf32, #tpu.memory_space<vmem>>, vector<1x16xf32>,
        %get3A_208 = vector.shape_cast %get3A_207 : vector<1x16xf32> to vector<16xf32>
        %add3A_209 = arith.addf %scan3A_182, %get3A_208 : vector<16xf32>
        %mul3A_210 = arith.constant 4 : i32
        %mul3A_211 = arith.muli %scan3A_179, %mul3A_210 : i32
        %add3A_212 = arith.constant 0 : i32
        %add3A_213 = arith.addi %mul3A_211, %add3A_212 : i32
        %get3A_214 = arith.index_cast %add3A_213 : i32 to index
        %get3A_215 = arith.constant 48 : index
        %get3A_216 = tpu.vector_load %arg7[%get3A_214, %get3A_215] {strides = array<i32>} : memref<200x64xf32, #tpu.memory_space<vmem>>, vector<1x16xf32>,
        %get3A_217 = vector.shape_cast %get3A_216 : vector<1x16xf32> to vector<16xf32>
        %add3A_218 = arith.addf %scan3A_183, %get3A_217 : vector<16xf32>
        %mul3A_219 = arith.constant 4 : i32
        %mul3A_220 = arith.muli %scan3A_179, %mul3A_219 : i32
        %add3A_221 = arith.constant 1 : i32
        %add3A_222 = arith.addi %mul3A_220, %add3A_221 : i32
        %get3A_223 = arith.index_cast %add3A_222 : i32 to index
        %get3A_224 = arith.constant 0 : index
        %get3A_225 = tpu.vector_load %arg7[%get3A_223, %get3A_224] {strides = array<i32>} : memref<200x64xf32, #tpu.memory_space<vmem>>, vector<1x16xf32>,
        %get3A_226 = vector.shape_cast %get3A_225 : vector<1x16xf32> to vector<16xf32>
        %add3A_227 = arith.addf %add3A_191, %get3A_226 : vector<16xf32>
        %mul3A_228 = arith.constant 4 : i32
        %mul3A_229 = arith.muli %scan3A_179, %mul3A_228 : i32
        %add3A_230 = arith.constant 1 : i32
        %add3A_231 = arith.addi %mul3A_229, %add3A_230 : i32
        %get3A_232 = arith.index_cast %add3A_231 : i32 to index
        %get3A_233 = arith.constant 16 : index
        %get3A_234 = tpu.vector_load %arg7[%get3A_232, %get3A_233] {strides = array<i32>} : memref<200x64xf32, #tpu.memory_space<vmem>>, vector<1x16xf32>,
        %get3A_235 = vector.shape_cast %get3A_234 : vector<1x16xf32> to vector<16xf32>
        %add3A_236 = arith.addf %add3A_200, %get3A_235 : vector<16xf32>
        %mul3A_237 = arith.constant 4 : i32
        %mul3A_238 = arith.muli %scan3A_179, %mul3A_237 : i32
        %add3A_239 = arith.constant 1 : i32
        %add3A_240 = arith.addi %mul3A_238, %add3A_239 : i32
        %get3A_241 = arith.index_cast %add3A_240 : i32 to index
        %get3A_242 = arith.constant 32 : index
        %get3A_243 = tpu.vector_load %arg7[%get3A_241, %get3A_242] {strides = array<i32>} : memref<200x64xf32, #tpu.memory_space<vmem>>, vector<1x16xf32>,
        %get3A_244 = vector.shape_cast %get3A_243 : vector<1x16xf32> to vector<16xf32>
        %add3A_245 = arith.addf %add3A_209, %get3A_244 : vector<16xf32>
        %mul3A_246 = arith.constant 4 : i32
        %mul3A_247 = arith.muli %scan3A_179, %mul3A_246 : i32
        %add3A_248 = arith.constant 1 : i32
        %add3A_249 = arith.addi %mul3A_247, %add3A_248 : i32
        %get3A_250 = arith.index_cast %add3A_249 : i32 to index
        %get3A_251 = arith.constant 48 : index
        %get3A_252 = tpu.vector_load %arg7[%get3A_250, %get3A_251] {strides = array<i32>} : memref<200x64xf32, #tpu.memory_space<vmem>>, vector<1x16xf32>,
        %get3A_253 = vector.shape_cast %get3A_252 : vector<1x16xf32> to vector<16xf32>
        %add3A_254 = arith.addf %add3A_218, %get3A_253 : vector<16xf32>
        %mul3A_255 = arith.constant 4 : i32
        %mul3A_256 = arith.muli %scan3A_179, %mul3A_255 : i32
        %add3A_257 = arith.constant 2 : i32
        %add3A_258 = arith.addi %mul3A_256, %add3A_257 : i32
        %get3A_259 = arith.index_cast %add3A_258 : i32 to index
        %get3A_260 = arith.constant 0 : index
        %get3A_261 = tpu.vector_load %arg7[%get3A_259, %get3A_260] {strides = array<i32>} : memref<200x64xf32, #tpu.memory_space<vmem>>, vector<1x16xf32>,
        %get3A_262 = vector.shape_cast %get3A_261 : vector<1x16xf32> to vector<16xf32>
        %add3A_263 = arith.addf %add3A_227, %get3A_262 : vector<16xf32>
        %mul3A_264 = arith.constant 4 : i32
        %mul3A_265 = arith.muli %scan3A_179, %mul3A_264 : i32
        %add3A_266 = arith.constant 2 : i32
        %add3A_267 = arith.addi %mul3A_265, %add3A_266 : i32
        %get3A_268 = arith.index_cast %add3A_267 : i32 to index
        %get3A_269 = arith.constant 16 : index
        %get3A_270 = tpu.vector_load %arg7[%get3A_268, %get3A_269] {strides = array<i32>} : memref<200x64xf32, #tpu.memory_space<vmem>>, vector<1x16xf32>,
        %get3A_271 = vector.shape_cast %get3A_270 : vector<1x16xf32> to vector<16xf32>
        %add3A_272 = arith.addf %add3A_236, %get3A_271 : vector<16xf32>
        %mul3A_273 = arith.constant 4 : i32
        %mul3A_274 = arith.muli %scan3A_179, %mul3A_273 : i32
        %add3A_275 = arith.constant 2 : i32
        %add3A_276 = arith.addi %mul3A_274, %add3A_275 : i32
        %get3A_277 = arith.index_cast %add3A_276 : i32 to index
        %get3A_278 = arith.constant 32 : index
        %get3A_279 = tpu.vector_load %arg7[%get3A_277, %get3A_278] {strides = array<i32>} : memref<200x64xf32, #tpu.memory_space<vmem>>, vector<1x16xf32>,
        %get3A_280 = vector.shape_cast %get3A_279 : vector<1x16xf32> to vector<16xf32>
        %add3A_281 = arith.addf %add3A_245, %get3A_280 : vector<16xf32>
        %mul3A_282 = arith.constant 4 : i32
        %mul3A_283 = arith.muli %scan3A_179, %mul3A_282 : i32
        %add3A_284 = arith.constant 2 : i32
        %add3A_285 = arith.addi %mul3A_283, %add3A_284 : i32
        %get3A_286 = arith.index_cast %add3A_285 : i32 to index
        %get3A_287 = arith.constant 48 : index
        %get3A_288 = tpu.vector_load %arg7[%get3A_286, %get3A_287] {strides = array<i32>} : memref<200x64xf32, #tpu.memory_space<vmem>>, vector<1x16xf32>,
        %get3A_289 = vector.shape_cast %get3A_288 : vector<1x16xf32> to vector<16xf32>
        %add3A_290 = arith.addf %add3A_254, %get3A_289 : vector<16xf32>
        %mul3A_291 = arith.constant 4 : i32
        %mul3A_292 = arith.muli %scan3A_179, %mul3A_291 : i32
        %add3A_293 = arith.constant 3 : i32
        %add3A_294 = arith.addi %mul3A_292, %add3A_293 : i32
        %get3A_295 = arith.index_cast %add3A_294 : i32 to index
        %get3A_296 = arith.constant 0 : index
        %get3A_297 = tpu.vector_load %arg7[%get3A_295, %get3A_296] {strides = array<i32>} : memref<200x64xf32, #tpu.memory_space<vmem>>, vector<1x16xf32>,
        %get3A_298 = vector.shape_cast %get3A_297 : vector<1x16xf32> to vector<16xf32>
        %add3A_299 = arith.addf %add3A_263, %get3A_298 : vector<16xf32>
        %mul3A_300 = arith.constant 4 : i32
        %mul3A_301 = arith.muli %scan3A_179, %mul3A_300 : i32
        %add3A_302 = arith.constant 3 : i32
        %add3A_303 = arith.addi %mul3A_301, %add3A_302 : i32
        %get3A_304 = arith.index_cast %add3A_303 : i32 to index
        %get3A_305 = arith.constant 16 : index
        %get3A_306 = tpu.vector_load %arg7[%get3A_304, %get3A_305] {strides = array<i32>} : memref<200x64xf32, #tpu.memory_space<vmem>>, vector<1x16xf32>,
        %get3A_307 = vector.shape_cast %get3A_306 : vector<1x16xf32> to vector<16xf32>
        %add3A_308 = arith.addf %add3A_272, %get3A_307 : vector<16xf32>
        %mul3A_309 = arith.constant 4 : i32
        %mul3A_310 = arith.muli %scan3A_179, %mul3A_309 : i32
        %add3A_311 = arith.constant 3 : i32
        %add3A_312 = arith.addi %mul3A_310, %add3A_311 : i32
        %get3A_313 = arith.index_cast %add3A_312 : i32 to index
        %get3A_314 = arith.constant 32 : index
        %get3A_315 = tpu.vector_load %arg7[%get3A_313, %get3A_314] {strides = array<i32>} : memref<200x64xf32, #tpu.memory_space<vmem>>, vector<1x16xf32>,
        %get3A_316 = vector.shape_cast %get3A_315 : vector<1x16xf32> to vector<16xf32>
        %add3A_317 = arith.addf %add3A_281, %get3A_316 : vector<16xf32>
        %mul3A_318 = arith.constant 4 : i32
        %mul3A_319 = arith.muli %scan3A_179, %mul3A_318 : i32
        %add3A_320 = arith.constant 3 : i32
        %add3A_321 = arith.addi %mul3A_319, %add3A_320 : i32
        %get3A_322 = arith.index_cast %add3A_321 : i32 to index
        %get3A_323 = arith.constant 48 : index
        %get3A_324 = tpu.vector_load %arg7[%get3A_322, %get3A_323] {strides = array<i32>} : memref<200x64xf32, #tpu.memory_space<vmem>>, vector<1x16xf32>,
        %get3A_325 = vector.shape_cast %get3A_324 : vector<1x16xf32> to vector<16xf32>
        %add3A_326 = arith.addf %add3A_290, %get3A_325 : vector<16xf32>
        scf.yield %add3A_299, %add3A_308, %add3A_317, %add3A_326 : vector<16xf32>, vector<16xf32>, vector<16xf32>, vector<16xf32>
      }
      %scan3A_146 = arith.constant 50 : i32
      %mul3A_147 = arith.constant 5.000000e-03 : f32
      %mul3A_148 = vector.broadcast %mul3A_147 : f32 to vector<16xf32>
      %mul3A_149 = arith.mulf %scan3A_145#0, %mul3A_148 : vector<16xf32>
      %swap3A_150 = arith.index_cast %add3A_104 : i32 to index
      %swap3A_151 = arith.constant 0 : index
      %swap3A_152 = tpu.vector_load %arg8[%swap3A_150, %swap3A_151] {strides = array<i32>} : memref<256x64xf32, #tpu.memory_space<vmem>>, vector<1x16xf32>,
      %swap3A_153 = vector.shape_cast %swap3A_152 : vector<1x16xf32> to vector<16xf32>
      %swap3A_154 = vector.shape_cast %mul3A_149 : vector<16xf32> to vector<1x16xf32>
      tpu.vector_store %arg8[%swap3A_150, %swap3A_151], %swap3A_154 {strides = array<i32>} : memref<256x64xf32, #tpu.memory_space<vmem>>, vector<1x16xf32>,
      %mul3A_155 = arith.constant 5.000000e-03 : f32
      %mul3A_156 = vector.broadcast %mul3A_155 : f32 to vector<16xf32>
      %mul3A_157 = arith.mulf %scan3A_145#1, %mul3A_156 : vector<16xf32>
      %swap3A_158 = arith.index_cast %add3A_104 : i32 to index
      %swap3A_159 = arith.constant 16 : index
      %swap3A_160 = tpu.vector_load %arg8[%swap3A_158, %swap3A_159] {strides = array<i32>} : memref<256x64xf32, #tpu.memory_space<vmem>>, vector<1x16xf32>,
      %swap3A_161 = vector.shape_cast %swap3A_160 : vector<1x16xf32> to vector<16xf32>
      %swap3A_162 = vector.shape_cast %mul3A_157 : vector<16xf32> to vector<1x16xf32>
      tpu.vector_store %arg8[%swap3A_158, %swap3A_159], %swap3A_162 {strides = array<i32>} : memref<256x64xf32, #tpu.memory_space<vmem>>, vector<1x16xf32>,
      %mul3A_163 = arith.constant 5.000000e-03 : f32
      %mul3A_164 = vector.broadcast %mul3A_163 : f32 to vector<16xf32>
      %mul3A_165 = arith.mulf %scan3A_145#2, %mul3A_164 : vector<16xf32>
      %swap3A_166 = arith.index_cast %add3A_104 : i32 to index
      %swap3A_167 = arith.constant 32 : index
      %swap3A_168 = tpu.vector_load %arg8[%swap3A_166, %swap3A_167] {strides = array<i32>} : memref<256x64xf32, #tpu.memory_space<vmem>>, vector<1x16xf32>,
      %swap3A_169 = vector.shape_cast %swap3A_168 : vector<1x16xf32> to vector<16xf32>
      %swap3A_170 = vector.shape_cast %mul3A_165 : vector<16xf32> to vector<1x16xf32>
      tpu.vector_store %arg8[%swap3A_166, %swap3A_167], %swap3A_170 {strides = array<i32>} : memref<256x64xf32, #tpu.memory_space<vmem>>, vector<1x16xf32>,
      %mul3A_171 = arith.constant 5.000000e-03 : f32
      %mul3A_172 = vector.broadcast %mul3A_171 : f32 to vector<16xf32>
      %mul3A_173 = arith.mulf %scan3A_145#3, %mul3A_172 : vector<16xf32>
      %swap3A_174 = arith.index_cast %add3A_104 : i32 to index
      %swap3A_175 = arith.constant 48 : index
      %swap3A_176 = tpu.vector_load %arg8[%swap3A_174, %swap3A_175] {strides = array<i32>} : memref<256x64xf32, #tpu.memory_space<vmem>>, vector<1x16xf32>,
      %swap3A_177 = vector.shape_cast %swap3A_176 : vector<1x16xf32> to vector<16xf32>
      %swap3A_178 = vector.shape_cast %mul3A_173 : vector<16xf32> to vector<1x16xf32>
      tpu.vector_store %arg8[%swap3A_174, %swap3A_175], %swap3A_178 {strides = array<i32>} : memref<256x64xf32, #tpu.memory_space<vmem>>, vector<1x16xf32>,
    }
    %scan3A_27 = arith.constant 128 : i32
    "tpu.region"() ({
      %run_scoped3A = tpu.sem_alloc : memref<!tpu.dma_semaphore, #tpu.memory_space<semaphore_mem>>
      %dma_start3A_28 = arith.constant 0 : i32
      %dma_start3A_29 = tpu.memref_slice %arg4[%mul3A_2, %dma_start3A_28] : memref<8192x64xf32, #tpu.memory_space<hbm>> -> memref<256x64xf32, #tpu.memory_space<hbm>>
      %dma_start3A_30 = arith.constant 0 : i32
      %dma_start3A_31 = tpu.memref_slice %arg4[%mul3A_2, %dma_start3A_30] : memref<8192x64xf32, #tpu.memory_space<hbm>> -> memref<256x64xf32, #tpu.memory_space<hbm>>
      tpu.enqueue_dma source(%arg8 : memref<256x64xf32, #tpu.memory_space<vmem>>) target(%dma_start3A_31 : memref<256x64xf32, #tpu.memory_space<hbm>>) target_semaphore(%run_scoped3A : memref<!tpu.dma_semaphore, #tpu.memory_space<semaphore_mem>>)
      %dma_wait3A = arith.constant 0 : i32
      %dma_wait3A_32 = tpu.memref_slice %arg4[%mul3A_2, %dma_wait3A] : memref<8192x64xf32, #tpu.memory_space<hbm>> -> memref<256x64xf32, #tpu.memory_space<hbm>>
      %dma_wait3A_33 = arith.constant 0 : i32
      %dma_wait3A_34 = tpu.memref_slice %arg4[%mul3A_2, %dma_wait3A_33] : memref<8192x64xf32, #tpu.memory_space<hbm>> -> memref<256x64xf32, #tpu.memory_space<hbm>>
      tpu.wait_dma2 semaphore(%run_scoped3A : memref<!tpu.dma_semaphore, #tpu.memory_space<semaphore_mem>>) src(%arg8 : memref<256x64xf32, #tpu.memory_space<vmem>>) dst(%dma_wait3A_34 : memref<256x64xf32, #tpu.memory_space<hbm>>)
      tpu.yield
    }) : () -> ()
    return
  }
}

</mosaic_0001>

<sc_bundles>
// kernel: sc_gather_mean.3.cloned.1.call-start
scs
__scs_entry_jumppad:
0x0: {  	(pc) =	sbr.rel $0x88, $3  }
0x1: {  	(tag) =	ssettag $0x0;
	lr =	simm.s32 $0x1  }
0x2: {  	[smem:$0x3F9F] =	sst lr;
	_ =	strace $0xD0000000  }
0x3: {  	_ = 	snop  }
0x4: {  	_ = 	snop  }
0x5: {  	_ = 	snop  }
0x6: {  	_ = 	snop  }
0x7: {  	_ = 	snop  }
__scs_overlays_trampoline_lowered:
0x8: {  	[smem:$0x3FAE] =	sst s0  }
0x9: {  	[smem:$0x3FAF] =	sst s1  }
0xa: {  	[smem:$0x3FB0] =	sst s2  }
0xb: {  	[smem:$0x3FB1] =	sst s3  }
0xc: {  	[smem:$0x3FB2] =	sst s4  }
0xd: {  	[smem:$0x3FB3] =	sst s5  }
0xe: {  	[smem:$0x3FB4] =	sst s6  }
0xf: {  	[smem:$0x3FB5] =	sst s7  }
0x10: {  	[smem:$0x3FB6] =	sst s8  }
0x11: {  	[smem:$0x3FB7] =	sst s9;
	s0 =	simm.s32 @!p0 $0x0  }
0x12: {  	s1 =	sld [smem:$0x3F9D];
	s0 =	simm.s32 @p0 $0x1  }
0x13: {  	[smem:$0x3FB8] =	sst s0;
	s0 =	simm.s32 @!p1 $0x0  }
0x14: {  	s2 =	sld [smem:$0x3F9C];
	s0 =	simm.s32 @p1 $0x1  }
0x15: {  	[smem:$0x3FB9] =	sst s0;
	s0 =	simm.s32 @!p2 $0x0  }
0x16: {  	s3 =	sld [smem:$0x3FDB];
	s0 =	simm.s32 @p2 $0x1  }
0x17: {  	s4 =	simm.s32 $0x1BF5;
	[smem:$0x3FBB] =	sst s0  }
0x18: {  	s0 =	sld [smem:$0x3F9E];
	_ =	swait.ge [sflag:s4], $0x0  }
0x19: {  	s7 =	sld [smem:$0x3F9F]  }
0x1a: {  	s8 =	sadd.s32 $0xFFFFE003, lr  }
0x1b: {  	s9 =	sadd.s32 $0xFFFFFEF7, lr;
	s5 =	simm.s32 $0xFFFFFFFF;
	p2 =	slt.u32 s8, $0xFFFFF086  }
0x1c: {  	p1 =	slt.u32 s9, $0xF7A;
	s5 =	simm.s32 @!p2 $0x0  }
0x1d: {  	s5 =	simm.s32 @p1 $0x1;
	p0 =	seq.s32 s7, s2  }
0x1e: {  	s7 =	smul.u32 @!p0 $0xF7A, s2;
	p2 =	seq.s32 @!p0 s5, $0x0  }
0x1f: {  	s9 =	smul.u32 $0xF7A, s1;
	s8 =	simm.s32 @!p0 $0x1BF5;
	p2 =	por !p2, p0  }
0x20: {  	[sflag:s8] =	ssyncset.s32 @!p0 $0xFFFFF086;
	s6 =	sadd.s32 @!p0 s3, s7;
	s7 =	simm.s32 @!p0 $0x108  }
0x21: {  	s3 =	sadd.s32 s3, s9;
	s6 =	sadd.s32 @!p0 $0x88, s6;
	s7 =	simm.s32 @p2 $0x1082  }
0x22: {  	[simem:s7], [sflag:s8] =	dma.local @!p0 [hbm:s6], $0xF7A  }
0x23: {  	s9 =	sor.u32 $0xD0000000, s2;
	s6 =	simm.s32 $0x108;
	_ =	swait.ge @!p0 [sflag:s8], $0x0  }
0x24: {  	s3 =	sadd.s32 $0x88, s3;
	s6 =	simm.s32 @!p1 $0x1082;
	[sflag:s4] =	ssyncset.s32 $0xFFFFF086  }
0x25: {  	[simem:s6], [sflag:s4] =	dma.local [hbm:s3], $0xF7A  }
0x26: {  	[smem:$0x3F9F] =	sst s1;
	(tag) =	ssettag s2;
	_ =	strace s9  }
0x27: {  	s1 =	sld [smem:$0x3FAF]  }
0x28: {  	s2 =	sld [smem:$0x3FB0]  }
0x29: {  	s4 =	sld [smem:$0x3FB2]  }
0x2a: {  	p0 =	seq.s32 s5, $0x0;
	s5 =	sld [smem:$0x3FB3]  }
0x2b: {  	s6 =	sld [smem:$0x3FB4]  }
0x2c: {  	s7 =	sld [smem:$0x3FB5]  }
0x2d: {  	s3 =	simm.s32 $0x108;
	s8 =	sld [smem:$0x3FB6]  }
0x2e: {  	s3 =	simm.s32 @!p0 $0x1082;
	s9 =	sld [smem:$0x3FB7]  }
0x2f: {  	lr =	sadd.s32 s0, s3;
	s0 =	sld [smem:$0x3FAE]  }
0x30: {  	s3 =	sld [smem:$0x3FB1]  }
0x31: {  	[smem:$0x3FBA] =	sst s10  }
0x32: {  	s10 =	sld [smem:$0x3FB8];
	_ =	sdelay $0x3  }
0x33: {  	p0 =	seq.s32 s10, $0x1;
	s10 =	sld [smem:$0x3FBA];
	_ =	sdelay $0x3  }
0x34: {  	[smem:$0x3FBA] =	sst s10  }
0x35: {  	s10 =	sld [smem:$0x3FB9];
	_ =	sdelay $0x3  }
0x36: {  	p1 =	seq.s32 s10, $0x1;
	s10 =	sld [smem:$0x3FBA];
	_ =	sdelay $0x3  }
0x37: {  	[smem:$0x3FBA] =	sst s10  }
0x38: {  	s10 =	sld [smem:$0x3FBB]  }
0x39: {  	_ = 	snop;
	(pc) =	sbr.ind lr, $3  }
0x3a: {  	_ = 	snop  }
0x3b: {  	_ = 	snop  }
0x3c: {  	p2 =	seq.s32 s10, $0x1;
	s10 =	sld [smem:$0x3FBA]  }
0x3d: {  	_ =	shalt  }
0x3e: {  	_ =	shalt  }
0x3f: {  	_ =	shalt  }
0x40: {  	_ =	shalt  }
0x41: {  	_ =	shalt  }
0x42: {  	_ =	shalt  }
0x43: {  	_ =	shalt  }
0x44: {  	_ =	shalt  }
0x45: {  	_ =	shalt  }
0x46: {  	_ =	shalt  }
0x47: {  	_ =	shalt  }
0x48: {  	_ =	shalt  }
0x49: {  	_ =	shalt  }
0x4a: {  	_ =	shalt  }
0x4b: {  	_ =	shalt  }
0x4c: {  	_ =	shalt  }
0x4d: {  	_ =	shalt  }
0x4e: {  	_ =	shalt  }
0x4f: {  	_ =	shalt  }
0x50: {  	_ =	shalt  }
0x51: {  	_ =	shalt  }
0x52: {  	_ =	shalt  }
0x53: {  	_ =	shalt  }
0x54: {  	_ =	shalt  }
0x55: {  	_ =	shalt  }
0x56: {  	_ =	shalt  }
0x57: {  	_ =	shalt  }
0x58: {  	_ =	shalt  }
0x59: {  	_ =	shalt  }
0x5a: {  	_ =	shalt  }
0x5b: {  	_ =	shalt  }
0x5c: {  	_ =	shalt  }
0x5d: {  	_ =	shalt  }
0x5e: {  	_ =	shalt  }
0x5f: {  	_ =	shalt  }
0x60: {  	_ =	shalt  }
0x61: {  	_ =	shalt  }
0x62: {  	_ =	shalt  }
0x63: {  	_ =	shalt  }
0x64: {  	_ =	shalt  }
0x65: {  	_ =	shalt  }
0x66: {  	_ =	shalt  }
0x67: {  	_ =	shalt  }
0x68: {  	_ =	shalt  }
0x69: {  	_ =	shalt  }
0x6a: {  	_ =	shalt  }
0x6b: {  	_ =	shalt  }
0x6c: {  	_ =	shalt  }
0x6d: {  	_ =	shalt  }
0x6e: {  	_ =	shalt  }
0x6f: {  	_ =	shalt  }
0x70: {  	_ =	shalt  }
0x71: {  	_ =	shalt  }
0x72: {  	_ =	shalt  }
0x73: {  	_ =	shalt  }
0x74: {  	_ =	shalt  }
0x75: {  	_ =	shalt  }
0x76: {  	_ =	shalt  }
0x77: {  	_ =	shalt  }
0x78: {  	_ =	shalt  }
0x79: {  	_ =	shalt  }
0x7a: {  	_ =	shalt  }
0x7b: {  	_ =	shalt  }
0x7c: {  	_ =	shalt  }
0x7d: {  	_ =	shalt  }
0x7e: {  	_ =	shalt  }
0x7f: {  	_ =	shalt  }
0x80: {  	_ =	shalt  }
0x81: {  	_ =	shalt  }
0x82: {  	_ =	shalt  }
0x83: {  	_ =	shalt  }
0x84: {  	_ =	shalt  }
0x85: {  	_ =	shalt  }
0x86: {  	_ =	shalt  }
0x87: {  	_ =	shalt  }
.Lfunc_end0:
.L_simem_size_0:
called_computation.1_lowered:
.L_overlay_start_0:
0x88: {  	s2 =	sld [smem:$0x3FD9]  }
0x89: {  	s3 =	sld [smem:$0x3FFE];
	_ =	sdelay $0x1  }
0x8a: {  	s1 =	srdreg.scid  }
0x8b: {  	s0 =	sand.u32 $0x1, s1  }
0x8c: {  	s17 =	sshll.u32 s0, $0xA;
	s2 =	sadd.s32 s3, s2  }
0x8d: {  	s2 =	sadd.s32 s2, s17  }
0x8e: {  	[smem:$0x3FC6] =	sst s2  }
0x8f: {  	_ = 	snop  }
0x90: {  	s2 =	sld [smem:$0x3FC9]  }
0x91: {  	s18 =	sld [smem:$0x3FD0];
	(tm) =	ssettm $0x1  }
0x92: {  	s4 =	sld [smem:$0x3FFB];
	_ =	sdelay $0x3  }
0x93: {  	_ =	strace s4  }
0x94: {  	s4 =	sld [smem:$0x3FFC];
	_ =	sdelay $0x3  }
0x95: {  	_ =	strace s4  }
0x96: {  	s4 =	sld [smem:$0x3FFD];
	_ =	sdelay $0x3  }
0x97: {  	_ =	strace s4  }
0x98: {  	_ =	strace $0x8FFFFFFF  }
0x99: {  	s19 =	sld [smem:$0x3FDB];
	_ =	sdelay $0x1  }
0x9a: {  	s5 =	simm.s32 $_scs_section_size  }
0x9b: {  	s6 =	simm.s32 $_size__tile_overlayer_lowered;
	s7 =	simm.s32 $_tile_overlayer_lowered  }
0x9c: {  	s22 =	simm.s32 $0x1BFF;
	s21 =	sshll.u32 s7, $0x1;
	s4 =	sadd.s32 s5, s19  }
0x9d: {  	s8 =	simm.s32 $0x0;
	s20 =	sshll.u32 s6, $0x1;
	s6 =	sadd.s32 s21, s4  }
0x9e: {  	[timem:s8], [sflag:s22] =	dma.local [hbm:s6], s20  }
0x9f: {  	_ =	swait.ge [sflag:s22], s20  }
0xa0: {  	s5 =	ssub.s32 $0x0, s20;
	[sflag:s22] =	ssyncset.done $0x0  }
0xa1: {  	[sflag:s22] =	ssyncadd.s32 s5;
	_ =	sdelay $0x1  }
0xa2: {  	s23 =	simm.s32 $0x1B8B  }
0xa3: {  	_ =	swait.ge [sflag:s23], $0x1  }
0xa4: {  	[sflag:s23] =	ssyncset.done $0x0  }
0xa5: {  	s25 =	simm.s32 $0x1B8E;
	s24 =	sld [smem:$0x3FFE];
	[sflag:s23] =	ssyncadd.s32 $0xFFFFFFFF  }
0xa6: {  	s26 =	simm.s32 $execute0_lowered;
	[smem:$0x3FD2] =	sst s25  }
0xa7: {  	s6 =	sshll.u32 s26, $0x1;
	_ =	strace $0x80000049;
	[dreg:$0x1] =	wrdreg $0xFFFFFFFF  }
0xa8: {  	s28 =	simm.s32 $_size_execute0_lowered;
	s4 =	sadd.s32 s4, s6;
	[dreg:$0x0] =	wrdreg $0x0  }
0xa9: {  	s6 =	sshll.u32 s28, $0x1;
	[dreg:$0x2] =	wrdreg s4  }
0xaa: {  	[dreg:$0x3] =	wrdreg s6  }
0xab: {  	[dreg:$0x4] =	wrdreg $0xC0  }
0xac: {  	_ =	task [dreg:s8], $0x5FFFF  }
0xad: {  	[dreg:$0x1] =	wrdreg $0xFFFFFFFF  }
0xae: {  	[dreg:$0x0] =	wrdreg $0x60  }
0xaf: {  	[dreg:$0x2] =	wrdreg s2  }
0xb0: {  	[dreg:$0x3] =	wrdreg s24  }
0xb1: {  	[dreg:$0x4] =	wrdreg s18  }
0xb2: {  	[dreg:$0x5] =	wrdreg $0x9  }
0xb3: {  	_ =	task.clear_ibuf [dreg:s8], $0x6FFFF;
	_ =	strace $0x90000049  }
0xb4: {  	s29 =	simm.s32 $0x9;
	_ =	strace $0x8000004B  }
0xb5: {  	_ =	swait.ge [sflag:s29], $0x1  }
0xb6: {  	[sflag:s29] =	ssyncadd.s32 $0xFFFFFFFF  }
0xb7: {  	_ =	strace $0x9000004B  }
0xb8: {  	_ =	sfence  }
0xb9: {  	s30 =	sld [smem:$0x0];
	_ =	sdelay $0x2  }
0xba: {  	s31 =	sshll.u32 s1, $0xD;
	s1 =	sshrl.u32 s1, $0x2  }
0xbb: {  	s3 =	sand.u32 $0x4000, s31;
	s1 =	sadd.s32 s1, s30  }
0xbc: {  	s0 =	sor.u32 s3, s0;
	s1 =	sshll.u32 s1, $0x11  }
0xbd: {  	s0 =	sor.u32 s1, s0  }
0xbe: {  	s0 =	sadd.s32 $0x8F2B, s0  }
0xbf: {  	[sflag:s0] =	ssyncadd.remote.s32 $0x1  }
0xc0: {  	_ =	sfence.sel $0xFFFF  }
0xc1: {  	[dreg:$0x0] =	wrdreg $0xFFFFFFFF;
	(pc) =	sbr.abs _section_cstart, $3  }
0xc2: {  	[dreg:$0x1] =	wrdreg $0xFFFFFFFF  }
0xc3: {  	_ =	task.clear_ibuf [dreg:s8], $0x2FFFF;
	_ =	strace $0x9FFFFFFF  }
0xc4: {  	(tm) =	ssettm $0x7FFFFFFF  }
0xc5: {  	_ =	shalt  }
tec
execute0_lowered:
.L_overlay_start_1:
0x0: {  	(tag) =	ssettag $0x1  }
0x1: {  	s4 =	rddreg [dreg:$0x0]  }
0x2: {  	s3 =	rddreg [dreg:$0x1]  }
0x3: {  	s1 =	srdreg.scid;
	s0 =	stileid.u32  }
0x4: {  	s5 =	rddreg [dreg:$0x2];
	s2 =	simm.s32 $0x0;
	s10 =	simm.s32 $0x48  }
0x5: {  	s11 =	simm.s32 $0xE800;
	s12 =	simm.s32 $0x1;
	s13 =	simm.s32 $0xFA00  }
0x6: {  	s14 =	simm.s32 $0x11A00;
	s15 =	simm.s32 $0x12C00;
	s16 =	simm.s32 $0x0  }
0x7: {  	s6 =	sand.u32 $0x1, s1;
	s7 =	sshll.u32 s0, $0x1;
	s1 =	rddreg [dreg:$0x3]  }
0x8: {  	[smem:$0x7FF] =	sst s2;
	s7 =	sor.u32 s6, s7;
	s6 =	ssub.s32 $0x2, s6  }
0x9: {  	s3 =	sadd.s32 $0x800, s3;
	_ =	strace $0x8000004A;
	s9 =	sshrl.u32 s6, $0x1  }
0xa: {  	s8 =	smul.u32 $0x1900, s7;
	s7 =	sshll.u32 s7, $0xB;
	s6 =	ssub.s32 s6, s9  }
0xb: {  	s5 =	sadd.s32 s5, s7;
	s7 =	simm.s32 $0x2;
	s9 =	simm.s32 $0xC800  }
0xc: {  	s4 =	sadd.s32 s4, s8;
	s6 =	smax.u32 s6, $0x1;
	s8 =	simm.s32 $0x80  }
.LBB2_1:
0xd: {  	[tilespmem:s2], [sflag:$0x2] =	stream.linear.gather [hbm4b:s4+s2], $0xC800, $0x38;
	[tilespmem:$0x16C00] =	vst v63  }
0xe: {  	_ =	swait.ge [sflag:s7], $0xC800  }
0xf: {  	[sflag:s7] =	ssyncset.done $0x0  }
0x10: {  	[sflag:s7] =	ssyncadd.s32 $0xFFFF3800  }
0x11: {  	[tilespmem:s9], [sflag:$0x1] =	stream.indirect.gather [hbm4b:s3+s8], $0x40, s2, s8, $0xb8;
	[tilespmem:$0x16C00] =	vst v63  }
0x12: {  	s17 =	simm.s32 $0x0  }
0x13: {  	[tilespmem:s11], [sflag:$0x1] =	stream.indirect.gather [hbm4b:s3+s10], $0x40, s8, s10, $0xb8;
	[tilespmem:$0x16C00] =	vst v63  }
.LBB2_2:
0x14: {  	_ =	swait.ge [sflag:s12], $0x2000  }
0x15: {  	[sflag:s12] =	ssyncset.done $0x0  }
0x16: {  	s18 =	sshllo.u32 s17, $0x1;
	[sflag:s12] =	ssyncadd.s32 $0xFFFFE000  }
0x17: {  	s19 =	smul.u32 $0x320, s18;
	_ =	swait.ge [sflag:s12], $0x1200  }
0x18: {  	[sflag:s12] =	ssyncset.done $0x0  }
0x19: {  	s19 =	sshra.s32 s19, $0x2;
	[sflag:s12] =	ssyncadd.s32 $0xFFFFEE00  }
0x1a: {  	[tilespmem:s13], [sflag:$0x1] =	stream.indirect.gather [hbm4b:s3+s8], $0x40, s19, s8, $0xb8;
	[tilespmem:$0x16C00] =	vst v63  }
0x1b: {  	s19 =	sadd.s32 $0x80, s19  }
0x1c: {  	[tilespmem:s14], [sflag:$0x1] =	stream.indirect.gather [hbm4b:s3+s10], $0x40, s19, s10, $0xb8;
	[tilespmem:$0x16C00] =	vst v63  }
0x1d: {  	s19 =	simm.s32 $0x0  }
0x1e: {  	v0 =	vld [tilespmem:s19+$0xC8C0]  }
0x1f: {  	v1 =	vld [tilespmem:s19+$0xC8D0]  }
0x20: {  	v2 =	vld [tilespmem:s19+$0xC880]  }
0x21: {  	v3 =	vld [tilespmem:s19+$0xC890]  }
0x22: {  	v4 =	vld [tilespmem:s19+$0xC840]  }
0x23: {  	v5 =	vld [tilespmem:s19+$0xC850]  }
0x24: {  	v10 =	vld [tilespmem:s19+$0xC800]  }
0x25: {  	v6 =	vimm.f32 $0.0e+00;
	v12 =	vld [tilespmem:s19+$0xC810]  }
0x26: {  	s20 =	simm.s32 $0x400;
	v9 =	vimm.f32 $0.0e+00;
	v8 =	vimm.f32 $0.0e+00;
	v7 =	vimm.f32 $0.0e+00;
	v11 =	vld [tilespmem:s19+$0xC820]  }
.LBB2_3:
0x27: {  	p0 =	sne.s32 s20, $0xC400;
	v13 =	vld [tilespmem:s19+$0xC830]  }
0x28: {  	v14 =	vld [tilespmem:s19+$0xC860]  }
0x29: {  	v15 =	vld [tilespmem:s19+$0xC870]  }
0x2a: {  	v16 =	vld [tilespmem:s19+$0xC8A0]  }
0x2b: {  	v6 =	vadd.f32 v10, v6;
	v9 =	vadd.f32 v12, v9;
	v10 =	vld [tilespmem:s19+$0xC8B0]  }
0x2c: {  	v8 =	vadd.f32 v11, v8;
	v7 =	vadd.f32 v13, v7;
	v11 =	vld [tilespmem:s19+$0xC8E0]  }
0x2d: {  	v4 =	vadd.f32 v4, v6;
	v5 =	vadd.f32 v5, v9;
	v12 =	vld [tilespmem:s19+$0xC8F0];
	s19 =	sshra.s32 s20, $0x2  }
0x2e: {  	v6 =	vadd.f32 v14, v8;
	v13 =	vld [tilespmem:s19+$0xC8C0];
	v7 =	vadd.f32 v15, v7  }
0x2f: {  	v4 =	vadd.f32 v2, v4;
	v5 =	vadd.f32 v3, v5;
	v14 =	vld [tilespmem:s19+$0xC8D0]  }
0x30: {  	v8 =	vadd.f32 v16, v6;
	v2 =	vld [tilespmem:s19+$0xC880];
	v7 =	vadd.f32 v10, v7  }
0x31: {  	v6 =	vadd.f32 v0, v4;
	v9 =	vadd.f32 v1, v5;
	v3 =	vld [tilespmem:s19+$0xC890]  }
.Ltmp0:
0x32: {  	v8 =	vadd.f32 v11, v8;
	v4 =	vld [tilespmem:s19+$0xC840];
	v7 =	vadd.f32 v12, v7;
	(pc) =	sbr.rel @p0 .LBB2_3-.Ltmp0, $4  }
0x33: {  	v5 =	vld [tilespmem:s19+$0xC850];
	v0 =	vmov v13  }
0x34: {  	v10 =	vld [tilespmem:s19+$0xC800];
	v1 =	vmov v14  }
0x35: {  	v12 =	vld [tilespmem:s19+$0xC810]  }
0x36: {  	s20 =	sadd.s32 $0x400, s20;
	v11 =	vld [tilespmem:s19+$0xC820]  }
0x37: {  	v13 =	vld [tilespmem:s19+$0xC830]  }
0x38: {  	v14 =	vld [tilespmem:s19+$0xC860]  }
0x39: {  	v15 =	vld [tilespmem:s19+$0xC870];
	v6 =	vadd.f32 v10, v6  }
0x3a: {  	v10 =	vld [tilespmem:s19+$0xC8A0];
	v9 =	vadd.f32 v12, v9  }
0x3b: {  	v12 =	vld [tilespmem:s19+$0xC8B0];
	v8 =	vadd.f32 v11, v8;
	v4 =	vadd.f32 v4, v6  }
0x3c: {  	v6 =	vadd.f32 v13, v7;
	v7 =	vld [tilespmem:s19+$0xC8E0];
	v5 =	vadd.f32 v5, v9  }
0x3d: {  	v9 =	vld [tilespmem:s19+$0xC8F0];
	v8 =	vadd.f32 v14, v8;
	v2 =	vadd.f32 v2, v4  }
0x3e: {  	v4 =	vadd.f32 v15, v6;
	v3 =	vadd.f32 v3, v5  }
0x3f: {  	v5 =	vadd.f32 v10, v8;
	v0 =	vadd.f32 v0, v2  }
0x40: {  	v2 =	vadd.f32 v12, v4;
	v1 =	vadd.f32 v1, v3  }
0x41: {  	s31 =	sshll.u32 s17, $0x7;
	v3 =	vadd.f32 v7, v5;
	v0 =	vmul.f32 $4.999999890e-03, v0  }
0x42: {  	s19 =	sand.u32 $0x3FFFFF80, s31;
	v2 =	vadd.f32 v9, v2;
	v1 =	vmul.f32 $4.999999890e-03, v1  }
0x43: {  	[tilespmem:s19+$0x12C00] =	vst v0;
	v0 =	vmul.f32 $4.999999890e-03, v3  }
0x44: {  	[tilespmem:s19+$0x12C10] =	vst v1;
	v1 =	vmul.f32 $4.999999890e-03, v2  }
0x45: {  	[tilespmem:s19+$0x12C20] =	vst v0  }
0x46: {  	[tilespmem:s19+$0x12C30] =	vst v1  }
0x47: {  	_ =	swait.ge [sflag:s12], $0x2000  }
0x48: {  	p0 =	seq.s32 s17, $0x7F;
	[sflag:s12] =	ssyncset.done $0x0  }
0x49: {  	s19 =	smul.u32 @!p0 $0x640, s17;
	[sflag:s12] =	ssyncadd.s32 $0xFFFFE000  }
0x4a: {  	_ =	swait.ge [sflag:s12], $0x1200  }
0x4b: {  	s21 =	simm.s32 @!p0 $0x80;
	s19 =	sshra.s32 @!p0 s19, $0x2;
	[sflag:s12] =	ssyncset.done $0x0  }
0x4c: {  	s22 =	simm.s32 @!p0 $0xC800;
	s20 =	sadd.s32 @!p0 $0x190, s19;
	[sflag:s12] =	ssyncadd.s32 $0xFFFFEE00  }
0x4d: {  	[tilespmem:s22], [sflag:$0x1] =	stream.indirect.gather @!p0 [hbm4b:s3+s21], $0x40, s20, s21, $0xb8;
	[tilespmem:$0x16C00] =	vst v63  }
0x4e: {  	s19 =	sadd.s32 @!p0 $0x210, s19;
	s20 =	simm.s32 @!p0 $0x48;
	s21 =	simm.s32 @!p0 $0xE800  }
0x4f: {  	[tilespmem:s21], [sflag:$0x1] =	stream.indirect.gather @!p0 [hbm4b:s3+s20], $0x40, s19, s20, $0xb8;
	[tilespmem:$0x16C00] =	vst v63  }
0x50: {  	s19 =	simm.s32 $0x0  }
0x51: {  	v0 =	vld [tilespmem:s19+$0xFAC0]  }
0x52: {  	v1 =	vld [tilespmem:s19+$0xFAD0]  }
0x53: {  	v2 =	vld [tilespmem:s19+$0xFA80]  }
0x54: {  	v3 =	vld [tilespmem:s19+$0xFA90]  }
0x55: {  	v4 =	vld [tilespmem:s19+$0xFA40]  }
0x56: {  	v5 =	vld [tilespmem:s19+$0xFA50]  }
0x57: {  	v10 =	vld [tilespmem:s19+$0xFA00]  }
0x58: {  	v6 =	vimm.f32 $0.0e+00;
	v12 =	vld [tilespmem:s19+$0xFA10]  }
0x59: {  	v8 =	vimm.f32 $0.0e+00;
	v7 =	vimm.f32 $0.0e+00;
	v9 =	vimm.f32 $0.0e+00;
	s20 =	simm.s32 $0x400;
	v11 =	vld [tilespmem:s19+$0xFA20]  }
.LBB2_5:
0x5a: {  	p0 =	sne.s32 s20, $0xC400;
	v13 =	vld [tilespmem:s19+$0xFA30]  }
0x5b: {  	v14 =	vld [tilespmem:s19+$0xFA60]  }
0x5c: {  	v15 =	vld [tilespmem:s19+$0xFA70]  }
0x5d: {  	v16 =	vld [tilespmem:s19+$0xFAA0]  }
0x5e: {  	v6 =	vadd.f32 v10, v6;
	v9 =	vadd.f32 v12, v9;
	v10 =	vld [tilespmem:s19+$0xFAB0]  }
0x5f: {  	v8 =	vadd.f32 v11, v8;
	v7 =	vadd.f32 v13, v7;
	v11 =	vld [tilespmem:s19+$0xFAE0]  }
0x60: {  	v4 =	vadd.f32 v4, v6;
	v5 =	vadd.f32 v5, v9;
	v12 =	vld [tilespmem:s19+$0xFAF0];
	s19 =	sshra.s32 s20, $0x2  }
0x61: {  	v6 =	vadd.f32 v14, v8;
	v13 =	vld [tilespmem:s19+$0xFAC0];
	v7 =	vadd.f32 v15, v7  }
0x62: {  	v4 =	vadd.f32 v2, v4;
	v5 =	vadd.f32 v3, v5;
	v14 =	vld [tilespmem:s19+$0xFAD0]  }
0x63: {  	v8 =	vadd.f32 v16, v6;
	v2 =	vld [tilespmem:s19+$0xFA80];
	v7 =	vadd.f32 v10, v7  }
0x64: {  	v6 =	vadd.f32 v0, v4;
	v9 =	vadd.f32 v1, v5;
	v3 =	vld [tilespmem:s19+$0xFA90]  }
.Ltmp1:
0x65: {  	v8 =	vadd.f32 v11, v8;
	v4 =	vld [tilespmem:s19+$0xFA40];
	v7 =	vadd.f32 v12, v7;
	(pc) =	sbr.rel @p0 .LBB2_5-.Ltmp1, $4  }
0x66: {  	v5 =	vld [tilespmem:s19+$0xFA50];
	v0 =	vmov v13  }
0x67: {  	v10 =	vld [tilespmem:s19+$0xFA00];
	v1 =	vmov v14  }
0x68: {  	v12 =	vld [tilespmem:s19+$0xFA10]  }
0x69: {  	s20 =	sadd.s32 $0x400, s20;
	v11 =	vld [tilespmem:s19+$0xFA20]  }
0x6a: {  	v13 =	vld [tilespmem:s19+$0xFA30]  }
0x6b: {  	v14 =	vld [tilespmem:s19+$0xFA60]  }
0x6c: {  	v15 =	vld [tilespmem:s19+$0xFA70];
	v6 =	vadd.f32 v10, v6  }
0x6d: {  	v53 =	vld [tilespmem:s19+$0xFAA0];
	v9 =	vadd.f32 v12, v9  }
0x6e: {  	v54 =	vld [tilespmem:s19+$0xFAB0];
	v8 =	vadd.f32 v11, v8;
	v4 =	vadd.f32 v4, v6  }
0x6f: {  	v56 =	vld [tilespmem:s19+$0xFAE0];
	v55 =	vadd.f32 v13, v7;
	v5 =	vadd.f32 v5, v9  }
0x70: {  	v57 =	vld [tilespmem:s19+$0xFAF0];
	v8 =	vadd.f32 v14, v8;
	v2 =	vadd.f32 v2, v4  }
0x71: {  	v58 =	vadd.f32 v15, v55;
	v3 =	vadd.f32 v3, v5  }
0x72: {  	v59 =	vadd.f32 v53, v8;
	v0 =	vadd.f32 v0, v2  }
0x73: {  	s17 =	sadd.s32 $0x1, s17;
	v60 =	vadd.f32 v54, v58;
	v1 =	vadd.f32 v1, v3  }
0x74: {  	s18 =	sshll.u32 s18, $0x6;
	p0 =	sne.s32 s17, $0x80;
	v61 =	vadd.f32 v56, v59;
	v0 =	vmul.f32 $4.999999890e-03, v0  }
.Ltmp2:
0x75: {  	s18 =	sand.u32 $0x3FFFFFC0, s18;
	v2 =	vadd.f32 v57, v60;
	v1 =	vmul.f32 $4.999999890e-03, v1;
	(pc) =	sbr.rel @p0 .LBB2_2-.Ltmp2, $4  }
0x76: {  	[tilespmem:s18+$0x12C00] =	vst v0;
	v62 =	vmul.f32 $4.999999890e-03, v61  }
0x77: {  	[tilespmem:s18+$0x12C10] =	vst v1;
	v63 =	vmul.f32 $4.999999890e-03, v2  }
0x78: {  	[tilespmem:s18+$0x12C20] =	vst v62  }
0x79: {  	[tilespmem:s18+$0x12C30] =	vst v63  }
0x7a: {  	s16 =	sadd.s32 $0x1, s16  }
0x7b: {  	p0 =	sne.s32 s16, s6  }
.Ltmp3:
0x7c: {  	_ = 	snop;
	(pc) =	sbr.rel @p0 .LBB2_1-.Ltmp3, $4  }
0x7d: {  	[hbm4b:s5+s2] =	stream.linear.scatter [tilespmem:s15], [sflag:$0x2], $0x4000, $0x38;
	[tilespmem:$0x16C00] =	vst v63  }
0x7e: {  	_ =	swait.ge [sflag:s7], $0x4000  }
0x7f: {  	[sflag:s7] =	ssyncset.done $0x0  }
0x80: {  	[sflag:s7] =	ssyncadd.s32 $0xFFFFC000  }
0x81: {  	_ =	sfence.sel $0x180000  }
0x82: {  	[bflag:$0x0] =	sbarrier.arrive $0xFFFF  }
0x83: {  	p0 =	sne.s32 s0, $0x0;
	_ =	strace $0x9000004A  }
0x84: {  	s0 =	sadd.s32 @!p0 $0x100000, s1;
	[bflag:$0x2] =	sbarrier.arrive $0xFFFF  }
0x85: {  	[sflag:s0] =	ssyncadd.tile.s32 @!p0 $0x1;
	_ =	shalt  }
.Lfunc_end2:
_tile_overlayer_lowered:
.L_overlay_start_2:
0x86: {  	(tag) =	ssettag $0x2  }
0x87: {  	s0 =	rddreg [dreg:$0x0];
	s2 =	stileid.u32  }
0x88: {  	s1 =	rddreg [dreg:$0x1];
	p0 =	sne.s32 s2, $0x0  }
0x89: {  	s3 =	rddreg [dreg:$0x2];
	[bflag:$0x3] =	sbarrier.arrive $0xFFFF;
	s2 =	simm.s32 @!p0 $0x1C02  }
0x8a: {  	[timem:s3], [sflag:s2] =	dma.local @!p0 [hbm:s0], s1  }
0x8b: {  	s0 =	simm.s32 @!p0 $0x2  }
0x8c: {  	_ =	swait.ge @!p0 [sflag:s0], s1  }
0x8d: {  	s1 =	ssub.s32 @!p0 $0x0, s1;
	[sflag:s0] =	ssyncset.done @!p0 $0x0  }
0x8e: {  	[sflag:s0] =	ssyncadd.s32 @!p0 s1  }
0x8f: {  	[bflag:$0x3] =	sbarrier.arrive $0xFFFF  }
0x90: {  	_ =	shalt  }

// kernel: sc_repack.3.cloned.1.call-start
scs
__scs_entry_jumppad:
0x0: {  	(pc) =	sbr.rel $0x88, $3  }
0x1: {  	(tag) =	ssettag $0x0;
	lr =	simm.s32 $0x1  }
0x2: {  	[smem:$0x3F9F] =	sst lr;
	_ =	strace $0xD0000000  }
0x3: {  	_ = 	snop  }
0x4: {  	_ = 	snop  }
0x5: {  	_ = 	snop  }
0x6: {  	_ = 	snop  }
0x7: {  	_ = 	snop  }
__scs_overlays_trampoline_lowered:
0x8: {  	[smem:$0x3FAE] =	sst s0  }
0x9: {  	[smem:$0x3FAF] =	sst s1  }
0xa: {  	[smem:$0x3FB0] =	sst s2  }
0xb: {  	[smem:$0x3FB1] =	sst s3  }
0xc: {  	[smem:$0x3FB2] =	sst s4  }
0xd: {  	[smem:$0x3FB3] =	sst s5  }
0xe: {  	[smem:$0x3FB4] =	sst s6  }
0xf: {  	[smem:$0x3FB5] =	sst s7  }
0x10: {  	[smem:$0x3FB6] =	sst s8  }
0x11: {  	[smem:$0x3FB7] =	sst s9;
	s0 =	simm.s32 @!p0 $0x0  }
0x12: {  	s1 =	sld [smem:$0x3F9D];
	s0 =	simm.s32 @p0 $0x1  }
0x13: {  	[smem:$0x3FB8] =	sst s0;
	s0 =	simm.s32 @!p1 $0x0  }
0x14: {  	s2 =	sld [smem:$0x3F9C];
	s0 =	simm.s32 @p1 $0x1  }
0x15: {  	[smem:$0x3FB9] =	sst s0;
	s0 =	simm.s32 @!p2 $0x0  }
0x16: {  	s3 =	sld [smem:$0x3FDB];
	s0 =	simm.s32 @p2 $0x1  }
0x17: {  	s4 =	simm.s32 $0x1BF5;
	[smem:$0x3FBB] =	sst s0  }
0x18: {  	s0 =	sld [smem:$0x3F9E];
	_ =	swait.ge [sflag:s4], $0x0  }
0x19: {  	s7 =	sld [smem:$0x3F9F]  }
0x1a: {  	s8 =	sadd.s32 $0xFFFFE003, lr  }
0x1b: {  	s9 =	sadd.s32 $0xFFFFFEF7, lr;
	s5 =	simm.s32 $0xFFFFFFFF;
	p2 =	slt.u32 s8, $0xFFFFF086  }
0x1c: {  	p1 =	slt.u32 s9, $0xF7A;
	s5 =	simm.s32 @!p2 $0x0  }
0x1d: {  	s5 =	simm.s32 @p1 $0x1;
	p0 =	seq.s32 s7, s2  }
0x1e: {  	s7 =	smul.u32 @!p0 $0xF7A, s2;
	p2 =	seq.s32 @!p0 s5, $0x0  }
0x1f: {  	s9 =	smul.u32 $0xF7A, s1;
	s8 =	simm.s32 @!p0 $0x1BF5;
	p2 =	por !p2, p0  }
0x20: {  	[sflag:s8] =	ssyncset.s32 @!p0 $0xFFFFF086;
	s6 =	sadd.s32 @!p0 s3, s7;
	s7 =	simm.s32 @!p0 $0x108  }
0x21: {  	s3 =	sadd.s32 s3, s9;
	s6 =	sadd.s32 @!p0 $0x88, s6;
	s7 =	simm.s32 @p2 $0x1082  }
0x22: {  	[simem:s7], [sflag:s8] =	dma.local @!p0 [hbm:s6], $0xF7A  }
0x23: {  	s9 =	sor.u32 $0xD0000000, s2;
	s6 =	simm.s32 $0x108;
	_ =	swait.ge @!p0 [sflag:s8], $0x0  }
0x24: {  	s3 =	sadd.s32 $0x88, s3;
	s6 =	simm.s32 @!p1 $0x1082;
	[sflag:s4] =	ssyncset.s32 $0xFFFFF086  }
0x25: {  	[simem:s6], [sflag:s4] =	dma.local [hbm:s3], $0xF7A  }
0x26: {  	[smem:$0x3F9F] =	sst s1;
	(tag) =	ssettag s2;
	_ =	strace s9  }
0x27: {  	s1 =	sld [smem:$0x3FAF]  }
0x28: {  	s2 =	sld [smem:$0x3FB0]  }
0x29: {  	s4 =	sld [smem:$0x3FB2]  }
0x2a: {  	p0 =	seq.s32 s5, $0x0;
	s5 =	sld [smem:$0x3FB3]  }
0x2b: {  	s6 =	sld [smem:$0x3FB4]  }
0x2c: {  	s7 =	sld [smem:$0x3FB5]  }
0x2d: {  	s3 =	simm.s32 $0x108;
	s8 =	sld [smem:$0x3FB6]  }
0x2e: {  	s3 =	simm.s32 @!p0 $0x1082;
	s9 =	sld [smem:$0x3FB7]  }
0x2f: {  	lr =	sadd.s32 s0, s3;
	s0 =	sld [smem:$0x3FAE]  }
0x30: {  	s3 =	sld [smem:$0x3FB1]  }
0x31: {  	[smem:$0x3FBA] =	sst s10  }
0x32: {  	s10 =	sld [smem:$0x3FB8];
	_ =	sdelay $0x3  }
0x33: {  	p0 =	seq.s32 s10, $0x1;
	s10 =	sld [smem:$0x3FBA];
	_ =	sdelay $0x3  }
0x34: {  	[smem:$0x3FBA] =	sst s10  }
0x35: {  	s10 =	sld [smem:$0x3FB9];
	_ =	sdelay $0x3  }
0x36: {  	p1 =	seq.s32 s10, $0x1;
	s10 =	sld [smem:$0x3FBA];
	_ =	sdelay $0x3  }
0x37: {  	[smem:$0x3FBA] =	sst s10  }
0x38: {  	s10 =	sld [smem:$0x3FBB]  }
0x39: {  	_ = 	snop;
	(pc) =	sbr.ind lr, $3  }
0x3a: {  	_ = 	snop  }
0x3b: {  	_ = 	snop  }
0x3c: {  	p2 =	seq.s32 s10, $0x1;
	s10 =	sld [smem:$0x3FBA]  }
0x3d: {  	_ =	shalt  }
0x3e: {  	_ =	shalt  }
0x3f: {  	_ =	shalt  }
0x40: {  	_ =	shalt  }
0x41: {  	_ =	shalt  }
0x42: {  	_ =	shalt  }
0x43: {  	_ =	shalt  }
0x44: {  	_ =	shalt  }
0x45: {  	_ =	shalt  }
0x46: {  	_ =	shalt  }
0x47: {  	_ =	shalt  }
0x48: {  	_ =	shalt  }
0x49: {  	_ =	shalt  }
0x4a: {  	_ =	shalt  }
0x4b: {  	_ =	shalt  }
0x4c: {  	_ =	shalt  }
0x4d: {  	_ =	shalt  }
0x4e: {  	_ =	shalt  }
0x4f: {  	_ =	shalt  }
0x50: {  	_ =	shalt  }
0x51: {  	_ =	shalt  }
0x52: {  	_ =	shalt  }
0x53: {  	_ =	shalt  }
0x54: {  	_ =	shalt  }
0x55: {  	_ =	shalt  }
0x56: {  	_ =	shalt  }
0x57: {  	_ =	shalt  }
0x58: {  	_ =	shalt  }
0x59: {  	_ =	shalt  }
0x5a: {  	_ =	shalt  }
0x5b: {  	_ =	shalt  }
0x5c: {  	_ =	shalt  }
0x5d: {  	_ =	shalt  }
0x5e: {  	_ =	shalt  }
0x5f: {  	_ =	shalt  }
0x60: {  	_ =	shalt  }
0x61: {  	_ =	shalt  }
0x62: {  	_ =	shalt  }
0x63: {  	_ =	shalt  }
0x64: {  	_ =	shalt  }
0x65: {  	_ =	shalt  }
0x66: {  	_ =	shalt  }
0x67: {  	_ =	shalt  }
0x68: {  	_ =	shalt  }
0x69: {  	_ =	shalt  }
0x6a: {  	_ =	shalt  }
0x6b: {  	_ =	shalt  }
0x6c: {  	_ =	shalt  }
0x6d: {  	_ =	shalt  }
0x6e: {  	_ =	shalt  }
0x6f: {  	_ =	shalt  }
0x70: {  	_ =	shalt  }
0x71: {  	_ =	shalt  }
0x72: {  	_ =	shalt  }
0x73: {  	_ =	shalt  }
0x74: {  	_ =	shalt  }
0x75: {  	_ =	shalt  }
0x76: {  	_ =	shalt  }
0x77: {  	_ =	shalt  }
0x78: {  	_ =	shalt  }
0x79: {  	_ =	shalt  }
0x7a: {  	_ =	shalt  }
0x7b: {  	_ =	shalt  }
0x7c: {  	_ =	shalt  }
0x7d: {  	_ =	shalt  }
0x7e: {  	_ =	shalt  }
0x7f: {  	_ =	shalt  }
0x80: {  	_ =	shalt  }
0x81: {  	_ =	shalt  }
0x82: {  	_ =	shalt  }
0x83: {  	_ =	shalt  }
0x84: {  	_ =	shalt  }
0x85: {  	_ =	shalt  }
0x86: {  	_ =	shalt  }
0x87: {  	_ =	shalt  }
.Lfunc_end0:
.L_simem_size_0:
called_computation_lowered:
.L_overlay_start_0:
0x88: {  	s2 =	sld [smem:$0x3FD9]  }
0x89: {  	s3 =	sld [smem:$0x3FFE];
	_ =	sdelay $0x1  }
0x8a: {  	s1 =	srdreg.scid  }
0x8b: {  	s0 =	sand.u32 $0x1, s1  }
0x8c: {  	s17 =	sshll.u32 s0, $0xA;
	s2 =	sadd.s32 s3, s2  }
0x8d: {  	s2 =	sadd.s32 s2, s17  }
0x8e: {  	[smem:$0x3FC6] =	sst s2  }
0x8f: {  	_ = 	snop  }
0x90: {  	s2 =	sld [smem:$0x3FC8]  }
0x91: {  	s18 =	sld [smem:$0x3FD0];
	(tm) =	ssettm $0x1  }
0x92: {  	s4 =	sld [smem:$0x3FFB];
	_ =	sdelay $0x3  }
0x93: {  	_ =	strace s4  }
0x94: {  	s4 =	sld [smem:$0x3FFC];
	_ =	sdelay $0x3  }
0x95: {  	_ =	strace s4  }
0x96: {  	s4 =	sld [smem:$0x3FFD];
	_ =	sdelay $0x3  }
0x97: {  	_ =	strace s4  }
0x98: {  	_ =	strace $0x8FFFFFFF  }
0x99: {  	s19 =	sld [smem:$0x3FDB];
	_ =	sdelay $0x1  }
0x9a: {  	s5 =	simm.s32 $_scs_section_size  }
0x9b: {  	s6 =	simm.s32 $_size__tile_overlayer_lowered;
	s7 =	simm.s32 $_tile_overlayer_lowered  }
0x9c: {  	s22 =	simm.s32 $0x1BFF;
	s21 =	sshll.u32 s7, $0x1;
	s4 =	sadd.s32 s5, s19  }
0x9d: {  	s8 =	simm.s32 $0x0;
	s20 =	sshll.u32 s6, $0x1;
	s6 =	sadd.s32 s21, s4  }
0x9e: {  	[timem:s8], [sflag:s22] =	dma.local [hbm:s6], s20  }
0x9f: {  	_ =	swait.ge [sflag:s22], s20  }
0xa0: {  	s5 =	ssub.s32 $0x0, s20;
	[sflag:s22] =	ssyncset.done $0x0  }
0xa1: {  	[sflag:s22] =	ssyncadd.s32 s5;
	_ =	sdelay $0x1  }
0xa2: {  	s23 =	simm.s32 $0x1B8B  }
0xa3: {  	_ =	swait.ge [sflag:s23], $0x1  }
0xa4: {  	[sflag:s23] =	ssyncset.done $0x0  }
0xa5: {  	s25 =	simm.s32 $0x1B8E;
	s24 =	sld [smem:$0x3FFE];
	[sflag:s23] =	ssyncadd.s32 $0xFFFFFFFF  }
0xa6: {  	s26 =	simm.s32 $execute0_lowered;
	[smem:$0x3FD2] =	sst s25  }
0xa7: {  	s6 =	sshll.u32 s26, $0x1;
	_ =	strace $0x80000046;
	[dreg:$0x1] =	wrdreg $0xFFFFFFFF  }
0xa8: {  	s28 =	simm.s32 $_size_execute0_lowered;
	s4 =	sadd.s32 s4, s6;
	[dreg:$0x0] =	wrdreg $0x0  }
0xa9: {  	s6 =	sshll.u32 s28, $0x1;
	[dreg:$0x2] =	wrdreg s4  }
0xaa: {  	[dreg:$0x3] =	wrdreg s6  }
0xab: {  	[dreg:$0x4] =	wrdreg $0xC0  }
0xac: {  	_ =	task [dreg:s8], $0x5FFFF  }
0xad: {  	[dreg:$0x1] =	wrdreg $0xFFFFFFFF  }
0xae: {  	[dreg:$0x0] =	wrdreg $0x60  }
0xaf: {  	[dreg:$0x2] =	wrdreg s2  }
0xb0: {  	[dreg:$0x3] =	wrdreg s18  }
0xb1: {  	[dreg:$0x4] =	wrdreg s24  }
0xb2: {  	[dreg:$0x5] =	wrdreg $0x9  }
0xb3: {  	_ =	task.clear_ibuf [dreg:s8], $0x6FFFF;
	_ =	strace $0x90000046  }
0xb4: {  	s29 =	simm.s32 $0x9;
	_ =	strace $0x80000048  }
0xb5: {  	_ =	swait.ge [sflag:s29], $0x1  }
0xb6: {  	[sflag:s29] =	ssyncadd.s32 $0xFFFFFFFF  }
0xb7: {  	_ =	strace $0x90000048  }
0xb8: {  	_ =	sfence  }
0xb9: {  	s30 =	sld [smem:$0x0];
	_ =	sdelay $0x2  }
0xba: {  	s31 =	sshll.u32 s1, $0xD;
	s1 =	sshrl.u32 s1, $0x2  }
0xbb: {  	s3 =	sand.u32 $0x4000, s31;
	s1 =	sadd.s32 s1, s30  }
0xbc: {  	s0 =	sor.u32 s3, s0;
	s1 =	sshll.u32 s1, $0x11  }
0xbd: {  	s0 =	sor.u32 s1, s0  }
0xbe: {  	s0 =	sadd.s32 $0x8F2B, s0  }
0xbf: {  	[sflag:s0] =	ssyncadd.remote.s32 $0x1  }
0xc0: {  	_ =	sfence.sel $0xFFFF  }
0xc1: {  	[dreg:$0x0] =	wrdreg $0xFFFFFFFF;
	(pc) =	sbr.abs _section_cstart, $3  }
0xc2: {  	[dreg:$0x1] =	wrdreg $0xFFFFFFFF  }
0xc3: {  	_ =	task.clear_ibuf [dreg:s8], $0x2FFFF;
	_ =	strace $0x9FFFFFFF  }
0xc4: {  	(tm) =	ssettm $0x7FFFFFFF  }
0xc5: {  	_ =	shalt  }
tec
execute0_lowered:
.L_overlay_start_1:
0x0: {  	(tag) =	ssettag $0x1  }
0x1: {  	v0 =	vimm.s32 $0xC28140;
	vm0 =	vcmask $0xB00;
	v10 =	vimm.s32 $0x100  }
0x2: {  	v3 =	vimm.s32 $0xFEDCBA9;
	vm1 =	vcmask $0x1310;
	vm2 =	vcmask $0x1714  }
0x3: {  	v4 =	vimm.s32 $0x87654321;
	vm3 =	vcmask $0x1B18;
	vm4 =	vcmask $0x1F1C  }
0x4: {  	vm5 =	vcmask $0x2320;
	vm6 =	vcmask $0x2724;
	vm7 =	vcmask $0x2B28  }
0x5: {  	vm8 =	vcmask $0x2F2C;
	vm9 =	vcmask $0x3330;
	vm10 =	vcmask $0x3734  }
0x6: {  	vm11 =	vcmask $0x300;
	v6 =	vimm.s32 $0x10F;
	v7 =	vimm.s32 $0x4F  }
0x7: {  	vm12 =	vcmask $0x704;
	vm13 =	vcmask $0xB08;
	v9 =	vimm.s32 $0x308  }
0x8: {  	v12 =	vimm.s32 $0xCF8E4D0C;
	vm14 =	vcmask $0x3B2C;
	v13 =	vimm.s32 $0x18F  }
0x9: {  	v14 =	vimm.s32 $0x4B0ACD8C;
	v15 =	vimm.s32 $0x8B4A09CC;
	v16 =	vimm.s32 $0xCB8A4908  }
0xa: {  	v17 =	vimm.s32 $0xCBA98765;
	v37 =	vimm.s32 $0xEDCBA987;
	v54 =	vimm.s32 $0x381  }
0xb: {  	v55 =	vimm.s32 $0x382;
	v56 =	vimm.s32 $0x384;
	v57 =	vimm.s32 $0x385  }
0xc: {  	v58 =	vimm.s32 $0x387;
	v59 =	vimm.s32 $0x388;
	v2 =	vunpack.c.0.s8.s32 v0  }
0xd: {  	v60 =	vimm.s32 $0x38A;
	v61 =	vimm.s32 $0x38B;
	v62 =	vimm.s32 $0x38D  }
0xe: {  	v63 =	vimm.s32 $0x38E;
	v0 =	vlaneseq.u32;
	v2 =	vand.u32 $0xFF, v2  }
0xf: {  	v3 =	vunpack.c.l.s4.s8 v3;
	v2 =	vnsel vm0, $0xF, v2;
	vm0 =	vcmask $0xF0C  }
0x10: {  	v4 =	vunpack.c.l.s4.s8 v4;
	v6 =	vsel vm11, $0x140, v6;
	v2 =	vsel vm0, $0x103, v2  }
0x11: {  	v8 =	vsel vm11, $0x80, v7;
	v13 =	vsel vm11, $0x1C0, v13;
	v2 =	vsel vm1, $0x144, v2  }
0x12: {  	v14 =	vunpack.c.0.s8.s32 v14;
	v15 =	vunpack.c.0.s8.s32 v15;
	v2 =	vsel vm2, $0x185, v2  }
0x13: {  	v16 =	vunpack.c.0.s8.s32 v16;
	v12 =	vunpack.c.0.s8.s32 v12;
	v2 =	vsel vm3, $0x1C6, v2  }
0x14: {  	v10 =	vsel vm12, $0x141, v10;
	v1 =	vmul.u32 $0x100, v0;
	v2 =	vsel vm4, $0x207, v2  }
0x15: {  	v6 =	vsel vm12, $0x181, v6;
	v13 =	vsel vm12, $0x201, v13;
	v2 =	vsel vm5, $0x248, v2  }
0x16: {  	v21 =	vunpack.c.0.s8.s32 v3;
	v22 =	vunpack.c.0.s8.s32 v4;
	v2 =	vsel vm6, $0x289, v2  }
0x17: {  	v3 =	vand.u32 $0x7, v0;
	v6 =	vsel vm13, $0x1C2, v6;
	v5 =	vsel vm7, $0x2CA, v2  }
0x18: {  	v4 =	vcombine.low v22, v21;
	v6 =	vsel vm0, $0x203, v6;
	v5 =	vsel vm8, $0x30B, v5  }
0x19: {  	v12 =	vand.u32 $0xFF, v12;
	v6 =	vsel vm1, $0x244, v6;
	v5 =	vsel vm9, $0x34C, v5  }
0x1a: {  	v4 =	vand.u32 $0xF, v4;
	v7 =	vsel vm10, $0x38D, v5;
	v5 =	vsel vm12, $0xC1, v8  }
0x1b: {  	v6 =	vsel vm2, $0x285, v6;
	v2 =	vmul.u32 $0x80, v3;
	v5 =	vsel vm13, $0x102, v5  }
0x1c: {  	v3 =	vmul.u32 $0x41, v0;
	v8 =	vsel vm0, $0x143, v5;
	v5 =	vsel vm12, $0x349, v9  }
0x1d: {  	v9 =	vimm.s32 $0x14F;
	v5 =	vsel vm13, $0x38A, v5;
	v8 =	vsel vm1, $0x184, v8  }
0x1e: {  	v11 =	vsel vm0, $0x3CB, v5;
	v5 =	vsel vm3, $0x2C6, v6;
	v6 =	vsel vm11, $0x180, v9  }
0x1f: {  	v9 =	vimm.s32 $0xBCE8D4C;
	v8 =	vsel vm2, $0x1C5, v8;
	v5 =	vsel vm4, $0x307, v5  }
0x20: {  	v6 =	vsel vm12, $0x1C1, v6;
	v9 =	vunpack.c.0.s8.s32 v9;
	v8 =	vsel vm3, $0x206, v8  }
0x21: {  	v5 =	vsel vm5, $0x348, v5;
	v6 =	vsel vm13, $0x202, v6;
	v8 =	vsel vm4, $0x247, v8  }
0x22: {  	v5 =	vsel vm6, $0x389, v5;
	v6 =	vsel vm0, $0x243, v6;
	v9 =	vand.u32 $0xFF, v9  }
0x23: {  	v8 =	vsel vm5, $0x288, v8;
	v5 =	vsel vm7, $0x3CA, v5;
	v6 =	vsel vm1, $0x284, v6  }
0x24: {  	v8 =	vsel vm6, $0x2C9, v8;
	v6 =	vsel vm2, $0x2C5, v6;
	v5 =	vsel vm14, v9, v5  }
0x25: {  	v9 =	vsel vm13, $0x242, v13;
	v13 =	vand.u32 $0xFF, v14;
	vm14 =	vcmask $0x3728  }
0x26: {  	v14 =	vimm.s32 $0x1CF;
	v8 =	vsel vm7, $0x30A, v8;
	v6 =	vsel vm3, $0x306, v6  }
0x27: {  	v9 =	vsel vm0, $0x283, v9;
	v14 =	vsel vm11, $0x200, v14;
	v6 =	vsel vm4, $0x347, v6  }
0x28: {  	v8 =	vsel vm8, $0x34B, v8;
	v9 =	vsel vm1, $0x2C4, v9;
	v6 =	vsel vm5, $0x388, v6  }
0x29: {  	v14 =	vsel vm12, $0x241, v14;
	v9 =	vsel vm2, $0x305, v9;
	v6 =	vsel vm6, $0x3C9, v6  }
0x2a: {  	v8 =	vsel vm9, $0x38C, v8;
	v9 =	vsel vm3, $0x346, v9;
	v6 =	vsel vm14, v13, v6  }
0x2b: {  	v9 =	vsel vm4, $0x387, v9;
	v13 =	vsel vm13, $0x282, v14;
	v14 =	vand.u32 $0xFF, v15  }
0x2c: {  	vm14 =	vcmask $0x3324;
	v15 =	vimm.s32 $0x20F;
	v13 =	vsel vm0, $0x2C3, v13  }
0x2d: {  	v9 =	vsel vm5, $0x3C8, v9;
	v15 =	vsel vm11, $0x240, v15;
	v13 =	vsel vm1, $0x304, v13  }
0x2e: {  	v15 =	vsel vm12, $0x281, v15;
	v18 =	vsel vm14, v14, v9;
	v14 =	vand.u32 $0xFF, v16  }
0x2f: {  	vm14 =	vcmask $0x2F20;
	v16 =	vimm.s32 $0x24F;
	v13 =	vsel vm2, $0x345, v13  }
0x30: {  	v16 =	vsel vm11, $0x280, v16;
	v18 =	vsel vm10, $0x10D, v18;
	v13 =	vsel vm3, $0x386, v13  }
0x31: {  	v9 =	vsel vm4, $0x3C7, v13;
	v13 =	vsel vm13, $0x2C2, v15;
	v15 =	vimm.s32 $0x7CA8948  }
0x32: {  	v13 =	vsel vm0, $0x303, v13;
	v15 =	vunpack.c.0.s8.s32 v15;
	v19 =	vsel vm14, v14, v9  }
0x33: {  	vm14 =	vcmask $0x2B1C;
	v13 =	vsel vm1, $0x344, v13;
	v47 =	vsel vm9, $0x10C, v19  }
0x34: {  	v13 =	vsel vm2, $0x385, v13;
	v14 =	vand.u32 $0xFF, v15;
	v15 =	vimm.s32 $0x4706C988  }
0x35: {  	v9 =	vsel vm3, $0x3C6, v13;
	v13 =	vsel vm12, $0x2C1, v16;
	v16 =	vimm.s32 $0x28F  }
0x36: {  	v15 =	vunpack.c.0.s8.s32 v15;
	v13 =	vsel vm13, $0x302, v13;
	v16 =	vsel vm11, $0x2C0, v16  }
0x37: {  	v20 =	vsel vm14, v14, v9;
	vm14 =	vcmask $0x2718;
	v13 =	vsel vm0, $0x343, v13  }
0x38: {  	v14 =	vand.u32 $0xFF, v15;
	v15 =	vimm.s32 $0x874605C8;
	v13 =	vsel vm1, $0x384, v13  }
0x39: {  	v48 =	vsel vm8, $0x10B, v20;
	v9 =	vsel vm2, $0x3C5, v13;
	v13 =	vsel vm12, $0x301, v16  }
0x3a: {  	v15 =	vunpack.c.0.s8.s32 v15;
	v13 =	vsel vm13, $0x342, v13;
	v23 =	vsel vm14, v14, v9  }
0x3b: {  	vm14 =	vcmask $0x2314;
	v14 =	vimm.s32 $0x2CF;
	v13 =	vsel vm0, $0x383, v13  }
0x3c: {  	v23 =	vsel vm7, $0x10A, v23;
	v9 =	vsel vm1, $0x3C4, v13;
	v13 =	vand.u32 $0xFF, v15  }
0x3d: {  	v15 =	vimm.s32 $0x3C68544;
	v24 =	vsel vm14, v13, v9;
	v9 =	vsel vm11, $0x300, v14  }
0x3e: {  	vm14 =	vcmask $0x1F10;
	v13 =	vimm.s32 $0xC7864504;
	v14 =	vimm.s32 $0x30F  }
0x3f: {  	v15 =	vunpack.c.0.s8.s32 v15;
	v9 =	vsel vm12, $0x341, v9;
	v13 =	vunpack.c.0.s8.s32 v13  }
0x40: {  	v14 =	vsel vm11, $0x340, v14;
	v16 =	vsel vm14, v12, v11;
	v12 =	vimm.s32 $0x34F  }
0x41: {  	v24 =	vsel vm6, $0x109, v24;
	v9 =	vsel vm13, $0x382, v9;
	v14 =	vsel vm12, $0x381, v14  }
0x42: {  	v11 =	vand.u32 $0xFF, v15;
	v9 =	vsel vm0, $0x3C3, v9;
	v13 =	vand.u32 $0xFF, v13  }
0x43: {  	v12 =	vsel vm11, $0x380, v12;
	v24 =	vsel vm7, $0x14A, v24;
	v25 =	vsel vm14, v13, v9  }
0x44: {  	v9 =	vsel vm13, $0x3C2, v14;
	v13 =	vimm.s32 $0x4302C584;
	vm14 =	vcmask $0x1B0C  }
0x45: {  	v13 =	vunpack.c.0.s8.s32 v13;
	v27 =	vsel vm14, v11, v9;
	v9 =	vsel vm12, $0x3C1, v12  }
0x46: {  	v11 =	vimm.s32 $0x834201C4;
	vm14 =	vcmask $0x1708;
	v25 =	vsel vm5, $0x108, v25  }
0x47: {  	v11 =	vunpack.c.0.s8.s32 v11;
	v25 =	vsel vm6, $0x149, v25;
	v12 =	vand.u32 $0xFF, v13  }
0x48: {  	v49 =	vsel vm4, $0x107, v27;
	v13 =	vimm.s32 $0xA9876543;
	v30 =	vsel vm14, v12, v9  }
0x49: {  	v9 =	vimm.s32 $0x38F;
	v11 =	vand.u32 $0xFF, v11;
	vm14 =	vcmask $0x1304  }
0x4a: {  	v12 =	vimm.s32 $0x98765432;
	v13 =	vunpack.c.l.s4.s8 v13;
	v9 =	vsel vm11, $0x3C0, v9  }
0x4b: {  	v12 =	vunpack.c.l.s4.s8 v12;
	v30 =	vsel vm3, $0x106, v30;
	v31 =	vsel vm14, v11, v9  }
0x4c: {  	vm14 =	vcmask $0x3B38;
	v9 =	vimm.s32 $0x10FEDCBA;
	v11 =	vimm.s32 $0x8F  }
0x4d: {  	v32 =	vunpack.c.0.s8.s32 v13;
	v13 =	vimm.s32 $0xBA987654;
	v11 =	vsel vm11, $0xC0, v11  }
0x4e: {  	v30 =	vsel vm4, $0x147, v30;
	v9 =	vunpack.c.l.s4.s8 v9;
	v11 =	vsel vm12, $0x101, v11  }
0x4f: {  	v28 =	vunpack.c.0.s8.s32 v12;
	v7 =	vsel vm14, $0x3CE, v7;
	v11 =	vsel vm13, $0x142, v11  }
0x50: {  	v12 =	vsel vm10, $0x3CD, v8;
	v26 =	vunpack.c.0.s8.s32 v9;
	v9 =	vsel vm0, $0x183, v11  }
0x51: {  	v13 =	vunpack.c.l.s4.s8 v13;
	v18 =	vsel vm14, $0x14E, v18;
	v9 =	vsel vm1, $0x1C4, v9  }
0x52: {  	v31 =	vsel vm2, $0x105, v31;
	v30 =	vsel vm5, $0x188, v30;
	v9 =	vsel vm2, $0x205, v9  }
0x53: {  	v31 =	vsel vm3, $0x146, v31;
	v8 =	vsel vm3, $0x246, v9;
	v9 =	vimm.s32 $0x210FEDCB  }
0x54: {  	v14 =	vunpack.c.l.s4.s8 v9;
	v9 =	vsel vm14, $0xE, v12;
	v12 =	vimm.s32 $0x3210FEDC  }
0x55: {  	v50 =	vsel vm6, $0x1C9, v30;
	v34 =	vunpack.c.0.s8.s32 v13;
	v12 =	vunpack.c.l.s4.s8 v12  }
0x56: {  	v11 =	vcombine.low v28, v26;
	v8 =	vsel vm4, $0x287, v8;
	v29 =	vunpack.c.0.s8.s32 v14  }
0x57: {  	v31 =	vsel vm4, $0x187, v31;
	v15 =	vsel vm5, $0x2C8, v8;
	v33 =	vunpack.c.0.s8.s32 v12  }
0x58: {  	v8 =	vand.u32 $0xF, v11;
	v12 =	vsel vm13, $0x182, v10;
	v14 =	vcombine.low v32, v29  }
0x59: {  	v11 =	vsel vm6, $0x309, v15;
	v12 =	vsel vm0, $0x1C3, v12;
	v13 =	vcombine.low v34, v33  }
0x5a: {  	v12 =	vsel vm1, $0x204, v12;
	v10 =	vand.u32 $0xF, v14;
	v14 =	vimm.s32 $0x43210FED  }
0x5b: {  	v15 =	vsel vm2, $0x245, v12;
	v14 =	vunpack.c.l.s4.s8 v14;
	v12 =	vand.u32 $0xF, v13  }
0x5c: {  	v13 =	vsel vm3, $0x286, v15;
	v15 =	vunpack.c.l.s4.s8 v17;
	v17 =	vimm.s32 $0x6543210F  }
0x5d: {  	v13 =	vsel vm4, $0x2C7, v13;
	v35 =	vunpack.c.0.s8.s32 v14;
	v14 =	vimm.s32 $0x543210FE  }
0x5e: {  	v13 =	vcombine.low v13, v16;
	v16 =	vunpack.c.l.s4.s8 v17;
	v14 =	vunpack.c.l.s4.s8 v14  }
0x5f: {  	v31 =	vsel vm5, $0x1C8, v31;
	v26 =	vcombine.low v26, v28;
	v17 =	vunpack.c.l.s4.s8 v37  }
0x60: {  	v40 =	vunpack.c.0.s8.s32 v16;
	v38 =	vunpack.c.0.s8.s32 v14;
	v14 =	vimm.s32 $0xFEDCBA98  }
0x61: {  	v41 =	vunpack.c.0.s8.s32 v17;
	v16 =	vimm.s32 $0x76543210;
	v17 =	vunpack.c.l.s4.s8 v14  }
0x62: {  	v28 =	vsel vm8, $0x18B, v24;
	v31 =	vsel vm6, $0x209, v31;
	v42 =	vunpack.c.l.s4.s8 v16  }
0x63: {  	v31 =	vsel vm7, $0x24A, v31;
	v16 =	vsel vm14, $0x10E, v6;
	v6 =	vunpack.c.0.s8.s32 v17  }
0x64: {  	v31 =	vsel vm8, $0x28B, v31;
	v11 =	vsel vm7, $0x34A, v11;
	v46 =	vunpack.c.0.s8.s32 v42  }
0x65: {  	v53 =	vsel vm9, $0x2CC, v31;
	v11 =	vsel vm8, $0x38B, v11;
	v6 =	vand.u32 $0xF, v6  }
0x66: {  	v11 =	vsel vm9, $0x3CC, v11;
	v19 =	vcombine.low v6, v46;
	v6 =	vsel vm10, $0x14D, v47  }
0x67: {  	v11 =	vsel vm10, $0xD, v11;
	v20 =	vsel vm14, $0x18E, v6;
	v6 =	vcombine.low v21, v22  }
0x68: {  	v36 =	vunpack.c.0.s8.s32 v15;
	v15 =	vimm.s32 $0xDCBA9876;
	v21 =	vsel vm9, $0x14C, v48  }
0x69: {  	v22 =	vsel vm10, $0x18D, v21;
	v21 =	vand.u32 $0xF, v6;
	v6 =	vsel vm8, $0x14B, v23  }
0x6a: {  	v11 =	vsel vm14, $0x4E, v11;
	v15 =	vunpack.c.l.s4.s8 v15;
	v6 =	vsel vm9, $0x18C, v6  }
0x6b: {  	v44 =	vcombine.low v36, v35;
	v23 =	vand.u32 $0xF, v26;
	v6 =	vsel vm10, $0x1CD, v6  }
0x6c: {  	v26 =	vcombine.low v29, v32;
	v24 =	vsel vm14, $0x20E, v6;
	v6 =	vsel vm9, $0x1CC, v28  }
0x6d: {  	v39 =	vunpack.c.0.s8.s32 v15;
	v28 =	vsel vm7, $0x18A, v25;
	v6 =	vsel vm10, $0x20D, v6  }
0x6e: {  	v25 =	vand.u32 $0xF, v26;
	v26 =	vsel vm14, $0x24E, v6;
	v6 =	vcombine.low v33, v34  }
0x6f: {  	v14 =	vand.u32 $0xF, v44;
	v45 =	vcombine.low v41, v40;
	v15 =	vcombine.low v39, v38  }
0x70: {  	v51 =	vcombine.low v38, v39;
	v27 =	vand.u32 $0xF, v6;
	v6 =	vsel vm5, $0x148, v49  }
0x71: {  	v52 =	vcombine.low v40, v41;
	v17 =	vand.u32 $0xF, v45;
	v6 =	vsel vm6, $0x189, v6  }
0x72: {  	v15 =	vand.u32 $0xF, v15;
	v31 =	vand.u32 $0xF, v51;
	v6 =	vsel vm7, $0x1CA, v6  }
0x73: {  	v22 =	vsel vm14, $0x1CE, v22;
	v29 =	vcombine.low v35, v36;
	v6 =	vsel vm8, $0x20B, v6  }
0x74: {  	v35 =	vsel vm11, $0x2, v54;
	v36 =	vsel vm11, $0x3, v55;
	v6 =	vsel vm9, $0x24C, v6  }
0x75: {  	v35 =	vsel vm12, $0x83, v35;
	v36 =	vsel vm12, $0x84, v36;
	v6 =	vsel vm10, $0x28D, v6  }
0x76: {  	v29 =	vand.u32 $0xF, v29;
	v30 =	vsel vm14, $0x2CE, v6;
	v6 =	vsel vm7, $0x20A, v50  }
0x77: {  	v35 =	vsel vm13, $0x104, v35;
	v36 =	vsel vm13, $0x105, v36;
	v6 =	vsel vm8, $0x24B, v6  }
0x78: {  	v35 =	vsel vm0, $0x185, v35;
	v36 =	vsel vm0, $0x186, v36;
	v6 =	vsel vm9, $0x28C, v6  }
0x79: {  	v28 =	vsel vm8, $0x1CB, v28;
	v35 =	vsel vm1, $0x206, v35;
	v6 =	vsel vm10, $0x2CD, v6  }
0x7a: {  	v36 =	vsel vm1, $0x207, v36;
	v32 =	vsel vm14, $0x30E, v6;
	v6 =	vimm.s32 $0x380  }
0x7b: {  	v28 =	vsel vm9, $0x20C, v28;
	v34 =	vsel vm10, $0x30D, v53;
	v6 =	vsel vm11, $0x1, v6  }
0x7c: {  	v33 =	vand.u32 $0xF, v52;
	v35 =	vsel vm2, $0x287, v35;
	v6 =	vsel vm12, $0x82, v6  }
0x7d: {  	v36 =	vsel vm2, $0x288, v36;
	v28 =	vsel vm10, $0x24D, v28;
	v6 =	vsel vm13, $0x103, v6  }
0x7e: {  	v34 =	vsel vm14, $0x34E, v34;
	v35 =	vsel vm3, $0x308, v35;
	v6 =	vsel vm0, $0x184, v6  }
0x7f: {  	v36 =	vsel vm3, $0x309, v36;
	v28 =	vsel vm14, $0x28E, v28;
	v6 =	vsel vm1, $0x205, v6  }
0x80: {  	v35 =	vsel vm4, $0x389, v35;
	v36 =	vsel vm4, $0x38A, v36;
	v6 =	vsel vm2, $0x286, v6  }
0x81: {  	v35 =	vsel vm5, $0xA, v35;
	v36 =	vsel vm5, $0xB, v36;
	v6 =	vsel vm3, $0x307, v6  }
0x82: {  	v35 =	vsel vm6, $0x8B, v35;
	v36 =	vsel vm6, $0x8C, v36;
	v6 =	vsel vm4, $0x388, v6  }
0x83: {  	v35 =	vsel vm7, $0x10C, v35;
	v36 =	vsel vm7, $0x10D, v36;
	v6 =	vsel vm5, $0x9, v6  }
0x84: {  	v35 =	vsel vm8, $0x18D, v35;
	v36 =	vsel vm8, $0x18E, v36;
	v6 =	vsel vm6, $0x8A, v6  }
0x85: {  	v35 =	vsel vm9, $0x20E, v35;
	v36 =	vsel vm9, $0x20F, v36;
	v6 =	vsel vm7, $0x10B, v6  }
0x86: {  	v35 =	vsel vm10, $0x28F, v35;
	v36 =	vsel vm10, $0x280, v36;
	v6 =	vsel vm8, $0x18C, v6  }
0x87: {  	v40 =	vsel vm14, $0x300, v35;
	v53 =	vsel vm14, $0x301, v36;
	v6 =	vsel vm9, $0x20D, v6  }
0x88: {  	v35 =	vsel vm11, $0x5, v56;
	v36 =	vsel vm11, $0x6, v57;
	v6 =	vsel vm10, $0x28E, v6  }
0x89: {  	v35 =	vsel vm12, $0x86, v35;
	v39 =	vsel vm14, $0x30F, v6;
	v6 =	vimm.s32 $0x383  }
0x8a: {  	v36 =	vsel vm12, $0x87, v36;
	v35 =	vsel vm13, $0x107, v35;
	v6 =	vsel vm11, $0x4, v6  }
0x8b: {  	v36 =	vsel vm13, $0x108, v36;
	v35 =	vsel vm0, $0x188, v35;
	v6 =	vsel vm12, $0x85, v6  }
0x8c: {  	v36 =	vsel vm0, $0x189, v36;
	v35 =	vsel vm1, $0x209, v35;
	v6 =	vsel vm13, $0x106, v6  }
0x8d: {  	v36 =	vsel vm1, $0x20A, v36;
	v35 =	vsel vm2, $0x28A, v35;
	v6 =	vsel vm0, $0x187, v6  }
0x8e: {  	v36 =	vsel vm2, $0x28B, v36;
	v35 =	vsel vm3, $0x30B, v35;
	v6 =	vsel vm1, $0x208, v6  }
0x8f: {  	v36 =	vsel vm3, $0x30C, v36;
	v35 =	vsel vm4, $0x38C, v35;
	v6 =	vsel vm2, $0x289, v6  }
0x90: {  	v36 =	vsel vm4, $0x38D, v36;
	v35 =	vsel vm5, $0xD, v35;
	v6 =	vsel vm3, $0x30A, v6  }
0x91: {  	v36 =	vsel vm5, $0xE, v36;
	v35 =	vsel vm6, $0x8E, v35;
	v6 =	vsel vm4, $0x38B, v6  }
0x92: {  	v36 =	vsel vm6, $0x8F, v36;
	v35 =	vsel vm7, $0x10F, v35;
	v6 =	vsel vm5, $0xC, v6  }
0x93: {  	v36 =	vsel vm7, $0x100, v36;
	v35 =	vsel vm8, $0x180, v35;
	v6 =	vsel vm6, $0x8D, v6  }
0x94: {  	v36 =	vsel vm8, $0x181, v36;
	v35 =	vsel vm9, $0x201, v35;
	v6 =	vsel vm7, $0x10E, v6  }
0x95: {  	v36 =	vsel vm9, $0x202, v36;
	v35 =	vsel vm10, $0x282, v35;
	v6 =	vsel vm8, $0x18F, v6  }
0x96: {  	v36 =	vsel vm10, $0x283, v36;
	v55 =	vsel vm14, $0x303, v35;
	v6 =	vsel vm9, $0x200, v6  }
0x97: {  	v56 =	vsel vm14, $0x304, v36;
	v35 =	vsel vm11, $0x8, v58;
	v6 =	vsel vm10, $0x281, v6  }
0x98: {  	v36 =	vsel vm11, $0x9, v59;
	v54 =	vsel vm14, $0x302, v6;
	v6 =	vimm.s32 $0x386  }
0x99: {  	v35 =	vsel vm12, $0x89, v35;
	v36 =	vsel vm12, $0x8A, v36;
	v6 =	vsel vm11, $0x7, v6  }
0x9a: {  	v35 =	vsel vm13, $0x10A, v35;
	v36 =	vsel vm13, $0x10B, v36;
	v6 =	vsel vm12, $0x88, v6  }
0x9b: {  	v35 =	vsel vm0, $0x18B, v35;
	v36 =	vsel vm0, $0x18C, v36;
	v6 =	vsel vm13, $0x109, v6  }
0x9c: {  	v35 =	vsel vm1, $0x20C, v35;
	v36 =	vsel vm1, $0x20D, v36;
	v6 =	vsel vm0, $0x18A, v6  }
0x9d: {  	v35 =	vsel vm2, $0x28D, v35;
	v36 =	vsel vm2, $0x28E, v36;
	v6 =	vsel vm1, $0x20B, v6  }
0x9e: {  	v35 =	vsel vm3, $0x30E, v35;
	v36 =	vsel vm3, $0x30F, v36;
	v6 =	vsel vm2, $0x28C, v6  }
0x9f: {  	v35 =	vsel vm4, $0x38F, v35;
	v36 =	vsel vm4, $0x380, v36;
	v6 =	vsel vm3, $0x30D, v6  }
0xa0: {  	v35 =	vsel vm5, $0x0, v35;
	v36 =	vsel vm5, $0x1, v36;
	v6 =	vsel vm4, $0x38E, v6  }
0xa1: {  	v35 =	vsel vm6, $0x81, v35;
	v36 =	vsel vm6, $0x82, v36;
	v6 =	vsel vm5, $0xF, v6  }
0xa2: {  	v35 =	vsel vm7, $0x102, v35;
	v36 =	vsel vm7, $0x103, v36;
	v6 =	vsel vm6, $0x80, v6  }
0xa3: {  	v35 =	vsel vm8, $0x183, v35;
	v36 =	vsel vm8, $0x184, v36;
	v6 =	vsel vm7, $0x101, v6  }
0xa4: {  	v35 =	vsel vm9, $0x204, v35;
	v36 =	vsel vm9, $0x205, v36;
	v6 =	vsel vm8, $0x182, v6  }
0xa5: {  	v35 =	vsel vm10, $0x285, v35;
	v36 =	vsel vm10, $0x286, v36;
	v6 =	vsel vm9, $0x203, v6  }
0xa6: {  	v42 =	vsel vm14, $0x306, v35;
	v43 =	vsel vm14, $0x307, v36;
	v6 =	vsel vm10, $0x284, v6  }
0xa7: {  	v35 =	vsel vm11, $0xB, v60;
	v41 =	vsel vm14, $0x305, v6;
	v6 =	vimm.s32 $0x389  }
0xa8: {  	v36 =	vsel vm11, $0xC, v61;
	v35 =	vsel vm12, $0x8C, v35;
	v6 =	vsel vm11, $0xA, v6  }
0xa9: {  	v36 =	vsel vm12, $0x8D, v36;
	v35 =	vsel vm13, $0x10D, v35;
	v6 =	vsel vm12, $0x8B, v6  }
0xaa: {  	v36 =	vsel vm13, $0x10E, v36;
	v35 =	vsel vm0, $0x18E, v35;
	v6 =	vsel vm13, $0x10C, v6  }
0xab: {  	v36 =	vsel vm0, $0x18F, v36;
	v35 =	vsel vm1, $0x20F, v35;
	v6 =	vsel vm0, $0x18D, v6  }
0xac: {  	v36 =	vsel vm1, $0x200, v36;
	v35 =	vsel vm2, $0x280, v35;
	v6 =	vsel vm1, $0x20E, v6  }
0xad: {  	v36 =	vsel vm2, $0x281, v36;
	v35 =	vsel vm3, $0x301, v35;
	v6 =	vsel vm2, $0x28F, v6  }
0xae: {  	v36 =	vsel vm3, $0x302, v36;
	v35 =	vsel vm4, $0x382, v35;
	v6 =	vsel vm3, $0x300, v6  }
0xaf: {  	v36 =	vsel vm4, $0x383, v36;
	v35 =	vsel vm5, $0x3, v35;
	v6 =	vsel vm4, $0x381, v6  }
0xb0: {  	v36 =	vsel vm5, $0x4, v36;
	v35 =	vsel vm6, $0x84, v35;
	v6 =	vsel vm5, $0x2, v6  }
0xb1: {  	v36 =	vsel vm6, $0x85, v36;
	v35 =	vsel vm7, $0x105, v35;
	v6 =	vsel vm6, $0x83, v6  }
0xb2: {  	v36 =	vsel vm7, $0x106, v36;
	v35 =	vsel vm8, $0x186, v35;
	v6 =	vsel vm7, $0x104, v6  }
0xb3: {  	v36 =	vsel vm8, $0x187, v36;
	v35 =	vsel vm9, $0x207, v35;
	v6 =	vsel vm8, $0x185, v6  }
0xb4: {  	v36 =	vsel vm9, $0x208, v36;
	v35 =	vsel vm10, $0x288, v35;
	v6 =	vsel vm9, $0x206, v6  }
0xb5: {  	v36 =	vsel vm10, $0x289, v36;
	v45 =	vsel vm14, $0x309, v35;
	v6 =	vsel vm10, $0x287, v6  }
0xb6: {  	v46 =	vsel vm14, $0x30A, v36;
	v44 =	vsel vm14, $0x308, v6;
	v6 =	vimm.s32 $0x38C  }
0xb7: {  	v35 =	vsel vm11, $0xE, v62;
	v36 =	vsel vm11, $0xF, v63;
	v6 =	vsel vm11, $0xD, v6  }
0xb8: {  	s0 =	rddreg [dreg:$0x0];
	s1 =	srdreg.scid;
	v35 =	vsel vm12, $0x8F, v35;
	v36 =	vsel vm12, $0x80, v36;
	v6 =	vsel vm12, $0x8E, v6  }
0xb9: {  	s3 =	stileid.u32;
	s2 =	rddreg [dreg:$0x2];
	v35 =	vsel vm13, $0x100, v35;
	v36 =	vsel vm13, $0x101, v36;
	v6 =	vsel vm13, $0x10F, v6  }
0xba: {  	s4 =	simm.s32 $0x0;
	s18 =	simm.s32 $0x800;
	s19 =	simm.s32 $0x7A1400;
	v35 =	vsel vm0, $0x181, v35;
	v36 =	vsel vm0, $0x182, v36;
	v6 =	vsel vm0, $0x180, v6  }
0xbb: {  	s20 =	simm.s32 $0x4000;
	s21 =	simm.s32 $0x1;
	s22 =	simm.s32 $0x8000;
	v35 =	vsel vm1, $0x202, v35;
	v36 =	vsel vm1, $0x203, v36;
	v6 =	vsel vm1, $0x201, v6  }
0xbc: {  	s23 =	simm.s32 $0xC000;
	s24 =	simm.s32 $0x2;
	s1 =	sand.u32 $0x1, s1;
	v35 =	vsel vm2, $0x283, v35;
	v36 =	vsel vm2, $0x284, v36;
	v6 =	vsel vm2, $0x282, v6  }
0xbd: {  	s3 =	sshll.u32 s3, $0x1;
	[smem:$0x7FF] =	sst s4;
	s10 =	sadd.s32 $0x7A1800, s2;
	v35 =	vsel vm3, $0x304, v35;
	v36 =	vsel vm3, $0x305, v36;
	v6 =	vsel vm3, $0x303, v6  }
0xbe: {  	s6 =	sadd.s32 $0x800, s2;
	s12 =	sadd.s32 $0xF4100, s0;
	s13 =	sadd.s32 $0x7A1000, s2;
	v35 =	vsel vm4, $0x385, v35;
	v36 =	vsel vm4, $0x386, v36;
	v6 =	vsel vm4, $0x384, v6  }
0xbf: {  	s16 =	sadd.s32 $0x7A0800, s2;
	s3 =	sor.u32 s1, s3;
	_ =	strace $0x80000047;
	v35 =	vsel vm5, $0x6, v35;
	v36 =	vsel vm5, $0x7, v36;
	v6 =	vsel vm5, $0x5, v6  }
0xc0: {  	s25 =	simm.s32 $0x0;
	s15 =	sadd.s32 $0xF4000, s0;
	s7 =	smul.u32 $0x7A00, s3;
	[tilespmem:$0x1FFB0] =	vst v40;
	v35 =	vsel vm6, $0x87, v35;
	v36 =	vsel vm6, $0x88, v36;
	v6 =	vsel vm6, $0x86, v6  }
.Ltmp0:
0xc1: {  	s1 =	ssub.s32 $0x2, s1;
	[dreg:$0x4] =	wrdreg s10;
	[tilespmem:$0x1FFC0] =	vst v53;
	v35 =	vsel vm7, $0x108, v35;
	v36 =	vsel vm7, $0x109, v36;
	v6 =	vsel vm7, $0x107, v6;
	(pc) =	sbr.rel .LBB2_1-.Ltmp0, $4  }
0xc2: {  	s8 =	sshrl.u32 s1, $0x1;
	s5 =	smul.u32 $0x7A, s3;
	p0 =	seq.s32 s3, $0x1F;
	[tilespmem:$0x1FFE0] =	vst v55;
	v35 =	vsel vm8, $0x189, v35;
	v36 =	vsel vm8, $0x18A, v36;
	v6 =	vsel vm8, $0x188, v6  }
0xc3: {  	p1 =	seq.s32 s3, $0x1;
	p2 =	sne.s32 s3, $0x0;
	s1 =	ssub.s32 s1, s8;
	[tilespmem:$0x1FFF0] =	vst v56;
	v35 =	vsel vm9, $0x20A, v35;
	v36 =	vsel vm9, $0x20B, v36;
	v6 =	vsel vm9, $0x209, v6  }
0xc4: {  	s7 =	sadd.s32 s0, s7;
	s9 =	sadd.s32 $0x2, s5;
	s11 =	sor.u32 $0x1, s5;
	[tilespmem:$0x1FFA0] =	vst v39;
	v35 =	vsel vm10, $0x28B, v35;
	v36 =	vsel vm10, $0x28C, v36;
	v6 =	vsel vm10, $0x28A, v6  }
0xc5: {  	s14 =	sadd.s32 $0x3, s5;
	s17 =	smax.u32 s1, $0x1;
	s8 =	sadd.s32 $0x100, s7;
	[tilespmem:$0x1FFD0] =	vst v54;
	v48 =	vsel vm14, $0x30C, v35;
	v49 =	vsel vm14, $0x30D, v36;
	v47 =	vsel vm14, $0x30B, v6  }
.LBB2_20:
0xc6: {  	s25 =	sadd.s32 $0x1, s25  }
0xc7: {  	p3 =	sne.s32 s25, s17  }
.Ltmp1:
0xc8: {  	_ = 	snop;
	(pc) =	sbr.rel @!p3 .LBB2_21-.Ltmp1, $1  }
0xc9: {  	_ =	sdelay $0x3  }
.LBB2_1:
0xca: {  	[tilespmem:s4], [sflag:$0x1] =	stream.strided.gather [hbm4b:s7+s18], $0x4000, s19, s18, $0x38;
	[tilespmem:$0x10000] =	vst v63  }
0xcb: {  	s26 =	simm.s32 $0x0  }
0xcc: {  	[tilespmem:s20], [sflag:$0x1] =	stream.strided.gather [hbm4b:s8+s18], $0x4000, s19, s18, $0x38;
	[tilespmem:$0x10000] =	vst v63  }
.LBB2_2:
0xcd: {  	s1 =	simm.s32 $0x0  }
0xce: {  	s2 =	simm.s32 $0x0;
	s1 =	sand.u32 $0x20, s1  }
0xcf: {  	v35 =	vmov s2;
	v6 =	vmov s1  }
0xd0: {  	v35 =	vshll.u32 v35, $0x3;
	v6 =	vshll.u32 v6, $0x8  }
0xd1: {  	v35 =	vand.u32 $0x400, v35;
	v6 =	vor.u32 v1, v6  }
0xd2: {  	v36 =	vor.u32 s2, v0;
	v35 =	vor.u32 v2, v35;
	v6 =	vand.u32 $0x2800, v6  }
0xd3: {  	_ =	swait.ge [sflag:s21], $0x4000;
	v36 =	vand.u32 $0x7F, v36;
	v6 =	vor.u32 v6, v35  }
0xd4: {  	p3 =	seq.s32 s26, $0x0;
	[sflag:s21] =	ssyncset.done $0x0;
	v37 =	vor.u32 v36, v6  }
0xd5: {  	s10 =	simm.s32 @!p3 $0x2;
	[sflag:s21] =	ssyncadd.s32 $0xFFFFC000  }
0xd6: {  	_ =	swait.ge @!p3 [sflag:s10], $0x4000  }
0xd7: {  	s3 =	simm.s32 $0x0;
	[sflag:s10] =	ssyncset.done @!p3 $0x0  }
0xd8: {  	v50 =	vor.u32 s2, v4;
	[sflag:s10] =	ssyncadd.s32 @!p3 $0xFFFFC000;
	s10 =	sor.u32 s1, s3  }
0xd9: {  	v50 =	vand.u32 $0x7F, v50;
	v51 =	vor.u32 s10, v3;
	v37 =	vld.idx.msk [tilespmem:v37+s4+$0x0], $0xffff  }
0xda: {  	v52 =	vor.u32 v50, v6;
	_ =	sdelay $0x3  }
0xdb: {  	v56 =	vor.u32 s2, v8;
	[tilespmem:v51+s22+$0x0] =	vst.idx.msk $0xffff, v37  }
0xdc: {  	v57 =	vor.u32 s10, v7;
	v37 =	vand.u32 $0x7F, v56;
	v51 =	vld.idx.msk [tilespmem:v52+s4+$0x0], $0xffff  }
0xdd: {  	v53 =	vor.u32 v37, v6;
	_ =	sdelay $0x3  }
0xde: {  	v58 =	vor.u32 s2, v10;
	[tilespmem:v57+s22+$0x0] =	vst.idx.msk $0xffff, v51  }
0xdf: {  	v59 =	vor.u32 s10, v9;
	v51 =	vand.u32 $0x7F, v58;
	v52 =	vld.idx.msk [tilespmem:v53+s4+$0x0], $0xffff  }
0xe0: {  	v54 =	vor.u32 v51, v6;
	_ =	sdelay $0x3  }
0xe1: {  	v60 =	vor.u32 s2, v12;
	[tilespmem:v59+s22+$0x0] =	vst.idx.msk $0xffff, v52  }
0xe2: {  	v61 =	vor.u32 s10, v11;
	v52 =	vand.u32 $0x7F, v60;
	v53 =	vld.idx.msk [tilespmem:v54+s4+$0x0], $0xffff  }
0xe3: {  	v55 =	vor.u32 v52, v6;
	_ =	sdelay $0x3  }
0xe4: {  	v62 =	vor.u32 s2, v14;
	[tilespmem:v61+s22+$0x0] =	vst.idx.msk $0xffff, v53  }
0xe5: {  	v63 =	vor.u32 s10, v13;
	v53 =	vand.u32 $0x7F, v62;
	v54 =	vld.idx.msk [tilespmem:v55+s4+$0x0], $0xffff  }
0xe6: {  	v56 =	vor.u32 v53, v6;
	_ =	sdelay $0x3  }
0xe7: {  	v38 =	vor.u32 s2, v15;
	[tilespmem:v63+s22+$0x0] =	vst.idx.msk $0xffff, v54  }
0xe8: {  	v39 =	vor.u32 s10, v5;
	v54 =	vand.u32 $0x7F, v38;
	v55 =	vld.idx.msk [tilespmem:v56+s4+$0x0], $0xffff  }
0xe9: {  	v57 =	vor.u32 v54, v6;
	_ =	sdelay $0x3  }
0xea: {  	v40 =	vor.u32 s2, v17;
	[tilespmem:v39+s22+$0x0] =	vst.idx.msk $0xffff, v55  }
0xeb: {  	v60 =	vor.u32 s10, v16;
	v55 =	vand.u32 $0x7F, v40;
	v56 =	vld.idx.msk [tilespmem:v57+s4+$0x0], $0xffff  }
0xec: {  	v58 =	vor.u32 v55, v6;
	_ =	sdelay $0x3  }
0xed: {  	v61 =	vor.u32 s2, v19;
	[tilespmem:v60+s22+$0x0] =	vst.idx.msk $0xffff, v56  }
0xee: {  	v62 =	vor.u32 s10, v18;
	v56 =	vand.u32 $0x7F, v61;
	v57 =	vld.idx.msk [tilespmem:v58+s4+$0x0], $0xffff  }
0xef: {  	v59 =	vor.u32 v56, v6;
	_ =	sdelay $0x3  }
0xf0: {  	v63 =	vor.u32 s2, v21;
	[tilespmem:v62+s22+$0x0] =	vst.idx.msk $0xffff, v57  }
0xf1: {  	v38 =	vor.u32 s10, v20;
	v57 =	vand.u32 $0x7F, v63;
	v58 =	vld.idx.msk [tilespmem:v59+s4+$0x0], $0xffff  }
0xf2: {  	v60 =	vor.u32 v57, v6;
	_ =	sdelay $0x3  }
0xf3: {  	v39 =	vor.u32 s2, v23;
	[tilespmem:v38+s22+$0x0] =	vst.idx.msk $0xffff, v58  }
0xf4: {  	v40 =	vor.u32 s10, v22;
	v58 =	vand.u32 $0x7F, v39;
	v59 =	vld.idx.msk [tilespmem:v60+s4+$0x0], $0xffff  }
0xf5: {  	v61 =	vor.u32 v58, v6;
	_ =	sdelay $0x3  }
0xf6: {  	v38 =	vor.u32 s2, v25;
	[tilespmem:v40+s22+$0x0] =	vst.idx.msk $0xffff, v59  }
0xf7: {  	v39 =	vor.u32 s10, v24;
	v59 =	vand.u32 $0x7F, v38;
	v60 =	vld.idx.msk [tilespmem:v61+s4+$0x0], $0xffff  }
0xf8: {  	v62 =	vor.u32 v59, v6;
	_ =	sdelay $0x3  }
0xf9: {  	v40 =	vor.u32 s2, v27;
	[tilespmem:v39+s22+$0x0] =	vst.idx.msk $0xffff, v60  }
0xfa: {  	v38 =	vor.u32 s10, v26;
	v60 =	vand.u32 $0x7F, v40;
	v61 =	vld.idx.msk [tilespmem:v62+s4+$0x0], $0xffff  }
0xfb: {  	v63 =	vor.u32 v60, v6;
	_ =	sdelay $0x3  }
0xfc: {  	v39 =	vor.u32 s2, v29;
	[tilespmem:v38+s22+$0x0] =	vst.idx.msk $0xffff, v61  }
0xfd: {  	v40 =	vor.u32 s10, v28;
	v61 =	vand.u32 $0x7F, v39;
	v62 =	vld.idx.msk [tilespmem:v63+s4+$0x0], $0xffff  }
0xfe: {  	v38 =	vor.u32 v61, v6;
	_ =	sdelay $0x3  }
0xff: {  	[tilespmem:v40+s22+$0x0] =	vst.idx.msk $0xffff, v62;
	v40 =	vor.u32 s2, v31  }
0x100: {  	v63 =	vor.u32 s10, v30;
	v38 =	vld.idx.msk [tilespmem:v38+s4+$0x0], $0xffff;
	v62 =	vand.u32 $0x7F, v40  }
0x101: {  	v39 =	vor.u32 v62, v6;
	_ =	sdelay $0x3  }
0x102: {  	[tilespmem:v63+s22+$0x0] =	vst.idx.msk $0xffff, v38;
	v38 =	vor.u32 s2, v33  }
0x103: {  	v63 =	vor.u32 s10, v32;
	v39 =	vld.idx.msk [tilespmem:v39+s4+$0x0], $0xffff;
	v38 =	vand.u32 $0x7F, v38  }
0x104: {  	s1 =	sor.u32 $0x10, s1;
	v6 =	vor.u32 v38, v6  }
0x105: {  	v40 =	vmov s1  }
0x106: {  	v40 =	vshll.u32 v40, $0x8  }
0x107: {  	v40 =	vor.u32 v1, v40  }
0x108: {  	[tilespmem:v63+s22+$0x0] =	vst.idx.msk $0xffff, v39;
	v39 =	vand.u32 $0x3800, v40  }
0x109: {  	v63 =	vor.u32 s10, v34;
	v6 =	vld.idx.msk [tilespmem:v6+s4+$0x0], $0xffff;
	v35 =	vor.u32 v39, v35  }
0x10a: {  	v36 =	vor.u32 v36, v35;
	_ =	sdelay $0x3  }
0x10b: {  	s3 =	sor.u32 s3, s1;
	[tilespmem:v63+s22+$0x0] =	vst.idx.msk $0xffff, v6  }
0x10c: {  	v63 =	vor.u32 s3, v3;
	v6 =	vld.idx.msk [tilespmem:v36+s4+$0x0], $0xffff  }
0x10d: {  	v39 =	vor.u32 v50, v35;
	_ =	sdelay $0x3  }
0x10e: {  	[tilespmem:v63+s22+$0x0] =	vst.idx.msk $0xffff, v6  }
0x10f: {  	v40 =	vor.u32 s3, v7;
	v6 =	vld.idx.msk [tilespmem:v39+s4+$0x0], $0xffff  }
0x110: {  	v37 =	vor.u32 v37, v35;
	_ =	sdelay $0x3  }
0x111: {  	[tilespmem:v40+s22+$0x0] =	vst.idx.msk $0xffff, v6  }
0x112: {  	v50 =	vor.u32 s3, v9;
	v6 =	vld.idx.msk [tilespmem:v37+s4+$0x0], $0xffff  }
0x113: {  	v51 =	vor.u32 v51, v35;
	_ =	sdelay $0x3  }
0x114: {  	[tilespmem:v50+s22+$0x0] =	vst.idx.msk $0xffff, v6  }
0x115: {  	v63 =	vor.u32 s3, v11;
	v6 =	vld.idx.msk [tilespmem:v51+s4+$0x0], $0xffff  }
0x116: {  	v40 =	vor.u32 v52, v35;
	_ =	sdelay $0x3  }
0x117: {  	[tilespmem:v63+s22+$0x0] =	vst.idx.msk $0xffff, v6  }
0x118: {  	v50 =	vor.u32 s3, v13;
	v6 =	vld.idx.msk [tilespmem:v40+s4+$0x0], $0xffff  }
0x119: {  	v51 =	vor.u32 v53, v35;
	_ =	sdelay $0x3  }
0x11a: {  	[tilespmem:v50+s22+$0x0] =	vst.idx.msk $0xffff, v6  }
0x11b: {  	v52 =	vor.u32 s3, v5;
	v6 =	vld.idx.msk [tilespmem:v51+s4+$0x0], $0xffff  }
0x11c: {  	v53 =	vor.u32 v54, v35;
	_ =	sdelay $0x3  }
0x11d: {  	[tilespmem:v52+s22+$0x0] =	vst.idx.msk $0xffff, v6  }
0x11e: {  	v54 =	vor.u32 s3, v16;
	v6 =	vld.idx.msk [tilespmem:v53+s4+$0x0], $0xffff  }
0x11f: {  	v63 =	vor.u32 v55, v35;
	_ =	sdelay $0x3  }
0x120: {  	[tilespmem:v54+s22+$0x0] =	vst.idx.msk $0xffff, v6  }
0x121: {  	v40 =	vor.u32 s3, v18;
	v6 =	vld.idx.msk [tilespmem:v63+s4+$0x0], $0xffff  }
0x122: {  	v50 =	vor.u32 v56, v35;
	_ =	sdelay $0x3  }
0x123: {  	[tilespmem:v40+s22+$0x0] =	vst.idx.msk $0xffff, v6  }
0x124: {  	v51 =	vor.u32 s3, v20;
	v6 =	vld.idx.msk [tilespmem:v50+s4+$0x0], $0xffff  }
0x125: {  	v52 =	vor.u32 v57, v35;
	_ =	sdelay $0x3  }
0x126: {  	[tilespmem:v51+s22+$0x0] =	vst.idx.msk $0xffff, v6  }
0x127: {  	v53 =	vor.u32 s3, v22;
	v6 =	vld.idx.msk [tilespmem:v52+s4+$0x0], $0xffff  }
0x128: {  	v54 =	vor.u32 v58, v35;
	_ =	sdelay $0x3  }
0x129: {  	[tilespmem:v53+s22+$0x0] =	vst.idx.msk $0xffff, v6  }
0x12a: {  	v55 =	vor.u32 s3, v24;
	v6 =	vld.idx.msk [tilespmem:v54+s4+$0x0], $0xffff  }
0x12b: {  	v56 =	vor.u32 v59, v35;
	_ =	sdelay $0x3  }
0x12c: {  	[tilespmem:v55+s22+$0x0] =	vst.idx.msk $0xffff, v6  }
0x12d: {  	v57 =	vor.u32 s3, v26;
	v6 =	vld.idx.msk [tilespmem:v56+s4+$0x0], $0xffff  }
0x12e: {  	v58 =	vor.u32 v60, v35;
	_ =	sdelay $0x3  }
0x12f: {  	[tilespmem:v57+s22+$0x0] =	vst.idx.msk $0xffff, v6  }
0x130: {  	v59 =	vor.u32 s3, v28;
	v6 =	vld.idx.msk [tilespmem:v58+s4+$0x0], $0xffff  }
0x131: {  	v60 =	vor.u32 v61, v35;
	_ =	sdelay $0x3  }
0x132: {  	[tilespmem:v59+s22+$0x0] =	vst.idx.msk $0xffff, v6  }
0x133: {  	v61 =	vor.u32 s3, v30;
	v6 =	vld.idx.msk [tilespmem:v60+s4+$0x0], $0xffff  }
0x134: {  	v63 =	vor.u32 v62, v35;
	_ =	sdelay $0x3  }
0x135: {  	[tilespmem:v61+s22+$0x0] =	vst.idx.msk $0xffff, v6  }
0x136: {  	s28 =	sshll.u32 s26, $0x1;
	s30 =	simm.s32 $0x2;
	v36 =	vor.u32 s3, v32;
	v6 =	vld.idx.msk [tilespmem:v63+s4+$0x0], $0xffff  }
0x137: {  	s31 =	simm.s32 $0x20;
	s29 =	sadd.s32 s5, s28;
	s10 =	simm.s32 $0x0;
	v35 =	vor.u32 v38, v35  }
.LBB2_3:
0x138: {  	p4 =	sne.s32 s30, $0x1F;
	s2 =	sand.u32 $0x20, s31;
	s1 =	sshll.u32 s10, $0x4  }
0x139: {  	v37 =	vmov s2;
	v38 =	vmov s1  }
0x13a: {  	v37 =	vshll.u32 v37, $0x8;
	v38 =	vshll.u32 v38, $0x3  }
0x13b: {  	v37 =	vor.u32 v1, v37;
	v38 =	vand.u32 $0x400, v38;
	[tilespmem:v36+s22+$0x0] =	vst.idx.msk $0xffff, v6  }
0x13c: {  	v6 =	vor.u32 s1, v0;
	v36 =	vand.u32 $0x2800, v37;
	v50 =	vor.u32 v2, v38;
	v35 =	vld.idx.msk [tilespmem:v35+s4+$0x0], $0xffff  }
0x13d: {  	v51 =	vand.u32 $0x7F, v6;
	v6 =	vor.u32 s3, v34;
	v59 =	vor.u32 v36, v50  }
0x13e: {  	v36 =	vor.u32 v51, v59;
	_ =	sdelay $0x3  }
0x13f: {  	s3 =	sshll.u32 s10, $0xA;
	[tilespmem:v6+s22+$0x0] =	vst.idx.msk $0xffff, v35  }
0x140: {  	s10 =	sor.u32 s2, s3;
	v35 =	vor.u32 s1, v4;
	v6 =	vld.idx.msk [tilespmem:v36+s4+$0x0], $0xffff  }
0x141: {  	v36 =	vor.u32 s10, v3;
	v52 =	vand.u32 $0x7F, v35  }
0x142: {  	v35 =	vor.u32 v52, v59;
	_ =	sdelay $0x3  }
0x143: {  	[tilespmem:v36+s22+$0x0] =	vst.idx.msk $0xffff, v6  }
0x144: {  	v6 =	vld.idx.msk [tilespmem:v35+s4+$0x0], $0xffff;
	v35 =	vor.u32 s1, v8  }
0x145: {  	v36 =	vor.u32 s10, v7;
	v53 =	vand.u32 $0x7F, v35  }
0x146: {  	v35 =	vor.u32 v53, v59;
	_ =	sdelay $0x3  }
0x147: {  	[tilespmem:v36+s22+$0x0] =	vst.idx.msk $0xffff, v6  }
0x148: {  	v6 =	vld.idx.msk [tilespmem:v35+s4+$0x0], $0xffff;
	v35 =	vor.u32 s1, v10  }
0x149: {  	v36 =	vor.u32 s10, v9;
	v54 =	vand.u32 $0x7F, v35  }
0x14a: {  	v35 =	vor.u32 v54, v59;
	_ =	sdelay $0x3  }
0x14b: {  	[tilespmem:v36+s22+$0x0] =	vst.idx.msk $0xffff, v6  }
0x14c: {  	v6 =	vld.idx.msk [tilespmem:v35+s4+$0x0], $0xffff;
	v35 =	vor.u32 s1, v12  }
0x14d: {  	v36 =	vor.u32 s10, v11;
	v55 =	vand.u32 $0x7F, v35  }
0x14e: {  	v35 =	vor.u32 v55, v59;
	_ =	sdelay $0x3  }
0x14f: {  	[tilespmem:v36+s22+$0x0] =	vst.idx.msk $0xffff, v6  }
0x150: {  	v6 =	vld.idx.msk [tilespmem:v35+s4+$0x0], $0xffff;
	v35 =	vor.u32 s1, v14  }
0x151: {  	v36 =	vor.u32 s10, v13;
	v56 =	vand.u32 $0x7F, v35  }
0x152: {  	v35 =	vor.u32 v56, v59;
	_ =	sdelay $0x3  }
0x153: {  	[tilespmem:v36+s22+$0x0] =	vst.idx.msk $0xffff, v6  }
0x154: {  	v6 =	vld.idx.msk [tilespmem:v35+s4+$0x0], $0xffff;
	v35 =	vor.u32 s1, v15  }
0x155: {  	v36 =	vor.u32 s10, v5;
	v57 =	vand.u32 $0x7F, v35  }
0x156: {  	v35 =	vor.u32 v57, v59;
	_ =	sdelay $0x3  }
0x157: {  	[tilespmem:v36+s22+$0x0] =	vst.idx.msk $0xffff, v6  }
0x158: {  	v6 =	vld.idx.msk [tilespmem:v35+s4+$0x0], $0xffff;
	v35 =	vor.u32 s1, v17  }
0x159: {  	v36 =	vor.u32 s10, v16;
	v58 =	vand.u32 $0x7F, v35  }
0x15a: {  	v35 =	vor.u32 v58, v59;
	_ =	sdelay $0x3  }
0x15b: {  	[tilespmem:v36+s22+$0x0] =	vst.idx.msk $0xffff, v6  }
0x15c: {  	v6 =	vld.idx.msk [tilespmem:v35+s4+$0x0], $0xffff;
	v35 =	vor.u32 s1, v19  }
0x15d: {  	v36 =	vor.u32 s10, v18;
	v60 =	vand.u32 $0x7F, v35  }
0x15e: {  	v35 =	vor.u32 v60, v59;
	_ =	sdelay $0x3  }
0x15f: {  	[tilespmem:v36+s22+$0x0] =	vst.idx.msk $0xffff, v6  }
0x160: {  	v6 =	vld.idx.msk [tilespmem:v35+s4+$0x0], $0xffff;
	v35 =	vor.u32 s1, v21  }
0x161: {  	v36 =	vor.u32 s10, v20;
	v61 =	vand.u32 $0x7F, v35  }
0x162: {  	v35 =	vor.u32 v61, v59;
	_ =	sdelay $0x3  }
0x163: {  	[tilespmem:v36+s22+$0x0] =	vst.idx.msk $0xffff, v6  }
0x164: {  	v6 =	vld.idx.msk [tilespmem:v35+s4+$0x0], $0xffff;
	v35 =	vor.u32 s1, v23  }
0x165: {  	v36 =	vor.u32 s10, v22;
	v62 =	vand.u32 $0x7F, v35  }
0x166: {  	v35 =	vor.u32 v62, v59;
	_ =	sdelay $0x3  }
0x167: {  	[tilespmem:v36+s22+$0x0] =	vst.idx.msk $0xffff, v6  }
0x168: {  	v6 =	vld.idx.msk [tilespmem:v35+s4+$0x0], $0xffff;
	v35 =	vor.u32 s1, v25  }
0x169: {  	v36 =	vor.u32 s10, v24;
	v63 =	vand.u32 $0x7F, v35  }
0x16a: {  	v35 =	vor.u32 v63, v59;
	_ =	sdelay $0x3  }
0x16b: {  	[tilespmem:v36+s22+$0x0] =	vst.idx.msk $0xffff, v6  }
0x16c: {  	v6 =	vor.u32 s1, v27;
	v35 =	vld.idx.msk [tilespmem:v35+s4+$0x0], $0xffff  }
0x16d: {  	v36 =	vor.u32 s10, v26;
	v6 =	vand.u32 $0x7F, v6  }
0x16e: {  	v37 =	vor.u32 v6, v59;
	_ =	sdelay $0x3  }
0x16f: {  	[tilespmem:v36+s22+$0x0] =	vst.idx.msk $0xffff, v35  }
0x170: {  	v35 =	vor.u32 s1, v29;
	v36 =	vld.idx.msk [tilespmem:v37+s4+$0x0], $0xffff  }
0x171: {  	v37 =	vor.u32 s10, v28;
	v35 =	vand.u32 $0x7F, v35  }
0x172: {  	v38 =	vor.u32 v35, v59;
	_ =	sdelay $0x3  }
0x173: {  	[tilespmem:v37+s22+$0x0] =	vst.idx.msk $0xffff, v36  }
0x174: {  	v36 =	vor.u32 s1, v31;
	v37 =	vld.idx.msk [tilespmem:v38+s4+$0x0], $0xffff  }
0x175: {  	v38 =	vor.u32 s10, v30;
	v36 =	vand.u32 $0x7F, v36  }
0x176: {  	v39 =	vor.u32 v36, v59;
	_ =	sdelay $0x3  }
0x177: {  	[tilespmem:v38+s22+$0x0] =	vst.idx.msk $0xffff, v37  }
0x178: {  	v37 =	vor.u32 s1, v33;
	v38 =	vld.idx.msk [tilespmem:v39+s4+$0x0], $0xffff  }
0x179: {  	v39 =	vor.u32 s10, v32;
	v37 =	vand.u32 $0x7F, v37  }
0x17a: {  	v40 =	vor.u32 v37, v59  }
0x17b: {  	s1 =	sor.u32 $0x10, s2  }
0x17c: {  	v59 =	vmov s1  }
0x17d: {  	v59 =	vshll.u32 v59, $0x8  }
0x17e: {  	[tilespmem:v39+s22+$0x0] =	vst.idx.msk $0xffff, v38;
	v38 =	vor.u32 v1, v59  }
0x17f: {  	v39 =	vld.idx.msk [tilespmem:v40+s4+$0x0], $0xffff;
	v38 =	vand.u32 $0x3800, v38  }
0x180: {  	v40 =	vor.u32 s10, v34;
	v50 =	vor.u32 v38, v50  }
0x181: {  	v38 =	vor.u32 v51, v50;
	_ =	sdelay $0x3  }
0x182: {  	[tilespmem:v40+s22+$0x0] =	vst.idx.msk $0xffff, v39  }
0x183: {  	s3 =	sor.u32 s3, s1;
	v38 =	vld.idx.msk [tilespmem:v38+s4+$0x0], $0xffff  }
0x184: {  	v39 =	vor.u32 s3, v3  }
0x185: {  	v40 =	vor.u32 v52, v50;
	_ =	sdelay $0x3  }
0x186: {  	[tilespmem:v39+s22+$0x0] =	vst.idx.msk $0xffff, v38  }
0x187: {  	v38 =	vld.idx.msk [tilespmem:v40+s4+$0x0], $0xffff  }
0x188: {  	v39 =	vor.u32 s3, v7  }
0x189: {  	v40 =	vor.u32 v53, v50;
	_ =	sdelay $0x3  }
0x18a: {  	[tilespmem:v39+s22+$0x0] =	vst.idx.msk $0xffff, v38  }
0x18b: {  	v38 =	vld.idx.msk [tilespmem:v40+s4+$0x0], $0xffff  }
0x18c: {  	v39 =	vor.u32 s3, v9  }
0x18d: {  	v40 =	vor.u32 v54, v50;
	_ =	sdelay $0x3  }
0x18e: {  	[tilespmem:v39+s22+$0x0] =	vst.idx.msk $0xffff, v38  }
0x18f: {  	v38 =	vld.idx.msk [tilespmem:v40+s4+$0x0], $0xffff  }
0x190: {  	v39 =	vor.u32 s3, v11  }
0x191: {  	v40 =	vor.u32 v55, v50;
	_ =	sdelay $0x3  }
0x192: {  	[tilespmem:v39+s22+$0x0] =	vst.idx.msk $0xffff, v38  }
0x193: {  	v38 =	vld.idx.msk [tilespmem:v40+s4+$0x0], $0xffff  }
0x194: {  	v39 =	vor.u32 s3, v13  }
0x195: {  	v40 =	vor.u32 v56, v50;
	_ =	sdelay $0x3  }
0x196: {  	[tilespmem:v39+s22+$0x0] =	vst.idx.msk $0xffff, v38  }
0x197: {  	v38 =	vld.idx.msk [tilespmem:v40+s4+$0x0], $0xffff  }
0x198: {  	v39 =	vor.u32 s3, v5  }
0x199: {  	v40 =	vor.u32 v57, v50;
	_ =	sdelay $0x3  }
0x19a: {  	[tilespmem:v39+s22+$0x0] =	vst.idx.msk $0xffff, v38  }
0x19b: {  	v38 =	vld.idx.msk [tilespmem:v40+s4+$0x0], $0xffff  }
0x19c: {  	v39 =	vor.u32 s3, v16  }
0x19d: {  	v40 =	vor.u32 v58, v50;
	_ =	sdelay $0x3  }
0x19e: {  	[tilespmem:v39+s22+$0x0] =	vst.idx.msk $0xffff, v38  }
0x19f: {  	v38 =	vld.idx.msk [tilespmem:v40+s4+$0x0], $0xffff  }
0x1a0: {  	v39 =	vor.u32 s3, v18  }
0x1a1: {  	v40 =	vor.u32 v60, v50;
	_ =	sdelay $0x3  }
0x1a2: {  	[tilespmem:v39+s22+$0x0] =	vst.idx.msk $0xffff, v38  }
0x1a3: {  	v38 =	vld.idx.msk [tilespmem:v40+s4+$0x0], $0xffff  }
0x1a4: {  	v39 =	vor.u32 s3, v20  }
0x1a5: {  	v40 =	vor.u32 v61, v50;
	_ =	sdelay $0x3  }
0x1a6: {  	[tilespmem:v39+s22+$0x0] =	vst.idx.msk $0xffff, v38  }
0x1a7: {  	v38 =	vld.idx.msk [tilespmem:v40+s4+$0x0], $0xffff  }
0x1a8: {  	v39 =	vor.u32 s3, v22  }
0x1a9: {  	v40 =	vor.u32 v62, v50;
	_ =	sdelay $0x3  }
0x1aa: {  	[tilespmem:v39+s22+$0x0] =	vst.idx.msk $0xffff, v38  }
0x1ab: {  	v38 =	vld.idx.msk [tilespmem:v40+s4+$0x0], $0xffff  }
0x1ac: {  	v39 =	vor.u32 s3, v24  }
0x1ad: {  	v40 =	vor.u32 v63, v50;
	_ =	sdelay $0x3  }
0x1ae: {  	[tilespmem:v39+s22+$0x0] =	vst.idx.msk $0xffff, v38  }
0x1af: {  	v38 =	vld.idx.msk [tilespmem:v40+s4+$0x0], $0xffff  }
0x1b0: {  	v39 =	vor.u32 s3, v26  }
0x1b1: {  	v6 =	vor.u32 v6, v50;
	_ =	sdelay $0x3  }
0x1b2: {  	[tilespmem:v39+s22+$0x0] =	vst.idx.msk $0xffff, v38  }
0x1b3: {  	v6 =	vld.idx.msk [tilespmem:v6+s4+$0x0], $0xffff  }
0x1b4: {  	v38 =	vor.u32 s3, v28  }
0x1b5: {  	v35 =	vor.u32 v35, v50;
	_ =	sdelay $0x3  }
0x1b6: {  	[tilespmem:v38+s22+$0x0] =	vst.idx.msk $0xffff, v6  }
0x1b7: {  	v6 =	vld.idx.msk [tilespmem:v35+s4+$0x0], $0xffff  }
0x1b8: {  	v35 =	vor.u32 s3, v30  }
0x1b9: {  	v36 =	vor.u32 v36, v50;
	_ =	sdelay $0x2  }
.Ltmp2:
0x1ba: {  	(pc) =	sbr.rel @p4 .LBB2_3-.Ltmp2, $4  }
0x1bb: {  	[tilespmem:v35+s22+$0x0] =	vst.idx.msk $0xffff, v6  }
0x1bc: {  	v6 =	vld.idx.msk [tilespmem:v36+s4+$0x0], $0xffff  }
0x1bd: {  	v36 =	vor.u32 s3, v32  }
0x1be: {  	s31 =	sadd.s32 $0x20, s31;
	s10 =	sshrl.u32 s30, $0x1;
	s30 =	sadd.s32 $0x1, s30;
	v35 =	vor.u32 v37, v50  }
0x1bf: {  	s1 =	sand.u32 $0x20, s31;
	s2 =	sshll.u32 s10, $0x4  }
0x1c0: {  	v37 =	vmov s1;
	v38 =	vmov s2  }
0x1c1: {  	v37 =	vshll.u32 v37, $0x8;
	v38 =	vshll.u32 v38, $0x3  }
0x1c2: {  	v37 =	vor.u32 v1, v37;
	v38 =	vand.u32 $0x400, v38  }
0x1c3: {  	[tilespmem:v36+s22+$0x0] =	vst.idx.msk $0xffff, v6;
	v6 =	vor.u32 s2, v0;
	v53 =	vand.u32 $0x2800, v37;
	v37 =	vor.u32 v2, v38  }
0x1c4: {  	v54 =	vor.u32 s3, v34;
	v35 =	vld.idx.msk [tilespmem:v35+s4+$0x0], $0xffff;
	v6 =	vand.u32 $0x7F, v6;
	v36 =	vor.u32 v53, v37  }
0x1c5: {  	v39 =	vor.u32 v6, v36;
	_ =	sdelay $0x2  }
0x1c6: {  	s3 =	sshll.u32 s10, $0xA  }
0x1c7: {  	s10 =	sor.u32 s1, s3;
	v55 =	vor.u32 s2, v4;
	[tilespmem:v54+s22+$0x0] =	vst.idx.msk $0xffff, v35  }
0x1c8: {  	v56 =	vor.u32 s10, v3;
	v35 =	vand.u32 $0x7F, v55;
	v38 =	vld.idx.msk [tilespmem:v39+s4+$0x0], $0xffff  }
0x1c9: {  	v40 =	vor.u32 v35, v36;
	_ =	sdelay $0x3  }
0x1ca: {  	v57 =	vor.u32 s2, v8;
	[tilespmem:v56+s22+$0x0] =	vst.idx.msk $0xffff, v38  }
0x1cb: {  	v58 =	vor.u32 s10, v7;
	v38 =	vand.u32 $0x7F, v57;
	v39 =	vld.idx.msk [tilespmem:v40+s4+$0x0], $0xffff  }
0x1cc: {  	v50 =	vor.u32 v38, v36;
	_ =	sdelay $0x3  }
0x1cd: {  	v59 =	vor.u32 s2, v10;
	[tilespmem:v58+s22+$0x0] =	vst.idx.msk $0xffff, v39  }
0x1ce: {  	v60 =	vor.u32 s10, v9;
	v39 =	vand.u32 $0x7F, v59;
	v40 =	vld.idx.msk [tilespmem:v50+s4+$0x0], $0xffff  }
0x1cf: {  	v51 =	vor.u32 v39, v36;
	_ =	sdelay $0x3  }
0x1d0: {  	v61 =	vor.u32 s2, v12;
	[tilespmem:v60+s22+$0x0] =	vst.idx.msk $0xffff, v40  }
0x1d1: {  	v62 =	vor.u32 s10, v11;
	v40 =	vand.u32 $0x7F, v61;
	v50 =	vld.idx.msk [tilespmem:v51+s4+$0x0], $0xffff  }
0x1d2: {  	v52 =	vor.u32 v40, v36;
	_ =	sdelay $0x3  }
0x1d3: {  	v63 =	vor.u32 s2, v14;
	[tilespmem:v62+s22+$0x0] =	vst.idx.msk $0xffff, v50  }
0x1d4: {  	v56 =	vor.u32 s10, v13;
	v50 =	vand.u32 $0x7F, v63;
	v51 =	vld.idx.msk [tilespmem:v52+s4+$0x0], $0xffff  }
0x1d5: {  	v53 =	vor.u32 v50, v36;
	_ =	sdelay $0x3  }
0x1d6: {  	v57 =	vor.u32 s2, v15;
	[tilespmem:v56+s22+$0x0] =	vst.idx.msk $0xffff, v51  }
0x1d7: {  	v58 =	vor.u32 s10, v5;
	v51 =	vand.u32 $0x7F, v57;
	v52 =	vld.idx.msk [tilespmem:v53+s4+$0x0], $0xffff  }
0x1d8: {  	v54 =	vor.u32 v51, v36;
	_ =	sdelay $0x3  }
0x1d9: {  	v59 =	vor.u32 s2, v17;
	[tilespmem:v58+s22+$0x0] =	vst.idx.msk $0xffff, v52  }
0x1da: {  	v60 =	vor.u32 s10, v16;
	v52 =	vand.u32 $0x7F, v59;
	v53 =	vld.idx.msk [tilespmem:v54+s4+$0x0], $0xffff  }
0x1db: {  	v55 =	vor.u32 v52, v36;
	_ =	sdelay $0x3  }
0x1dc: {  	v61 =	vor.u32 s2, v19;
	[tilespmem:v60+s22+$0x0] =	vst.idx.msk $0xffff, v53  }
0x1dd: {  	v62 =	vor.u32 s10, v18;
	v53 =	vand.u32 $0x7F, v61;
	v54 =	vld.idx.msk [tilespmem:v55+s4+$0x0], $0xffff  }
0x1de: {  	v56 =	vor.u32 v53, v36;
	_ =	sdelay $0x3  }
0x1df: {  	v63 =	vor.u32 s2, v21;
	[tilespmem:v62+s22+$0x0] =	vst.idx.msk $0xffff, v54  }
0x1e0: {  	v60 =	vor.u32 s10, v20;
	v54 =	vand.u32 $0x7F, v63;
	v55 =	vld.idx.msk [tilespmem:v56+s4+$0x0], $0xffff  }
0x1e1: {  	v57 =	vor.u32 v54, v36;
	_ =	sdelay $0x3  }
0x1e2: {  	v61 =	vor.u32 s2, v23;
	[tilespmem:v60+s22+$0x0] =	vst.idx.msk $0xffff, v55  }
0x1e3: {  	v62 =	vor.u32 s10, v22;
	v55 =	vand.u32 $0x7F, v61;
	v56 =	vld.idx.msk [tilespmem:v57+s4+$0x0], $0xffff  }
0x1e4: {  	v58 =	vor.u32 v55, v36;
	_ =	sdelay $0x3  }
0x1e5: {  	v63 =	vor.u32 s2, v25;
	[tilespmem:v62+s22+$0x0] =	vst.idx.msk $0xffff, v56  }
0x1e6: {  	v60 =	vor.u32 s10, v24;
	v56 =	vand.u32 $0x7F, v63;
	v57 =	vld.idx.msk [tilespmem:v58+s4+$0x0], $0xffff  }
0x1e7: {  	v59 =	vor.u32 v56, v36;
	_ =	sdelay $0x3  }
0x1e8: {  	v61 =	vor.u32 s2, v27;
	[tilespmem:v60+s22+$0x0] =	vst.idx.msk $0xffff, v57  }
0x1e9: {  	v57 =	vand.u32 $0x7F, v61;
	v58 =	vld.idx.msk [tilespmem:v59+s4+$0x0], $0xffff;
	v59 =	vor.u32 s10, v26  }
0x1ea: {  	v60 =	vor.u32 v57, v36;
	_ =	sdelay $0x3  }
0x1eb: {  	[tilespmem:v59+s22+$0x0] =	vst.idx.msk $0xffff, v58;
	v58 =	vor.u32 s2, v29  }
0x1ec: {  	v59 =	vld.idx.msk [tilespmem:v60+s4+$0x0], $0xffff;
	v60 =	vor.u32 s10, v28;
	v58 =	vand.u32 $0x7F, v58  }
0x1ed: {  	v61 =	vor.u32 v58, v36;
	_ =	sdelay $0x3  }
0x1ee: {  	[tilespmem:v60+s22+$0x0] =	vst.idx.msk $0xffff, v59;
	v59 =	vor.u32 s2, v31  }
0x1ef: {  	v60 =	vld.idx.msk [tilespmem:v61+s4+$0x0], $0xffff;
	v61 =	vor.u32 s10, v30;
	v59 =	vand.u32 $0x7F, v59  }
0x1f0: {  	v62 =	vor.u32 v59, v36;
	_ =	sdelay $0x3  }
0x1f1: {  	[tilespmem:v61+s22+$0x0] =	vst.idx.msk $0xffff, v60;
	v60 =	vor.u32 s2, v33  }
0x1f2: {  	v61 =	vld.idx.msk [tilespmem:v62+s4+$0x0], $0xffff;
	v62 =	vor.u32 s10, v32;
	v60 =	vand.u32 $0x7F, v60  }
0x1f3: {  	s1 =	sor.u32 $0x10, s1;
	v36 =	vor.u32 v60, v36  }
0x1f4: {  	v63 =	vmov s1  }
0x1f5: {  	v63 =	vshll.u32 v63, $0x8  }
0x1f6: {  	v63 =	vor.u32 v1, v63  }
0x1f7: {  	[tilespmem:v62+s22+$0x0] =	vst.idx.msk $0xffff, v61;
	v61 =	vand.u32 $0x3800, v63  }
0x1f8: {  	v62 =	vor.u32 s10, v34;
	v36 =	vld.idx.msk [tilespmem:v36+s4+$0x0], $0xffff;
	v37 =	vor.u32 v61, v37  }
0x1f9: {  	v6 =	vor.u32 v6, v37;
	_ =	sdelay $0x3  }
0x1fa: {  	s1 =	sor.u32 s3, s1;
	[tilespmem:v62+s22+$0x0] =	vst.idx.msk $0xffff, v36  }
0x1fb: {  	v62 =	vor.u32 s1, v3;
	v6 =	vld.idx.msk [tilespmem:v6+s4+$0x0], $0xffff  }
0x1fc: {  	v35 =	vor.u32 v35, v37;
	_ =	sdelay $0x3  }
0x1fd: {  	[tilespmem:v62+s22+$0x0] =	vst.idx.msk $0xffff, v6  }
0x1fe: {  	v63 =	vor.u32 s1, v7;
	v6 =	vld.idx.msk [tilespmem:v35+s4+$0x0], $0xffff  }
0x1ff: {  	v61 =	vor.u32 v38, v37;
	_ =	sdelay $0x3  }
0x200: {  	[tilespmem:v63+s22+$0x0] =	vst.idx.msk $0xffff, v6  }
0x201: {  	v62 =	vor.u32 s1, v9;
	v6 =	vld.idx.msk [tilespmem:v61+s4+$0x0], $0xffff  }
0x202: {  	v63 =	vor.u32 v39, v37;
	_ =	sdelay $0x3  }
0x203: {  	[tilespmem:v62+s22+$0x0] =	vst.idx.msk $0xffff, v6  }
0x204: {  	v61 =	vor.u32 s1, v11;
	v6 =	vld.idx.msk [tilespmem:v63+s4+$0x0], $0xffff  }
0x205: {  	v62 =	vor.u32 v40, v37;
	_ =	sdelay $0x3  }
0x206: {  	[tilespmem:v61+s22+$0x0] =	vst.idx.msk $0xffff, v6  }
0x207: {  	v63 =	vor.u32 s1, v13;
	v6 =	vld.idx.msk [tilespmem:v62+s4+$0x0], $0xffff  }
0x208: {  	v40 =	vor.u32 v50, v37;
	_ =	sdelay $0x3  }
0x209: {  	[tilespmem:v63+s22+$0x0] =	vst.idx.msk $0xffff, v6  }
0x20a: {  	v50 =	vor.u32 s1, v5;
	v6 =	vld.idx.msk [tilespmem:v40+s4+$0x0], $0xffff  }
0x20b: {  	v61 =	vor.u32 v51, v37;
	_ =	sdelay $0x3  }
0x20c: {  	[tilespmem:v50+s22+$0x0] =	vst.idx.msk $0xffff, v6  }
0x20d: {  	v62 =	vor.u32 s1, v16;
	v6 =	vld.idx.msk [tilespmem:v61+s4+$0x0], $0xffff  }
0x20e: {  	v63 =	vor.u32 v52, v37;
	_ =	sdelay $0x3  }
0x20f: {  	[tilespmem:v62+s22+$0x0] =	vst.idx.msk $0xffff, v6  }
0x210: {  	v40 =	vor.u32 s1, v18;
	v6 =	vld.idx.msk [tilespmem:v63+s4+$0x0], $0xffff  }
0x211: {  	v50 =	vor.u32 v53, v37;
	_ =	sdelay $0x3  }
0x212: {  	[tilespmem:v40+s22+$0x0] =	vst.idx.msk $0xffff, v6  }
0x213: {  	v51 =	vor.u32 s1, v20;
	v6 =	vld.idx.msk [tilespmem:v50+s4+$0x0], $0xffff  }
0x214: {  	v52 =	vor.u32 v54, v37;
	_ =	sdelay $0x3  }
0x215: {  	[tilespmem:v51+s22+$0x0] =	vst.idx.msk $0xffff, v6  }
0x216: {  	v53 =	vor.u32 s1, v22;
	v6 =	vld.idx.msk [tilespmem:v52+s4+$0x0], $0xffff  }
0x217: {  	v54 =	vor.u32 v55, v37;
	_ =	sdelay $0x3  }
0x218: {  	[tilespmem:v53+s22+$0x0] =	vst.idx.msk $0xffff, v6  }
0x219: {  	v55 =	vor.u32 s1, v24;
	v6 =	vld.idx.msk [tilespmem:v54+s4+$0x0], $0xffff  }
0x21a: {  	v61 =	vor.u32 v56, v37;
	_ =	sdelay $0x3  }
0x21b: {  	[tilespmem:v55+s22+$0x0] =	vst.idx.msk $0xffff, v6  }
0x21c: {  	v62 =	vor.u32 s1, v26;
	v6 =	vld.idx.msk [tilespmem:v61+s4+$0x0], $0xffff  }
0x21d: {  	v63 =	vor.u32 v57, v37;
	_ =	sdelay $0x3  }
0x21e: {  	[tilespmem:v62+s22+$0x0] =	vst.idx.msk $0xffff, v6  }
0x21f: {  	v40 =	vor.u32 s1, v28;
	v6 =	vld.idx.msk [tilespmem:v63+s4+$0x0], $0xffff  }
0x220: {  	v50 =	vor.u32 v58, v37;
	_ =	sdelay $0x3  }
0x221: {  	[tilespmem:v40+s22+$0x0] =	vst.idx.msk $0xffff, v6  }
0x222: {  	v51 =	vor.u32 s1, v30;
	v6 =	vld.idx.msk [tilespmem:v50+s4+$0x0], $0xffff  }
0x223: {  	v52 =	vor.u32 v59, v37;
	_ =	sdelay $0x3  }
0x224: {  	[tilespmem:v51+s22+$0x0] =	vst.idx.msk $0xffff, v6  }
0x225: {  	v53 =	vor.u32 s1, v32;
	v6 =	vld.idx.msk [tilespmem:v52+s4+$0x0], $0xffff  }
0x226: {  	v54 =	vor.u32 v60, v37;
	_ =	sdelay $0x3  }
0x227: {  	[tilespmem:v53+s22+$0x0] =	vst.idx.msk $0xffff, v6  }
0x228: {  	v55 =	vor.u32 s1, v34;
	v6 =	vld.idx.msk [tilespmem:v54+s4+$0x0], $0xffff;
	_ =	sdelay $0x3  }
0x229: {  	s3 =	sshll.u32 s29, $0xB  }
0x22a: {  	p4 =	seq.s32 s26, $0x3C;
	s1 =	sadd.s32 s6, s3;
	[tilespmem:v55+s22+$0x0] =	vst.idx.msk $0xffff, v6  }
0x22b: {  	[hbm4b:s1+s4] =	stream.linear.scatter [tilespmem:s22], [sflag:$0x2], $0x4000, $0x38;
	[tilespmem:$0x10000] =	vst v63  }
0x22c: {  	s10 =	simm.s32 $0x0;
	s1 =	sadd.s32 @!p4 s28, s9  }
0x22d: {  	s2 =	simm.s32 $0x0;
	s3 =	sshll.u32 @!p4 s1, $0x8;
	s1 =	sand.u32 $0x20, s10  }
0x22e: {  	v56 =	vmov s2;
	v6 =	vmov s1  }
0x22f: {  	s30 =	simm.s32 @!p4 $0x0;
	v35 =	vshll.u32 v56, $0x3;
	s3 =	sand.u32 @!p4 $0x1FFFFE00, s3;
	v6 =	vshll.u32 v6, $0x8  }
0x230: {  	s29 =	simm.s32 @!p4 $0x7A1400;
	v35 =	vand.u32 $0x400, v35;
	s10 =	simm.s32 @!p4 $0x800;
	s3 =	sadd.s32 @!p4 s0, s3;
	v6 =	vor.u32 v1, v6  }
0x231: {  	v35 =	vor.u32 v2, v35;
	v57 =	vor.u32 s2, v0;
	[tilespmem:s30], [sflag:$0x1] =	stream.strided.gather @!p4 [hbm4b:s3+s10], $0x4000, s29, s10, $0x38;
	v6 =	vand.u32 $0x2800, v6;
	[tilespmem:$0x10000] =	vst v63  }
0x232: {  	v36 =	vand.u32 $0x7F, v57;
	_ =	swait.ge [sflag:s21], $0x4000;
	v6 =	vor.u32 v6, v35  }
0x233: {  	[sflag:s21] =	ssyncset.done $0x0;
	v58 =	vor.u32 v36, v6  }
0x234: {  	s10 =	simm.s32 @!p3 $0x2;
	[sflag:s21] =	ssyncadd.s32 $0xFFFFC000  }
0x235: {  	_ =	swait.ge @!p3 [sflag:s10], $0x4000  }
0x236: {  	s3 =	simm.s32 $0x0;
	[sflag:s10] =	ssyncset.done @!p3 $0x0  }
0x237: {  	v59 =	vor.u32 s2, v4;
	[sflag:s10] =	ssyncadd.s32 @!p3 $0xFFFFC000;
	s10 =	sor.u32 s1, s3  }
0x238: {  	v38 =	vand.u32 $0x7F, v59;
	v60 =	vor.u32 s10, v3;
	v37 =	vld.idx.msk [tilespmem:v58+s20+$0x0], $0xffff  }
0x239: {  	v61 =	vor.u32 v38, v6;
	_ =	sdelay $0x3  }
0x23a: {  	v62 =	vor.u32 s2, v8;
	[tilespmem:v60+s23+$0x0] =	vst.idx.msk $0xffff, v37  }
0x23b: {  	v63 =	vor.u32 s10, v7;
	v37 =	vand.u32 $0x7F, v62;
	v39 =	vld.idx.msk [tilespmem:v61+s20+$0x0], $0xffff  }
0x23c: {  	v52 =	vor.u32 v37, v6;
	_ =	sdelay $0x3  }
0x23d: {  	v53 =	vor.u32 s2, v10;
	[tilespmem:v63+s23+$0x0] =	vst.idx.msk $0xffff, v39  }
0x23e: {  	v54 =	vor.u32 s10, v9;
	v39 =	vand.u32 $0x7F, v53;
	v40 =	vld.idx.msk [tilespmem:v52+s20+$0x0], $0xffff  }
0x23f: {  	v55 =	vor.u32 v39, v6;
	_ =	sdelay $0x3  }
0x240: {  	v56 =	vor.u32 s2, v12;
	[tilespmem:v54+s23+$0x0] =	vst.idx.msk $0xffff, v40  }
0x241: {  	v57 =	vor.u32 s10, v11;
	v40 =	vand.u32 $0x7F, v56;
	v50 =	vld.idx.msk [tilespmem:v55+s20+$0x0], $0xffff  }
0x242: {  	v58 =	vor.u32 v40, v6;
	_ =	sdelay $0x3  }
0x243: {  	v59 =	vor.u32 s2, v14;
	[tilespmem:v57+s23+$0x0] =	vst.idx.msk $0xffff, v50  }
0x244: {  	v60 =	vor.u32 s10, v13;
	v50 =	vand.u32 $0x7F, v59;
	v51 =	vld.idx.msk [tilespmem:v58+s20+$0x0], $0xffff  }
0x245: {  	v61 =	vor.u32 v50, v6;
	_ =	sdelay $0x3  }
0x246: {  	v62 =	vor.u32 s2, v15;
	[tilespmem:v60+s23+$0x0] =	vst.idx.msk $0xffff, v51  }
0x247: {  	v63 =	vor.u32 s10, v5;
	v51 =	vand.u32 $0x7F, v62;
	v52 =	vld.idx.msk [tilespmem:v61+s20+$0x0], $0xffff  }
0x248: {  	v57 =	vor.u32 v51, v6;
	_ =	sdelay $0x3  }
0x249: {  	v58 =	vor.u32 s2, v17;
	[tilespmem:v63+s23+$0x0] =	vst.idx.msk $0xffff, v52  }
0x24a: {  	v59 =	vor.u32 s10, v16;
	v52 =	vand.u32 $0x7F, v58;
	v53 =	vld.idx.msk [tilespmem:v57+s20+$0x0], $0xffff  }
0x24b: {  	v60 =	vor.u32 v52, v6;
	_ =	sdelay $0x3  }
0x24c: {  	v61 =	vor.u32 s2, v19;
	[tilespmem:v59+s23+$0x0] =	vst.idx.msk $0xffff, v53  }
0x24d: {  	v62 =	vor.u32 s10, v18;
	v53 =	vand.u32 $0x7F, v61;
	v54 =	vld.idx.msk [tilespmem:v60+s20+$0x0], $0xffff  }
0x24e: {  	v63 =	vor.u32 v53, v6;
	_ =	sdelay $0x3  }
0x24f: {  	v60 =	vor.u32 s2, v21;
	[tilespmem:v62+s23+$0x0] =	vst.idx.msk $0xffff, v54  }
0x250: {  	v61 =	vor.u32 s10, v20;
	v54 =	vand.u32 $0x7F, v60;
	v55 =	vld.idx.msk [tilespmem:v63+s20+$0x0], $0xffff  }
0x251: {  	v62 =	vor.u32 v54, v6;
	_ =	sdelay $0x3  }
0x252: {  	v63 =	vor.u32 s2, v23;
	[tilespmem:v61+s23+$0x0] =	vst.idx.msk $0xffff, v55  }
0x253: {  	v60 =	vor.u32 s10, v22;
	v55 =	vand.u32 $0x7F, v63;
	v56 =	vld.idx.msk [tilespmem:v62+s20+$0x0], $0xffff  }
0x254: {  	v61 =	vor.u32 v55, v6;
	_ =	sdelay $0x3  }
0x255: {  	v62 =	vor.u32 s2, v25;
	[tilespmem:v60+s23+$0x0] =	vst.idx.msk $0xffff, v56  }
0x256: {  	v63 =	vor.u32 s10, v24;
	v56 =	vand.u32 $0x7F, v62;
	v57 =	vld.idx.msk [tilespmem:v61+s20+$0x0], $0xffff  }
0x257: {  	v60 =	vor.u32 v56, v6;
	_ =	sdelay $0x3  }
0x258: {  	v61 =	vor.u32 s2, v27;
	[tilespmem:v63+s23+$0x0] =	vst.idx.msk $0xffff, v57  }
0x259: {  	v59 =	vor.u32 s10, v26;
	v57 =	vand.u32 $0x7F, v61;
	v58 =	vld.idx.msk [tilespmem:v60+s20+$0x0], $0xffff  }
0x25a: {  	v60 =	vor.u32 v57, v6;
	_ =	sdelay $0x3  }
0x25b: {  	[tilespmem:v59+s23+$0x0] =	vst.idx.msk $0xffff, v58;
	v58 =	vor.u32 s2, v29  }
0x25c: {  	v59 =	vld.idx.msk [tilespmem:v60+s20+$0x0], $0xffff;
	v60 =	vor.u32 s10, v28;
	v58 =	vand.u32 $0x7F, v58  }
0x25d: {  	v61 =	vor.u32 v58, v6;
	_ =	sdelay $0x3  }
0x25e: {  	[tilespmem:v60+s23+$0x0] =	vst.idx.msk $0xffff, v59;
	v59 =	vor.u32 s2, v31  }
0x25f: {  	v60 =	vld.idx.msk [tilespmem:v61+s20+$0x0], $0xffff;
	v61 =	vor.u32 s10, v30;
	v59 =	vand.u32 $0x7F, v59  }
0x260: {  	v62 =	vor.u32 v59, v6;
	_ =	sdelay $0x3  }
0x261: {  	[tilespmem:v61+s23+$0x0] =	vst.idx.msk $0xffff, v60;
	v60 =	vor.u32 s2, v33  }
0x262: {  	v61 =	vld.idx.msk [tilespmem:v62+s20+$0x0], $0xffff;
	v62 =	vor.u32 s10, v32;
	v60 =	vand.u32 $0x7F, v60  }
0x263: {  	s1 =	sor.u32 $0x10, s1;
	v6 =	vor.u32 v60, v6  }
0x264: {  	v63 =	vmov s1  }
0x265: {  	v63 =	vshll.u32 v63, $0x8  }
0x266: {  	v63 =	vor.u32 v1, v63  }
0x267: {  	[tilespmem:v62+s23+$0x0] =	vst.idx.msk $0xffff, v61;
	v61 =	vand.u32 $0x3800, v63  }
0x268: {  	v62 =	vor.u32 s10, v34;
	v6 =	vld.idx.msk [tilespmem:v6+s20+$0x0], $0xffff;
	v35 =	vor.u32 v61, v35  }
0x269: {  	v36 =	vor.u32 v36, v35;
	_ =	sdelay $0x3  }
0x26a: {  	s3 =	sor.u32 s3, s1;
	[tilespmem:v62+s23+$0x0] =	vst.idx.msk $0xffff, v6  }
0x26b: {  	v62 =	vor.u32 s3, v3;
	v6 =	vld.idx.msk [tilespmem:v36+s20+$0x0], $0xffff  }
0x26c: {  	v38 =	vor.u32 v38, v35;
	_ =	sdelay $0x3  }
0x26d: {  	[tilespmem:v62+s23+$0x0] =	vst.idx.msk $0xffff, v6  }
0x26e: {  	v63 =	vor.u32 s3, v7;
	v6 =	vld.idx.msk [tilespmem:v38+s20+$0x0], $0xffff  }
0x26f: {  	v37 =	vor.u32 v37, v35;
	_ =	sdelay $0x3  }
0x270: {  	[tilespmem:v63+s23+$0x0] =	vst.idx.msk $0xffff, v6  }
0x271: {  	v61 =	vor.u32 s3, v9;
	v6 =	vld.idx.msk [tilespmem:v37+s20+$0x0], $0xffff  }
0x272: {  	v62 =	vor.u32 v39, v35;
	_ =	sdelay $0x3  }
0x273: {  	[tilespmem:v61+s23+$0x0] =	vst.idx.msk $0xffff, v6  }
0x274: {  	v63 =	vor.u32 s3, v11;
	v6 =	vld.idx.msk [tilespmem:v62+s20+$0x0], $0xffff  }
0x275: {  	v61 =	vor.u32 v40, v35;
	_ =	sdelay $0x3  }
0x276: {  	[tilespmem:v63+s23+$0x0] =	vst.idx.msk $0xffff, v6  }
0x277: {  	v62 =	vor.u32 s3, v13;
	v6 =	vld.idx.msk [tilespmem:v61+s20+$0x0], $0xffff  }
0x278: {  	v63 =	vor.u32 v50, v35;
	_ =	sdelay $0x3  }
0x279: {  	[tilespmem:v62+s23+$0x0] =	vst.idx.msk $0xffff, v6  }
0x27a: {  	v40 =	vor.u32 s3, v5;
	v6 =	vld.idx.msk [tilespmem:v63+s20+$0x0], $0xffff  }
0x27b: {  	v50 =	vor.u32 v51, v35;
	_ =	sdelay $0x3  }
0x27c: {  	[tilespmem:v40+s23+$0x0] =	vst.idx.msk $0xffff, v6  }
0x27d: {  	v51 =	vor.u32 s3, v16;
	v6 =	vld.idx.msk [tilespmem:v50+s20+$0x0], $0xffff  }
0x27e: {  	v61 =	vor.u32 v52, v35;
	_ =	sdelay $0x3  }
0x27f: {  	[tilespmem:v51+s23+$0x0] =	vst.idx.msk $0xffff, v6  }
0x280: {  	v62 =	vor.u32 s3, v18;
	v6 =	vld.idx.msk [tilespmem:v61+s20+$0x0], $0xffff  }
0x281: {  	v63 =	vor.u32 v53, v35;
	_ =	sdelay $0x3  }
0x282: {  	[tilespmem:v62+s23+$0x0] =	vst.idx.msk $0xffff, v6  }
0x283: {  	v40 =	vor.u32 s3, v20;
	v6 =	vld.idx.msk [tilespmem:v63+s20+$0x0], $0xffff  }
0x284: {  	v50 =	vor.u32 v54, v35;
	_ =	sdelay $0x3  }
0x285: {  	[tilespmem:v40+s23+$0x0] =	vst.idx.msk $0xffff, v6  }
0x286: {  	v51 =	vor.u32 s3, v22;
	v6 =	vld.idx.msk [tilespmem:v50+s20+$0x0], $0xffff  }
0x287: {  	v52 =	vor.u32 v55, v35;
	_ =	sdelay $0x3  }
0x288: {  	[tilespmem:v51+s23+$0x0] =	vst.idx.msk $0xffff, v6  }
0x289: {  	v53 =	vor.u32 s3, v24;
	v6 =	vld.idx.msk [tilespmem:v52+s20+$0x0], $0xffff  }
0x28a: {  	v54 =	vor.u32 v56, v35;
	_ =	sdelay $0x3  }
0x28b: {  	[tilespmem:v53+s23+$0x0] =	vst.idx.msk $0xffff, v6  }
0x28c: {  	v55 =	vor.u32 s3, v26;
	v6 =	vld.idx.msk [tilespmem:v54+s20+$0x0], $0xffff  }
0x28d: {  	v56 =	vor.u32 v57, v35;
	_ =	sdelay $0x3  }
0x28e: {  	[tilespmem:v55+s23+$0x0] =	vst.idx.msk $0xffff, v6  }
0x28f: {  	v57 =	vor.u32 s3, v28;
	v6 =	vld.idx.msk [tilespmem:v56+s20+$0x0], $0xffff  }
0x290: {  	v61 =	vor.u32 v58, v35;
	_ =	sdelay $0x3  }
0x291: {  	[tilespmem:v57+s23+$0x0] =	vst.idx.msk $0xffff, v6  }
0x292: {  	v62 =	vor.u32 s3, v30;
	v6 =	vld.idx.msk [tilespmem:v61+s20+$0x0], $0xffff  }
0x293: {  	v63 =	vor.u32 v59, v35;
	_ =	sdelay $0x3  }
0x294: {  	[tilespmem:v62+s23+$0x0] =	vst.idx.msk $0xffff, v6  }
0x295: {  	s31 =	simm.s32 $0x20;
	v36 =	vor.u32 s3, v32;
	v6 =	vld.idx.msk [tilespmem:v63+s20+$0x0], $0xffff  }
0x296: {  	s29 =	sadd.s32 s28, s11;
	s30 =	simm.s32 $0x2;
	s10 =	simm.s32 $0x0;
	v35 =	vor.u32 v60, v35  }
.LBB2_5:
0x297: {  	p3 =	sne.s32 s30, $0x1F;
	s2 =	sand.u32 $0x20, s31;
	s1 =	sshll.u32 s10, $0x4  }
0x298: {  	v37 =	vmov s2;
	v38 =	vmov s1  }
0x299: {  	v37 =	vshll.u32 v37, $0x8;
	v38 =	vshll.u32 v38, $0x3  }
0x29a: {  	v37 =	vor.u32 v1, v37;
	v38 =	vand.u32 $0x400, v38;
	[tilespmem:v36+s23+$0x0] =	vst.idx.msk $0xffff, v6  }
0x29b: {  	v6 =	vor.u32 s1, v0;
	v36 =	vand.u32 $0x2800, v37;
	v50 =	vor.u32 v2, v38;
	v35 =	vld.idx.msk [tilespmem:v35+s20+$0x0], $0xffff  }
0x29c: {  	v51 =	vand.u32 $0x7F, v6;
	v6 =	vor.u32 s3, v34;
	v59 =	vor.u32 v36, v50  }
0x29d: {  	v36 =	vor.u32 v51, v59;
	_ =	sdelay $0x3  }
0x29e: {  	s3 =	sshll.u32 s10, $0xA;
	[tilespmem:v6+s23+$0x0] =	vst.idx.msk $0xffff, v35  }
0x29f: {  	s10 =	sor.u32 s2, s3;
	v35 =	vor.u32 s1, v4;
	v6 =	vld.idx.msk [tilespmem:v36+s20+$0x0], $0xffff  }
0x2a0: {  	v36 =	vor.u32 s10, v3;
	v52 =	vand.u32 $0x7F, v35  }
0x2a1: {  	v35 =	vor.u32 v52, v59;
	_ =	sdelay $0x3  }
0x2a2: {  	[tilespmem:v36+s23+$0x0] =	vst.idx.msk $0xffff, v6  }
0x2a3: {  	v6 =	vld.idx.msk [tilespmem:v35+s20+$0x0], $0xffff;
	v35 =	vor.u32 s1, v8  }
0x2a4: {  	v36 =	vor.u32 s10, v7;
	v53 =	vand.u32 $0x7F, v35  }
0x2a5: {  	v35 =	vor.u32 v53, v59;
	_ =	sdelay $0x3  }
0x2a6: {  	[tilespmem:v36+s23+$0x0] =	vst.idx.msk $0xffff, v6  }
0x2a7: {  	v6 =	vld.idx.msk [tilespmem:v35+s20+$0x0], $0xffff;
	v35 =	vor.u32 s1, v10  }
0x2a8: {  	v36 =	vor.u32 s10, v9;
	v54 =	vand.u32 $0x7F, v35  }
0x2a9: {  	v35 =	vor.u32 v54, v59;
	_ =	sdelay $0x3  }
0x2aa: {  	[tilespmem:v36+s23+$0x0] =	vst.idx.msk $0xffff, v6  }
0x2ab: {  	v6 =	vld.idx.msk [tilespmem:v35+s20+$0x0], $0xffff;
	v35 =	vor.u32 s1, v12  }
0x2ac: {  	v36 =	vor.u32 s10, v11;
	v55 =	vand.u32 $0x7F, v35  }
0x2ad: {  	v35 =	vor.u32 v55, v59;
	_ =	sdelay $0x3  }
0x2ae: {  	[tilespmem:v36+s23+$0x0] =	vst.idx.msk $0xffff, v6  }
0x2af: {  	v6 =	vld.idx.msk [tilespmem:v35+s20+$0x0], $0xffff;
	v35 =	vor.u32 s1, v14  }
0x2b0: {  	v36 =	vor.u32 s10, v13;
	v56 =	vand.u32 $0x7F, v35  }
0x2b1: {  	v35 =	vor.u32 v56, v59;
	_ =	sdelay $0x3  }
0x2b2: {  	[tilespmem:v36+s23+$0x0] =	vst.idx.msk $0xffff, v6  }
0x2b3: {  	v6 =	vld.idx.msk [tilespmem:v35+s20+$0x0], $0xffff;
	v35 =	vor.u32 s1, v15  }
0x2b4: {  	v36 =	vor.u32 s10, v5;
	v57 =	vand.u32 $0x7F, v35  }
0x2b5: {  	v35 =	vor.u32 v57, v59;
	_ =	sdelay $0x3  }
0x2b6: {  	[tilespmem:v36+s23+$0x0] =	vst.idx.msk $0xffff, v6  }
0x2b7: {  	v6 =	vld.idx.msk [tilespmem:v35+s20+$0x0], $0xffff;
	v35 =	vor.u32 s1, v17  }
0x2b8: {  	v36 =	vor.u32 s10, v16;
	v58 =	vand.u32 $0x7F, v35  }
0x2b9: {  	v35 =	vor.u32 v58, v59;
	_ =	sdelay $0x3  }
0x2ba: {  	[tilespmem:v36+s23+$0x0] =	vst.idx.msk $0xffff, v6  }
0x2bb: {  	v6 =	vld.idx.msk [tilespmem:v35+s20+$0x0], $0xffff;
	v35 =	vor.u32 s1, v19  }
0x2bc: {  	v36 =	vor.u32 s10, v18;
	v60 =	vand.u32 $0x7F, v35  }
0x2bd: {  	v35 =	vor.u32 v60, v59;
	_ =	sdelay $0x3  }
0x2be: {  	[tilespmem:v36+s23+$0x0] =	vst.idx.msk $0xffff, v6  }
0x2bf: {  	v6 =	vld.idx.msk [tilespmem:v35+s20+$0x0], $0xffff;
	v35 =	vor.u32 s1, v21  }
0x2c0: {  	v36 =	vor.u32 s10, v20;
	v61 =	vand.u32 $0x7F, v35  }
0x2c1: {  	v35 =	vor.u32 v61, v59;
	_ =	sdelay $0x3  }
0x2c2: {  	[tilespmem:v36+s23+$0x0] =	vst.idx.msk $0xffff, v6  }
0x2c3: {  	v6 =	vld.idx.msk [tilespmem:v35+s20+$0x0], $0xffff;
	v35 =	vor.u32 s1, v23  }
0x2c4: {  	v36 =	vor.u32 s10, v22;
	v62 =	vand.u32 $0x7F, v35  }
0x2c5: {  	v35 =	vor.u32 v62, v59;
	_ =	sdelay $0x3  }
0x2c6: {  	[tilespmem:v36+s23+$0x0] =	vst.idx.msk $0xffff, v6  }
0x2c7: {  	v6 =	vld.idx.msk [tilespmem:v35+s20+$0x0], $0xffff;
	v35 =	vor.u32 s1, v25  }
0x2c8: {  	v36 =	vor.u32 s10, v24;
	v63 =	vand.u32 $0x7F, v35  }
0x2c9: {  	v35 =	vor.u32 v63, v59;
	_ =	sdelay $0x3  }
0x2ca: {  	[tilespmem:v36+s23+$0x0] =	vst.idx.msk $0xffff, v6  }
0x2cb: {  	v6 =	vor.u32 s1, v27;
	v35 =	vld.idx.msk [tilespmem:v35+s20+$0x0], $0xffff  }
0x2cc: {  	v36 =	vor.u32 s10, v26;
	v6 =	vand.u32 $0x7F, v6  }
0x2cd: {  	v37 =	vor.u32 v6, v59;
	_ =	sdelay $0x3  }
0x2ce: {  	[tilespmem:v36+s23+$0x0] =	vst.idx.msk $0xffff, v35  }
0x2cf: {  	v35 =	vor.u32 s1, v29;
	v36 =	vld.idx.msk [tilespmem:v37+s20+$0x0], $0xffff  }
0x2d0: {  	v37 =	vor.u32 s10, v28;
	v35 =	vand.u32 $0x7F, v35  }
0x2d1: {  	v38 =	vor.u32 v35, v59;
	_ =	sdelay $0x3  }
0x2d2: {  	[tilespmem:v37+s23+$0x0] =	vst.idx.msk $0xffff, v36  }
0x2d3: {  	v36 =	vor.u32 s1, v31;
	v37 =	vld.idx.msk [tilespmem:v38+s20+$0x0], $0xffff  }
0x2d4: {  	v38 =	vor.u32 s10, v30;
	v36 =	vand.u32 $0x7F, v36  }
0x2d5: {  	v39 =	vor.u32 v36, v59;
	_ =	sdelay $0x3  }
0x2d6: {  	[tilespmem:v38+s23+$0x0] =	vst.idx.msk $0xffff, v37  }
0x2d7: {  	v37 =	vor.u32 s1, v33;
	v38 =	vld.idx.msk [tilespmem:v39+s20+$0x0], $0xffff  }
0x2d8: {  	v39 =	vor.u32 s10, v32;
	v37 =	vand.u32 $0x7F, v37  }
0x2d9: {  	v40 =	vor.u32 v37, v59  }
0x2da: {  	s1 =	sor.u32 $0x10, s2  }
0x2db: {  	v59 =	vmov s1  }
0x2dc: {  	v59 =	vshll.u32 v59, $0x8  }
0x2dd: {  	[tilespmem:v39+s23+$0x0] =	vst.idx.msk $0xffff, v38;
	v38 =	vor.u32 v1, v59  }
0x2de: {  	v39 =	vld.idx.msk [tilespmem:v40+s20+$0x0], $0xffff;
	v38 =	vand.u32 $0x3800, v38  }
0x2df: {  	v40 =	vor.u32 s10, v34;
	v50 =	vor.u32 v38, v50  }
0x2e0: {  	v38 =	vor.u32 v51, v50;
	_ =	sdelay $0x3  }
0x2e1: {  	[tilespmem:v40+s23+$0x0] =	vst.idx.msk $0xffff, v39  }
0x2e2: {  	s3 =	sor.u32 s3, s1;
	v38 =	vld.idx.msk [tilespmem:v38+s20+$0x0], $0xffff  }
0x2e3: {  	v39 =	vor.u32 s3, v3  }
0x2e4: {  	v40 =	vor.u32 v52, v50;
	_ =	sdelay $0x3  }
0x2e5: {  	[tilespmem:v39+s23+$0x0] =	vst.idx.msk $0xffff, v38  }
0x2e6: {  	v38 =	vld.idx.msk [tilespmem:v40+s20+$0x0], $0xffff  }
0x2e7: {  	v39 =	vor.u32 s3, v7  }
0x2e8: {  	v40 =	vor.u32 v53, v50;
	_ =	sdelay $0x3  }
0x2e9: {  	[tilespmem:v39+s23+$0x0] =	vst.idx.msk $0xffff, v38  }
0x2ea: {  	v38 =	vld.idx.msk [tilespmem:v40+s20+$0x0], $0xffff  }
0x2eb: {  	v39 =	vor.u32 s3, v9  }
0x2ec: {  	v40 =	vor.u32 v54, v50;
	_ =	sdelay $0x3  }
0x2ed: {  	[tilespmem:v39+s23+$0x0] =	vst.idx.msk $0xffff, v38  }
0x2ee: {  	v38 =	vld.idx.msk [tilespmem:v40+s20+$0x0], $0xffff  }
0x2ef: {  	v39 =	vor.u32 s3, v11  }
0x2f0: {  	v40 =	vor.u32 v55, v50;
	_ =	sdelay $0x3  }
0x2f1: {  	[tilespmem:v39+s23+$0x0] =	vst.idx.msk $0xffff, v38  }
0x2f2: {  	v38 =	vld.idx.msk [tilespmem:v40+s20+$0x0], $0xffff  }
0x2f3: {  	v39 =	vor.u32 s3, v13  }
0x2f4: {  	v40 =	vor.u32 v56, v50;
	_ =	sdelay $0x3  }
0x2f5: {  	[tilespmem:v39+s23+$0x0] =	vst.idx.msk $0xffff, v38  }
0x2f6: {  	v38 =	vld.idx.msk [tilespmem:v40+s20+$0x0], $0xffff  }
0x2f7: {  	v39 =	vor.u32 s3, v5  }
0x2f8: {  	v40 =	vor.u32 v57, v50;
	_ =	sdelay $0x3  }
0x2f9: {  	[tilespmem:v39+s23+$0x0] =	vst.idx.msk $0xffff, v38  }
0x2fa: {  	v38 =	vld.idx.msk [tilespmem:v40+s20+$0x0], $0xffff  }
0x2fb: {  	v39 =	vor.u32 s3, v16  }
0x2fc: {  	v40 =	vor.u32 v58, v50;
	_ =	sdelay $0x3  }
0x2fd: {  	[tilespmem:v39+s23+$0x0] =	vst.idx.msk $0xffff, v38  }
0x2fe: {  	v38 =	vld.idx.msk [tilespmem:v40+s20+$0x0], $0xffff  }
0x2ff: {  	v39 =	vor.u32 s3, v18  }
0x300: {  	v40 =	vor.u32 v60, v50;
	_ =	sdelay $0x3  }
0x301: {  	[tilespmem:v39+s23+$0x0] =	vst.idx.msk $0xffff, v38  }
0x302: {  	v38 =	vld.idx.msk [tilespmem:v40+s20+$0x0], $0xffff  }
0x303: {  	v39 =	vor.u32 s3, v20  }
0x304: {  	v40 =	vor.u32 v61, v50;
	_ =	sdelay $0x3  }
0x305: {  	[tilespmem:v39+s23+$0x0] =	vst.idx.msk $0xffff, v38  }
0x306: {  	v38 =	vld.idx.msk [tilespmem:v40+s20+$0x0], $0xffff  }
0x307: {  	v39 =	vor.u32 s3, v22  }
0x308: {  	v40 =	vor.u32 v62, v50;
	_ =	sdelay $0x3  }
0x309: {  	[tilespmem:v39+s23+$0x0] =	vst.idx.msk $0xffff, v38  }
0x30a: {  	v38 =	vld.idx.msk [tilespmem:v40+s20+$0x0], $0xffff  }
0x30b: {  	v39 =	vor.u32 s3, v24  }
0x30c: {  	v40 =	vor.u32 v63, v50;
	_ =	sdelay $0x3  }
0x30d: {  	[tilespmem:v39+s23+$0x0] =	vst.idx.msk $0xffff, v38  }
0x30e: {  	v38 =	vld.idx.msk [tilespmem:v40+s20+$0x0], $0xffff  }
0x30f: {  	v39 =	vor.u32 s3, v26  }
0x310: {  	v6 =	vor.u32 v6, v50;
	_ =	sdelay $0x3  }
0x311: {  	[tilespmem:v39+s23+$0x0] =	vst.idx.msk $0xffff, v38  }
0x312: {  	v6 =	vld.idx.msk [tilespmem:v6+s20+$0x0], $0xffff  }
0x313: {  	v38 =	vor.u32 s3, v28  }
0x314: {  	v35 =	vor.u32 v35, v50;
	_ =	sdelay $0x3  }
0x315: {  	[tilespmem:v38+s23+$0x0] =	vst.idx.msk $0xffff, v6  }
0x316: {  	v6 =	vld.idx.msk [tilespmem:v35+s20+$0x0], $0xffff  }
0x317: {  	v35 =	vor.u32 s3, v30  }
0x318: {  	v36 =	vor.u32 v36, v50;
	_ =	sdelay $0x2  }
.Ltmp3:
0x319: {  	(pc) =	sbr.rel @p3 .LBB2_5-.Ltmp3, $4  }
0x31a: {  	[tilespmem:v35+s23+$0x0] =	vst.idx.msk $0xffff, v6  }
0x31b: {  	v6 =	vld.idx.msk [tilespmem:v36+s20+$0x0], $0xffff  }
0x31c: {  	v36 =	vor.u32 s3, v32  }
0x31d: {  	s31 =	sadd.s32 $0x20, s31;
	s10 =	sshrl.u32 s30, $0x1;
	s30 =	sadd.s32 $0x1, s30;
	v35 =	vor.u32 v37, v50  }
0x31e: {  	s1 =	sand.u32 $0x20, s31;
	s2 =	sshll.u32 s10, $0x4  }
0x31f: {  	v37 =	vmov s1;
	v38 =	vmov s2  }
0x320: {  	v37 =	vshll.u32 v37, $0x8;
	v38 =	vshll.u32 v38, $0x3  }
0x321: {  	v37 =	vor.u32 v1, v37;
	v38 =	vand.u32 $0x400, v38  }
0x322: {  	[tilespmem:v36+s23+$0x0] =	vst.idx.msk $0xffff, v6;
	v6 =	vor.u32 s2, v0;
	v52 =	vand.u32 $0x2800, v37;
	v37 =	vor.u32 v2, v38  }
0x323: {  	v53 =	vor.u32 s3, v34;
	v35 =	vld.idx.msk [tilespmem:v35+s20+$0x0], $0xffff;
	v6 =	vand.u32 $0x7F, v6;
	v36 =	vor.u32 v52, v37  }
0x324: {  	v39 =	vor.u32 v6, v36;
	_ =	sdelay $0x2  }
0x325: {  	s30 =	sshll.u32 s10, $0xA  }
0x326: {  	s10 =	sor.u32 s1, s30;
	v54 =	vor.u32 s2, v4;
	[tilespmem:v53+s23+$0x0] =	vst.idx.msk $0xffff, v35  }
0x327: {  	v55 =	vor.u32 s10, v3;
	v35 =	vand.u32 $0x7F, v54;
	v38 =	vld.idx.msk [tilespmem:v39+s20+$0x0], $0xffff  }
0x328: {  	v40 =	vor.u32 v35, v36;
	_ =	sdelay $0x3  }
0x329: {  	v56 =	vor.u32 s2, v8;
	[tilespmem:v55+s23+$0x0] =	vst.idx.msk $0xffff, v38  }
0x32a: {  	v57 =	vor.u32 s10, v7;
	v38 =	vand.u32 $0x7F, v56;
	v39 =	vld.idx.msk [tilespmem:v40+s20+$0x0], $0xffff  }
0x32b: {  	v50 =	vor.u32 v38, v36;
	_ =	sdelay $0x3  }
0x32c: {  	v58 =	vor.u32 s2, v10;
	[tilespmem:v57+s23+$0x0] =	vst.idx.msk $0xffff, v39  }
0x32d: {  	v59 =	vor.u32 s10, v9;
	v39 =	vand.u32 $0x7F, v58;
	v40 =	vld.idx.msk [tilespmem:v50+s20+$0x0], $0xffff  }
0x32e: {  	v51 =	vor.u32 v39, v36;
	_ =	sdelay $0x3  }
0x32f: {  	v60 =	vor.u32 s2, v12;
	[tilespmem:v59+s23+$0x0] =	vst.idx.msk $0xffff, v40  }
0x330: {  	v61 =	vor.u32 s10, v11;
	v40 =	vand.u32 $0x7F, v60;
	v50 =	vld.idx.msk [tilespmem:v51+s20+$0x0], $0xffff  }
0x331: {  	v52 =	vor.u32 v40, v36;
	_ =	sdelay $0x3  }
0x332: {  	v62 =	vor.u32 s2, v14;
	[tilespmem:v61+s23+$0x0] =	vst.idx.msk $0xffff, v50  }
0x333: {  	v63 =	vor.u32 s10, v13;
	v50 =	vand.u32 $0x7F, v62;
	v51 =	vld.idx.msk [tilespmem:v52+s20+$0x0], $0xffff  }
0x334: {  	v53 =	vor.u32 v50, v36;
	_ =	sdelay $0x3  }
0x335: {  	v56 =	vor.u32 s2, v15;
	[tilespmem:v63+s23+$0x0] =	vst.idx.msk $0xffff, v51  }
0x336: {  	v57 =	vor.u32 s10, v5;
	v51 =	vand.u32 $0x7F, v56;
	v52 =	vld.idx.msk [tilespmem:v53+s20+$0x0], $0xffff  }
0x337: {  	v54 =	vor.u32 v51, v36;
	_ =	sdelay $0x3  }
0x338: {  	v58 =	vor.u32 s2, v17;
	[tilespmem:v57+s23+$0x0] =	vst.idx.msk $0xffff, v52  }
0x339: {  	v59 =	vor.u32 s10, v16;
	v52 =	vand.u32 $0x7F, v58;
	v53 =	vld.idx.msk [tilespmem:v54+s20+$0x0], $0xffff  }
0x33a: {  	v55 =	vor.u32 v52, v36;
	_ =	sdelay $0x3  }
0x33b: {  	v60 =	vor.u32 s2, v19;
	[tilespmem:v59+s23+$0x0] =	vst.idx.msk $0xffff, v53  }
0x33c: {  	v61 =	vor.u32 s10, v18;
	v53 =	vand.u32 $0x7F, v60;
	v54 =	vld.idx.msk [tilespmem:v55+s20+$0x0], $0xffff  }
0x33d: {  	v56 =	vor.u32 v53, v36;
	_ =	sdelay $0x3  }
0x33e: {  	v62 =	vor.u32 s2, v21;
	[tilespmem:v61+s23+$0x0] =	vst.idx.msk $0xffff, v54  }
0x33f: {  	v63 =	vor.u32 s10, v20;
	v54 =	vand.u32 $0x7F, v62;
	v55 =	vld.idx.msk [tilespmem:v56+s20+$0x0], $0xffff  }
0x340: {  	v57 =	vor.u32 v54, v36;
	_ =	sdelay $0x3  }
0x341: {  	v60 =	vor.u32 s2, v23;
	[tilespmem:v63+s23+$0x0] =	vst.idx.msk $0xffff, v55  }
0x342: {  	v61 =	vor.u32 s10, v22;
	v55 =	vand.u32 $0x7F, v60;
	v56 =	vld.idx.msk [tilespmem:v57+s20+$0x0], $0xffff  }
0x343: {  	v58 =	vor.u32 v55, v36;
	_ =	sdelay $0x3  }
0x344: {  	v62 =	vor.u32 s2, v25;
	[tilespmem:v61+s23+$0x0] =	vst.idx.msk $0xffff, v56  }
0x345: {  	v63 =	vor.u32 s10, v24;
	v56 =	vand.u32 $0x7F, v62;
	v57 =	vld.idx.msk [tilespmem:v58+s20+$0x0], $0xffff  }
0x346: {  	v59 =	vor.u32 v56, v36;
	_ =	sdelay $0x3  }
0x347: {  	v60 =	vor.u32 s2, v27;
	[tilespmem:v63+s23+$0x0] =	vst.idx.msk $0xffff, v57  }
0x348: {  	v57 =	vand.u32 $0x7F, v60;
	v58 =	vld.idx.msk [tilespmem:v59+s20+$0x0], $0xffff;
	v59 =	vor.u32 s10, v26  }
0x349: {  	v60 =	vor.u32 v57, v36;
	_ =	sdelay $0x3  }
0x34a: {  	[tilespmem:v59+s23+$0x0] =	vst.idx.msk $0xffff, v58;
	v58 =	vor.u32 s2, v29  }
0x34b: {  	v59 =	vld.idx.msk [tilespmem:v60+s20+$0x0], $0xffff;
	v60 =	vor.u32 s10, v28;
	v58 =	vand.u32 $0x7F, v58  }
0x34c: {  	v61 =	vor.u32 v58, v36;
	_ =	sdelay $0x3  }
0x34d: {  	[tilespmem:v60+s23+$0x0] =	vst.idx.msk $0xffff, v59;
	v59 =	vor.u32 s2, v31  }
0x34e: {  	v60 =	vld.idx.msk [tilespmem:v61+s20+$0x0], $0xffff;
	v61 =	vor.u32 s10, v30;
	v59 =	vand.u32 $0x7F, v59  }
0x34f: {  	v62 =	vor.u32 v59, v36;
	_ =	sdelay $0x3  }
0x350: {  	[tilespmem:v61+s23+$0x0] =	vst.idx.msk $0xffff, v60;
	v60 =	vor.u32 s2, v33  }
0x351: {  	v61 =	vld.idx.msk [tilespmem:v62+s20+$0x0], $0xffff;
	v62 =	vor.u32 s10, v32;
	v60 =	vand.u32 $0x7F, v60  }
0x352: {  	s1 =	sor.u32 $0x10, s1;
	v36 =	vor.u32 v60, v36  }
0x353: {  	v63 =	vmov s1  }
0x354: {  	v63 =	vshll.u32 v63, $0x8  }
0x355: {  	v63 =	vor.u32 v1, v63  }
0x356: {  	[tilespmem:v62+s23+$0x0] =	vst.idx.msk $0xffff, v61;
	v61 =	vand.u32 $0x3800, v63  }
0x357: {  	v62 =	vor.u32 s10, v34;
	v36 =	vld.idx.msk [tilespmem:v36+s20+$0x0], $0xffff;
	v37 =	vor.u32 v61, v37  }
0x358: {  	v6 =	vor.u32 v6, v37;
	_ =	sdelay $0x3  }
0x359: {  	s1 =	sor.u32 s30, s1;
	[tilespmem:v62+s23+$0x0] =	vst.idx.msk $0xffff, v36  }
0x35a: {  	v61 =	vor.u32 s1, v3;
	v6 =	vld.idx.msk [tilespmem:v6+s20+$0x0], $0xffff  }
0x35b: {  	v35 =	vor.u32 v35, v37;
	_ =	sdelay $0x3  }
0x35c: {  	[tilespmem:v61+s23+$0x0] =	vst.idx.msk $0xffff, v6  }
0x35d: {  	v62 =	vor.u32 s1, v7;
	v6 =	vld.idx.msk [tilespmem:v35+s20+$0x0], $0xffff  }
0x35e: {  	v63 =	vor.u32 v38, v37;
	_ =	sdelay $0x3  }
0x35f: {  	[tilespmem:v62+s23+$0x0] =	vst.idx.msk $0xffff, v6  }
0x360: {  	v61 =	vor.u32 s1, v9;
	v6 =	vld.idx.msk [tilespmem:v63+s20+$0x0], $0xffff  }
0x361: {  	v62 =	vor.u32 v39, v37;
	_ =	sdelay $0x3  }
0x362: {  	[tilespmem:v61+s23+$0x0] =	vst.idx.msk $0xffff, v6  }
0x363: {  	v63 =	vor.u32 s1, v11;
	v6 =	vld.idx.msk [tilespmem:v62+s20+$0x0], $0xffff  }
0x364: {  	v61 =	vor.u32 v40, v37;
	_ =	sdelay $0x3  }
0x365: {  	[tilespmem:v63+s23+$0x0] =	vst.idx.msk $0xffff, v6  }
0x366: {  	v62 =	vor.u32 s1, v13;
	v6 =	vld.idx.msk [tilespmem:v61+s20+$0x0], $0xffff  }
0x367: {  	v63 =	vor.u32 v50, v37;
	_ =	sdelay $0x3  }
0x368: {  	[tilespmem:v62+s23+$0x0] =	vst.idx.msk $0xffff, v6  }
0x369: {  	v40 =	vor.u32 s1, v5;
	v6 =	vld.idx.msk [tilespmem:v63+s20+$0x0], $0xffff  }
0x36a: {  	v50 =	vor.u32 v51, v37;
	_ =	sdelay $0x3  }
0x36b: {  	[tilespmem:v40+s23+$0x0] =	vst.idx.msk $0xffff, v6  }
0x36c: {  	v51 =	vor.u32 s1, v16;
	v6 =	vld.idx.msk [tilespmem:v50+s20+$0x0], $0xffff  }
0x36d: {  	v52 =	vor.u32 v52, v37;
	_ =	sdelay $0x3  }
0x36e: {  	[tilespmem:v51+s23+$0x0] =	vst.idx.msk $0xffff, v6  }
0x36f: {  	v61 =	vor.u32 s1, v18;
	v6 =	vld.idx.msk [tilespmem:v52+s20+$0x0], $0xffff  }
0x370: {  	v62 =	vor.u32 v53, v37;
	_ =	sdelay $0x3  }
0x371: {  	[tilespmem:v61+s23+$0x0] =	vst.idx.msk $0xffff, v6  }
0x372: {  	v63 =	vor.u32 s1, v20;
	v6 =	vld.idx.msk [tilespmem:v62+s20+$0x0], $0xffff  }
0x373: {  	v40 =	vor.u32 v54, v37;
	_ =	sdelay $0x3  }
0x374: {  	[tilespmem:v63+s23+$0x0] =	vst.idx.msk $0xffff, v6  }
0x375: {  	v50 =	vor.u32 s1, v22;
	v6 =	vld.idx.msk [tilespmem:v40+s20+$0x0], $0xffff  }
0x376: {  	v51 =	vor.u32 v55, v37;
	_ =	sdelay $0x3  }
0x377: {  	[tilespmem:v50+s23+$0x0] =	vst.idx.msk $0xffff, v6  }
0x378: {  	v52 =	vor.u32 s1, v24;
	v6 =	vld.idx.msk [tilespmem:v51+s20+$0x0], $0xffff  }
0x379: {  	v53 =	vor.u32 v56, v37;
	_ =	sdelay $0x3  }
0x37a: {  	[tilespmem:v52+s23+$0x0] =	vst.idx.msk $0xffff, v6  }
0x37b: {  	v54 =	vor.u32 s1, v26;
	v6 =	vld.idx.msk [tilespmem:v53+s20+$0x0], $0xffff  }
0x37c: {  	v55 =	vor.u32 v57, v37;
	_ =	sdelay $0x3  }
0x37d: {  	[tilespmem:v54+s23+$0x0] =	vst.idx.msk $0xffff, v6  }
0x37e: {  	v56 =	vor.u32 s1, v28;
	v6 =	vld.idx.msk [tilespmem:v55+s20+$0x0], $0xffff  }
0x37f: {  	v57 =	vor.u32 v58, v37;
	_ =	sdelay $0x3  }
0x380: {  	[tilespmem:v56+s23+$0x0] =	vst.idx.msk $0xffff, v6  }
0x381: {  	v58 =	vor.u32 s1, v30;
	v6 =	vld.idx.msk [tilespmem:v57+s20+$0x0], $0xffff  }
0x382: {  	v59 =	vor.u32 v59, v37;
	_ =	sdelay $0x3  }
0x383: {  	[tilespmem:v58+s23+$0x0] =	vst.idx.msk $0xffff, v6  }
0x384: {  	v61 =	vor.u32 s1, v32;
	v6 =	vld.idx.msk [tilespmem:v59+s20+$0x0], $0xffff  }
0x385: {  	v62 =	vor.u32 v60, v37;
	_ =	sdelay $0x3  }
0x386: {  	[tilespmem:v61+s23+$0x0] =	vst.idx.msk $0xffff, v6  }
0x387: {  	v63 =	vor.u32 s1, v34;
	v6 =	vld.idx.msk [tilespmem:v62+s20+$0x0], $0xffff;
	_ =	sdelay $0x1  }
.Ltmp4:
0x388: {  	_ = 	snop;
	(pc) =	sbr.rel @p4 .LBB2_8-.Ltmp4, $4  }
0x389: {  	s31 =	sshll.u32 s29, $0xB  }
0x38a: {  	s1 =	sand.u32 $0x1FFFF800, s31  }
0x38b: {  	s1 =	sadd.s32 s6, s1;
	[tilespmem:v63+s23+$0x0] =	vst.idx.msk $0xffff, v6  }
0x38c: {  	[hbm4b:s1+s4] =	stream.linear.scatter [tilespmem:s23], [sflag:$0x2], $0x4000, $0x38;
	[tilespmem:$0x10000] =	vst v63  }
.Ltmp5:
0x38d: {  	s1 =	sadd.s32 s28, s14;
	(pc) =	sbr.rel .LBB2_2-.Ltmp5, $4  }
0x38e: {  	s1 =	sshll.u32 s1, $0x8  }
0x38f: {  	s1 =	sand.u32 $0x1FFFFF00, s1  }
0x390: {  	s26 =	sadd.s32 $0x1, s26;
	s1 =	sadd.s32 s0, s1  }
0x391: {  	[tilespmem:s20], [sflag:$0x1] =	stream.strided.gather [hbm4b:s1+s18], $0x4000, s19, s18, $0x38;
	[tilespmem:$0x10000] =	vst v63  }
.LBB2_8:
0x392: {  	_ =	swait.ge [sflag:s24], $0x4000  }
.Ltmp6:
0x393: {  	[sflag:s24] =	ssyncset.done $0x0;
	(pc) =	sbr.rel @p0 .LBB2_17-.Ltmp6, $4  }
0x394: {  	[sflag:s24] =	ssyncadd.s32 $0xFFFFC000  }
0x395: {  	_ =	swait.ge [sflag:s24], $0x4000  }
0x396: {  	[sflag:s24] =	ssyncset.done $0x0  }
0x397: {  	[sflag:s24] =	ssyncadd.s32 $0xFFFFC000  }
.Ltmp7:
0x398: {  	(pc) =	sbr.rel @p1 .LBB2_14-.Ltmp7, $1  }
0x399: {  	_ =	sdelay $0x3  }
.Ltmp8:
0x39a: {  	(pc) =	sbr.rel @p2 .LBB2_20-.Ltmp8, $1  }
0x39b: {  	_ =	sdelay $0x3  }
0x39c: {  	s3 =	simm.s32 $0x0  }
0x39d: {  	s2 =	simm.s32 $0x0;
	s1 =	sand.u32 $0x20, s3  }
0x39e: {  	v35 =	vmov s2;
	v6 =	vmov s1  }
0x39f: {  	v35 =	vshll.u32 v35, $0x3;
	v6 =	vshll.u32 v6, $0x8  }
0x3a0: {  	v35 =	vand.u32 $0x400, v35;
	v6 =	vor.u32 v1, v6  }
0x3a1: {  	v36 =	vor.u32 s2, v0;
	v35 =	vor.u32 v2, v35;
	v6 =	vand.u32 $0x2800, v6  }
0x3a2: {  	v36 =	vand.u32 $0x7F, v36;
	v6 =	vor.u32 v6, v35  }
0x3a3: {  	v37 =	vor.u32 v36, v6  }
0x3a4: {  	[tilespmem:s3], [sflag:$0x1] =	stream.strided.gather [hbm4b:s15+s18], $0x4000, s19, s18, $0x38;
	[tilespmem:$0x10000] =	vst v63  }
0x3a5: {  	_ =	swait.ge [sflag:s21], $0x4000  }
0x3a6: {  	s31 =	simm.s32 $0x0;
	[sflag:s21] =	ssyncset.done $0x0  }
0x3a7: {  	v38 =	vor.u32 s2, v4;
	s10 =	sor.u32 s1, s31;
	[sflag:s21] =	ssyncadd.s32 $0xFFFFC000  }
0x3a8: {  	v38 =	vand.u32 $0x7F, v38;
	v39 =	vor.u32 s10, v3;
	v37 =	vld.idx.msk [tilespmem:v37+s4+$0x0], $0xffff  }
0x3a9: {  	v40 =	vor.u32 v38, v6;
	_ =	sdelay $0x3  }
0x3aa: {  	v57 =	vor.u32 s2, v8;
	[tilespmem:v39+s22+$0x0] =	vst.idx.msk $0xffff, v37  }
0x3ab: {  	v58 =	vor.u32 s10, v7;
	v37 =	vand.u32 $0x7F, v57;
	v39 =	vld.idx.msk [tilespmem:v40+s4+$0x0], $0xffff  }
0x3ac: {  	v50 =	vor.u32 v37, v6;
	_ =	sdelay $0x3  }
0x3ad: {  	v59 =	vor.u32 s2, v10;
	[tilespmem:v58+s22+$0x0] =	vst.idx.msk $0xffff, v39  }
0x3ae: {  	v60 =	vor.u32 s10, v9;
	v39 =	vand.u32 $0x7F, v59;
	v40 =	vld.idx.msk [tilespmem:v50+s4+$0x0], $0xffff  }
0x3af: {  	v51 =	vor.u32 v39, v6;
	_ =	sdelay $0x3  }
0x3b0: {  	v61 =	vor.u32 s2, v12;
	[tilespmem:v60+s22+$0x0] =	vst.idx.msk $0xffff, v40  }
0x3b1: {  	v62 =	vor.u32 s10, v11;
	v40 =	vand.u32 $0x7F, v61;
	v50 =	vld.idx.msk [tilespmem:v51+s4+$0x0], $0xffff  }
0x3b2: {  	v52 =	vor.u32 v40, v6;
	_ =	sdelay $0x3  }
0x3b3: {  	v63 =	vor.u32 s2, v14;
	[tilespmem:v62+s22+$0x0] =	vst.idx.msk $0xffff, v50  }
0x3b4: {  	v56 =	vor.u32 s10, v13;
	v50 =	vand.u32 $0x7F, v63;
	v51 =	vld.idx.msk [tilespmem:v52+s4+$0x0], $0xffff  }
0x3b5: {  	v53 =	vor.u32 v50, v6;
	_ =	sdelay $0x3  }
0x3b6: {  	v57 =	vor.u32 s2, v15;
	[tilespmem:v56+s22+$0x0] =	vst.idx.msk $0xffff, v51  }
0x3b7: {  	v58 =	vor.u32 s10, v5;
	v51 =	vand.u32 $0x7F, v57;
	v52 =	vld.idx.msk [tilespmem:v53+s4+$0x0], $0xffff  }
0x3b8: {  	v54 =	vor.u32 v51, v6;
	_ =	sdelay $0x3  }
0x3b9: {  	v59 =	vor.u32 s2, v17;
	[tilespmem:v58+s22+$0x0] =	vst.idx.msk $0xffff, v52  }
0x3ba: {  	v60 =	vor.u32 s10, v16;
	v52 =	vand.u32 $0x7F, v59;
	v53 =	vld.idx.msk [tilespmem:v54+s4+$0x0], $0xffff  }
0x3bb: {  	v55 =	vor.u32 v52, v6;
	_ =	sdelay $0x3  }
0x3bc: {  	v61 =	vor.u32 s2, v19;
	[tilespmem:v60+s22+$0x0] =	vst.idx.msk $0xffff, v53  }
0x3bd: {  	v62 =	vor.u32 s10, v18;
	v53 =	vand.u32 $0x7F, v61;
	v54 =	vld.idx.msk [tilespmem:v55+s4+$0x0], $0xffff  }
0x3be: {  	v56 =	vor.u32 v53, v6;
	_ =	sdelay $0x3  }
0x3bf: {  	v63 =	vor.u32 s2, v21;
	[tilespmem:v62+s22+$0x0] =	vst.idx.msk $0xffff, v54  }
0x3c0: {  	v60 =	vor.u32 s10, v20;
	v54 =	vand.u32 $0x7F, v63;
	v55 =	vld.idx.msk [tilespmem:v56+s4+$0x0], $0xffff  }
0x3c1: {  	v57 =	vor.u32 v54, v6;
	_ =	sdelay $0x3  }
0x3c2: {  	v61 =	vor.u32 s2, v23;
	[tilespmem:v60+s22+$0x0] =	vst.idx.msk $0xffff, v55  }
0x3c3: {  	v62 =	vor.u32 s10, v22;
	v55 =	vand.u32 $0x7F, v61;
	v56 =	vld.idx.msk [tilespmem:v57+s4+$0x0], $0xffff  }
0x3c4: {  	v58 =	vor.u32 v55, v6;
	_ =	sdelay $0x3  }
0x3c5: {  	v63 =	vor.u32 s2, v25;
	[tilespmem:v62+s22+$0x0] =	vst.idx.msk $0xffff, v56  }
0x3c6: {  	v60 =	vor.u32 s10, v24;
	v56 =	vand.u32 $0x7F, v63;
	v57 =	vld.idx.msk [tilespmem:v58+s4+$0x0], $0xffff  }
0x3c7: {  	v59 =	vor.u32 v56, v6;
	_ =	sdelay $0x3  }
0x3c8: {  	v61 =	vor.u32 s2, v27;
	[tilespmem:v60+s22+$0x0] =	vst.idx.msk $0xffff, v57  }
0x3c9: {  	v57 =	vand.u32 $0x7F, v61;
	v58 =	vld.idx.msk [tilespmem:v59+s4+$0x0], $0xffff;
	v59 =	vor.u32 s10, v26  }
0x3ca: {  	v60 =	vor.u32 v57, v6;
	_ =	sdelay $0x3  }
0x3cb: {  	[tilespmem:v59+s22+$0x0] =	vst.idx.msk $0xffff, v58;
	v58 =	vor.u32 s2, v29  }
0x3cc: {  	v59 =	vld.idx.msk [tilespmem:v60+s4+$0x0], $0xffff;
	v60 =	vor.u32 s10, v28;
	v58 =	vand.u32 $0x7F, v58  }
0x3cd: {  	v61 =	vor.u32 v58, v6;
	_ =	sdelay $0x3  }
0x3ce: {  	[tilespmem:v60+s22+$0x0] =	vst.idx.msk $0xffff, v59;
	v59 =	vor.u32 s2, v31  }
0x3cf: {  	v60 =	vld.idx.msk [tilespmem:v61+s4+$0x0], $0xffff;
	v61 =	vor.u32 s10, v30;
	v59 =	vand.u32 $0x7F, v59  }
0x3d0: {  	v62 =	vor.u32 v59, v6;
	_ =	sdelay $0x3  }
0x3d1: {  	[tilespmem:v61+s22+$0x0] =	vst.idx.msk $0xffff, v60;
	v60 =	vor.u32 s2, v33  }
0x3d2: {  	v61 =	vld.idx.msk [tilespmem:v62+s4+$0x0], $0xffff;
	v62 =	vor.u32 s10, v32;
	v60 =	vand.u32 $0x7F, v60  }
0x3d3: {  	s1 =	sor.u32 $0x10, s1;
	v6 =	vor.u32 v60, v6  }
0x3d4: {  	v63 =	vmov s1  }
0x3d5: {  	v63 =	vshll.u32 v63, $0x8  }
0x3d6: {  	v63 =	vor.u32 v1, v63  }
0x3d7: {  	[tilespmem:v62+s22+$0x0] =	vst.idx.msk $0xffff, v61;
	v61 =	vand.u32 $0x3800, v63  }
0x3d8: {  	v62 =	vor.u32 s10, v34;
	v6 =	vld.idx.msk [tilespmem:v6+s4+$0x0], $0xffff;
	v35 =	vor.u32 v61, v35  }
0x3d9: {  	v36 =	vor.u32 v36, v35;
	_ =	sdelay $0x3  }
0x3da: {  	s3 =	sor.u32 s31, s1;
	[tilespmem:v62+s22+$0x0] =	vst.idx.msk $0xffff, v6  }
0x3db: {  	v62 =	vor.u32 s3, v3;
	v6 =	vld.idx.msk [tilespmem:v36+s4+$0x0], $0xffff  }
0x3dc: {  	v38 =	vor.u32 v38, v35;
	_ =	sdelay $0x3  }
0x3dd: {  	[tilespmem:v62+s22+$0x0] =	vst.idx.msk $0xffff, v6  }
0x3de: {  	v63 =	vor.u32 s3, v7;
	v6 =	vld.idx.msk [tilespmem:v38+s4+$0x0], $0xffff  }
0x3df: {  	v37 =	vor.u32 v37, v35;
	_ =	sdelay $0x3  }
0x3e0: {  	[tilespmem:v63+s22+$0x0] =	vst.idx.msk $0xffff, v6  }
0x3e1: {  	v61 =	vor.u32 s3, v9;
	v6 =	vld.idx.msk [tilespmem:v37+s4+$0x0], $0xffff  }
0x3e2: {  	v62 =	vor.u32 v39, v35;
	_ =	sdelay $0x3  }
0x3e3: {  	[tilespmem:v61+s22+$0x0] =	vst.idx.msk $0xffff, v6  }
0x3e4: {  	v63 =	vor.u32 s3, v11;
	v6 =	vld.idx.msk [tilespmem:v62+s4+$0x0], $0xffff  }
0x3e5: {  	v61 =	vor.u32 v40, v35;
	_ =	sdelay $0x3  }
0x3e6: {  	[tilespmem:v63+s22+$0x0] =	vst.idx.msk $0xffff, v6  }
0x3e7: {  	v62 =	vor.u32 s3, v13;
	v6 =	vld.idx.msk [tilespmem:v61+s4+$0x0], $0xffff  }
0x3e8: {  	v63 =	vor.u32 v50, v35;
	_ =	sdelay $0x3  }
0x3e9: {  	[tilespmem:v62+s22+$0x0] =	vst.idx.msk $0xffff, v6  }
0x3ea: {  	v40 =	vor.u32 s3, v5;
	v6 =	vld.idx.msk [tilespmem:v63+s4+$0x0], $0xffff  }
0x3eb: {  	v50 =	vor.u32 v51, v35;
	_ =	sdelay $0x3  }
0x3ec: {  	[tilespmem:v40+s22+$0x0] =	vst.idx.msk $0xffff, v6  }
0x3ed: {  	v51 =	vor.u32 s3, v16;
	v6 =	vld.idx.msk [tilespmem:v50+s4+$0x0], $0xffff  }
0x3ee: {  	v61 =	vor.u32 v52, v35;
	_ =	sdelay $0x3  }
0x3ef: {  	[tilespmem:v51+s22+$0x0] =	vst.idx.msk $0xffff, v6  }
0x3f0: {  	v62 =	vor.u32 s3, v18;
	v6 =	vld.idx.msk [tilespmem:v61+s4+$0x0], $0xffff  }
0x3f1: {  	v63 =	vor.u32 v53, v35;
	_ =	sdelay $0x3  }
0x3f2: {  	[tilespmem:v62+s22+$0x0] =	vst.idx.msk $0xffff, v6  }
0x3f3: {  	v40 =	vor.u32 s3, v20;
	v6 =	vld.idx.msk [tilespmem:v63+s4+$0x0], $0xffff  }
0x3f4: {  	v50 =	vor.u32 v54, v35;
	_ =	sdelay $0x3  }
0x3f5: {  	[tilespmem:v40+s22+$0x0] =	vst.idx.msk $0xffff, v6  }
0x3f6: {  	v51 =	vor.u32 s3, v22;
	v6 =	vld.idx.msk [tilespmem:v50+s4+$0x0], $0xffff  }
0x3f7: {  	v52 =	vor.u32 v55, v35;
	_ =	sdelay $0x3  }
0x3f8: {  	[tilespmem:v51+s22+$0x0] =	vst.idx.msk $0xffff, v6  }
0x3f9: {  	v53 =	vor.u32 s3, v24;
	v6 =	vld.idx.msk [tilespmem:v52+s4+$0x0], $0xffff  }
0x3fa: {  	v54 =	vor.u32 v56, v35;
	_ =	sdelay $0x3  }
0x3fb: {  	[tilespmem:v53+s22+$0x0] =	vst.idx.msk $0xffff, v6  }
0x3fc: {  	v55 =	vor.u32 s3, v26;
	v6 =	vld.idx.msk [tilespmem:v54+s4+$0x0], $0xffff  }
0x3fd: {  	v56 =	vor.u32 v57, v35;
	_ =	sdelay $0x3  }
0x3fe: {  	[tilespmem:v55+s22+$0x0] =	vst.idx.msk $0xffff, v6  }
0x3ff: {  	v57 =	vor.u32 s3, v28;
	v6 =	vld.idx.msk [tilespmem:v56+s4+$0x0], $0xffff  }
0x400: {  	v61 =	vor.u32 v58, v35;
	_ =	sdelay $0x3  }
0x401: {  	[tilespmem:v57+s22+$0x0] =	vst.idx.msk $0xffff, v6  }
0x402: {  	v62 =	vor.u32 s3, v30;
	v6 =	vld.idx.msk [tilespmem:v61+s4+$0x0], $0xffff  }
0x403: {  	v63 =	vor.u32 v59, v35;
	_ =	sdelay $0x3  }
0x404: {  	[tilespmem:v62+s22+$0x0] =	vst.idx.msk $0xffff, v6  }
0x405: {  	v36 =	vor.u32 s3, v32;
	v6 =	vld.idx.msk [tilespmem:v63+s4+$0x0], $0xffff  }
0x406: {  	s26 =	simm.s32 $0x2;
	s28 =	simm.s32 $0x20;
	s10 =	simm.s32 $0x0;
	v35 =	vor.u32 v60, v35  }
.LBB2_12:
0x407: {  	p3 =	sne.s32 s26, $0x1F;
	s2 =	sand.u32 $0x20, s28;
	s1 =	sshll.u32 s10, $0x4  }
0x408: {  	v37 =	vmov s2;
	v38 =	vmov s1  }
0x409: {  	v37 =	vshll.u32 v37, $0x8;
	v38 =	vshll.u32 v38, $0x3  }
0x40a: {  	v37 =	vor.u32 v1, v37;
	v38 =	vand.u32 $0x400, v38;
	[tilespmem:v36+s22+$0x0] =	vst.idx.msk $0xffff, v6  }
0x40b: {  	v6 =	vor.u32 s1, v0;
	v36 =	vand.u32 $0x2800, v37;
	v50 =	vor.u32 v2, v38;
	v35 =	vld.idx.msk [tilespmem:v35+s4+$0x0], $0xffff  }
0x40c: {  	v51 =	vand.u32 $0x7F, v6;
	v6 =	vor.u32 s3, v34;
	v59 =	vor.u32 v36, v50  }
0x40d: {  	v36 =	vor.u32 v51, v59;
	_ =	sdelay $0x3  }
0x40e: {  	s3 =	sshll.u32 s10, $0xA;
	[tilespmem:v6+s22+$0x0] =	vst.idx.msk $0xffff, v35  }
0x40f: {  	s10 =	sor.u32 s2, s3;
	v35 =	vor.u32 s1, v4;
	v6 =	vld.idx.msk [tilespmem:v36+s4+$0x0], $0xffff  }
0x410: {  	v36 =	vor.u32 s10, v3;
	v52 =	vand.u32 $0x7F, v35  }
0x411: {  	v35 =	vor.u32 v52, v59;
	_ =	sdelay $0x3  }
0x412: {  	[tilespmem:v36+s22+$0x0] =	vst.idx.msk $0xffff, v6  }
0x413: {  	v6 =	vld.idx.msk [tilespmem:v35+s4+$0x0], $0xffff;
	v35 =	vor.u32 s1, v8  }
0x414: {  	v36 =	vor.u32 s10, v7;
	v53 =	vand.u32 $0x7F, v35  }
0x415: {  	v35 =	vor.u32 v53, v59;
	_ =	sdelay $0x3  }
0x416: {  	[tilespmem:v36+s22+$0x0] =	vst.idx.msk $0xffff, v6  }
0x417: {  	v6 =	vld.idx.msk [tilespmem:v35+s4+$0x0], $0xffff;
	v35 =	vor.u32 s1, v10  }
0x418: {  	v36 =	vor.u32 s10, v9;
	v54 =	vand.u32 $0x7F, v35  }
0x419: {  	v35 =	vor.u32 v54, v59;
	_ =	sdelay $0x3  }
0x41a: {  	[tilespmem:v36+s22+$0x0] =	vst.idx.msk $0xffff, v6  }
0x41b: {  	v6 =	vld.idx.msk [tilespmem:v35+s4+$0x0], $0xffff;
	v35 =	vor.u32 s1, v12  }
0x41c: {  	v36 =	vor.u32 s10, v11;
	v55 =	vand.u32 $0x7F, v35  }
0x41d: {  	v35 =	vor.u32 v55, v59;
	_ =	sdelay $0x3  }
0x41e: {  	[tilespmem:v36+s22+$0x0] =	vst.idx.msk $0xffff, v6  }
0x41f: {  	v6 =	vld.idx.msk [tilespmem:v35+s4+$0x0], $0xffff;
	v35 =	vor.u32 s1, v14  }
0x420: {  	v36 =	vor.u32 s10, v13;
	v56 =	vand.u32 $0x7F, v35  }
0x421: {  	v35 =	vor.u32 v56, v59;
	_ =	sdelay $0x3  }
0x422: {  	[tilespmem:v36+s22+$0x0] =	vst.idx.msk $0xffff, v6  }
0x423: {  	v6 =	vld.idx.msk [tilespmem:v35+s4+$0x0], $0xffff;
	v35 =	vor.u32 s1, v15  }
0x424: {  	v36 =	vor.u32 s10, v5;
	v57 =	vand.u32 $0x7F, v35  }
0x425: {  	v35 =	vor.u32 v57, v59;
	_ =	sdelay $0x3  }
0x426: {  	[tilespmem:v36+s22+$0x0] =	vst.idx.msk $0xffff, v6  }
0x427: {  	v6 =	vld.idx.msk [tilespmem:v35+s4+$0x0], $0xffff;
	v35 =	vor.u32 s1, v17  }
0x428: {  	v36 =	vor.u32 s10, v16;
	v58 =	vand.u32 $0x7F, v35  }
0x429: {  	v35 =	vor.u32 v58, v59;
	_ =	sdelay $0x3  }
0x42a: {  	[tilespmem:v36+s22+$0x0] =	vst.idx.msk $0xffff, v6  }
0x42b: {  	v6 =	vld.idx.msk [tilespmem:v35+s4+$0x0], $0xffff;
	v35 =	vor.u32 s1, v19  }
0x42c: {  	v36 =	vor.u32 s10, v18;
	v60 =	vand.u32 $0x7F, v35  }
0x42d: {  	v35 =	vor.u32 v60, v59;
	_ =	sdelay $0x3  }
0x42e: {  	[tilespmem:v36+s22+$0x0] =	vst.idx.msk $0xffff, v6  }
0x42f: {  	v6 =	vld.idx.msk [tilespmem:v35+s4+$0x0], $0xffff;
	v35 =	vor.u32 s1, v21  }
0x430: {  	v36 =	vor.u32 s10, v20;
	v61 =	vand.u32 $0x7F, v35  }
0x431: {  	v35 =	vor.u32 v61, v59;
	_ =	sdelay $0x3  }
0x432: {  	[tilespmem:v36+s22+$0x0] =	vst.idx.msk $0xffff, v6  }
0x433: {  	v6 =	vld.idx.msk [tilespmem:v35+s4+$0x0], $0xffff;
	v35 =	vor.u32 s1, v23  }
0x434: {  	v36 =	vor.u32 s10, v22;
	v62 =	vand.u32 $0x7F, v35  }
0x435: {  	v35 =	vor.u32 v62, v59;
	_ =	sdelay $0x3  }
0x436: {  	[tilespmem:v36+s22+$0x0] =	vst.idx.msk $0xffff, v6  }
0x437: {  	v6 =	vld.idx.msk [tilespmem:v35+s4+$0x0], $0xffff;
	v35 =	vor.u32 s1, v25  }
0x438: {  	v36 =	vor.u32 s10, v24;
	v63 =	vand.u32 $0x7F, v35  }
0x439: {  	v35 =	vor.u32 v63, v59;
	_ =	sdelay $0x3  }
0x43a: {  	[tilespmem:v36+s22+$0x0] =	vst.idx.msk $0xffff, v6  }
0x43b: {  	v6 =	vor.u32 s1, v27;
	v35 =	vld.idx.msk [tilespmem:v35+s4+$0x0], $0xffff  }
0x43c: {  	v36 =	vor.u32 s10, v26;
	v6 =	vand.u32 $0x7F, v6  }
0x43d: {  	v37 =	vor.u32 v6, v59;
	_ =	sdelay $0x3  }
0x43e: {  	[tilespmem:v36+s22+$0x0] =	vst.idx.msk $0xffff, v35  }
0x43f: {  	v35 =	vor.u32 s1, v29;
	v36 =	vld.idx.msk [tilespmem:v37+s4+$0x0], $0xffff  }
0x440: {  	v37 =	vor.u32 s10, v28;
	v35 =	vand.u32 $0x7F, v35  }
0x441: {  	v38 =	vor.u32 v35, v59;
	_ =	sdelay $0x3  }
0x442: {  	[tilespmem:v37+s22+$0x0] =	vst.idx.msk $0xffff, v36  }
0x443: {  	v36 =	vor.u32 s1, v31;
	v37 =	vld.idx.msk [tilespmem:v38+s4+$0x0], $0xffff  }
0x444: {  	v38 =	vor.u32 s10, v30;
	v36 =	vand.u32 $0x7F, v36  }
0x445: {  	v39 =	vor.u32 v36, v59;
	_ =	sdelay $0x3  }
0x446: {  	[tilespmem:v38+s22+$0x0] =	vst.idx.msk $0xffff, v37  }
0x447: {  	v37 =	vor.u32 s1, v33;
	v38 =	vld.idx.msk [tilespmem:v39+s4+$0x0], $0xffff  }
0x448: {  	v39 =	vor.u32 s10, v32;
	v37 =	vand.u32 $0x7F, v37  }
0x449: {  	v40 =	vor.u32 v37, v59  }
0x44a: {  	s1 =	sor.u32 $0x10, s2  }
0x44b: {  	v59 =	vmov s1  }
0x44c: {  	v59 =	vshll.u32 v59, $0x8  }
0x44d: {  	[tilespmem:v39+s22+$0x0] =	vst.idx.msk $0xffff, v38;
	v38 =	vor.u32 v1, v59  }
0x44e: {  	v39 =	vld.idx.msk [tilespmem:v40+s4+$0x0], $0xffff;
	v38 =	vand.u32 $0x3800, v38  }
0x44f: {  	v40 =	vor.u32 s10, v34;
	v50 =	vor.u32 v38, v50  }
0x450: {  	v38 =	vor.u32 v51, v50;
	_ =	sdelay $0x3  }
0x451: {  	[tilespmem:v40+s22+$0x0] =	vst.idx.msk $0xffff, v39  }
0x452: {  	s3 =	sor.u32 s3, s1;
	v38 =	vld.idx.msk [tilespmem:v38+s4+$0x0], $0xffff  }
0x453: {  	v39 =	vor.u32 s3, v3  }
0x454: {  	v40 =	vor.u32 v52, v50;
	_ =	sdelay $0x3  }
0x455: {  	[tilespmem:v39+s22+$0x0] =	vst.idx.msk $0xffff, v38  }
0x456: {  	v38 =	vld.idx.msk [tilespmem:v40+s4+$0x0], $0xffff  }
0x457: {  	v39 =	vor.u32 s3, v7  }
0x458: {  	v40 =	vor.u32 v53, v50;
	_ =	sdelay $0x3  }
0x459: {  	[tilespmem:v39+s22+$0x0] =	vst.idx.msk $0xffff, v38  }
0x45a: {  	v38 =	vld.idx.msk [tilespmem:v40+s4+$0x0], $0xffff  }
0x45b: {  	v39 =	vor.u32 s3, v9  }
0x45c: {  	v40 =	vor.u32 v54, v50;
	_ =	sdelay $0x3  }
0x45d: {  	[tilespmem:v39+s22+$0x0] =	vst.idx.msk $0xffff, v38  }
0x45e: {  	v38 =	vld.idx.msk [tilespmem:v40+s4+$0x0], $0xffff  }
0x45f: {  	v39 =	vor.u32 s3, v11  }
0x460: {  	v40 =	vor.u32 v55, v50;
	_ =	sdelay $0x3  }
0x461: {  	[tilespmem:v39+s22+$0x0] =	vst.idx.msk $0xffff, v38  }
0x462: {  	v38 =	vld.idx.msk [tilespmem:v40+s4+$0x0], $0xffff  }
0x463: {  	v39 =	vor.u32 s3, v13  }
0x464: {  	v40 =	vor.u32 v56, v50;
	_ =	sdelay $0x3  }
0x465: {  	[tilespmem:v39+s22+$0x0] =	vst.idx.msk $0xffff, v38  }
0x466: {  	v38 =	vld.idx.msk [tilespmem:v40+s4+$0x0], $0xffff  }
0x467: {  	v39 =	vor.u32 s3, v5  }
0x468: {  	v40 =	vor.u32 v57, v50;
	_ =	sdelay $0x3  }
0x469: {  	[tilespmem:v39+s22+$0x0] =	vst.idx.msk $0xffff, v38  }
0x46a: {  	v38 =	vld.idx.msk [tilespmem:v40+s4+$0x0], $0xffff  }
0x46b: {  	v39 =	vor.u32 s3, v16  }
0x46c: {  	v40 =	vor.u32 v58, v50;
	_ =	sdelay $0x3  }
0x46d: {  	[tilespmem:v39+s22+$0x0] =	vst.idx.msk $0xffff, v38  }
0x46e: {  	v38 =	vld.idx.msk [tilespmem:v40+s4+$0x0], $0xffff  }
0x46f: {  	v39 =	vor.u32 s3, v18  }
0x470: {  	v40 =	vor.u32 v60, v50;
	_ =	sdelay $0x3  }
0x471: {  	[tilespmem:v39+s22+$0x0] =	vst.idx.msk $0xffff, v38  }
0x472: {  	v38 =	vld.idx.msk [tilespmem:v40+s4+$0x0], $0xffff  }
0x473: {  	v39 =	vor.u32 s3, v20  }
0x474: {  	v40 =	vor.u32 v61, v50;
	_ =	sdelay $0x3  }
0x475: {  	[tilespmem:v39+s22+$0x0] =	vst.idx.msk $0xffff, v38  }
0x476: {  	v38 =	vld.idx.msk [tilespmem:v40+s4+$0x0], $0xffff  }
0x477: {  	v39 =	vor.u32 s3, v22  }
0x478: {  	v40 =	vor.u32 v62, v50;
	_ =	sdelay $0x3  }
0x479: {  	[tilespmem:v39+s22+$0x0] =	vst.idx.msk $0xffff, v38  }
0x47a: {  	v38 =	vld.idx.msk [tilespmem:v40+s4+$0x0], $0xffff  }
0x47b: {  	v39 =	vor.u32 s3, v24  }
0x47c: {  	v40 =	vor.u32 v63, v50;
	_ =	sdelay $0x3  }
0x47d: {  	[tilespmem:v39+s22+$0x0] =	vst.idx.msk $0xffff, v38  }
0x47e: {  	v38 =	vld.idx.msk [tilespmem:v40+s4+$0x0], $0xffff  }
0x47f: {  	v39 =	vor.u32 s3, v26  }
0x480: {  	v6 =	vor.u32 v6, v50;
	_ =	sdelay $0x3  }
0x481: {  	[tilespmem:v39+s22+$0x0] =	vst.idx.msk $0xffff, v38  }
0x482: {  	v6 =	vld.idx.msk [tilespmem:v6+s4+$0x0], $0xffff  }
0x483: {  	v38 =	vor.u32 s3, v28  }
0x484: {  	v35 =	vor.u32 v35, v50;
	_ =	sdelay $0x3  }
0x485: {  	[tilespmem:v38+s22+$0x0] =	vst.idx.msk $0xffff, v6  }
0x486: {  	v6 =	vld.idx.msk [tilespmem:v35+s4+$0x0], $0xffff  }
0x487: {  	v35 =	vor.u32 s3, v30  }
0x488: {  	v36 =	vor.u32 v36, v50;
	_ =	sdelay $0x2  }
.Ltmp9:
0x489: {  	(pc) =	sbr.rel @p3 .LBB2_12-.Ltmp9, $4  }
0x48a: {  	[tilespmem:v35+s22+$0x0] =	vst.idx.msk $0xffff, v6  }
0x48b: {  	v6 =	vld.idx.msk [tilespmem:v36+s4+$0x0], $0xffff  }
0x48c: {  	v36 =	vor.u32 s3, v32  }
0x48d: {  	s28 =	sadd.s32 $0x20, s28;
	s10 =	sshrl.u32 s26, $0x1;
	s26 =	sadd.s32 $0x1, s26;
	v35 =	vor.u32 v37, v50  }
0x48e: {  	s1 =	sand.u32 $0x20, s28;
	s2 =	sshll.u32 s10, $0x4  }
0x48f: {  	v37 =	vmov s1;
	v38 =	vmov s2  }
0x490: {  	v37 =	vshll.u32 v37, $0x8;
	v38 =	vshll.u32 v38, $0x3  }
0x491: {  	v37 =	vor.u32 v1, v37;
	v38 =	vand.u32 $0x400, v38  }
0x492: {  	[tilespmem:v36+s22+$0x0] =	vst.idx.msk $0xffff, v6;
	v6 =	vor.u32 s2, v0;
	v52 =	vand.u32 $0x2800, v37;
	v37 =	vor.u32 v2, v38  }
0x493: {  	v53 =	vor.u32 s3, v34;
	v35 =	vld.idx.msk [tilespmem:v35+s4+$0x0], $0xffff;
	v6 =	vand.u32 $0x7F, v6;
	v36 =	vor.u32 v52, v37  }
0x494: {  	v39 =	vor.u32 v6, v36;
	_ =	sdelay $0x2  }
0x495: {  	s31 =	sshll.u32 s10, $0xA  }
0x496: {  	s10 =	sor.u32 s1, s31;
	v54 =	vor.u32 s2, v4;
	[tilespmem:v53+s22+$0x0] =	vst.idx.msk $0xffff, v35  }
0x497: {  	v55 =	vor.u32 s10, v3;
	v35 =	vand.u32 $0x7F, v54;
	v38 =	vld.idx.msk [tilespmem:v39+s4+$0x0], $0xffff  }
0x498: {  	v40 =	vor.u32 v35, v36;
	_ =	sdelay $0x3  }
0x499: {  	v56 =	vor.u32 s2, v8;
	[tilespmem:v55+s22+$0x0] =	vst.idx.msk $0xffff, v38  }
0x49a: {  	v57 =	vor.u32 s10, v7;
	v38 =	vand.u32 $0x7F, v56;
	v39 =	vld.idx.msk [tilespmem:v40+s4+$0x0], $0xffff  }
0x49b: {  	v50 =	vor.u32 v38, v36;
	_ =	sdelay $0x3  }
0x49c: {  	v58 =	vor.u32 s2, v10;
	[tilespmem:v57+s22+$0x0] =	vst.idx.msk $0xffff, v39  }
0x49d: {  	v59 =	vor.u32 s10, v9;
	v39 =	vand.u32 $0x7F, v58;
	v40 =	vld.idx.msk [tilespmem:v50+s4+$0x0], $0xffff  }
0x49e: {  	v51 =	vor.u32 v39, v36;
	_ =	sdelay $0x3  }
0x49f: {  	v60 =	vor.u32 s2, v12;
	[tilespmem:v59+s22+$0x0] =	vst.idx.msk $0xffff, v40  }
0x4a0: {  	v61 =	vor.u32 s10, v11;
	v40 =	vand.u32 $0x7F, v60;
	v50 =	vld.idx.msk [tilespmem:v51+s4+$0x0], $0xffff  }
0x4a1: {  	v52 =	vor.u32 v40, v36;
	_ =	sdelay $0x3  }
0x4a2: {  	v62 =	vor.u32 s2, v14;
	[tilespmem:v61+s22+$0x0] =	vst.idx.msk $0xffff, v50  }
0x4a3: {  	v63 =	vor.u32 s10, v13;
	v50 =	vand.u32 $0x7F, v62;
	v51 =	vld.idx.msk [tilespmem:v52+s4+$0x0], $0xffff  }
0x4a4: {  	v53 =	vor.u32 v50, v36;
	_ =	sdelay $0x3  }
0x4a5: {  	v56 =	vor.u32 s2, v15;
	[tilespmem:v63+s22+$0x0] =	vst.idx.msk $0xffff, v51  }
0x4a6: {  	v57 =	vor.u32 s10, v5;
	v51 =	vand.u32 $0x7F, v56;
	v52 =	vld.idx.msk [tilespmem:v53+s4+$0x0], $0xffff  }
0x4a7: {  	v54 =	vor.u32 v51, v36;
	_ =	sdelay $0x3  }
0x4a8: {  	v58 =	vor.u32 s2, v17;
	[tilespmem:v57+s22+$0x0] =	vst.idx.msk $0xffff, v52  }
0x4a9: {  	v59 =	vor.u32 s10, v16;
	v52 =	vand.u32 $0x7F, v58;
	v53 =	vld.idx.msk [tilespmem:v54+s4+$0x0], $0xffff  }
0x4aa: {  	v55 =	vor.u32 v52, v36;
	_ =	sdelay $0x3  }
0x4ab: {  	v60 =	vor.u32 s2, v19;
	[tilespmem:v59+s22+$0x0] =	vst.idx.msk $0xffff, v53  }
0x4ac: {  	v61 =	vor.u32 s10, v18;
	v53 =	vand.u32 $0x7F, v60;
	v54 =	vld.idx.msk [tilespmem:v55+s4+$0x0], $0xffff  }
0x4ad: {  	v56 =	vor.u32 v53, v36;
	_ =	sdelay $0x3  }
0x4ae: {  	v62 =	vor.u32 s2, v21;
	[tilespmem:v61+s22+$0x0] =	vst.idx.msk $0xffff, v54  }
0x4af: {  	v63 =	vor.u32 s10, v20;
	v54 =	vand.u32 $0x7F, v62;
	v55 =	vld.idx.msk [tilespmem:v56+s4+$0x0], $0xffff  }
0x4b0: {  	v57 =	vor.u32 v54, v36;
	_ =	sdelay $0x3  }
0x4b1: {  	v60 =	vor.u32 s2, v23;
	[tilespmem:v63+s22+$0x0] =	vst.idx.msk $0xffff, v55  }
0x4b2: {  	v61 =	vor.u32 s10, v22;
	v55 =	vand.u32 $0x7F, v60;
	v56 =	vld.idx.msk [tilespmem:v57+s4+$0x0], $0xffff  }
0x4b3: {  	v58 =	vor.u32 v55, v36;
	_ =	sdelay $0x3  }
0x4b4: {  	v62 =	vor.u32 s2, v25;
	[tilespmem:v61+s22+$0x0] =	vst.idx.msk $0xffff, v56  }
0x4b5: {  	v63 =	vor.u32 s10, v24;
	v56 =	vand.u32 $0x7F, v62;
	v57 =	vld.idx.msk [tilespmem:v58+s4+$0x0], $0xffff  }
0x4b6: {  	v59 =	vor.u32 v56, v36;
	_ =	sdelay $0x3  }
0x4b7: {  	v60 =	vor.u32 s2, v27;
	[tilespmem:v63+s22+$0x0] =	vst.idx.msk $0xffff, v57  }
0x4b8: {  	v57 =	vand.u32 $0x7F, v60;
	v58 =	vld.idx.msk [tilespmem:v59+s4+$0x0], $0xffff;
	v59 =	vor.u32 s10, v26  }
0x4b9: {  	v60 =	vor.u32 v57, v36;
	_ =	sdelay $0x3  }
0x4ba: {  	[tilespmem:v59+s22+$0x0] =	vst.idx.msk $0xffff, v58;
	v58 =	vor.u32 s2, v29  }
0x4bb: {  	v59 =	vld.idx.msk [tilespmem:v60+s4+$0x0], $0xffff;
	v60 =	vor.u32 s10, v28;
	v58 =	vand.u32 $0x7F, v58  }
0x4bc: {  	v61 =	vor.u32 v58, v36;
	_ =	sdelay $0x3  }
0x4bd: {  	[tilespmem:v60+s22+$0x0] =	vst.idx.msk $0xffff, v59;
	v59 =	vor.u32 s2, v31  }
0x4be: {  	v60 =	vld.idx.msk [tilespmem:v61+s4+$0x0], $0xffff;
	v61 =	vor.u32 s10, v30;
	v59 =	vand.u32 $0x7F, v59  }
0x4bf: {  	v62 =	vor.u32 v59, v36;
	_ =	sdelay $0x3  }
0x4c0: {  	[tilespmem:v61+s22+$0x0] =	vst.idx.msk $0xffff, v60;
	v60 =	vor.u32 s2, v33  }
0x4c1: {  	v61 =	vld.idx.msk [tilespmem:v62+s4+$0x0], $0xffff;
	v62 =	vor.u32 s10, v32;
	v60 =	vand.u32 $0x7F, v60  }
0x4c2: {  	s1 =	sor.u32 $0x10, s1;
	v36 =	vor.u32 v60, v36  }
0x4c3: {  	v63 =	vmov s1  }
0x4c4: {  	v63 =	vshll.u32 v63, $0x8  }
0x4c5: {  	v63 =	vor.u32 v1, v63  }
0x4c6: {  	[tilespmem:v62+s22+$0x0] =	vst.idx.msk $0xffff, v61;
	v61 =	vand.u32 $0x3800, v63  }
0x4c7: {  	v62 =	vor.u32 s10, v34;
	v36 =	vld.idx.msk [tilespmem:v36+s4+$0x0], $0xffff;
	v37 =	vor.u32 v61, v37  }
0x4c8: {  	v6 =	vor.u32 v6, v37;
	_ =	sdelay $0x3  }
0x4c9: {  	s1 =	sor.u32 s31, s1;
	[tilespmem:v62+s22+$0x0] =	vst.idx.msk $0xffff, v36  }
0x4ca: {  	v61 =	vor.u32 s1, v3;
	v6 =	vld.idx.msk [tilespmem:v6+s4+$0x0], $0xffff  }
0x4cb: {  	v35 =	vor.u32 v35, v37;
	_ =	sdelay $0x3  }
0x4cc: {  	[tilespmem:v61+s22+$0x0] =	vst.idx.msk $0xffff, v6  }
0x4cd: {  	v62 =	vor.u32 s1, v7;
	v6 =	vld.idx.msk [tilespmem:v35+s4+$0x0], $0xffff  }
0x4ce: {  	v63 =	vor.u32 v38, v37;
	_ =	sdelay $0x3  }
0x4cf: {  	[tilespmem:v62+s22+$0x0] =	vst.idx.msk $0xffff, v6  }
0x4d0: {  	v61 =	vor.u32 s1, v9;
	v6 =	vld.idx.msk [tilespmem:v63+s4+$0x0], $0xffff  }
0x4d1: {  	v62 =	vor.u32 v39, v37;
	_ =	sdelay $0x3  }
0x4d2: {  	[tilespmem:v61+s22+$0x0] =	vst.idx.msk $0xffff, v6  }
0x4d3: {  	v63 =	vor.u32 s1, v11;
	v6 =	vld.idx.msk [tilespmem:v62+s4+$0x0], $0xffff  }
0x4d4: {  	v61 =	vor.u32 v40, v37;
	_ =	sdelay $0x3  }
0x4d5: {  	[tilespmem:v63+s22+$0x0] =	vst.idx.msk $0xffff, v6  }
0x4d6: {  	v62 =	vor.u32 s1, v13;
	v6 =	vld.idx.msk [tilespmem:v61+s4+$0x0], $0xffff  }
0x4d7: {  	v63 =	vor.u32 v50, v37;
	_ =	sdelay $0x3  }
0x4d8: {  	[tilespmem:v62+s22+$0x0] =	vst.idx.msk $0xffff, v6  }
0x4d9: {  	v40 =	vor.u32 s1, v5;
	v6 =	vld.idx.msk [tilespmem:v63+s4+$0x0], $0xffff  }
0x4da: {  	v50 =	vor.u32 v51, v37;
	_ =	sdelay $0x3  }
0x4db: {  	[tilespmem:v40+s22+$0x0] =	vst.idx.msk $0xffff, v6  }
0x4dc: {  	v51 =	vor.u32 s1, v16;
	v6 =	vld.idx.msk [tilespmem:v50+s4+$0x0], $0xffff  }
0x4dd: {  	v52 =	vor.u32 v52, v37;
	_ =	sdelay $0x3  }
0x4de: {  	[tilespmem:v51+s22+$0x0] =	vst.idx.msk $0xffff, v6  }
0x4df: {  	v61 =	vor.u32 s1, v18;
	v6 =	vld.idx.msk [tilespmem:v52+s4+$0x0], $0xffff  }
0x4e0: {  	v62 =	vor.u32 v53, v37;
	_ =	sdelay $0x3  }
0x4e1: {  	[tilespmem:v61+s22+$0x0] =	vst.idx.msk $0xffff, v6  }
0x4e2: {  	v63 =	vor.u32 s1, v20;
	v6 =	vld.idx.msk [tilespmem:v62+s4+$0x0], $0xffff  }
0x4e3: {  	v40 =	vor.u32 v54, v37;
	_ =	sdelay $0x3  }
0x4e4: {  	[tilespmem:v63+s22+$0x0] =	vst.idx.msk $0xffff, v6  }
0x4e5: {  	v50 =	vor.u32 s1, v22;
	v6 =	vld.idx.msk [tilespmem:v40+s4+$0x0], $0xffff  }
0x4e6: {  	v51 =	vor.u32 v55, v37;
	_ =	sdelay $0x3  }
0x4e7: {  	[tilespmem:v50+s22+$0x0] =	vst.idx.msk $0xffff, v6  }
0x4e8: {  	v52 =	vor.u32 s1, v24;
	v6 =	vld.idx.msk [tilespmem:v51+s4+$0x0], $0xffff  }
0x4e9: {  	v53 =	vor.u32 v56, v37;
	_ =	sdelay $0x3  }
0x4ea: {  	[tilespmem:v52+s22+$0x0] =	vst.idx.msk $0xffff, v6  }
0x4eb: {  	v54 =	vor.u32 s1, v26;
	v6 =	vld.idx.msk [tilespmem:v53+s4+$0x0], $0xffff  }
0x4ec: {  	v55 =	vor.u32 v57, v37;
	_ =	sdelay $0x3  }
0x4ed: {  	[tilespmem:v54+s22+$0x0] =	vst.idx.msk $0xffff, v6  }
0x4ee: {  	v56 =	vor.u32 s1, v28;
	v6 =	vld.idx.msk [tilespmem:v55+s4+$0x0], $0xffff  }
0x4ef: {  	v57 =	vor.u32 v58, v37;
	_ =	sdelay $0x3  }
0x4f0: {  	[tilespmem:v56+s22+$0x0] =	vst.idx.msk $0xffff, v6  }
0x4f1: {  	v58 =	vor.u32 s1, v30;
	v6 =	vld.idx.msk [tilespmem:v57+s4+$0x0], $0xffff  }
0x4f2: {  	v59 =	vor.u32 v59, v37;
	_ =	sdelay $0x3  }
0x4f3: {  	[tilespmem:v58+s22+$0x0] =	vst.idx.msk $0xffff, v6  }
0x4f4: {  	v61 =	vor.u32 s1, v32;
	v6 =	vld.idx.msk [tilespmem:v59+s4+$0x0], $0xffff  }
0x4f5: {  	v62 =	vor.u32 v60, v37;
	_ =	sdelay $0x3  }
0x4f6: {  	[tilespmem:v61+s22+$0x0] =	vst.idx.msk $0xffff, v6  }
0x4f7: {  	v63 =	vor.u32 s1, v34;
	v6 =	vld.idx.msk [tilespmem:v62+s4+$0x0], $0xffff;
	_ =	sdelay $0x4  }
.Ltmp10:
0x4f8: {  	[tilespmem:v63+s22+$0x0] =	vst.idx.msk $0xffff, v6;
	(pc) =	sbr.rel .LBB2_20-.Ltmp10, $4  }
0x4f9: {  	[hbm4b:s16+s4] =	stream.linear.scatter [tilespmem:s22], [sflag:$0x2], $0x4000, $0x38;
	[tilespmem:$0x10000] =	vst v63  }
0x4fa: {  	_ =	swait.ge [sflag:s24], $0x4000  }
0x4fb: {  	[sflag:s24] =	ssyncset.done $0x0  }
0x4fc: {  	[sflag:s24] =	ssyncadd.s32 $0xFFFFC000  }
.LBB2_14:
0x4fd: {  	s3 =	simm.s32 $0x0  }
0x4fe: {  	s2 =	simm.s32 $0x0;
	s1 =	sand.u32 $0x20, s3  }
0x4ff: {  	v35 =	vmov s2;
	v6 =	vmov s1  }
0x500: {  	v35 =	vshll.u32 v35, $0x3;
	v6 =	vshll.u32 v6, $0x8  }
0x501: {  	v35 =	vand.u32 $0x400, v35;
	v6 =	vor.u32 v1, v6  }
0x502: {  	v36 =	vor.u32 s2, v0;
	v35 =	vor.u32 v2, v35;
	v6 =	vand.u32 $0x2800, v6  }
0x503: {  	v36 =	vand.u32 $0x7F, v36;
	v6 =	vor.u32 v6, v35  }
0x504: {  	v37 =	vor.u32 v36, v6  }
0x505: {  	[tilespmem:s3], [sflag:$0x1] =	stream.strided.gather [hbm4b:s12+s18], $0x4000, s19, s18, $0x38;
	[tilespmem:$0x10000] =	vst v63  }
0x506: {  	_ =	swait.ge [sflag:s21], $0x4000  }
0x507: {  	s31 =	simm.s32 $0x0;
	[sflag:s21] =	ssyncset.done $0x0  }
0x508: {  	v38 =	vor.u32 s2, v4;
	s10 =	sor.u32 s1, s31;
	[sflag:s21] =	ssyncadd.s32 $0xFFFFC000  }
0x509: {  	v38 =	vand.u32 $0x7F, v38;
	v39 =	vor.u32 s10, v3;
	v37 =	vld.idx.msk [tilespmem:v37+s4+$0x0], $0xffff  }
0x50a: {  	v40 =	vor.u32 v38, v6;
	_ =	sdelay $0x3  }
0x50b: {  	v57 =	vor.u32 s2, v8;
	[tilespmem:v39+s22+$0x0] =	vst.idx.msk $0xffff, v37  }
0x50c: {  	v58 =	vor.u32 s10, v7;
	v37 =	vand.u32 $0x7F, v57;
	v39 =	vld.idx.msk [tilespmem:v40+s4+$0x0], $0xffff  }
0x50d: {  	v50 =	vor.u32 v37, v6;
	_ =	sdelay $0x3  }
0x50e: {  	v59 =	vor.u32 s2, v10;
	[tilespmem:v58+s22+$0x0] =	vst.idx.msk $0xffff, v39  }
0x50f: {  	v60 =	vor.u32 s10, v9;
	v39 =	vand.u32 $0x7F, v59;
	v40 =	vld.idx.msk [tilespmem:v50+s4+$0x0], $0xffff  }
0x510: {  	v51 =	vor.u32 v39, v6;
	_ =	sdelay $0x3  }
0x511: {  	v61 =	vor.u32 s2, v12;
	[tilespmem:v60+s22+$0x0] =	vst.idx.msk $0xffff, v40  }
0x512: {  	v62 =	vor.u32 s10, v11;
	v40 =	vand.u32 $0x7F, v61;
	v50 =	vld.idx.msk [tilespmem:v51+s4+$0x0], $0xffff  }
0x513: {  	v52 =	vor.u32 v40, v6;
	_ =	sdelay $0x3  }
0x514: {  	v63 =	vor.u32 s2, v14;
	[tilespmem:v62+s22+$0x0] =	vst.idx.msk $0xffff, v50  }
0x515: {  	v56 =	vor.u32 s10, v13;
	v50 =	vand.u32 $0x7F, v63;
	v51 =	vld.idx.msk [tilespmem:v52+s4+$0x0], $0xffff  }
0x516: {  	v53 =	vor.u32 v50, v6;
	_ =	sdelay $0x3  }
0x517: {  	v57 =	vor.u32 s2, v15;
	[tilespmem:v56+s22+$0x0] =	vst.idx.msk $0xffff, v51  }
0x518: {  	v58 =	vor.u32 s10, v5;
	v51 =	vand.u32 $0x7F, v57;
	v52 =	vld.idx.msk [tilespmem:v53+s4+$0x0], $0xffff  }
0x519: {  	v54 =	vor.u32 v51, v6;
	_ =	sdelay $0x3  }
0x51a: {  	v59 =	vor.u32 s2, v17;
	[tilespmem:v58+s22+$0x0] =	vst.idx.msk $0xffff, v52  }
0x51b: {  	v60 =	vor.u32 s10, v16;
	v52 =	vand.u32 $0x7F, v59;
	v53 =	vld.idx.msk [tilespmem:v54+s4+$0x0], $0xffff  }
0x51c: {  	v55 =	vor.u32 v52, v6;
	_ =	sdelay $0x3  }
0x51d: {  	v61 =	vor.u32 s2, v19;
	[tilespmem:v60+s22+$0x0] =	vst.idx.msk $0xffff, v53  }
0x51e: {  	v62 =	vor.u32 s10, v18;
	v53 =	vand.u32 $0x7F, v61;
	v54 =	vld.idx.msk [tilespmem:v55+s4+$0x0], $0xffff  }
0x51f: {  	v56 =	vor.u32 v53, v6;
	_ =	sdelay $0x3  }
0x520: {  	v63 =	vor.u32 s2, v21;
	[tilespmem:v62+s22+$0x0] =	vst.idx.msk $0xffff, v54  }
0x521: {  	v60 =	vor.u32 s10, v20;
	v54 =	vand.u32 $0x7F, v63;
	v55 =	vld.idx.msk [tilespmem:v56+s4+$0x0], $0xffff  }
0x522: {  	v57 =	vor.u32 v54, v6;
	_ =	sdelay $0x3  }
0x523: {  	v61 =	vor.u32 s2, v23;
	[tilespmem:v60+s22+$0x0] =	vst.idx.msk $0xffff, v55  }
0x524: {  	v62 =	vor.u32 s10, v22;
	v55 =	vand.u32 $0x7F, v61;
	v56 =	vld.idx.msk [tilespmem:v57+s4+$0x0], $0xffff  }
0x525: {  	v58 =	vor.u32 v55, v6;
	_ =	sdelay $0x3  }
0x526: {  	v63 =	vor.u32 s2, v25;
	[tilespmem:v62+s22+$0x0] =	vst.idx.msk $0xffff, v56  }
0x527: {  	v60 =	vor.u32 s10, v24;
	v56 =	vand.u32 $0x7F, v63;
	v57 =	vld.idx.msk [tilespmem:v58+s4+$0x0], $0xffff  }
0x528: {  	v59 =	vor.u32 v56, v6;
	_ =	sdelay $0x3  }
0x529: {  	v61 =	vor.u32 s2, v27;
	[tilespmem:v60+s22+$0x0] =	vst.idx.msk $0xffff, v57  }
0x52a: {  	v57 =	vand.u32 $0x7F, v61;
	v58 =	vld.idx.msk [tilespmem:v59+s4+$0x0], $0xffff;
	v59 =	vor.u32 s10, v26  }
0x52b: {  	v60 =	vor.u32 v57, v6;
	_ =	sdelay $0x3  }
0x52c: {  	[tilespmem:v59+s22+$0x0] =	vst.idx.msk $0xffff, v58;
	v58 =	vor.u32 s2, v29  }
0x52d: {  	v59 =	vld.idx.msk [tilespmem:v60+s4+$0x0], $0xffff;
	v60 =	vor.u32 s10, v28;
	v58 =	vand.u32 $0x7F, v58  }
0x52e: {  	v61 =	vor.u32 v58, v6;
	_ =	sdelay $0x3  }
0x52f: {  	[tilespmem:v60+s22+$0x0] =	vst.idx.msk $0xffff, v59;
	v59 =	vor.u32 s2, v31  }
0x530: {  	v60 =	vld.idx.msk [tilespmem:v61+s4+$0x0], $0xffff;
	v61 =	vor.u32 s10, v30;
	v59 =	vand.u32 $0x7F, v59  }
0x531: {  	v62 =	vor.u32 v59, v6;
	_ =	sdelay $0x3  }
0x532: {  	[tilespmem:v61+s22+$0x0] =	vst.idx.msk $0xffff, v60;
	v60 =	vor.u32 s2, v33  }
0x533: {  	v61 =	vld.idx.msk [tilespmem:v62+s4+$0x0], $0xffff;
	v62 =	vor.u32 s10, v32;
	v60 =	vand.u32 $0x7F, v60  }
0x534: {  	s1 =	sor.u32 $0x10, s1;
	v6 =	vor.u32 v60, v6  }
0x535: {  	v63 =	vmov s1  }
0x536: {  	v63 =	vshll.u32 v63, $0x8  }
0x537: {  	v63 =	vor.u32 v1, v63  }
0x538: {  	[tilespmem:v62+s22+$0x0] =	vst.idx.msk $0xffff, v61;
	v61 =	vand.u32 $0x3800, v63  }
0x539: {  	v62 =	vor.u32 s10, v34;
	v6 =	vld.idx.msk [tilespmem:v6+s4+$0x0], $0xffff;
	v35 =	vor.u32 v61, v35  }
0x53a: {  	v36 =	vor.u32 v36, v35;
	_ =	sdelay $0x3  }
0x53b: {  	s3 =	sor.u32 s31, s1;
	[tilespmem:v62+s22+$0x0] =	vst.idx.msk $0xffff, v6  }
0x53c: {  	v62 =	vor.u32 s3, v3;
	v6 =	vld.idx.msk [tilespmem:v36+s4+$0x0], $0xffff  }
0x53d: {  	v38 =	vor.u32 v38, v35;
	_ =	sdelay $0x3  }
0x53e: {  	[tilespmem:v62+s22+$0x0] =	vst.idx.msk $0xffff, v6  }
0x53f: {  	v63 =	vor.u32 s3, v7;
	v6 =	vld.idx.msk [tilespmem:v38+s4+$0x0], $0xffff  }
0x540: {  	v37 =	vor.u32 v37, v35;
	_ =	sdelay $0x3  }
0x541: {  	[tilespmem:v63+s22+$0x0] =	vst.idx.msk $0xffff, v6  }
0x542: {  	v61 =	vor.u32 s3, v9;
	v6 =	vld.idx.msk [tilespmem:v37+s4+$0x0], $0xffff  }
0x543: {  	v62 =	vor.u32 v39, v35;
	_ =	sdelay $0x3  }
0x544: {  	[tilespmem:v61+s22+$0x0] =	vst.idx.msk $0xffff, v6  }
0x545: {  	v63 =	vor.u32 s3, v11;
	v6 =	vld.idx.msk [tilespmem:v62+s4+$0x0], $0xffff  }
0x546: {  	v61 =	vor.u32 v40, v35;
	_ =	sdelay $0x3  }
0x547: {  	[tilespmem:v63+s22+$0x0] =	vst.idx.msk $0xffff, v6  }
0x548: {  	v62 =	vor.u32 s3, v13;
	v6 =	vld.idx.msk [tilespmem:v61+s4+$0x0], $0xffff  }
0x549: {  	v63 =	vor.u32 v50, v35;
	_ =	sdelay $0x3  }
0x54a: {  	[tilespmem:v62+s22+$0x0] =	vst.idx.msk $0xffff, v6  }
0x54b: {  	v40 =	vor.u32 s3, v5;
	v6 =	vld.idx.msk [tilespmem:v63+s4+$0x0], $0xffff  }
0x54c: {  	v50 =	vor.u32 v51, v35;
	_ =	sdelay $0x3  }
0x54d: {  	[tilespmem:v40+s22+$0x0] =	vst.idx.msk $0xffff, v6  }
0x54e: {  	v51 =	vor.u32 s3, v16;
	v6 =	vld.idx.msk [tilespmem:v50+s4+$0x0], $0xffff  }
0x54f: {  	v61 =	vor.u32 v52, v35;
	_ =	sdelay $0x3  }
0x550: {  	[tilespmem:v51+s22+$0x0] =	vst.idx.msk $0xffff, v6  }
0x551: {  	v62 =	vor.u32 s3, v18;
	v6 =	vld.idx.msk [tilespmem:v61+s4+$0x0], $0xffff  }
0x552: {  	v63 =	vor.u32 v53, v35;
	_ =	sdelay $0x3  }
0x553: {  	[tilespmem:v62+s22+$0x0] =	vst.idx.msk $0xffff, v6  }
0x554: {  	v40 =	vor.u32 s3, v20;
	v6 =	vld.idx.msk [tilespmem:v63+s4+$0x0], $0xffff  }
0x555: {  	v50 =	vor.u32 v54, v35;
	_ =	sdelay $0x3  }
0x556: {  	[tilespmem:v40+s22+$0x0] =	vst.idx.msk $0xffff, v6  }
0x557: {  	v51 =	vor.u32 s3, v22;
	v6 =	vld.idx.msk [tilespmem:v50+s4+$0x0], $0xffff  }
0x558: {  	v52 =	vor.u32 v55, v35;
	_ =	sdelay $0x3  }
0x559: {  	[tilespmem:v51+s22+$0x0] =	vst.idx.msk $0xffff, v6  }
0x55a: {  	v53 =	vor.u32 s3, v24;
	v6 =	vld.idx.msk [tilespmem:v52+s4+$0x0], $0xffff  }
0x55b: {  	v54 =	vor.u32 v56, v35;
	_ =	sdelay $0x3  }
0x55c: {  	[tilespmem:v53+s22+$0x0] =	vst.idx.msk $0xffff, v6  }
0x55d: {  	v55 =	vor.u32 s3, v26;
	v6 =	vld.idx.msk [tilespmem:v54+s4+$0x0], $0xffff  }
0x55e: {  	v56 =	vor.u32 v57, v35;
	_ =	sdelay $0x3  }
0x55f: {  	[tilespmem:v55+s22+$0x0] =	vst.idx.msk $0xffff, v6  }
0x560: {  	v57 =	vor.u32 s3, v28;
	v6 =	vld.idx.msk [tilespmem:v56+s4+$0x0], $0xffff  }
0x561: {  	v61 =	vor.u32 v58, v35;
	_ =	sdelay $0x3  }
0x562: {  	[tilespmem:v57+s22+$0x0] =	vst.idx.msk $0xffff, v6  }
0x563: {  	v62 =	vor.u32 s3, v30;
	v6 =	vld.idx.msk [tilespmem:v61+s4+$0x0], $0xffff  }
0x564: {  	v63 =	vor.u32 v59, v35;
	_ =	sdelay $0x3  }
0x565: {  	[tilespmem:v62+s22+$0x0] =	vst.idx.msk $0xffff, v6  }
0x566: {  	v36 =	vor.u32 s3, v32;
	v6 =	vld.idx.msk [tilespmem:v63+s4+$0x0], $0xffff  }
0x567: {  	s26 =	simm.s32 $0x2;
	s28 =	simm.s32 $0x20;
	s10 =	simm.s32 $0x0;
	v35 =	vor.u32 v60, v35  }
.LBB2_15:
0x568: {  	p3 =	sne.s32 s26, $0x1F;
	s2 =	sand.u32 $0x20, s28;
	s1 =	sshll.u32 s10, $0x4  }
0x569: {  	v37 =	vmov s2;
	v38 =	vmov s1  }
0x56a: {  	v37 =	vshll.u32 v37, $0x8;
	v38 =	vshll.u32 v38, $0x3  }
0x56b: {  	v37 =	vor.u32 v1, v37;
	v38 =	vand.u32 $0x400, v38;
	[tilespmem:v36+s22+$0x0] =	vst.idx.msk $0xffff, v6  }
0x56c: {  	v6 =	vor.u32 s1, v0;
	v36 =	vand.u32 $0x2800, v37;
	v50 =	vor.u32 v2, v38;
	v35 =	vld.idx.msk [tilespmem:v35+s4+$0x0], $0xffff  }
0x56d: {  	v51 =	vand.u32 $0x7F, v6;
	v6 =	vor.u32 s3, v34;
	v59 =	vor.u32 v36, v50  }
0x56e: {  	v36 =	vor.u32 v51, v59;
	_ =	sdelay $0x3  }
0x56f: {  	s3 =	sshll.u32 s10, $0xA;
	[tilespmem:v6+s22+$0x0] =	vst.idx.msk $0xffff, v35  }
0x570: {  	s10 =	sor.u32 s2, s3;
	v35 =	vor.u32 s1, v4;
	v6 =	vld.idx.msk [tilespmem:v36+s4+$0x0], $0xffff  }
0x571: {  	v36 =	vor.u32 s10, v3;
	v52 =	vand.u32 $0x7F, v35  }
0x572: {  	v35 =	vor.u32 v52, v59;
	_ =	sdelay $0x3  }
0x573: {  	[tilespmem:v36+s22+$0x0] =	vst.idx.msk $0xffff, v6  }
0x574: {  	v6 =	vld.idx.msk [tilespmem:v35+s4+$0x0], $0xffff;
	v35 =	vor.u32 s1, v8  }
0x575: {  	v36 =	vor.u32 s10, v7;
	v53 =	vand.u32 $0x7F, v35  }
0x576: {  	v35 =	vor.u32 v53, v59;
	_ =	sdelay $0x3  }
0x577: {  	[tilespmem:v36+s22+$0x0] =	vst.idx.msk $0xffff, v6  }
0x578: {  	v6 =	vld.idx.msk [tilespmem:v35+s4+$0x0], $0xffff;
	v35 =	vor.u32 s1, v10  }
0x579: {  	v36 =	vor.u32 s10, v9;
	v54 =	vand.u32 $0x7F, v35  }
0x57a: {  	v35 =	vor.u32 v54, v59;
	_ =	sdelay $0x3  }
0x57b: {  	[tilespmem:v36+s22+$0x0] =	vst.idx.msk $0xffff, v6  }
0x57c: {  	v6 =	vld.idx.msk [tilespmem:v35+s4+$0x0], $0xffff;
	v35 =	vor.u32 s1, v12  }
0x57d: {  	v36 =	vor.u32 s10, v11;
	v55 =	vand.u32 $0x7F, v35  }
0x57e: {  	v35 =	vor.u32 v55, v59;
	_ =	sdelay $0x3  }
0x57f: {  	[tilespmem:v36+s22+$0x0] =	vst.idx.msk $0xffff, v6  }
0x580: {  	v6 =	vld.idx.msk [tilespmem:v35+s4+$0x0], $0xffff;
	v35 =	vor.u32 s1, v14  }
0x581: {  	v36 =	vor.u32 s10, v13;
	v56 =	vand.u32 $0x7F, v35  }
0x582: {  	v35 =	vor.u32 v56, v59;
	_ =	sdelay $0x3  }
0x583: {  	[tilespmem:v36+s22+$0x0] =	vst.idx.msk $0xffff, v6  }
0x584: {  	v6 =	vld.idx.msk [tilespmem:v35+s4+$0x0], $0xffff;
	v35 =	vor.u32 s1, v15  }
0x585: {  	v36 =	vor.u32 s10, v5;
	v57 =	vand.u32 $0x7F, v35  }
0x586: {  	v35 =	vor.u32 v57, v59;
	_ =	sdelay $0x3  }
0x587: {  	[tilespmem:v36+s22+$0x0] =	vst.idx.msk $0xffff, v6  }
0x588: {  	v6 =	vld.idx.msk [tilespmem:v35+s4+$0x0], $0xffff;
	v35 =	vor.u32 s1, v17  }
0x589: {  	v36 =	vor.u32 s10, v16;
	v58 =	vand.u32 $0x7F, v35  }
0x58a: {  	v35 =	vor.u32 v58, v59;
	_ =	sdelay $0x3  }
0x58b: {  	[tilespmem:v36+s22+$0x0] =	vst.idx.msk $0xffff, v6  }
0x58c: {  	v6 =	vld.idx.msk [tilespmem:v35+s4+$0x0], $0xffff;
	v35 =	vor.u32 s1, v19  }
0x58d: {  	v36 =	vor.u32 s10, v18;
	v60 =	vand.u32 $0x7F, v35  }
0x58e: {  	v35 =	vor.u32 v60, v59;
	_ =	sdelay $0x3  }
0x58f: {  	[tilespmem:v36+s22+$0x0] =	vst.idx.msk $0xffff, v6  }
0x590: {  	v6 =	vld.idx.msk [tilespmem:v35+s4+$0x0], $0xffff;
	v35 =	vor.u32 s1, v21  }
0x591: {  	v36 =	vor.u32 s10, v20;
	v61 =	vand.u32 $0x7F, v35  }
0x592: {  	v35 =	vor.u32 v61, v59;
	_ =	sdelay $0x3  }
0x593: {  	[tilespmem:v36+s22+$0x0] =	vst.idx.msk $0xffff, v6  }
0x594: {  	v6 =	vld.idx.msk [tilespmem:v35+s4+$0x0], $0xffff;
	v35 =	vor.u32 s1, v23  }
0x595: {  	v36 =	vor.u32 s10, v22;
	v62 =	vand.u32 $0x7F, v35  }
0x596: {  	v35 =	vor.u32 v62, v59;
	_ =	sdelay $0x3  }
0x597: {  	[tilespmem:v36+s22+$0x0] =	vst.idx.msk $0xffff, v6  }
0x598: {  	v6 =	vld.idx.msk [tilespmem:v35+s4+$0x0], $0xffff;
	v35 =	vor.u32 s1, v25  }
0x599: {  	v36 =	vor.u32 s10, v24;
	v63 =	vand.u32 $0x7F, v35  }
0x59a: {  	v35 =	vor.u32 v63, v59;
	_ =	sdelay $0x3  }
0x59b: {  	[tilespmem:v36+s22+$0x0] =	vst.idx.msk $0xffff, v6  }
0x59c: {  	v6 =	vor.u32 s1, v27;
	v35 =	vld.idx.msk [tilespmem:v35+s4+$0x0], $0xffff  }
0x59d: {  	v36 =	vor.u32 s10, v26;
	v6 =	vand.u32 $0x7F, v6  }
0x59e: {  	v37 =	vor.u32 v6, v59;
	_ =	sdelay $0x3  }
0x59f: {  	[tilespmem:v36+s22+$0x0] =	vst.idx.msk $0xffff, v35  }
0x5a0: {  	v35 =	vor.u32 s1, v29;
	v36 =	vld.idx.msk [tilespmem:v37+s4+$0x0], $0xffff  }
0x5a1: {  	v37 =	vor.u32 s10, v28;
	v35 =	vand.u32 $0x7F, v35  }
0x5a2: {  	v38 =	vor.u32 v35, v59;
	_ =	sdelay $0x3  }
0x5a3: {  	[tilespmem:v37+s22+$0x0] =	vst.idx.msk $0xffff, v36  }
0x5a4: {  	v36 =	vor.u32 s1, v31;
	v37 =	vld.idx.msk [tilespmem:v38+s4+$0x0], $0xffff  }
0x5a5: {  	v38 =	vor.u32 s10, v30;
	v36 =	vand.u32 $0x7F, v36  }
0x5a6: {  	v39 =	vor.u32 v36, v59;
	_ =	sdelay $0x3  }
0x5a7: {  	[tilespmem:v38+s22+$0x0] =	vst.idx.msk $0xffff, v37  }
0x5a8: {  	v37 =	vor.u32 s1, v33;
	v38 =	vld.idx.msk [tilespmem:v39+s4+$0x0], $0xffff  }
0x5a9: {  	v39 =	vor.u32 s10, v32;
	v37 =	vand.u32 $0x7F, v37  }
0x5aa: {  	v40 =	vor.u32 v37, v59  }
0x5ab: {  	s1 =	sor.u32 $0x10, s2  }
0x5ac: {  	v59 =	vmov s1  }
0x5ad: {  	v59 =	vshll.u32 v59, $0x8  }
0x5ae: {  	[tilespmem:v39+s22+$0x0] =	vst.idx.msk $0xffff, v38;
	v38 =	vor.u32 v1, v59  }
0x5af: {  	v39 =	vld.idx.msk [tilespmem:v40+s4+$0x0], $0xffff;
	v38 =	vand.u32 $0x3800, v38  }
0x5b0: {  	v40 =	vor.u32 s10, v34;
	v50 =	vor.u32 v38, v50  }
0x5b1: {  	v38 =	vor.u32 v51, v50;
	_ =	sdelay $0x3  }
0x5b2: {  	[tilespmem:v40+s22+$0x0] =	vst.idx.msk $0xffff, v39  }
0x5b3: {  	s3 =	sor.u32 s3, s1;
	v38 =	vld.idx.msk [tilespmem:v38+s4+$0x0], $0xffff  }
0x5b4: {  	v39 =	vor.u32 s3, v3  }
0x5b5: {  	v40 =	vor.u32 v52, v50;
	_ =	sdelay $0x3  }
0x5b6: {  	[tilespmem:v39+s22+$0x0] =	vst.idx.msk $0xffff, v38  }
0x5b7: {  	v38 =	vld.idx.msk [tilespmem:v40+s4+$0x0], $0xffff  }
0x5b8: {  	v39 =	vor.u32 s3, v7  }
0x5b9: {  	v40 =	vor.u32 v53, v50;
	_ =	sdelay $0x3  }
0x5ba: {  	[tilespmem:v39+s22+$0x0] =	vst.idx.msk $0xffff, v38  }
0x5bb: {  	v38 =	vld.idx.msk [tilespmem:v40+s4+$0x0], $0xffff  }
0x5bc: {  	v39 =	vor.u32 s3, v9  }
0x5bd: {  	v40 =	vor.u32 v54, v50;
	_ =	sdelay $0x3  }
0x5be: {  	[tilespmem:v39+s22+$0x0] =	vst.idx.msk $0xffff, v38  }
0x5bf: {  	v38 =	vld.idx.msk [tilespmem:v40+s4+$0x0], $0xffff  }
0x5c0: {  	v39 =	vor.u32 s3, v11  }
0x5c1: {  	v40 =	vor.u32 v55, v50;
	_ =	sdelay $0x3  }
0x5c2: {  	[tilespmem:v39+s22+$0x0] =	vst.idx.msk $0xffff, v38  }
0x5c3: {  	v38 =	vld.idx.msk [tilespmem:v40+s4+$0x0], $0xffff  }
0x5c4: {  	v39 =	vor.u32 s3, v13  }
0x5c5: {  	v40 =	vor.u32 v56, v50;
	_ =	sdelay $0x3  }
0x5c6: {  	[tilespmem:v39+s22+$0x0] =	vst.idx.msk $0xffff, v38  }
0x5c7: {  	v38 =	vld.idx.msk [tilespmem:v40+s4+$0x0], $0xffff  }
0x5c8: {  	v39 =	vor.u32 s3, v5  }
0x5c9: {  	v40 =	vor.u32 v57, v50;
	_ =	sdelay $0x3  }
0x5ca: {  	[tilespmem:v39+s22+$0x0] =	vst.idx.msk $0xffff, v38  }
0x5cb: {  	v38 =	vld.idx.msk [tilespmem:v40+s4+$0x0], $0xffff  }
0x5cc: {  	v39 =	vor.u32 s3, v16  }
0x5cd: {  	v40 =	vor.u32 v58, v50;
	_ =	sdelay $0x3  }
0x5ce: {  	[tilespmem:v39+s22+$0x0] =	vst.idx.msk $0xffff, v38  }
0x5cf: {  	v38 =	vld.idx.msk [tilespmem:v40+s4+$0x0], $0xffff  }
0x5d0: {  	v39 =	vor.u32 s3, v18  }
0x5d1: {  	v40 =	vor.u32 v60, v50;
	_ =	sdelay $0x3  }
0x5d2: {  	[tilespmem:v39+s22+$0x0] =	vst.idx.msk $0xffff, v38  }
0x5d3: {  	v38 =	vld.idx.msk [tilespmem:v40+s4+$0x0], $0xffff  }
0x5d4: {  	v39 =	vor.u32 s3, v20  }
0x5d5: {  	v40 =	vor.u32 v61, v50;
	_ =	sdelay $0x3  }
0x5d6: {  	[tilespmem:v39+s22+$0x0] =	vst.idx.msk $0xffff, v38  }
0x5d7: {  	v38 =	vld.idx.msk [tilespmem:v40+s4+$0x0], $0xffff  }
0x5d8: {  	v39 =	vor.u32 s3, v22  }
0x5d9: {  	v40 =	vor.u32 v62, v50;
	_ =	sdelay $0x3  }
0x5da: {  	[tilespmem:v39+s22+$0x0] =	vst.idx.msk $0xffff, v38  }
0x5db: {  	v38 =	vld.idx.msk [tilespmem:v40+s4+$0x0], $0xffff  }
0x5dc: {  	v39 =	vor.u32 s3, v24  }
0x5dd: {  	v40 =	vor.u32 v63, v50;
	_ =	sdelay $0x3  }
0x5de: {  	[tilespmem:v39+s22+$0x0] =	vst.idx.msk $0xffff, v38  }
0x5df: {  	v38 =	vld.idx.msk [tilespmem:v40+s4+$0x0], $0xffff  }
0x5e0: {  	v39 =	vor.u32 s3, v26  }
0x5e1: {  	v6 =	vor.u32 v6, v50;
	_ =	sdelay $0x3  }
0x5e2: {  	[tilespmem:v39+s22+$0x0] =	vst.idx.msk $0xffff, v38  }
0x5e3: {  	v6 =	vld.idx.msk [tilespmem:v6+s4+$0x0], $0xffff  }
0x5e4: {  	v38 =	vor.u32 s3, v28  }
0x5e5: {  	v35 =	vor.u32 v35, v50;
	_ =	sdelay $0x3  }
0x5e6: {  	[tilespmem:v38+s22+$0x0] =	vst.idx.msk $0xffff, v6  }
0x5e7: {  	v6 =	vld.idx.msk [tilespmem:v35+s4+$0x0], $0xffff  }
0x5e8: {  	v35 =	vor.u32 s3, v30  }
0x5e9: {  	v36 =	vor.u32 v36, v50;
	_ =	sdelay $0x2  }
.Ltmp11:
0x5ea: {  	(pc) =	sbr.rel @p3 .LBB2_15-.Ltmp11, $4  }
0x5eb: {  	[tilespmem:v35+s22+$0x0] =	vst.idx.msk $0xffff, v6  }
0x5ec: {  	v6 =	vld.idx.msk [tilespmem:v36+s4+$0x0], $0xffff  }
0x5ed: {  	v36 =	vor.u32 s3, v32  }
0x5ee: {  	s28 =	sadd.s32 $0x20, s28;
	s10 =	sshrl.u32 s26, $0x1;
	s26 =	sadd.s32 $0x1, s26;
	v35 =	vor.u32 v37, v50  }
0x5ef: {  	s1 =	sand.u32 $0x20, s28;
	s2 =	sshll.u32 s10, $0x4  }
0x5f0: {  	v37 =	vmov s1;
	v38 =	vmov s2  }
0x5f1: {  	v37 =	vshll.u32 v37, $0x8;
	v38 =	vshll.u32 v38, $0x3  }
0x5f2: {  	v37 =	vor.u32 v1, v37;
	v38 =	vand.u32 $0x400, v38  }
0x5f3: {  	[tilespmem:v36+s22+$0x0] =	vst.idx.msk $0xffff, v6;
	v6 =	vor.u32 s2, v0;
	v52 =	vand.u32 $0x2800, v37;
	v37 =	vor.u32 v2, v38  }
0x5f4: {  	v53 =	vor.u32 s3, v34;
	v35 =	vld.idx.msk [tilespmem:v35+s4+$0x0], $0xffff;
	v6 =	vand.u32 $0x7F, v6;
	v36 =	vor.u32 v52, v37  }
0x5f5: {  	v39 =	vor.u32 v6, v36;
	_ =	sdelay $0x2  }
0x5f6: {  	s31 =	sshll.u32 s10, $0xA  }
0x5f7: {  	s10 =	sor.u32 s1, s31;
	v54 =	vor.u32 s2, v4;
	[tilespmem:v53+s22+$0x0] =	vst.idx.msk $0xffff, v35  }
0x5f8: {  	v55 =	vor.u32 s10, v3;
	v35 =	vand.u32 $0x7F, v54;
	v38 =	vld.idx.msk [tilespmem:v39+s4+$0x0], $0xffff  }
0x5f9: {  	v40 =	vor.u32 v35, v36;
	_ =	sdelay $0x3  }
0x5fa: {  	v56 =	vor.u32 s2, v8;
	[tilespmem:v55+s22+$0x0] =	vst.idx.msk $0xffff, v38  }
0x5fb: {  	v57 =	vor.u32 s10, v7;
	v38 =	vand.u32 $0x7F, v56;
	v39 =	vld.idx.msk [tilespmem:v40+s4+$0x0], $0xffff  }
0x5fc: {  	v50 =	vor.u32 v38, v36;
	_ =	sdelay $0x3  }
0x5fd: {  	v58 =	vor.u32 s2, v10;
	[tilespmem:v57+s22+$0x0] =	vst.idx.msk $0xffff, v39  }
0x5fe: {  	v59 =	vor.u32 s10, v9;
	v39 =	vand.u32 $0x7F, v58;
	v40 =	vld.idx.msk [tilespmem:v50+s4+$0x0], $0xffff  }
0x5ff: {  	v51 =	vor.u32 v39, v36;
	_ =	sdelay $0x3  }
0x600: {  	v60 =	vor.u32 s2, v12;
	[tilespmem:v59+s22+$0x0] =	vst.idx.msk $0xffff, v40  }
0x601: {  	v61 =	vor.u32 s10, v11;
	v40 =	vand.u32 $0x7F, v60;
	v50 =	vld.idx.msk [tilespmem:v51+s4+$0x0], $0xffff  }
0x602: {  	v52 =	vor.u32 v40, v36;
	_ =	sdelay $0x3  }
0x603: {  	v62 =	vor.u32 s2, v14;
	[tilespmem:v61+s22+$0x0] =	vst.idx.msk $0xffff, v50  }
0x604: {  	v63 =	vor.u32 s10, v13;
	v50 =	vand.u32 $0x7F, v62;
	v51 =	vld.idx.msk [tilespmem:v52+s4+$0x0], $0xffff  }
0x605: {  	v53 =	vor.u32 v50, v36;
	_ =	sdelay $0x3  }
0x606: {  	v56 =	vor.u32 s2, v15;
	[tilespmem:v63+s22+$0x0] =	vst.idx.msk $0xffff, v51  }
0x607: {  	v57 =	vor.u32 s10, v5;
	v51 =	vand.u32 $0x7F, v56;
	v52 =	vld.idx.msk [tilespmem:v53+s4+$0x0], $0xffff  }
0x608: {  	v54 =	vor.u32 v51, v36;
	_ =	sdelay $0x3  }
0x609: {  	v58 =	vor.u32 s2, v17;
	[tilespmem:v57+s22+$0x0] =	vst.idx.msk $0xffff, v52  }
0x60a: {  	v59 =	vor.u32 s10, v16;
	v52 =	vand.u32 $0x7F, v58;
	v53 =	vld.idx.msk [tilespmem:v54+s4+$0x0], $0xffff  }
0x60b: {  	v55 =	vor.u32 v52, v36;
	_ =	sdelay $0x3  }
0x60c: {  	v60 =	vor.u32 s2, v19;
	[tilespmem:v59+s22+$0x0] =	vst.idx.msk $0xffff, v53  }
0x60d: {  	v61 =	vor.u32 s10, v18;
	v53 =	vand.u32 $0x7F, v60;
	v54 =	vld.idx.msk [tilespmem:v55+s4+$0x0], $0xffff  }
0x60e: {  	v56 =	vor.u32 v53, v36;
	_ =	sdelay $0x3  }
0x60f: {  	v62 =	vor.u32 s2, v21;
	[tilespmem:v61+s22+$0x0] =	vst.idx.msk $0xffff, v54  }
0x610: {  	v63 =	vor.u32 s10, v20;
	v54 =	vand.u32 $0x7F, v62;
	v55 =	vld.idx.msk [tilespmem:v56+s4+$0x0], $0xffff  }
0x611: {  	v57 =	vor.u32 v54, v36;
	_ =	sdelay $0x3  }
0x612: {  	v60 =	vor.u32 s2, v23;
	[tilespmem:v63+s22+$0x0] =	vst.idx.msk $0xffff, v55  }
0x613: {  	v61 =	vor.u32 s10, v22;
	v55 =	vand.u32 $0x7F, v60;
	v56 =	vld.idx.msk [tilespmem:v57+s4+$0x0], $0xffff  }
0x614: {  	v58 =	vor.u32 v55, v36;
	_ =	sdelay $0x3  }
0x615: {  	v62 =	vor.u32 s2, v25;
	[tilespmem:v61+s22+$0x0] =	vst.idx.msk $0xffff, v56  }
0x616: {  	v63 =	vor.u32 s10, v24;
	v56 =	vand.u32 $0x7F, v62;
	v57 =	vld.idx.msk [tilespmem:v58+s4+$0x0], $0xffff  }
0x617: {  	v59 =	vor.u32 v56, v36;
	_ =	sdelay $0x3  }
0x618: {  	v60 =	vor.u32 s2, v27;
	[tilespmem:v63+s22+$0x0] =	vst.idx.msk $0xffff, v57  }
0x619: {  	v57 =	vand.u32 $0x7F, v60;
	v58 =	vld.idx.msk [tilespmem:v59+s4+$0x0], $0xffff;
	v59 =	vor.u32 s10, v26  }
0x61a: {  	v60 =	vor.u32 v57, v36;
	_ =	sdelay $0x3  }
0x61b: {  	[tilespmem:v59+s22+$0x0] =	vst.idx.msk $0xffff, v58;
	v58 =	vor.u32 s2, v29  }
0x61c: {  	v59 =	vld.idx.msk [tilespmem:v60+s4+$0x0], $0xffff;
	v60 =	vor.u32 s10, v28;
	v58 =	vand.u32 $0x7F, v58  }
0x61d: {  	v61 =	vor.u32 v58, v36;
	_ =	sdelay $0x3  }
0x61e: {  	[tilespmem:v60+s22+$0x0] =	vst.idx.msk $0xffff, v59;
	v59 =	vor.u32 s2, v31  }
0x61f: {  	v60 =	vld.idx.msk [tilespmem:v61+s4+$0x0], $0xffff;
	v61 =	vor.u32 s10, v30;
	v59 =	vand.u32 $0x7F, v59  }
0x620: {  	v62 =	vor.u32 v59, v36;
	_ =	sdelay $0x3  }
0x621: {  	[tilespmem:v61+s22+$0x0] =	vst.idx.msk $0xffff, v60;
	v60 =	vor.u32 s2, v33  }
0x622: {  	v61 =	vld.idx.msk [tilespmem:v62+s4+$0x0], $0xffff;
	v62 =	vor.u32 s10, v32;
	v60 =	vand.u32 $0x7F, v60  }
0x623: {  	s1 =	sor.u32 $0x10, s1;
	v36 =	vor.u32 v60, v36  }
0x624: {  	v63 =	vmov s1  }
0x625: {  	v63 =	vshll.u32 v63, $0x8  }
0x626: {  	v63 =	vor.u32 v1, v63  }
0x627: {  	[tilespmem:v62+s22+$0x0] =	vst.idx.msk $0xffff, v61;
	v61 =	vand.u32 $0x3800, v63  }
0x628: {  	v62 =	vor.u32 s10, v34;
	v36 =	vld.idx.msk [tilespmem:v36+s4+$0x0], $0xffff;
	v37 =	vor.u32 v61, v37  }
0x629: {  	v6 =	vor.u32 v6, v37;
	_ =	sdelay $0x3  }
0x62a: {  	s1 =	sor.u32 s31, s1;
	[tilespmem:v62+s22+$0x0] =	vst.idx.msk $0xffff, v36  }
0x62b: {  	v61 =	vor.u32 s1, v3;
	v6 =	vld.idx.msk [tilespmem:v6+s4+$0x0], $0xffff  }
0x62c: {  	v35 =	vor.u32 v35, v37;
	_ =	sdelay $0x3  }
0x62d: {  	[tilespmem:v61+s22+$0x0] =	vst.idx.msk $0xffff, v6  }
0x62e: {  	v62 =	vor.u32 s1, v7;
	v6 =	vld.idx.msk [tilespmem:v35+s4+$0x0], $0xffff  }
0x62f: {  	v63 =	vor.u32 v38, v37;
	_ =	sdelay $0x3  }
0x630: {  	[tilespmem:v62+s22+$0x0] =	vst.idx.msk $0xffff, v6  }
0x631: {  	v61 =	vor.u32 s1, v9;
	v6 =	vld.idx.msk [tilespmem:v63+s4+$0x0], $0xffff  }
0x632: {  	v62 =	vor.u32 v39, v37;
	_ =	sdelay $0x3  }
0x633: {  	[tilespmem:v61+s22+$0x0] =	vst.idx.msk $0xffff, v6  }
0x634: {  	v63 =	vor.u32 s1, v11;
	v6 =	vld.idx.msk [tilespmem:v62+s4+$0x0], $0xffff  }
0x635: {  	v61 =	vor.u32 v40, v37;
	_ =	sdelay $0x3  }
0x636: {  	[tilespmem:v63+s22+$0x0] =	vst.idx.msk $0xffff, v6  }
0x637: {  	v62 =	vor.u32 s1, v13;
	v6 =	vld.idx.msk [tilespmem:v61+s4+$0x0], $0xffff  }
0x638: {  	v63 =	vor.u32 v50, v37;
	_ =	sdelay $0x3  }
0x639: {  	[tilespmem:v62+s22+$0x0] =	vst.idx.msk $0xffff, v6  }
0x63a: {  	v40 =	vor.u32 s1, v5;
	v6 =	vld.idx.msk [tilespmem:v63+s4+$0x0], $0xffff  }
0x63b: {  	v50 =	vor.u32 v51, v37;
	_ =	sdelay $0x3  }
0x63c: {  	[tilespmem:v40+s22+$0x0] =	vst.idx.msk $0xffff, v6  }
0x63d: {  	v51 =	vor.u32 s1, v16;
	v6 =	vld.idx.msk [tilespmem:v50+s4+$0x0], $0xffff  }
0x63e: {  	v52 =	vor.u32 v52, v37;
	_ =	sdelay $0x3  }
0x63f: {  	[tilespmem:v51+s22+$0x0] =	vst.idx.msk $0xffff, v6  }
0x640: {  	v61 =	vor.u32 s1, v18;
	v6 =	vld.idx.msk [tilespmem:v52+s4+$0x0], $0xffff  }
0x641: {  	v62 =	vor.u32 v53, v37;
	_ =	sdelay $0x3  }
0x642: {  	[tilespmem:v61+s22+$0x0] =	vst.idx.msk $0xffff, v6  }
0x643: {  	v63 =	vor.u32 s1, v20;
	v6 =	vld.idx.msk [tilespmem:v62+s4+$0x0], $0xffff  }
0x644: {  	v40 =	vor.u32 v54, v37;
	_ =	sdelay $0x3  }
0x645: {  	[tilespmem:v63+s22+$0x0] =	vst.idx.msk $0xffff, v6  }
0x646: {  	v50 =	vor.u32 s1, v22;
	v6 =	vld.idx.msk [tilespmem:v40+s4+$0x0], $0xffff  }
0x647: {  	v51 =	vor.u32 v55, v37;
	_ =	sdelay $0x3  }
0x648: {  	[tilespmem:v50+s22+$0x0] =	vst.idx.msk $0xffff, v6  }
0x649: {  	v52 =	vor.u32 s1, v24;
	v6 =	vld.idx.msk [tilespmem:v51+s4+$0x0], $0xffff  }
0x64a: {  	v53 =	vor.u32 v56, v37;
	_ =	sdelay $0x3  }
0x64b: {  	[tilespmem:v52+s22+$0x0] =	vst.idx.msk $0xffff, v6  }
0x64c: {  	v54 =	vor.u32 s1, v26;
	v6 =	vld.idx.msk [tilespmem:v53+s4+$0x0], $0xffff  }
0x64d: {  	v55 =	vor.u32 v57, v37;
	_ =	sdelay $0x3  }
0x64e: {  	[tilespmem:v54+s22+$0x0] =	vst.idx.msk $0xffff, v6  }
0x64f: {  	v56 =	vor.u32 s1, v28;
	v6 =	vld.idx.msk [tilespmem:v55+s4+$0x0], $0xffff  }
0x650: {  	v57 =	vor.u32 v58, v37;
	_ =	sdelay $0x3  }
0x651: {  	[tilespmem:v56+s22+$0x0] =	vst.idx.msk $0xffff, v6  }
0x652: {  	v58 =	vor.u32 s1, v30;
	v6 =	vld.idx.msk [tilespmem:v57+s4+$0x0], $0xffff  }
0x653: {  	v59 =	vor.u32 v59, v37;
	_ =	sdelay $0x3  }
0x654: {  	[tilespmem:v58+s22+$0x0] =	vst.idx.msk $0xffff, v6  }
0x655: {  	v61 =	vor.u32 s1, v32;
	v6 =	vld.idx.msk [tilespmem:v59+s4+$0x0], $0xffff  }
0x656: {  	v62 =	vor.u32 v60, v37;
	_ =	sdelay $0x3  }
0x657: {  	[tilespmem:v61+s22+$0x0] =	vst.idx.msk $0xffff, v6  }
0x658: {  	v63 =	vor.u32 s1, v34;
	v6 =	vld.idx.msk [tilespmem:v62+s4+$0x0], $0xffff;
	_ =	sdelay $0x4  }
.Ltmp12:
0x659: {  	[tilespmem:v63+s22+$0x0] =	vst.idx.msk $0xffff, v6;
	(pc) =	sbr.rel .LBB2_20-.Ltmp12, $4  }
0x65a: {  	[hbm4b:s13+s4] =	stream.linear.scatter [tilespmem:s22], [sflag:$0x2], $0x4000, $0x38;
	[tilespmem:$0x10000] =	vst v63  }
0x65b: {  	_ =	swait.ge [sflag:s24], $0x4000  }
0x65c: {  	[sflag:s24] =	ssyncset.done $0x0  }
0x65d: {  	[sflag:s24] =	ssyncadd.s32 $0xFFFFC000  }
.LBB2_17:
0x65e: {  	v6 =	vimm.s32 $0x38F  }
0x65f: {  	v51 =	vsel vm11, $0x0, v6  }
0x660: {  	v6 =	vsel vm12, $0x81, v51  }
0x661: {  	v6 =	vsel vm13, $0x102, v6  }
0x662: {  	v6 =	vsel vm0, $0x183, v6  }
0x663: {  	v6 =	vsel vm1, $0x204, v6  }
0x664: {  	v6 =	vsel vm2, $0x285, v6  }
0x665: {  	v6 =	vsel vm3, $0x306, v6  }
0x666: {  	v6 =	vsel vm4, $0x387, v6  }
0x667: {  	s26 =	simm.s32 $0x0;
	v6 =	vsel vm5, $0x8, v6  }
0x668: {  	s1 =	sand.u32 $0x20, s26;
	v6 =	vsel vm6, $0x89, v6  }
0x669: {  	v35 =	vmov s1;
	v6 =	vsel vm7, $0x10A, v6  }
0x66a: {  	v35 =	vshll.u32 v35, $0x8;
	v6 =	vsel vm8, $0x18B, v6  }
0x66b: {  	v35 =	vor.u32 v1, v35;
	v6 =	vsel vm9, $0x20C, v6  }
0x66c: {  	s2 =	simm.s32 $0x0;
	s3 =	rddreg [dreg:$0x1];
	v35 =	vand.u32 $0x2800, v35;
	v6 =	vsel vm10, $0x28D, v6  }
0x66d: {  	[tilespmem:s26], [sflag:$0x1] =	stream.linear.gather [hbm4b:s3+s26], $0x4000, $0x38;
	v35 =	vor.u32 s2, v35;
	v50 =	vsel vm14, $0x30E, v6;
	[tilespmem:$0x10000] =	vst v63  }
0x66e: {  	_ =	swait.ge [sflag:s21], $0x4000;
	v6 =	vor.u32 v50, v35  }
0x66f: {  	v39 =	vld [tilespmem:$0x1FFA0];
	_ =	sdelay $0x1  }
0x670: {  	s31 =	simm.s32 $0x0;
	[sflag:s21] =	ssyncset.done $0x0  }
0x671: {  	s10 =	sor.u32 s1, s31;
	[sflag:s21] =	ssyncadd.s32 $0xFFFFC000  }
0x672: {  	v36 =	vor.u32 s10, v3;
	v6 =	vld.idx.msk [tilespmem:v6+s4+$0x0], $0xffff  }
0x673: {  	v37 =	vor.u32 v39, v35  }
0x674: {  	v40 =	vld [tilespmem:$0x1FFB0];
	_ =	sdelay $0x2  }
0x675: {  	[tilespmem:v36+s22+$0x0] =	vst.idx.msk $0xffff, v6  }
0x676: {  	v54 =	vor.u32 s10, v7;
	v6 =	vld.idx.msk [tilespmem:v37+s4+$0x0], $0xffff  }
0x677: {  	v55 =	vor.u32 v40, v35  }
0x678: {  	v53 =	vld [tilespmem:$0x1FFC0];
	_ =	sdelay $0x2  }
0x679: {  	[tilespmem:v54+s22+$0x0] =	vst.idx.msk $0xffff, v6  }
0x67a: {  	v56 =	vor.u32 s10, v9;
	v6 =	vld.idx.msk [tilespmem:v55+s4+$0x0], $0xffff  }
0x67b: {  	v57 =	vor.u32 v53, v35  }
0x67c: {  	v54 =	vld [tilespmem:$0x1FFD0];
	_ =	sdelay $0x2  }
0x67d: {  	[tilespmem:v56+s22+$0x0] =	vst.idx.msk $0xffff, v6  }
0x67e: {  	v58 =	vor.u32 s10, v11;
	v6 =	vld.idx.msk [tilespmem:v57+s4+$0x0], $0xffff  }
0x67f: {  	v59 =	vor.u32 v54, v35  }
0x680: {  	v55 =	vld [tilespmem:$0x1FFE0];
	_ =	sdelay $0x2  }
0x681: {  	[tilespmem:v58+s22+$0x0] =	vst.idx.msk $0xffff, v6  }
0x682: {  	v60 =	vor.u32 s10, v13;
	v6 =	vld.idx.msk [tilespmem:v59+s4+$0x0], $0xffff  }
0x683: {  	v61 =	vor.u32 v55, v35  }
0x684: {  	v56 =	vld [tilespmem:$0x1FFF0];
	_ =	sdelay $0x2  }
0x685: {  	[tilespmem:v60+s22+$0x0] =	vst.idx.msk $0xffff, v6  }
0x686: {  	v62 =	vor.u32 s10, v5;
	v6 =	vld.idx.msk [tilespmem:v61+s4+$0x0], $0xffff  }
0x687: {  	v63 =	vor.u32 v56, v35;
	_ =	sdelay $0x3  }
0x688: {  	[tilespmem:v62+s22+$0x0] =	vst.idx.msk $0xffff, v6  }
0x689: {  	v52 =	vor.u32 s10, v16;
	v6 =	vld.idx.msk [tilespmem:v63+s4+$0x0], $0xffff  }
0x68a: {  	v57 =	vor.u32 v41, v35;
	_ =	sdelay $0x3  }
0x68b: {  	[tilespmem:v52+s22+$0x0] =	vst.idx.msk $0xffff, v6  }
0x68c: {  	v58 =	vor.u32 s10, v18;
	v6 =	vld.idx.msk [tilespmem:v57+s4+$0x0], $0xffff  }
0x68d: {  	v59 =	vor.u32 v42, v35;
	_ =	sdelay $0x3  }
0x68e: {  	[tilespmem:v58+s22+$0x0] =	vst.idx.msk $0xffff, v6  }
0x68f: {  	v60 =	vor.u32 s10, v20;
	v6 =	vld.idx.msk [tilespmem:v59+s4+$0x0], $0xffff  }
0x690: {  	v61 =	vor.u32 v43, v35;
	_ =	sdelay $0x3  }
0x691: {  	[tilespmem:v60+s22+$0x0] =	vst.idx.msk $0xffff, v6  }
0x692: {  	v62 =	vor.u32 s10, v22;
	v6 =	vld.idx.msk [tilespmem:v61+s4+$0x0], $0xffff  }
0x693: {  	v63 =	vor.u32 v44, v35;
	_ =	sdelay $0x3  }
0x694: {  	[tilespmem:v62+s22+$0x0] =	vst.idx.msk $0xffff, v6  }
0x695: {  	v52 =	vor.u32 s10, v24;
	v6 =	vld.idx.msk [tilespmem:v63+s4+$0x0], $0xffff  }
0x696: {  	v57 =	vor.u32 v45, v35;
	_ =	sdelay $0x3  }
0x697: {  	[tilespmem:v52+s22+$0x0] =	vst.idx.msk $0xffff, v6  }
0x698: {  	v58 =	vor.u32 s10, v26;
	v6 =	vld.idx.msk [tilespmem:v57+s4+$0x0], $0xffff  }
0x699: {  	v59 =	vor.u32 v46, v35;
	_ =	sdelay $0x3  }
0x69a: {  	[tilespmem:v58+s22+$0x0] =	vst.idx.msk $0xffff, v6  }
0x69b: {  	v60 =	vor.u32 s10, v28;
	v6 =	vld.idx.msk [tilespmem:v59+s4+$0x0], $0xffff  }
0x69c: {  	v61 =	vor.u32 v47, v35;
	_ =	sdelay $0x3  }
0x69d: {  	[tilespmem:v60+s22+$0x0] =	vst.idx.msk $0xffff, v6  }
0x69e: {  	v62 =	vor.u32 s10, v30;
	v6 =	vld.idx.msk [tilespmem:v61+s4+$0x0], $0xffff  }
0x69f: {  	v63 =	vor.u32 v48, v35;
	_ =	sdelay $0x3  }
0x6a0: {  	[tilespmem:v62+s22+$0x0] =	vst.idx.msk $0xffff, v6  }
0x6a1: {  	v52 =	vor.u32 s10, v32;
	v6 =	vld.idx.msk [tilespmem:v63+s4+$0x0], $0xffff  }
0x6a2: {  	s1 =	sor.u32 $0x10, s1;
	v35 =	vor.u32 v49, v35  }
0x6a3: {  	v57 =	vmov s1  }
0x6a4: {  	v37 =	vshll.u32 v57, $0x8  }
0x6a5: {  	v37 =	vor.u32 v1, v37  }
0x6a6: {  	[tilespmem:v52+s22+$0x0] =	vst.idx.msk $0xffff, v6;
	v6 =	vand.u32 $0x3800, v37  }
0x6a7: {  	v58 =	vor.u32 s10, v34;
	v35 =	vld.idx.msk [tilespmem:v35+s4+$0x0], $0xffff;
	v52 =	vor.u32 s2, v6  }
0x6a8: {  	v6 =	vor.u32 v50, v52;
	_ =	sdelay $0x3  }
0x6a9: {  	s30 =	sor.u32 s31, s1;
	[tilespmem:v58+s22+$0x0] =	vst.idx.msk $0xffff, v35  }
0x6aa: {  	v59 =	vor.u32 s30, v3;
	v6 =	vld.idx.msk [tilespmem:v6+s4+$0x0], $0xffff  }
0x6ab: {  	v60 =	vor.u32 v39, v52;
	_ =	sdelay $0x3  }
0x6ac: {  	[tilespmem:v59+s22+$0x0] =	vst.idx.msk $0xffff, v6  }
0x6ad: {  	v61 =	vor.u32 s30, v7;
	v6 =	vld.idx.msk [tilespmem:v60+s4+$0x0], $0xffff  }
0x6ae: {  	v62 =	vor.u32 v40, v52;
	_ =	sdelay $0x3  }
0x6af: {  	[tilespmem:v61+s22+$0x0] =	vst.idx.msk $0xffff, v6  }
0x6b0: {  	v63 =	vor.u32 s30, v9;
	v6 =	vld.idx.msk [tilespmem:v62+s4+$0x0], $0xffff  }
0x6b1: {  	v57 =	vor.u32 v53, v52;
	_ =	sdelay $0x3  }
0x6b2: {  	[tilespmem:v63+s22+$0x0] =	vst.idx.msk $0xffff, v6  }
0x6b3: {  	v58 =	vor.u32 s30, v11;
	v6 =	vld.idx.msk [tilespmem:v57+s4+$0x0], $0xffff  }
0x6b4: {  	v59 =	vor.u32 v54, v52;
	_ =	sdelay $0x3  }
0x6b5: {  	[tilespmem:v58+s22+$0x0] =	vst.idx.msk $0xffff, v6  }
0x6b6: {  	v60 =	vor.u32 s30, v13;
	v6 =	vld.idx.msk [tilespmem:v59+s4+$0x0], $0xffff  }
0x6b7: {  	v61 =	vor.u32 v55, v52;
	_ =	sdelay $0x3  }
0x6b8: {  	[tilespmem:v60+s22+$0x0] =	vst.idx.msk $0xffff, v6  }
0x6b9: {  	v62 =	vor.u32 s30, v5;
	v6 =	vld.idx.msk [tilespmem:v61+s4+$0x0], $0xffff  }
0x6ba: {  	v63 =	vor.u32 v56, v52;
	_ =	sdelay $0x3  }
0x6bb: {  	[tilespmem:v62+s22+$0x0] =	vst.idx.msk $0xffff, v6  }
0x6bc: {  	v57 =	vor.u32 s30, v16;
	v6 =	vld.idx.msk [tilespmem:v63+s4+$0x0], $0xffff  }
0x6bd: {  	v58 =	vor.u32 v41, v52;
	_ =	sdelay $0x3  }
0x6be: {  	[tilespmem:v57+s22+$0x0] =	vst.idx.msk $0xffff, v6  }
0x6bf: {  	v59 =	vor.u32 s30, v18;
	v6 =	vld.idx.msk [tilespmem:v58+s4+$0x0], $0xffff  }
0x6c0: {  	v60 =	vor.u32 v42, v52;
	_ =	sdelay $0x3  }
0x6c1: {  	[tilespmem:v59+s22+$0x0] =	vst.idx.msk $0xffff, v6  }
0x6c2: {  	v61 =	vor.u32 s30, v20;
	v6 =	vld.idx.msk [tilespmem:v60+s4+$0x0], $0xffff  }
0x6c3: {  	v62 =	vor.u32 v43, v52;
	_ =	sdelay $0x3  }
0x6c4: {  	[tilespmem:v61+s22+$0x0] =	vst.idx.msk $0xffff, v6  }
0x6c5: {  	v63 =	vor.u32 s30, v22;
	v6 =	vld.idx.msk [tilespmem:v62+s4+$0x0], $0xffff  }
0x6c6: {  	v57 =	vor.u32 v44, v52;
	_ =	sdelay $0x3  }
0x6c7: {  	[tilespmem:v63+s22+$0x0] =	vst.idx.msk $0xffff, v6  }
0x6c8: {  	v58 =	vor.u32 s30, v24;
	v6 =	vld.idx.msk [tilespmem:v57+s4+$0x0], $0xffff  }
0x6c9: {  	v59 =	vor.u32 v45, v52;
	_ =	sdelay $0x3  }
0x6ca: {  	[tilespmem:v58+s22+$0x0] =	vst.idx.msk $0xffff, v6  }
0x6cb: {  	v60 =	vor.u32 s30, v26;
	v6 =	vld.idx.msk [tilespmem:v59+s4+$0x0], $0xffff  }
0x6cc: {  	v61 =	vor.u32 v46, v52;
	_ =	sdelay $0x3  }
0x6cd: {  	[tilespmem:v60+s22+$0x0] =	vst.idx.msk $0xffff, v6  }
0x6ce: {  	v62 =	vor.u32 s30, v28;
	v6 =	vld.idx.msk [tilespmem:v61+s4+$0x0], $0xffff  }
0x6cf: {  	v63 =	vor.u32 v47, v52;
	_ =	sdelay $0x3  }
0x6d0: {  	[tilespmem:v62+s22+$0x0] =	vst.idx.msk $0xffff, v6  }
0x6d1: {  	s28 =	simm.s32 $0x1;
	s29 =	simm.s32 $0x2;
	v35 =	vor.u32 s30, v30;
	v6 =	vld.idx.msk [tilespmem:v63+s4+$0x0], $0xffff  }
.LBB2_18:
0x6d2: {  	p3 =	sne.s32 s29, $0x7;
	v36 =	vsel vm12, $0x81, v51;
	v37 =	vor.u32 v48, v52  }
0x6d3: {  	v36 =	vsel vm13, $0x102, v36  }
0x6d4: {  	v36 =	vsel vm0, $0x183, v36  }
0x6d5: {  	v36 =	vsel vm1, $0x204, v36  }
0x6d6: {  	v36 =	vsel vm2, $0x285, v36;
	[tilespmem:v35+s22+$0x0] =	vst.idx.msk $0xffff, v6  }
0x6d7: {  	v6 =	vsel vm3, $0x306, v36;
	v35 =	vld.idx.msk [tilespmem:v37+s4+$0x0], $0xffff  }
0x6d8: {  	v36 =	vor.u32 s30, v32;
	v6 =	vsel vm4, $0x387, v6  }
0x6d9: {  	s26 =	sadd.s32 $0x20, s26;
	v37 =	vor.u32 v49, v52;
	v6 =	vsel vm5, $0x8, v6  }
0x6da: {  	s1 =	sand.u32 $0x20, s26;
	v6 =	vsel vm6, $0x89, v6  }
0x6db: {  	v38 =	vmov s1;
	v6 =	vsel vm7, $0x10A, v6  }
0x6dc: {  	v38 =	vshll.u32 v38, $0x8;
	v6 =	vsel vm8, $0x18B, v6  }
0x6dd: {  	s3 =	sshrl.u32 s28, $0x1;
	s28 =	smov.u32 s29;
	v38 =	vor.u32 v1, v38;
	v6 =	vsel vm9, $0x20C, v6;
	[tilespmem:v36+s22+$0x0] =	vst.idx.msk $0xffff, v35  }
0x6de: {  	s2 =	sshll.u32 s3, $0x4;
	v35 =	vand.u32 $0x2800, v38;
	v6 =	vsel vm10, $0x28D, v6;
	v36 =	vld.idx.msk [tilespmem:v37+s4+$0x0], $0xffff  }
0x6df: {  	v35 =	vor.u32 s2, v35;
	v37 =	vor.u32 s30, v34;
	v6 =	vsel vm14, $0x30E, v6  }
0x6e0: {  	v38 =	vor.u32 v6, v35;
	_ =	sdelay $0x3  }
0x6e1: {  	s3 =	sshll.u32 s3, $0xA;
	[tilespmem:v37+s22+$0x0] =	vst.idx.msk $0xffff, v36  }
0x6e2: {  	s10 =	sor.u32 s1, s3;
	v36 =	vld.idx.msk [tilespmem:v38+s4+$0x0], $0xffff  }
0x6e3: {  	v37 =	vor.u32 s10, v3  }
0x6e4: {  	v38 =	vor.u32 v39, v35;
	_ =	sdelay $0x3  }
0x6e5: {  	[tilespmem:v37+s22+$0x0] =	vst.idx.msk $0xffff, v36  }
0x6e6: {  	v36 =	vld.idx.msk [tilespmem:v38+s4+$0x0], $0xffff  }
0x6e7: {  	v37 =	vor.u32 s10, v7  }
0x6e8: {  	v38 =	vor.u32 v40, v35;
	_ =	sdelay $0x3  }
0x6e9: {  	[tilespmem:v37+s22+$0x0] =	vst.idx.msk $0xffff, v36  }
0x6ea: {  	v36 =	vld.idx.msk [tilespmem:v38+s4+$0x0], $0xffff  }
0x6eb: {  	v37 =	vor.u32 s10, v9  }
0x6ec: {  	v38 =	vor.u32 v53, v35;
	_ =	sdelay $0x3  }
0x6ed: {  	[tilespmem:v37+s22+$0x0] =	vst.idx.msk $0xffff, v36  }
0x6ee: {  	v36 =	vld.idx.msk [tilespmem:v38+s4+$0x0], $0xffff  }
0x6ef: {  	v37 =	vor.u32 s10, v11  }
0x6f0: {  	v38 =	vor.u32 v54, v35;
	_ =	sdelay $0x3  }
0x6f1: {  	[tilespmem:v37+s22+$0x0] =	vst.idx.msk $0xffff, v36  }
0x6f2: {  	v36 =	vld.idx.msk [tilespmem:v38+s4+$0x0], $0xffff  }
0x6f3: {  	v37 =	vor.u32 s10, v13  }
0x6f4: {  	v38 =	vor.u32 v55, v35;
	_ =	sdelay $0x3  }
0x6f5: {  	[tilespmem:v37+s22+$0x0] =	vst.idx.msk $0xffff, v36  }
0x6f6: {  	v36 =	vld.idx.msk [tilespmem:v38+s4+$0x0], $0xffff  }
0x6f7: {  	v37 =	vor.u32 s10, v5  }
0x6f8: {  	v38 =	vor.u32 v56, v35;
	_ =	sdelay $0x3  }
0x6f9: {  	[tilespmem:v37+s22+$0x0] =	vst.idx.msk $0xffff, v36  }
0x6fa: {  	v36 =	vld.idx.msk [tilespmem:v38+s4+$0x0], $0xffff  }
0x6fb: {  	v37 =	vor.u32 s10, v16  }
0x6fc: {  	v38 =	vor.u32 v41, v35;
	_ =	sdelay $0x3  }
0x6fd: {  	[tilespmem:v37+s22+$0x0] =	vst.idx.msk $0xffff, v36  }
0x6fe: {  	v36 =	vld.idx.msk [tilespmem:v38+s4+$0x0], $0xffff  }
0x6ff: {  	v37 =	vor.u32 s10, v18  }
0x700: {  	v38 =	vor.u32 v42, v35;
	_ =	sdelay $0x3  }
0x701: {  	[tilespmem:v37+s22+$0x0] =	vst.idx.msk $0xffff, v36  }
0x702: {  	v36 =	vld.idx.msk [tilespmem:v38+s4+$0x0], $0xffff  }
0x703: {  	v37 =	vor.u32 s10, v20  }
0x704: {  	v38 =	vor.u32 v43, v35;
	_ =	sdelay $0x3  }
0x705: {  	[tilespmem:v37+s22+$0x0] =	vst.idx.msk $0xffff, v36  }
0x706: {  	v36 =	vld.idx.msk [tilespmem:v38+s4+$0x0], $0xffff  }
0x707: {  	v37 =	vor.u32 s10, v22  }
0x708: {  	v38 =	vor.u32 v44, v35;
	_ =	sdelay $0x3  }
0x709: {  	[tilespmem:v37+s22+$0x0] =	vst.idx.msk $0xffff, v36  }
0x70a: {  	v36 =	vld.idx.msk [tilespmem:v38+s4+$0x0], $0xffff  }
0x70b: {  	v37 =	vor.u32 s10, v24  }
0x70c: {  	v38 =	vor.u32 v45, v35;
	_ =	sdelay $0x3  }
0x70d: {  	[tilespmem:v37+s22+$0x0] =	vst.idx.msk $0xffff, v36  }
0x70e: {  	v36 =	vld.idx.msk [tilespmem:v38+s4+$0x0], $0xffff  }
0x70f: {  	v37 =	vor.u32 s10, v26  }
0x710: {  	v38 =	vor.u32 v46, v35;
	_ =	sdelay $0x3  }
0x711: {  	[tilespmem:v37+s22+$0x0] =	vst.idx.msk $0xffff, v36  }
0x712: {  	v36 =	vld.idx.msk [tilespmem:v38+s4+$0x0], $0xffff  }
0x713: {  	v37 =	vor.u32 s10, v28  }
0x714: {  	v38 =	vor.u32 v47, v35;
	_ =	sdelay $0x3  }
0x715: {  	[tilespmem:v37+s22+$0x0] =	vst.idx.msk $0xffff, v36  }
0x716: {  	v36 =	vld.idx.msk [tilespmem:v38+s4+$0x0], $0xffff  }
0x717: {  	v37 =	vor.u32 s10, v30  }
0x718: {  	v38 =	vor.u32 v48, v35;
	_ =	sdelay $0x3  }
0x719: {  	[tilespmem:v37+s22+$0x0] =	vst.idx.msk $0xffff, v36  }
0x71a: {  	v36 =	vld.idx.msk [tilespmem:v38+s4+$0x0], $0xffff  }
0x71b: {  	v37 =	vor.u32 s10, v32  }
0x71c: {  	v35 =	vor.u32 v49, v35  }
0x71d: {  	s1 =	sor.u32 $0x10, s1  }
0x71e: {  	v38 =	vmov s1  }
0x71f: {  	v38 =	vshll.u32 v38, $0x8  }
0x720: {  	[tilespmem:v37+s22+$0x0] =	vst.idx.msk $0xffff, v36;
	v36 =	vor.u32 v1, v38  }
0x721: {  	v35 =	vld.idx.msk [tilespmem:v35+s4+$0x0], $0xffff;
	v36 =	vand.u32 $0x3800, v36  }
0x722: {  	v37 =	vor.u32 s10, v34;
	v52 =	vor.u32 s2, v36  }
0x723: {  	v6 =	vor.u32 v6, v52;
	_ =	sdelay $0x3  }
0x724: {  	[tilespmem:v37+s22+$0x0] =	vst.idx.msk $0xffff, v35  }
0x725: {  	s30 =	sor.u32 s3, s1;
	v6 =	vld.idx.msk [tilespmem:v6+s4+$0x0], $0xffff  }
0x726: {  	v35 =	vor.u32 s30, v3  }
0x727: {  	v36 =	vor.u32 v39, v52;
	_ =	sdelay $0x3  }
0x728: {  	[tilespmem:v35+s22+$0x0] =	vst.idx.msk $0xffff, v6  }
0x729: {  	v6 =	vld.idx.msk [tilespmem:v36+s4+$0x0], $0xffff  }
0x72a: {  	v35 =	vor.u32 s30, v7  }
0x72b: {  	v36 =	vor.u32 v40, v52;
	_ =	sdelay $0x3  }
0x72c: {  	[tilespmem:v35+s22+$0x0] =	vst.idx.msk $0xffff, v6  }
0x72d: {  	v6 =	vld.idx.msk [tilespmem:v36+s4+$0x0], $0xffff  }
0x72e: {  	v35 =	vor.u32 s30, v9  }
0x72f: {  	v36 =	vor.u32 v53, v52;
	_ =	sdelay $0x3  }
0x730: {  	[tilespmem:v35+s22+$0x0] =	vst.idx.msk $0xffff, v6  }
0x731: {  	v6 =	vld.idx.msk [tilespmem:v36+s4+$0x0], $0xffff  }
0x732: {  	v35 =	vor.u32 s30, v11  }
0x733: {  	v36 =	vor.u32 v54, v52;
	_ =	sdelay $0x3  }
0x734: {  	[tilespmem:v35+s22+$0x0] =	vst.idx.msk $0xffff, v6  }
0x735: {  	v6 =	vld.idx.msk [tilespmem:v36+s4+$0x0], $0xffff  }
0x736: {  	v35 =	vor.u32 s30, v13  }
0x737: {  	v36 =	vor.u32 v55, v52;
	_ =	sdelay $0x3  }
0x738: {  	[tilespmem:v35+s22+$0x0] =	vst.idx.msk $0xffff, v6  }
0x739: {  	v6 =	vld.idx.msk [tilespmem:v36+s4+$0x0], $0xffff  }
0x73a: {  	v35 =	vor.u32 s30, v5  }
0x73b: {  	v36 =	vor.u32 v56, v52;
	_ =	sdelay $0x3  }
0x73c: {  	[tilespmem:v35+s22+$0x0] =	vst.idx.msk $0xffff, v6  }
0x73d: {  	v6 =	vld.idx.msk [tilespmem:v36+s4+$0x0], $0xffff  }
0x73e: {  	v35 =	vor.u32 s30, v16  }
0x73f: {  	v36 =	vor.u32 v41, v52;
	_ =	sdelay $0x3  }
0x740: {  	[tilespmem:v35+s22+$0x0] =	vst.idx.msk $0xffff, v6  }
0x741: {  	v6 =	vld.idx.msk [tilespmem:v36+s4+$0x0], $0xffff  }
0x742: {  	v35 =	vor.u32 s30, v18  }
0x743: {  	v36 =	vor.u32 v42, v52;
	_ =	sdelay $0x3  }
0x744: {  	[tilespmem:v35+s22+$0x0] =	vst.idx.msk $0xffff, v6  }
0x745: {  	v6 =	vld.idx.msk [tilespmem:v36+s4+$0x0], $0xffff  }
0x746: {  	v35 =	vor.u32 s30, v20  }
0x747: {  	v36 =	vor.u32 v43, v52;
	_ =	sdelay $0x3  }
0x748: {  	[tilespmem:v35+s22+$0x0] =	vst.idx.msk $0xffff, v6  }
0x749: {  	v6 =	vld.idx.msk [tilespmem:v36+s4+$0x0], $0xffff  }
0x74a: {  	v35 =	vor.u32 s30, v22  }
0x74b: {  	v36 =	vor.u32 v44, v52;
	_ =	sdelay $0x3  }
0x74c: {  	[tilespmem:v35+s22+$0x0] =	vst.idx.msk $0xffff, v6  }
0x74d: {  	v6 =	vld.idx.msk [tilespmem:v36+s4+$0x0], $0xffff  }
0x74e: {  	v35 =	vor.u32 s30, v24  }
0x74f: {  	v36 =	vor.u32 v45, v52;
	_ =	sdelay $0x3  }
0x750: {  	[tilespmem:v35+s22+$0x0] =	vst.idx.msk $0xffff, v6  }
0x751: {  	v6 =	vld.idx.msk [tilespmem:v36+s4+$0x0], $0xffff  }
0x752: {  	v35 =	vor.u32 s30, v26  }
0x753: {  	v36 =	vor.u32 v46, v52;
	_ =	sdelay $0x3  }
0x754: {  	[tilespmem:v35+s22+$0x0] =	vst.idx.msk $0xffff, v6  }
0x755: {  	v6 =	vld.idx.msk [tilespmem:v36+s4+$0x0], $0xffff  }
0x756: {  	v35 =	vor.u32 s30, v28  }
0x757: {  	v36 =	vor.u32 v47, v52;
	_ =	sdelay $0x1  }
.Ltmp13:
0x758: {  	(pc) =	sbr.rel @p3 .LBB2_18-.Ltmp13, $4  }
0x759: {  	_ = 	snop  }
0x75a: {  	[tilespmem:v35+s22+$0x0] =	vst.idx.msk $0xffff, v6  }
0x75b: {  	v6 =	vld.idx.msk [tilespmem:v36+s4+$0x0], $0xffff  }
0x75c: {  	s29 =	sadd.s32 $0x1, s29;
	v35 =	vor.u32 s30, v30  }
0x75d: {  	v36 =	vor.u32 v48, v52;
	_ =	sdelay $0x3  }
0x75e: {  	[tilespmem:v35+s22+$0x0] =	vst.idx.msk $0xffff, v6  }
0x75f: {  	v60 =	vor.u32 s30, v32;
	s1 =	sadd.s32 $0x20, s26;
	v6 =	vld.idx.msk [tilespmem:v36+s4+$0x0], $0xffff  }
0x760: {  	v61 =	vor.u32 v49, v52;
	s2 =	sand.u32 $0x20, s1  }
0x761: {  	v37 =	vmov s2  }
0x762: {  	v37 =	vshll.u32 v37, $0x8  }
0x763: {  	s3 =	sshrl.u32 s28, $0x1;
	v37 =	vor.u32 v1, v37  }
0x764: {  	s29 =	sshll.u32 s3, $0x4;
	[tilespmem:v60+s22+$0x0] =	vst.idx.msk $0xffff, v6;
	v6 =	vand.u32 $0x2800, v37  }
0x765: {  	v62 =	vor.u32 s30, v34;
	v35 =	vld.idx.msk [tilespmem:v61+s4+$0x0], $0xffff;
	v6 =	vor.u32 s29, v6  }
0x766: {  	v63 =	vor.u32 v50, v6;
	_ =	sdelay $0x2  }
0x767: {  	s3 =	sshll.u32 s3, $0xA  }
0x768: {  	s10 =	sor.u32 s2, s3;
	[tilespmem:v62+s22+$0x0] =	vst.idx.msk $0xffff, v35  }
0x769: {  	v51 =	vor.u32 s10, v3;
	v35 =	vld.idx.msk [tilespmem:v63+s4+$0x0], $0xffff  }
0x76a: {  	v52 =	vor.u32 v39, v6;
	_ =	sdelay $0x3  }
0x76b: {  	[tilespmem:v51+s22+$0x0] =	vst.idx.msk $0xffff, v35  }
0x76c: {  	v57 =	vor.u32 s10, v7;
	v35 =	vld.idx.msk [tilespmem:v52+s4+$0x0], $0xffff  }
0x76d: {  	v58 =	vor.u32 v40, v6;
	_ =	sdelay $0x3  }
0x76e: {  	[tilespmem:v57+s22+$0x0] =	vst.idx.msk $0xffff, v35  }
0x76f: {  	v59 =	vor.u32 s10, v9;
	v35 =	vld.idx.msk [tilespmem:v58+s4+$0x0], $0xffff  }
0x770: {  	v60 =	vor.u32 v53, v6;
	_ =	sdelay $0x3  }
0x771: {  	[tilespmem:v59+s22+$0x0] =	vst.idx.msk $0xffff, v35  }
0x772: {  	v61 =	vor.u32 s10, v11;
	v35 =	vld.idx.msk [tilespmem:v60+s4+$0x0], $0xffff  }
0x773: {  	v62 =	vor.u32 v54, v6;
	_ =	sdelay $0x3  }
0x774: {  	[tilespmem:v61+s22+$0x0] =	vst.idx.msk $0xffff, v35  }
0x775: {  	v63 =	vor.u32 s10, v13;
	v35 =	vld.idx.msk [tilespmem:v62+s4+$0x0], $0xffff  }
0x776: {  	v51 =	vor.u32 v55, v6;
	_ =	sdelay $0x3  }
0x777: {  	[tilespmem:v63+s22+$0x0] =	vst.idx.msk $0xffff, v35  }
0x778: {  	v52 =	vor.u32 s10, v5;
	v35 =	vld.idx.msk [tilespmem:v51+s4+$0x0], $0xffff  }
0x779: {  	v57 =	vor.u32 v56, v6;
	_ =	sdelay $0x3  }
0x77a: {  	[tilespmem:v52+s22+$0x0] =	vst.idx.msk $0xffff, v35  }
0x77b: {  	v58 =	vor.u32 s10, v16;
	v35 =	vld.idx.msk [tilespmem:v57+s4+$0x0], $0xffff  }
0x77c: {  	v59 =	vor.u32 v41, v6;
	_ =	sdelay $0x3  }
0x77d: {  	[tilespmem:v58+s22+$0x0] =	vst.idx.msk $0xffff, v35  }
0x77e: {  	v60 =	vor.u32 s10, v18;
	v35 =	vld.idx.msk [tilespmem:v59+s4+$0x0], $0xffff  }
0x77f: {  	v61 =	vor.u32 v42, v6;
	_ =	sdelay $0x3  }
0x780: {  	[tilespmem:v60+s22+$0x0] =	vst.idx.msk $0xffff, v35  }
0x781: {  	v62 =	vor.u32 s10, v20;
	v35 =	vld.idx.msk [tilespmem:v61+s4+$0x0], $0xffff  }
0x782: {  	v63 =	vor.u32 v43, v6;
	_ =	sdelay $0x3  }
0x783: {  	[tilespmem:v62+s22+$0x0] =	vst.idx.msk $0xffff, v35  }
0x784: {  	v51 =	vor.u32 s10, v22;
	v35 =	vld.idx.msk [tilespmem:v63+s4+$0x0], $0xffff  }
0x785: {  	v52 =	vor.u32 v44, v6;
	_ =	sdelay $0x3  }
0x786: {  	[tilespmem:v51+s22+$0x0] =	vst.idx.msk $0xffff, v35  }
0x787: {  	v57 =	vor.u32 s10, v24;
	v35 =	vld.idx.msk [tilespmem:v52+s4+$0x0], $0xffff  }
0x788: {  	v58 =	vor.u32 v45, v6;
	_ =	sdelay $0x3  }
0x789: {  	[tilespmem:v57+s22+$0x0] =	vst.idx.msk $0xffff, v35  }
0x78a: {  	v59 =	vor.u32 s10, v26;
	v35 =	vld.idx.msk [tilespmem:v58+s4+$0x0], $0xffff  }
0x78b: {  	v60 =	vor.u32 v46, v6;
	_ =	sdelay $0x3  }
0x78c: {  	[tilespmem:v59+s22+$0x0] =	vst.idx.msk $0xffff, v35  }
0x78d: {  	v61 =	vor.u32 s10, v28;
	v35 =	vld.idx.msk [tilespmem:v60+s4+$0x0], $0xffff  }
0x78e: {  	v62 =	vor.u32 v47, v6;
	_ =	sdelay $0x3  }
0x78f: {  	[tilespmem:v61+s22+$0x0] =	vst.idx.msk $0xffff, v35  }
0x790: {  	v63 =	vor.u32 s10, v30;
	v35 =	vld.idx.msk [tilespmem:v62+s4+$0x0], $0xffff  }
0x791: {  	v51 =	vor.u32 v48, v6;
	_ =	sdelay $0x3  }
0x792: {  	[tilespmem:v63+s22+$0x0] =	vst.idx.msk $0xffff, v35  }
0x793: {  	v52 =	vor.u32 s10, v32;
	v35 =	vld.idx.msk [tilespmem:v51+s4+$0x0], $0xffff  }
0x794: {  	s2 =	sor.u32 $0x10, s2;
	v6 =	vor.u32 v49, v6  }
0x795: {  	v57 =	vmov s2  }
0x796: {  	v37 =	vshll.u32 v57, $0x8  }
0x797: {  	v37 =	vor.u32 v1, v37  }
0x798: {  	v58 =	vand.u32 $0x3800, v37;
	[tilespmem:v52+s22+$0x0] =	vst.idx.msk $0xffff, v35  }
0x799: {  	v59 =	vor.u32 s10, v34;
	v35 =	vor.u32 s29, v58;
	v6 =	vld.idx.msk [tilespmem:v6+s4+$0x0], $0xffff  }
0x79a: {  	v60 =	vor.u32 v50, v35;
	_ =	sdelay $0x3  }
0x79b: {  	s30 =	sor.u32 s3, s2;
	[tilespmem:v59+s22+$0x0] =	vst.idx.msk $0xffff, v6  }
0x79c: {  	v61 =	vor.u32 s30, v3;
	v6 =	vld.idx.msk [tilespmem:v60+s4+$0x0], $0xffff  }
0x79d: {  	v62 =	vor.u32 v39, v35;
	_ =	sdelay $0x3  }
0x79e: {  	[tilespmem:v61+s22+$0x0] =	vst.idx.msk $0xffff, v6  }
0x79f: {  	v63 =	vor.u32 s30, v7;
	v6 =	vld.idx.msk [tilespmem:v62+s4+$0x0], $0xffff  }
0x7a0: {  	v50 =	vor.u32 v40, v35;
	_ =	sdelay $0x3  }
0x7a1: {  	[tilespmem:v63+s22+$0x0] =	vst.idx.msk $0xffff, v6  }
0x7a2: {  	v51 =	vor.u32 s30, v9;
	v6 =	vld.idx.msk [tilespmem:v50+s4+$0x0], $0xffff  }
0x7a3: {  	v52 =	vor.u32 v53, v35;
	_ =	sdelay $0x3  }
0x7a4: {  	[tilespmem:v51+s22+$0x0] =	vst.idx.msk $0xffff, v6  }
0x7a5: {  	v53 =	vor.u32 s30, v11;
	v6 =	vld.idx.msk [tilespmem:v52+s4+$0x0], $0xffff  }
0x7a6: {  	v54 =	vor.u32 v54, v35;
	_ =	sdelay $0x3  }
0x7a7: {  	[tilespmem:v53+s22+$0x0] =	vst.idx.msk $0xffff, v6  }
0x7a8: {  	v57 =	vor.u32 s30, v13;
	v6 =	vld.idx.msk [tilespmem:v54+s4+$0x0], $0xffff  }
0x7a9: {  	v58 =	vor.u32 v55, v35;
	_ =	sdelay $0x3  }
0x7aa: {  	[tilespmem:v57+s22+$0x0] =	vst.idx.msk $0xffff, v6  }
0x7ab: {  	v59 =	vor.u32 s30, v5;
	v6 =	vld.idx.msk [tilespmem:v58+s4+$0x0], $0xffff  }
0x7ac: {  	v60 =	vor.u32 v56, v35;
	_ =	sdelay $0x3  }
0x7ad: {  	[tilespmem:v59+s22+$0x0] =	vst.idx.msk $0xffff, v6  }
0x7ae: {  	v61 =	vor.u32 s30, v16;
	v6 =	vld.idx.msk [tilespmem:v60+s4+$0x0], $0xffff  }
0x7af: {  	v62 =	vor.u32 v41, v35;
	_ =	sdelay $0x3  }
0x7b0: {  	[tilespmem:v61+s22+$0x0] =	vst.idx.msk $0xffff, v6  }
0x7b1: {  	v63 =	vor.u32 s30, v18;
	v6 =	vld.idx.msk [tilespmem:v62+s4+$0x0], $0xffff  }
0x7b2: {  	v40 =	vor.u32 v42, v35;
	_ =	sdelay $0x3  }
0x7b3: {  	[tilespmem:v63+s22+$0x0] =	vst.idx.msk $0xffff, v6  }
0x7b4: {  	v50 =	vor.u32 s30, v20;
	v6 =	vld.idx.msk [tilespmem:v40+s4+$0x0], $0xffff  }
0x7b5: {  	v51 =	vor.u32 v43, v35;
	_ =	sdelay $0x3  }
0x7b6: {  	[tilespmem:v50+s22+$0x0] =	vst.idx.msk $0xffff, v6  }
0x7b7: {  	v52 =	vor.u32 s30, v22;
	v6 =	vld.idx.msk [tilespmem:v51+s4+$0x0], $0xffff  }
0x7b8: {  	v53 =	vor.u32 v44, v35;
	_ =	sdelay $0x3  }
0x7b9: {  	[tilespmem:v52+s22+$0x0] =	vst.idx.msk $0xffff, v6  }
0x7ba: {  	v54 =	vor.u32 s30, v24;
	v6 =	vld.idx.msk [tilespmem:v53+s4+$0x0], $0xffff  }
0x7bb: {  	v55 =	vor.u32 v45, v35;
	_ =	sdelay $0x3  }
0x7bc: {  	[tilespmem:v54+s22+$0x0] =	vst.idx.msk $0xffff, v6  }
0x7bd: {  	v56 =	vor.u32 s30, v26;
	v6 =	vld.idx.msk [tilespmem:v55+s4+$0x0], $0xffff  }
0x7be: {  	v57 =	vor.u32 v46, v35;
	_ =	sdelay $0x3  }
0x7bf: {  	[tilespmem:v56+s22+$0x0] =	vst.idx.msk $0xffff, v6  }
0x7c0: {  	v58 =	vor.u32 s30, v28;
	v6 =	vld.idx.msk [tilespmem:v57+s4+$0x0], $0xffff  }
0x7c1: {  	v59 =	vor.u32 v47, v35;
	_ =	sdelay $0x3  }
0x7c2: {  	[tilespmem:v58+s22+$0x0] =	vst.idx.msk $0xffff, v6  }
0x7c3: {  	v60 =	vor.u32 s30, v30;
	v6 =	vld.idx.msk [tilespmem:v59+s4+$0x0], $0xffff  }
0x7c4: {  	v61 =	vor.u32 v48, v35;
	_ =	sdelay $0x3  }
0x7c5: {  	[tilespmem:v60+s22+$0x0] =	vst.idx.msk $0xffff, v6  }
0x7c6: {  	v62 =	vor.u32 s30, v32;
	v6 =	vld.idx.msk [tilespmem:v61+s4+$0x0], $0xffff  }
0x7c7: {  	v35 =	vor.u32 v49, v35;
	_ =	sdelay $0x3  }
0x7c8: {  	[tilespmem:v62+s22+$0x0] =	vst.idx.msk $0xffff, v6  }
0x7c9: {  	v63 =	vor.u32 s30, v34;
	v6 =	vld.idx.msk [tilespmem:v35+s4+$0x0], $0xffff;
	_ =	sdelay $0x4  }
.Ltmp14:
0x7ca: {  	s31 =	rddreg [dreg:$0x4];
	[tilespmem:v63+s22+$0x0] =	vst.idx.msk $0xffff, v6;
	(pc) =	sbr.rel .LBB2_20-.Ltmp14, $4  }
0x7cb: {  	[hbm4b:s31+s4] =	stream.linear.scatter [tilespmem:s22], [sflag:$0x2], $0x1000, $0x38;
	[tilespmem:$0x10000] =	vst v63  }
0x7cc: {  	_ =	swait.ge [sflag:s24], $0x1000  }
0x7cd: {  	[sflag:s24] =	ssyncset.done $0x0  }
0x7ce: {  	[sflag:s24] =	ssyncadd.s32 $0xFFFFF000  }
.LBB2_21:
0x7cf: {  	_ =	sfence.sel $0x180000  }
0x7d0: {  	[bflag:$0x0] =	sbarrier.arrive $0xFFFF  }
0x7d1: {  	_ =	strace $0x90000047  }
0x7d2: {  	s0 =	stileid.u32;
	[bflag:$0x2] =	sbarrier.arrive $0xFFFF  }
0x7d3: {  	p0 =	sne.s32 s0, $0x0;
	s0 =	rddreg [dreg:$0x3]  }
0x7d4: {  	s0 =	sadd.s32 @!p0 $0x100000, s0  }
0x7d5: {  	[sflag:s0] =	ssyncadd.tile.s32 @!p0 $0x1;
	_ =	shalt  }
.Lfunc_end2:
_tile_overlayer_lowered:
.L_overlay_start_2:
0x7d6: {  	(tag) =	ssettag $0x2  }
0x7d7: {  	s0 =	rddreg [dreg:$0x0];
	s2 =	stileid.u32  }
0x7d8: {  	s1 =	rddreg [dreg:$0x1];
	p0 =	sne.s32 s2, $0x0  }
0x7d9: {  	s3 =	rddreg [dreg:$0x2];
	[bflag:$0x3] =	sbarrier.arrive $0xFFFF;
	s2 =	simm.s32 @!p0 $0x1C03  }
0x7da: {  	[timem:s3], [sflag:s2] =	dma.local @!p0 [hbm:s0], s1  }
0x7db: {  	s0 =	simm.s32 @!p0 $0x3  }
0x7dc: {  	_ =	swait.ge @!p0 [sflag:s0], s1  }
0x7dd: {  	s1 =	ssub.s32 @!p0 $0x0, s1;
	[sflag:s0] =	ssyncset.done @!p0 $0x0  }
0x7de: {  	[sflag:s0] =	ssyncadd.s32 @!p0 s1  }
0x7df: {  	[bflag:$0x3] =	sbarrier.arrive $0xFFFF  }
0x7e0: {  	_ =	shalt  }

</sc_bundles>
